<compile_context>
chip_gen: v7x
topology: tpu7x:2x2x1
jax: 0.10.2.dev20260603
libtpu: 0.0.44.dev20260713+nightly
codegen_flags: <defaults>
</compile_context>

<pallas_src>
import jax
import jax.numpy as jnp
from jax import lax
from jax.experimental import pallas as pl
from jax.experimental.pallas import tpu as pltpu
from jax.experimental.pallas import tpu_sc as plsc

B = 16384
K = 20
D = 32
N_TAB = 1000000

NC = 2
NS = 16
NW = NC * NS
BPW = B // NW
CB = 64
NCHUNK = BPW // CB
CP = CB * K
GSZ = 16
NQ = CP // GSZ
DMA_ROWS = 128


TBLK = 8192
NGRP = 128 // D
IDS_PER_BLK = TBLK * NGRP
NBLK = -(-N_TAB // IDS_PER_BLK)
VROWS = NBLK * TBLK * NGRP
LASTBLK = N_TAB // TBLK


def _rsqrt(x):
    i = plsc.bitcast(x, jnp.int32)
    i = jnp.int32(0x5F3759DF) - (i >> 1)
    y = plsc.bitcast(i, jnp.float32)
    for _ in range(3):
        y = y * (1.5 - 0.5 * x * y * y)
    return y


def _transpose_body(t, out_ref):
    blk = t[...]
    eye = jnp.eye(D, dtype=jnp.float32)
    parts = [
        lax.dot_general(blk[:, j * TBLK:(j + 1) * TBLK], eye,
                        (((0,), (0,)), ((), ())),
                        preferred_element_type=jnp.float32)
        for j in range(NGRP)
    ]
    out_ref[...] = jnp.concatenate(parts, axis=1)


def _transpose_tc(tt):
    return pl.pallas_call(
        _transpose_body,
        out_shape=jax.ShapeDtypeStruct((NBLK * TBLK, 128), jnp.float32),
        grid=(NBLK,),
        in_specs=[pl.BlockSpec((D, IDS_PER_BLK), lambda i: (0, i))],
        out_specs=pl.BlockSpec((TBLK, 128), lambda i: (i, 0)),
    )(tt)


def _remap(i):
    return ((i & ~(IDS_PER_BLK - 1)) + ((i & (TBLK - 1)) << 2)
            + ((i >> 13) & (NGRP - 1)))


def _dist_kernel(users, items, user_table, item_table, out,
                 uidx, urows, iidxa, iidxb, ibufa, ibufb, obuf,
                 semu, sema, semb):
    wid = lax.axis_index("s") * NC + lax.axis_index("c")
    ubase = pl.multiple_of(wid * BPW, 8)
    pbase = pl.multiple_of(wid * (BPW * K), 8)

    lane = lax.iota(jnp.int32, GSZ)
    lanef = plsc.bitcast(lane * 0, jnp.float32)

    def fire(c, iidx, ibuf, sem):
        poff = pl.multiple_of(pbase + c * CP, 8)
        pltpu.sync_copy(items.at[pl.ds(poff, CP)], iidx)

        @pl.loop(0, CP // GSZ)
        def _rm(q):
            iidx[pl.ds(q * GSZ, GSZ)] = _remap(iidx[pl.ds(q * GSZ, GSZ)])

        for j in range(CP // DMA_ROWS):
            pltpu.make_async_copy(
                item_table.at[iidx.at[pl.ds(j * DMA_ROWS, DMA_ROWS)]],
                ibuf.at[pl.ds(j * DMA_ROWS, DMA_ROWS)], sem).start()

    def drain(iidx, ibuf, sem):
        for j in range(CP // DMA_ROWS):
            pltpu.make_async_copy(
                item_table.at[iidx.at[pl.ds(j * DMA_ROWS, DMA_ROWS)]],
                ibuf.at[pl.ds(j * DMA_ROWS, DMA_ROWS)], sem).wait()

    def compute(c, ibuf):
        @pl.loop(0, NQ)
        def _q(q):
            pv = lane + q * GSZ
            urow = ((pv * jnp.int32(3277)) >> 16) + c * CB
            sua = jnp.float32(0.0) * lanef
            sub = sua
            sia = sua
            sib = sua
            dta = sua
            dtb = sua
            for d in range(0, D, 2):
                cola = (lane + d) & (D - 1)
                colb = (lane + d + 1) & (D - 1)
                iva = plsc.load_gather(ibuf, [pv, cola])
                ivb = plsc.load_gather(ibuf, [pv, colb])
                uva = plsc.load_gather(urows, [urow, cola])
                uvb = plsc.load_gather(urows, [urow, colb])
                sia = sia + iva * iva
                sib = sib + ivb * ivb
                sua = sua + uva * uva
                sub = sub + uvb * uvb
                dta = dta + uva * iva
                dtb = dtb + uvb * ivb
            si = sia + sib
            su = sua + sub
            dot = dta + dtb
            cs = jnp.minimum(jnp.float32(1.0), _rsqrt(su))
            ci = jnp.minimum(jnp.float32(1.0), _rsqrt(si))
            e = cs * ci * dot
            d2 = su * cs * cs + ci * ci * si - (e + e)
            d2 = jnp.maximum(d2, jnp.float32(0.0))
            dist = d2 * _rsqrt(d2)
            obuf[pl.ds(q * GSZ, GSZ)] = dist

        poff = pl.multiple_of(pbase + c * CP, 8)
        pltpu.sync_copy(obuf, out.at[pl.ds(poff, CP)])

    pltpu.sync_copy(users.at[pl.ds(ubase, BPW)], uidx)

    @pl.loop(0, BPW // GSZ)
    def _rmu(q):
        uidx[pl.ds(q * GSZ, GSZ)] = _remap(uidx[pl.ds(q * GSZ, GSZ)])

    ucopies = [
        pltpu.async_copy(
            user_table.at[uidx.at[pl.ds(j * DMA_ROWS, DMA_ROWS)]],
            urows.at[pl.ds(j * DMA_ROWS, DMA_ROWS)], semu)
        for j in range(BPW // DMA_ROWS)
    ]
    fire(0, iidxa, ibufa, sema)
    for c in ucopies:
        c.wait()

    @pl.loop(0, NCHUNK // 2)
    def _pair(t):
        c0 = t * 2
        fire(c0 + 1, iidxb, ibufb, semb)
        drain(iidxa, ibufa, sema)
        compute(c0, ibufa)
        fire((c0 + 2) & (NCHUNK - 1), iidxa, ibufa, sema)
        drain(iidxb, ibufb, semb)
        compute(c0 + 1, ibufb)

    drain(iidxa, ibufa, sema)


@jax.jit
def _cml(users_flat, items_flat, user_table_t, item_table_t):
    ut = _transpose_tc(user_table_t).reshape(VROWS, D)
    it = _transpose_tc(item_table_t).reshape(VROWS, D)
    mesh = plsc.VectorSubcoreMesh(core_axis_name="c", subcore_axis_name="s",
                                  num_cores=NC, num_subcores=NS)
    return pl.kernel(
        _dist_kernel,
        out_type=jax.ShapeDtypeStruct((B * K,), jnp.float32),
        mesh=mesh,
        scratch_types=[
            pltpu.VMEM((BPW,), jnp.int32),
            pltpu.VMEM((BPW, D), jnp.float32),
            pltpu.VMEM((CP,), jnp.int32),
            pltpu.VMEM((CP,), jnp.int32),
            pltpu.VMEM((CP, D), jnp.float32),
            pltpu.VMEM((CP, D), jnp.float32),
            pltpu.VMEM((CP,), jnp.float32),
            pltpu.SemaphoreType.DMA,
            pltpu.SemaphoreType.DMA,
            pltpu.SemaphoreType.DMA,
        ],
        compiler_params=pltpu.CompilerParams(needs_layout_passes=False,
                                             use_tc_tiling_on_sc=False),
    )(users_flat, items_flat, ut, it)


def kernel(users, items, user_table, item_table):
    u = users.reshape(-1).astype(jnp.int32)
    it = items.reshape(-1).astype(jnp.int32)
    dist = _cml(u, it, user_table.T, item_table.T)
    return dist.reshape(B, 1, K)

# --- scband reference (transcript-rebuilt; emitter-appended) ---
"""Pipeline reference for scband-collaborative-metric-learning-50208167690631 (READ-ONLY COPY).

The authoritative reference and input builder live on the scoring server;
editing this copy changes nothing except your own understanding.
"""

import jax, jax.numpy as jnp
import numpy as np

N_USER = 1000000
N_ITEM = 1000000
N_DIM = 32
BATCH = 16384
N_NEG = 20


def _embed_max_norm(table, idx, max_norm=1.0):
    # Emulates torch nn.Embedding(max_norm=1): rows whose L2 norm exceeds
    # max_norm are renormalized to have norm == max_norm at lookup time.
    emb = jnp.take(table, idx, axis=0)
    norm = jnp.linalg.norm(emb, axis=-1, keepdims=True)
    scale = jnp.where(norm > max_norm, max_norm / norm, 1.0)
    return emb * scale


def setup_inputs(seed: int = 0) -> dict:
    key = jax.random.key(seed)
    k1, k2, k3, k4 = jax.random.split(key, 4)
    users = jax.random.randint(k1, (BATCH, 1), 0, N_USER)
    items = jax.random.randint(k2, (BATCH, N_NEG), 0, N_ITEM)
    user_table = jax.random.normal(k3, (N_USER, N_DIM), dtype=jnp.float32) * 0.1
    item_table = jax.random.normal(k4, (N_ITEM, N_DIM), dtype=jnp.float32) * 0.1
    return {"users": users, "items": items, "user_table": user_table, "item_table": item_table}


def reference(users, items, user_table, item_table):
    u_emb = _embed_max_norm(user_table, users)   # [B, 1, d]
    i_emb = _embed_max_norm(item_table, items)   # [B, K, d]
    # torch.cdist with batched inputs: pairwise euclidean distance -> [B, 1, K]
    diff = u_emb[:, :, None, :] - i_emb[:, None, :, :]
    dist = jnp.sqrt(jnp.sum(diff * diff, axis=-1))
    return dist

if __name__ == "__main__":
    import jax
    _d = setup_inputs()
    print(jax.jit(kernel)(*tuple(_d.values())))

</pallas_src>

<mosaic_0001>
#map = affine_map<(d0, d1) -> (0)>
#map1 = affine_map<(d0, d1) -> (0, 0)>
module attributes {stable_mosaic.version = 14 : i64} {
  func.func @_dist_kernel(%arg0: i32, %arg1: i32, %arg2: memref<16384xi32, #tpu.memory_space<hbm>>, %arg3: memref<327680xi32, #tpu.memory_space<hbm>>, %arg4: memref<1015808x32xf32, #tpu.memory_space<hbm>>, %arg5: memref<1015808x32xf32, #tpu.memory_space<hbm>>, %arg6: memref<327680xf32, #tpu.memory_space<hbm>>, %arg7: memref<512xi32, #tpu.memory_space<vmem>>, %arg8: memref<512x32xf32, #tpu.memory_space<vmem>>, %arg9: memref<1280xi32, #tpu.memory_space<vmem>>, %arg10: memref<1280xi32, #tpu.memory_space<vmem>>, %arg11: memref<1280x32xf32, #tpu.memory_space<vmem>>, %arg12: memref<1280x32xf32, #tpu.memory_space<vmem>>, %arg13: memref<1280xf32, #tpu.memory_space<vmem>>, %arg14: memref<!tpu.dma_semaphore, #tpu.memory_space<semaphore_mem>>, %arg15: memref<!tpu.dma_semaphore, #tpu.memory_space<semaphore_mem>>, %arg16: memref<!tpu.dma_semaphore, #tpu.memory_space<semaphore_mem>>) attributes {dimension_semantics = [#tpu.dimension_semantics<core_parallel>, #tpu.dimension_semantics<subcore_parallel>], iteration_bounds = array<i64: 2, 16>, scalar_prefetch = 0 : i64, scratch_operands = 10 : i64, tpu.core_type = #tpu.core_type<sc_vector_subcore>, window_params = [{transform_indices = #map}, {transform_indices = #map}, {transform_indices = #map1}, {transform_indices = #map1}, {transform_indices = #map}]} {
    %mul3A = arith.constant 2 : i32
    %mul3A_0 = arith.muli %arg1, %mul3A : i32
    %add3A = arith.addi %mul3A_0, %arg0 : i32
    %mul3A_1 = arith.constant 512 : i32
    %mul3A_2 = arith.muli %add3A, %mul3A_1 : i32
    %multiple_of3A = tpu.assume_multiple %mul3A_2, 8 : i32
    %mul3A_3 = arith.constant 10240 : i32
    %mul3A_4 = arith.muli %add3A, %mul3A_3 : i32
    %multiple_of3A_5 = tpu.assume_multiple %mul3A_4, 8 : i32
    %iota3A = tpu.iota {dimensions = array<i32: 0>} : vector<16xi32>
    %mul3A_6 = arith.constant 0 : i32
    %mul3A_7 = vector.broadcast %mul3A_6 : i32 to vector<16xi32>
    %mul3A_8 = arith.muli %iota3A, %mul3A_7 : vector<16xi32>
    %bitcast3A = vector.bitcast %mul3A_8 : vector<16xi32> to vector<16xf32>
    "tpu.region"() ({
      %run_scoped3A = tpu.sem_alloc : memref<!tpu.dma_semaphore, #tpu.memory_space<semaphore_mem>>
      %dma_start3A_248 = tpu.memref_slice %arg2[%multiple_of3A] : memref<16384xi32, #tpu.memory_space<hbm>> -> memref<512xi32, #tpu.memory_space<hbm>>
      %dma_start3A_249 = tpu.memref_slice %arg2[%multiple_of3A] : memref<16384xi32, #tpu.memory_space<hbm>> -> memref<512xi32, #tpu.memory_space<hbm>>
      tpu.enqueue_dma source(%dma_start3A_249 : memref<512xi32, #tpu.memory_space<hbm>>) target(%arg7 : memref<512xi32, #tpu.memory_space<vmem>>) target_semaphore(%run_scoped3A : memref<!tpu.dma_semaphore, #tpu.memory_space<semaphore_mem>>)
      %dma_wait3A_250 = tpu.memref_slice %arg2[%multiple_of3A] : memref<16384xi32, #tpu.memory_space<hbm>> -> memref<512xi32, #tpu.memory_space<hbm>>
      %dma_wait3A_251 = tpu.memref_slice %arg2[%multiple_of3A] : memref<16384xi32, #tpu.memory_space<hbm>> -> memref<512xi32, #tpu.memory_space<hbm>>
      tpu.wait_dma2 semaphore(%run_scoped3A : memref<!tpu.dma_semaphore, #tpu.memory_space<semaphore_mem>>) src(%dma_wait3A_251 : memref<512xi32, #tpu.memory_space<hbm>>) dst(%arg7 : memref<512xi32, #tpu.memory_space<vmem>>)
      tpu.yield
    }) : () -> ()
    %scan3A = arith.constant 0 : i32
    %scan3A_9 = arith.constant 32 : i32
    %scan3A_10 = arith.addi %scan3A, %scan3A_9 : i32
    %scan3A_11 = arith.constant 1 : i32
    scf.for %scan3A_248 = %scan3A to %scan3A_10 step %scan3A_11  : i32 {
      %mul3A_249 = arith.constant 1 : i32
      %mul3A_250 = arith.muli %scan3A_248, %mul3A_249 : i32
      %add3A_251 = arith.constant 0 : i32
      %add3A_252 = arith.addi %add3A_251, %mul3A_250 : i32
      %mul3A_253 = arith.constant 16 : i32
      %mul3A_254 = arith.muli %add3A_252, %mul3A_253 : i32
      %get3A = arith.index_cast %mul3A_254 : i32 to index
      %get3A_255 = tpu.vector_load %arg7[%get3A] {strides = array<i32>} : memref<512xi32, #tpu.memory_space<vmem>>, vector<16xi32>,
      %and3A = arith.constant -32768 : i32
      %and3A_256 = vector.broadcast %and3A : i32 to vector<16xi32>
      %and3A_257 = arith.andi %get3A_255, %and3A_256 : vector<16xi32>
      %and3A_258 = arith.constant 8191 : i32
      %and3A_259 = vector.broadcast %and3A_258 : i32 to vector<16xi32>
      %and3A_260 = arith.andi %get3A_255, %and3A_259 : vector<16xi32>
      %shift_left3A = arith.constant 2 : i32
      %shift_left3A_261 = vector.broadcast %shift_left3A : i32 to vector<16xi32>
      %shift_left3A_262 = arith.shli %and3A_260, %shift_left3A_261 : vector<16xi32>
      %add3A_263 = arith.addi %and3A_257, %shift_left3A_262 : vector<16xi32>
      %shift_right_arithmetic3A = arith.constant 13 : i32
      %shift_right_arithmetic3A_264 = vector.broadcast %shift_right_arithmetic3A : i32 to vector<16xi32>
      %shift_right_arithmetic3A_265 = arith.shrsi %get3A_255, %shift_right_arithmetic3A_264 : vector<16xi32>
      %and3A_266 = arith.constant 3 : i32
      %and3A_267 = vector.broadcast %and3A_266 : i32 to vector<16xi32>
      %and3A_268 = arith.andi %shift_right_arithmetic3A_265, %and3A_267 : vector<16xi32>
      %add3A_269 = arith.addi %add3A_263, %and3A_268 : vector<16xi32>
      %mul3A_270 = arith.constant 16 : i32
      %mul3A_271 = arith.muli %add3A_252, %mul3A_270 : i32
      %swap3A = arith.index_cast %mul3A_271 : i32 to index
      %swap3A_272 = tpu.vector_load %arg7[%swap3A] {strides = array<i32>} : memref<512xi32, #tpu.memory_space<vmem>>, vector<16xi32>,
      tpu.vector_store %arg7[%swap3A], %add3A_269 {strides = array<i32>} : memref<512xi32, #tpu.memory_space<vmem>>, vector<16xi32>,
    }
    %scan3A_12 = arith.constant 32 : i32
    %dma_start3A = arith.constant 0 : i32
    %dma_start3A_13 = arith.constant 0 : i32
    %dma_start3A_14 = tpu.memref_slice %arg8[%dma_start3A, %dma_start3A_13] : memref<512x32xf32, #tpu.memory_space<vmem>> -> memref<128x32xf32, #tpu.memory_space<vmem>>
    %dma_start3A_15 = arith.constant 0 : i32
    %dma_start3A_16 = tpu.memref_slice %arg7[%dma_start3A_15] : memref<512xi32, #tpu.memory_space<vmem>> -> memref<128xi32, #tpu.memory_space<vmem>>
    %dma_start3A_17 = arith.constant 0 : i32
    %dma_start3A_18 = arith.constant 0 : i32
    %dma_start3A_19 = tpu.memref_slice %arg4[%dma_start3A_17, %dma_start3A_18] : memref<1015808x32xf32, #tpu.memory_space<hbm>> -> memref<1015808x32xf32, #tpu.memory_space<hbm>>
    tpu.enqueue_indirect_dma source(%dma_start3A_19 : memref<1015808x32xf32, #tpu.memory_space<hbm>>) target(%dma_start3A_14 : memref<128x32xf32, #tpu.memory_space<vmem>>) offsets(%dma_start3A_16 : memref<128xi32, #tpu.memory_space<vmem>>) semaphore(%arg14 : memref<!tpu.dma_semaphore, #tpu.memory_space<semaphore_mem>>)
    %dma_start3A_20 = arith.constant 128 : i32
    %dma_start3A_21 = arith.constant 0 : i32
    %dma_start3A_22 = tpu.memref_slice %arg8[%dma_start3A_20, %dma_start3A_21] : memref<512x32xf32, #tpu.memory_space<vmem>> -> memref<128x32xf32, #tpu.memory_space<vmem>>
    %dma_start3A_23 = arith.constant 128 : i32
    %dma_start3A_24 = tpu.memref_slice %arg7[%dma_start3A_23] : memref<512xi32, #tpu.memory_space<vmem>> -> memref<128xi32, #tpu.memory_space<vmem>>
    %dma_start3A_25 = arith.constant 0 : i32
    %dma_start3A_26 = arith.constant 0 : i32
    %dma_start3A_27 = tpu.memref_slice %arg4[%dma_start3A_25, %dma_start3A_26] : memref<1015808x32xf32, #tpu.memory_space<hbm>> -> memref<1015808x32xf32, #tpu.memory_space<hbm>>
    tpu.enqueue_indirect_dma source(%dma_start3A_27 : memref<1015808x32xf32, #tpu.memory_space<hbm>>) target(%dma_start3A_22 : memref<128x32xf32, #tpu.memory_space<vmem>>) offsets(%dma_start3A_24 : memref<128xi32, #tpu.memory_space<vmem>>) semaphore(%arg14 : memref<!tpu.dma_semaphore, #tpu.memory_space<semaphore_mem>>)
    %dma_start3A_28 = arith.constant 256 : i32
    %dma_start3A_29 = arith.constant 0 : i32
    %dma_start3A_30 = tpu.memref_slice %arg8[%dma_start3A_28, %dma_start3A_29] : memref<512x32xf32, #tpu.memory_space<vmem>> -> memref<128x32xf32, #tpu.memory_space<vmem>>
    %dma_start3A_31 = arith.constant 256 : i32
    %dma_start3A_32 = tpu.memref_slice %arg7[%dma_start3A_31] : memref<512xi32, #tpu.memory_space<vmem>> -> memref<128xi32, #tpu.memory_space<vmem>>
    %dma_start3A_33 = arith.constant 0 : i32
    %dma_start3A_34 = arith.constant 0 : i32
    %dma_start3A_35 = tpu.memref_slice %arg4[%dma_start3A_33, %dma_start3A_34] : memref<1015808x32xf32, #tpu.memory_space<hbm>> -> memref<1015808x32xf32, #tpu.memory_space<hbm>>
    tpu.enqueue_indirect_dma source(%dma_start3A_35 : memref<1015808x32xf32, #tpu.memory_space<hbm>>) target(%dma_start3A_30 : memref<128x32xf32, #tpu.memory_space<vmem>>) offsets(%dma_start3A_32 : memref<128xi32, #tpu.memory_space<vmem>>) semaphore(%arg14 : memref<!tpu.dma_semaphore, #tpu.memory_space<semaphore_mem>>)
    %dma_start3A_36 = arith.constant 384 : i32
    %dma_start3A_37 = arith.constant 0 : i32
    %dma_start3A_38 = tpu.memref_slice %arg8[%dma_start3A_36, %dma_start3A_37] : memref<512x32xf32, #tpu.memory_space<vmem>> -> memref<128x32xf32, #tpu.memory_space<vmem>>
    %dma_start3A_39 = arith.constant 384 : i32
    %dma_start3A_40 = tpu.memref_slice %arg7[%dma_start3A_39] : memref<512xi32, #tpu.memory_space<vmem>> -> memref<128xi32, #tpu.memory_space<vmem>>
    %dma_start3A_41 = arith.constant 0 : i32
    %dma_start3A_42 = arith.constant 0 : i32
    %dma_start3A_43 = tpu.memref_slice %arg4[%dma_start3A_41, %dma_start3A_42] : memref<1015808x32xf32, #tpu.memory_space<hbm>> -> memref<1015808x32xf32, #tpu.memory_space<hbm>>
    tpu.enqueue_indirect_dma source(%dma_start3A_43 : memref<1015808x32xf32, #tpu.memory_space<hbm>>) target(%dma_start3A_38 : memref<128x32xf32, #tpu.memory_space<vmem>>) offsets(%dma_start3A_40 : memref<128xi32, #tpu.memory_space<vmem>>) semaphore(%arg14 : memref<!tpu.dma_semaphore, #tpu.memory_space<semaphore_mem>>)
    %add3A_44 = arith.constant 0 : i32
    %add3A_45 = arith.addi %multiple_of3A_5, %add3A_44 : i32
    %multiple_of3A_46 = tpu.assume_multiple %add3A_45, 8 : i32
    "tpu.region"() ({
      %run_scoped3A = tpu.sem_alloc : memref<!tpu.dma_semaphore, #tpu.memory_space<semaphore_mem>>
      %dma_start3A_248 = tpu.memref_slice %arg3[%multiple_of3A_46] : memref<327680xi32, #tpu.memory_space<hbm>> -> memref<1280xi32, #tpu.memory_space<hbm>>
      %dma_start3A_249 = tpu.memref_slice %arg3[%multiple_of3A_46] : memref<327680xi32, #tpu.memory_space<hbm>> -> memref<1280xi32, #tpu.memory_space<hbm>>
      tpu.enqueue_dma source(%dma_start3A_249 : memref<1280xi32, #tpu.memory_space<hbm>>) target(%arg9 : memref<1280xi32, #tpu.memory_space<vmem>>) target_semaphore(%run_scoped3A : memref<!tpu.dma_semaphore, #tpu.memory_space<semaphore_mem>>)
      %dma_wait3A_250 = tpu.memref_slice %arg3[%multiple_of3A_46] : memref<327680xi32, #tpu.memory_space<hbm>> -> memref<1280xi32, #tpu.memory_space<hbm>>
      %dma_wait3A_251 = tpu.memref_slice %arg3[%multiple_of3A_46] : memref<327680xi32, #tpu.memory_space<hbm>> -> memref<1280xi32, #tpu.memory_space<hbm>>
      tpu.wait_dma2 semaphore(%run_scoped3A : memref<!tpu.dma_semaphore, #tpu.memory_space<semaphore_mem>>) src(%dma_wait3A_251 : memref<1280xi32, #tpu.memory_space<hbm>>) dst(%arg9 : memref<1280xi32, #tpu.memory_space<vmem>>)
      tpu.yield
    }) : () -> ()
    %scan3A_47 = arith.constant 0 : i32
    %scan3A_48 = arith.constant 80 : i32
    %scan3A_49 = arith.addi %scan3A_47, %scan3A_48 : i32
    %scan3A_50 = arith.constant 1 : i32
    scf.for %scan3A_248 = %scan3A_47 to %scan3A_49 step %scan3A_50  : i32 {
      %mul3A_249 = arith.constant 1 : i32
      %mul3A_250 = arith.muli %scan3A_248, %mul3A_249 : i32
      %add3A_251 = arith.constant 0 : i32
      %add3A_252 = arith.addi %add3A_251, %mul3A_250 : i32
      %mul3A_253 = arith.constant 16 : i32
      %mul3A_254 = arith.muli %add3A_252, %mul3A_253 : i32
      %get3A = arith.index_cast %mul3A_254 : i32 to index
      %get3A_255 = tpu.vector_load %arg9[%get3A] {strides = array<i32>} : memref<1280xi32, #tpu.memory_space<vmem>>, vector<16xi32>,
      %and3A = arith.constant -32768 : i32
      %and3A_256 = vector.broadcast %and3A : i32 to vector<16xi32>
      %and3A_257 = arith.andi %get3A_255, %and3A_256 : vector<16xi32>
      %and3A_258 = arith.constant 8191 : i32
      %and3A_259 = vector.broadcast %and3A_258 : i32 to vector<16xi32>
      %and3A_260 = arith.andi %get3A_255, %and3A_259 : vector<16xi32>
      %shift_left3A = arith.constant 2 : i32
      %shift_left3A_261 = vector.broadcast %shift_left3A : i32 to vector<16xi32>
      %shift_left3A_262 = arith.shli %and3A_260, %shift_left3A_261 : vector<16xi32>
      %add3A_263 = arith.addi %and3A_257, %shift_left3A_262 : vector<16xi32>
      %shift_right_arithmetic3A = arith.constant 13 : i32
      %shift_right_arithmetic3A_264 = vector.broadcast %shift_right_arithmetic3A : i32 to vector<16xi32>
      %shift_right_arithmetic3A_265 = arith.shrsi %get3A_255, %shift_right_arithmetic3A_264 : vector<16xi32>
      %and3A_266 = arith.constant 3 : i32
      %and3A_267 = vector.broadcast %and3A_266 : i32 to vector<16xi32>
      %and3A_268 = arith.andi %shift_right_arithmetic3A_265, %and3A_267 : vector<16xi32>
      %add3A_269 = arith.addi %add3A_263, %and3A_268 : vector<16xi32>
      %mul3A_270 = arith.constant 16 : i32
      %mul3A_271 = arith.muli %add3A_252, %mul3A_270 : i32
      %swap3A = arith.index_cast %mul3A_271 : i32 to index
      %swap3A_272 = tpu.vector_load %arg9[%swap3A] {strides = array<i32>} : memref<1280xi32, #tpu.memory_space<vmem>>, vector<16xi32>,
      tpu.vector_store %arg9[%swap3A], %add3A_269 {strides = array<i32>} : memref<1280xi32, #tpu.memory_space<vmem>>, vector<16xi32>,
    }
    %scan3A_51 = arith.constant 80 : i32
    %dma_start3A_52 = arith.constant 0 : i32
    %dma_start3A_53 = arith.constant 0 : i32
    %dma_start3A_54 = tpu.memref_slice %arg11[%dma_start3A_52, %dma_start3A_53] : memref<1280x32xf32, #tpu.memory_space<vmem>> -> memref<128x32xf32, #tpu.memory_space<vmem>>
    %dma_start3A_55 = arith.constant 0 : i32
    %dma_start3A_56 = tpu.memref_slice %arg9[%dma_start3A_55] : memref<1280xi32, #tpu.memory_space<vmem>> -> memref<128xi32, #tpu.memory_space<vmem>>
    %dma_start3A_57 = arith.constant 0 : i32
    %dma_start3A_58 = arith.constant 0 : i32
    %dma_start3A_59 = tpu.memref_slice %arg5[%dma_start3A_57, %dma_start3A_58] : memref<1015808x32xf32, #tpu.memory_space<hbm>> -> memref<1015808x32xf32, #tpu.memory_space<hbm>>
    tpu.enqueue_indirect_dma source(%dma_start3A_59 : memref<1015808x32xf32, #tpu.memory_space<hbm>>) target(%dma_start3A_54 : memref<128x32xf32, #tpu.memory_space<vmem>>) offsets(%dma_start3A_56 : memref<128xi32, #tpu.memory_space<vmem>>) semaphore(%arg15 : memref<!tpu.dma_semaphore, #tpu.memory_space<semaphore_mem>>)
    %dma_start3A_60 = arith.constant 128 : i32
    %dma_start3A_61 = arith.constant 0 : i32
    %dma_start3A_62 = tpu.memref_slice %arg11[%dma_start3A_60, %dma_start3A_61] : memref<1280x32xf32, #tpu.memory_space<vmem>> -> memref<128x32xf32, #tpu.memory_space<vmem>>
    %dma_start3A_63 = arith.constant 128 : i32
    %dma_start3A_64 = tpu.memref_slice %arg9[%dma_start3A_63] : memref<1280xi32, #tpu.memory_space<vmem>> -> memref<128xi32, #tpu.memory_space<vmem>>
    %dma_start3A_65 = arith.constant 0 : i32
    %dma_start3A_66 = arith.constant 0 : i32
    %dma_start3A_67 = tpu.memref_slice %arg5[%dma_start3A_65, %dma_start3A_66] : memref<1015808x32xf32, #tpu.memory_space<hbm>> -> memref<1015808x32xf32, #tpu.memory_space<hbm>>
    tpu.enqueue_indirect_dma source(%dma_start3A_67 : memref<1015808x32xf32, #tpu.memory_space<hbm>>) target(%dma_start3A_62 : memref<128x32xf32, #tpu.memory_space<vmem>>) offsets(%dma_start3A_64 : memref<128xi32, #tpu.memory_space<vmem>>) semaphore(%arg15 : memref<!tpu.dma_semaphore, #tpu.memory_space<semaphore_mem>>)
    %dma_start3A_68 = arith.constant 256 : i32
    %dma_start3A_69 = arith.constant 0 : i32
    %dma_start3A_70 = tpu.memref_slice %arg11[%dma_start3A_68, %dma_start3A_69] : memref<1280x32xf32, #tpu.memory_space<vmem>> -> memref<128x32xf32, #tpu.memory_space<vmem>>
    %dma_start3A_71 = arith.constant 256 : i32
    %dma_start3A_72 = tpu.memref_slice %arg9[%dma_start3A_71] : memref<1280xi32, #tpu.memory_space<vmem>> -> memref<128xi32, #tpu.memory_space<vmem>>
    %dma_start3A_73 = arith.constant 0 : i32
    %dma_start3A_74 = arith.constant 0 : i32
    %dma_start3A_75 = tpu.memref_slice %arg5[%dma_start3A_73, %dma_start3A_74] : memref<1015808x32xf32, #tpu.memory_space<hbm>> -> memref<1015808x32xf32, #tpu.memory_space<hbm>>
    tpu.enqueue_indirect_dma source(%dma_start3A_75 : memref<1015808x32xf32, #tpu.memory_space<hbm>>) target(%dma_start3A_70 : memref<128x32xf32, #tpu.memory_space<vmem>>) offsets(%dma_start3A_72 : memref<128xi32, #tpu.memory_space<vmem>>) semaphore(%arg15 : memref<!tpu.dma_semaphore, #tpu.memory_space<semaphore_mem>>)
    %dma_start3A_76 = arith.constant 384 : i32
    %dma_start3A_77 = arith.constant 0 : i32
    %dma_start3A_78 = tpu.memref_slice %arg11[%dma_start3A_76, %dma_start3A_77] : memref<1280x32xf32, #tpu.memory_space<vmem>> -> memref<128x32xf32, #tpu.memory_space<vmem>>
    %dma_start3A_79 = arith.constant 384 : i32
    %dma_start3A_80 = tpu.memref_slice %arg9[%dma_start3A_79] : memref<1280xi32, #tpu.memory_space<vmem>> -> memref<128xi32, #tpu.memory_space<vmem>>
    %dma_start3A_81 = arith.constant 0 : i32
    %dma_start3A_82 = arith.constant 0 : i32
    %dma_start3A_83 = tpu.memref_slice %arg5[%dma_start3A_81, %dma_start3A_82] : memref<1015808x32xf32, #tpu.memory_space<hbm>> -> memref<1015808x32xf32, #tpu.memory_space<hbm>>
    tpu.enqueue_indirect_dma source(%dma_start3A_83 : memref<1015808x32xf32, #tpu.memory_space<hbm>>) target(%dma_start3A_78 : memref<128x32xf32, #tpu.memory_space<vmem>>) offsets(%dma_start3A_80 : memref<128xi32, #tpu.memory_space<vmem>>) semaphore(%arg15 : memref<!tpu.dma_semaphore, #tpu.memory_space<semaphore_mem>>)
    %dma_start3A_84 = arith.constant 512 : i32
    %dma_start3A_85 = arith.constant 0 : i32
    %dma_start3A_86 = tpu.memref_slice %arg11[%dma_start3A_84, %dma_start3A_85] : memref<1280x32xf32, #tpu.memory_space<vmem>> -> memref<128x32xf32, #tpu.memory_space<vmem>>
    %dma_start3A_87 = arith.constant 512 : i32
    %dma_start3A_88 = tpu.memref_slice %arg9[%dma_start3A_87] : memref<1280xi32, #tpu.memory_space<vmem>> -> memref<128xi32, #tpu.memory_space<vmem>>
    %dma_start3A_89 = arith.constant 0 : i32
    %dma_start3A_90 = arith.constant 0 : i32
    %dma_start3A_91 = tpu.memref_slice %arg5[%dma_start3A_89, %dma_start3A_90] : memref<1015808x32xf32, #tpu.memory_space<hbm>> -> memref<1015808x32xf32, #tpu.memory_space<hbm>>
    tpu.enqueue_indirect_dma source(%dma_start3A_91 : memref<1015808x32xf32, #tpu.memory_space<hbm>>) target(%dma_start3A_86 : memref<128x32xf32, #tpu.memory_space<vmem>>) offsets(%dma_start3A_88 : memref<128xi32, #tpu.memory_space<vmem>>) semaphore(%arg15 : memref<!tpu.dma_semaphore, #tpu.memory_space<semaphore_mem>>)
    %dma_start3A_92 = arith.constant 640 : i32
    %dma_start3A_93 = arith.constant 0 : i32
    %dma_start3A_94 = tpu.memref_slice %arg11[%dma_start3A_92, %dma_start3A_93] : memref<1280x32xf32, #tpu.memory_space<vmem>> -> memref<128x32xf32, #tpu.memory_space<vmem>>
    %dma_start3A_95 = arith.constant 640 : i32
    %dma_start3A_96 = tpu.memref_slice %arg9[%dma_start3A_95] : memref<1280xi32, #tpu.memory_space<vmem>> -> memref<128xi32, #tpu.memory_space<vmem>>
    %dma_start3A_97 = arith.constant 0 : i32
    %dma_start3A_98 = arith.constant 0 : i32
    %dma_start3A_99 = tpu.memref_slice %arg5[%dma_start3A_97, %dma_start3A_98] : memref<1015808x32xf32, #tpu.memory_space<hbm>> -> memref<1015808x32xf32, #tpu.memory_space<hbm>>
    tpu.enqueue_indirect_dma source(%dma_start3A_99 : memref<1015808x32xf32, #tpu.memory_space<hbm>>) target(%dma_start3A_94 : memref<128x32xf32, #tpu.memory_space<vmem>>) offsets(%dma_start3A_96 : memref<128xi32, #tpu.memory_space<vmem>>) semaphore(%arg15 : memref<!tpu.dma_semaphore, #tpu.memory_space<semaphore_mem>>)
    %dma_start3A_100 = arith.constant 768 : i32
    %dma_start3A_101 = arith.constant 0 : i32
    %dma_start3A_102 = tpu.memref_slice %arg11[%dma_start3A_100, %dma_start3A_101] : memref<1280x32xf32, #tpu.memory_space<vmem>> -> memref<128x32xf32, #tpu.memory_space<vmem>>
    %dma_start3A_103 = arith.constant 768 : i32
    %dma_start3A_104 = tpu.memref_slice %arg9[%dma_start3A_103] : memref<1280xi32, #tpu.memory_space<vmem>> -> memref<128xi32, #tpu.memory_space<vmem>>
    %dma_start3A_105 = arith.constant 0 : i32
    %dma_start3A_106 = arith.constant 0 : i32
    %dma_start3A_107 = tpu.memref_slice %arg5[%dma_start3A_105, %dma_start3A_106] : memref<1015808x32xf32, #tpu.memory_space<hbm>> -> memref<1015808x32xf32, #tpu.memory_space<hbm>>
    tpu.enqueue_indirect_dma source(%dma_start3A_107 : memref<1015808x32xf32, #tpu.memory_space<hbm>>) target(%dma_start3A_102 : memref<128x32xf32, #tpu.memory_space<vmem>>) offsets(%dma_start3A_104 : memref<128xi32, #tpu.memory_space<vmem>>) semaphore(%arg15 : memref<!tpu.dma_semaphore, #tpu.memory_space<semaphore_mem>>)
    %dma_start3A_108 = arith.constant 896 : i32
    %dma_start3A_109 = arith.constant 0 : i32
    %dma_start3A_110 = tpu.memref_slice %arg11[%dma_start3A_108, %dma_start3A_109] : memref<1280x32xf32, #tpu.memory_space<vmem>> -> memref<128x32xf32, #tpu.memory_space<vmem>>
    %dma_start3A_111 = arith.constant 896 : i32
    %dma_start3A_112 = tpu.memref_slice %arg9[%dma_start3A_111] : memref<1280xi32, #tpu.memory_space<vmem>> -> memref<128xi32, #tpu.memory_space<vmem>>
    %dma_start3A_113 = arith.constant 0 : i32
    %dma_start3A_114 = arith.constant 0 : i32
    %dma_start3A_115 = tpu.memref_slice %arg5[%dma_start3A_113, %dma_start3A_114] : memref<1015808x32xf32, #tpu.memory_space<hbm>> -> memref<1015808x32xf32, #tpu.memory_space<hbm>>
    tpu.enqueue_indirect_dma source(%dma_start3A_115 : memref<1015808x32xf32, #tpu.memory_space<hbm>>) target(%dma_start3A_110 : memref<128x32xf32, #tpu.memory_space<vmem>>) offsets(%dma_start3A_112 : memref<128xi32, #tpu.memory_space<vmem>>) semaphore(%arg15 : memref<!tpu.dma_semaphore, #tpu.memory_space<semaphore_mem>>)
    %dma_start3A_116 = arith.constant 1024 : i32
    %dma_start3A_117 = arith.constant 0 : i32
    %dma_start3A_118 = tpu.memref_slice %arg11[%dma_start3A_116, %dma_start3A_117] : memref<1280x32xf32, #tpu.memory_space<vmem>> -> memref<128x32xf32, #tpu.memory_space<vmem>>
    %dma_start3A_119 = arith.constant 1024 : i32
    %dma_start3A_120 = tpu.memref_slice %arg9[%dma_start3A_119] : memref<1280xi32, #tpu.memory_space<vmem>> -> memref<128xi32, #tpu.memory_space<vmem>>
    %dma_start3A_121 = arith.constant 0 : i32
    %dma_start3A_122 = arith.constant 0 : i32
    %dma_start3A_123 = tpu.memref_slice %arg5[%dma_start3A_121, %dma_start3A_122] : memref<1015808x32xf32, #tpu.memory_space<hbm>> -> memref<1015808x32xf32, #tpu.memory_space<hbm>>
    tpu.enqueue_indirect_dma source(%dma_start3A_123 : memref<1015808x32xf32, #tpu.memory_space<hbm>>) target(%dma_start3A_118 : memref<128x32xf32, #tpu.memory_space<vmem>>) offsets(%dma_start3A_120 : memref<128xi32, #tpu.memory_space<vmem>>) semaphore(%arg15 : memref<!tpu.dma_semaphore, #tpu.memory_space<semaphore_mem>>)
    %dma_start3A_124 = arith.constant 1152 : i32
    %dma_start3A_125 = arith.constant 0 : i32
    %dma_start3A_126 = tpu.memref_slice %arg11[%dma_start3A_124, %dma_start3A_125] : memref<1280x32xf32, #tpu.memory_space<vmem>> -> memref<128x32xf32, #tpu.memory_space<vmem>>
    %dma_start3A_127 = arith.constant 1152 : i32
    %dma_start3A_128 = tpu.memref_slice %arg9[%dma_start3A_127] : memref<1280xi32, #tpu.memory_space<vmem>> -> memref<128xi32, #tpu.memory_space<vmem>>
    %dma_start3A_129 = arith.constant 0 : i32
    %dma_start3A_130 = arith.constant 0 : i32
    %dma_start3A_131 = tpu.memref_slice %arg5[%dma_start3A_129, %dma_start3A_130] : memref<1015808x32xf32, #tpu.memory_space<hbm>> -> memref<1015808x32xf32, #tpu.memory_space<hbm>>
    tpu.enqueue_indirect_dma source(%dma_start3A_131 : memref<1015808x32xf32, #tpu.memory_space<hbm>>) target(%dma_start3A_126 : memref<128x32xf32, #tpu.memory_space<vmem>>) offsets(%dma_start3A_128 : memref<128xi32, #tpu.memory_space<vmem>>) semaphore(%arg15 : memref<!tpu.dma_semaphore, #tpu.memory_space<semaphore_mem>>)
    %dma_wait3A = arith.constant 0 : i32
    %dma_wait3A_132 = arith.constant 0 : i32
    %dma_wait3A_133 = tpu.memref_slice %arg8[%dma_wait3A, %dma_wait3A_132] : memref<512x32xf32, #tpu.memory_space<vmem>> -> memref<128x32xf32, #tpu.memory_space<vmem>>
    %dma_wait3A_134 = arith.constant 0 : i32
    %dma_wait3A_135 = tpu.memref_slice %arg7[%dma_wait3A_134] : memref<512xi32, #tpu.memory_space<vmem>> -> memref<128xi32, #tpu.memory_space<vmem>>
    %dma_wait3A_136 = arith.constant 0 : i32
    %dma_wait3A_137 = arith.constant 0 : i32
    %dma_wait3A_138 = tpu.memref_slice %arg4[%dma_wait3A_136, %dma_wait3A_137] : memref<1015808x32xf32, #tpu.memory_space<hbm>> -> memref<1015808x32xf32, #tpu.memory_space<hbm>>
    tpu.wait_indirect_dma semaphore(%arg14 : memref<!tpu.dma_semaphore, #tpu.memory_space<semaphore_mem>>) src(%dma_wait3A_138 : memref<1015808x32xf32, #tpu.memory_space<hbm>>) dst(%dma_wait3A_133 : memref<128x32xf32, #tpu.memory_space<vmem>>)
    %dma_wait3A_139 = arith.constant 128 : i32
    %dma_wait3A_140 = arith.constant 0 : i32
    %dma_wait3A_141 = tpu.memref_slice %arg8[%dma_wait3A_139, %dma_wait3A_140] : memref<512x32xf32, #tpu.memory_space<vmem>> -> memref<128x32xf32, #tpu.memory_space<vmem>>
    %dma_wait3A_142 = arith.constant 128 : i32
    %dma_wait3A_143 = tpu.memref_slice %arg7[%dma_wait3A_142] : memref<512xi32, #tpu.memory_space<vmem>> -> memref<128xi32, #tpu.memory_space<vmem>>
    %dma_wait3A_144 = arith.constant 0 : i32
    %dma_wait3A_145 = arith.constant 0 : i32
    %dma_wait3A_146 = tpu.memref_slice %arg4[%dma_wait3A_144, %dma_wait3A_145] : memref<1015808x32xf32, #tpu.memory_space<hbm>> -> memref<1015808x32xf32, #tpu.memory_space<hbm>>
    tpu.wait_indirect_dma semaphore(%arg14 : memref<!tpu.dma_semaphore, #tpu.memory_space<semaphore_mem>>) src(%dma_wait3A_146 : memref<1015808x32xf32, #tpu.memory_space<hbm>>) dst(%dma_wait3A_141 : memref<128x32xf32, #tpu.memory_space<vmem>>)
    %dma_wait3A_147 = arith.constant 256 : i32
    %dma_wait3A_148 = arith.constant 0 : i32
    %dma_wait3A_149 = tpu.memref_slice %arg8[%dma_wait3A_147, %dma_wait3A_148] : memref<512x32xf32, #tpu.memory_space<vmem>> -> memref<128x32xf32, #tpu.memory_space<vmem>>
    %dma_wait3A_150 = arith.constant 256 : i32
    %dma_wait3A_151 = tpu.memref_slice %arg7[%dma_wait3A_150] : memref<512xi32, #tpu.memory_space<vmem>> -> memref<128xi32, #tpu.memory_space<vmem>>
    %dma_wait3A_152 = arith.constant 0 : i32
    %dma_wait3A_153 = arith.constant 0 : i32
    %dma_wait3A_154 = tpu.memref_slice %arg4[%dma_wait3A_152, %dma_wait3A_153] : memref<1015808x32xf32, #tpu.memory_space<hbm>> -> memref<1015808x32xf32, #tpu.memory_space<hbm>>
    tpu.wait_indirect_dma semaphore(%arg14 : memref<!tpu.dma_semaphore, #tpu.memory_space<semaphore_mem>>) src(%dma_wait3A_154 : memref<1015808x32xf32, #tpu.memory_space<hbm>>) dst(%dma_wait3A_149 : memref<128x32xf32, #tpu.memory_space<vmem>>)
    %dma_wait3A_155 = arith.constant 384 : i32
    %dma_wait3A_156 = arith.constant 0 : i32
    %dma_wait3A_157 = tpu.memref_slice %arg8[%dma_wait3A_155, %dma_wait3A_156] : memref<512x32xf32, #tpu.memory_space<vmem>> -> memref<128x32xf32, #tpu.memory_space<vmem>>
    %dma_wait3A_158 = arith.constant 384 : i32
    %dma_wait3A_159 = tpu.memref_slice %arg7[%dma_wait3A_158] : memref<512xi32, #tpu.memory_space<vmem>> -> memref<128xi32, #tpu.memory_space<vmem>>
    %dma_wait3A_160 = arith.constant 0 : i32
    %dma_wait3A_161 = arith.constant 0 : i32
    %dma_wait3A_162 = tpu.memref_slice %arg4[%dma_wait3A_160, %dma_wait3A_161] : memref<1015808x32xf32, #tpu.memory_space<hbm>> -> memref<1015808x32xf32, #tpu.memory_space<hbm>>
    tpu.wait_indirect_dma semaphore(%arg14 : memref<!tpu.dma_semaphore, #tpu.memory_space<semaphore_mem>>) src(%dma_wait3A_162 : memref<1015808x32xf32, #tpu.memory_space<hbm>>) dst(%dma_wait3A_157 : memref<128x32xf32, #tpu.memory_space<vmem>>)
    %scan3A_163 = arith.constant 0 : i32
    %scan3A_164 = arith.constant 4 : i32
    %scan3A_165 = arith.addi %scan3A_163, %scan3A_164 : i32
    %scan3A_166 = arith.constant 1 : i32
    scf.for %scan3A_248 = %scan3A_163 to %scan3A_165 step %scan3A_166  : i32 {
      %mul3A_249 = arith.constant 1 : i32
      %mul3A_250 = arith.muli %scan3A_248, %mul3A_249 : i32
      %add3A_251 = arith.constant 0 : i32
      %add3A_252 = arith.addi %add3A_251, %mul3A_250 : i32
      %mul3A_253 = arith.constant 2 : i32
      %mul3A_254 = arith.muli %add3A_252, %mul3A_253 : i32
      %add3A_255 = arith.constant 1 : i32
      %add3A_256 = arith.addi %mul3A_254, %add3A_255 : i32
      %mul3A_257 = arith.constant 1280 : i32
      %mul3A_258 = arith.muli %add3A_256, %mul3A_257 : i32
      %add3A_259 = arith.addi %multiple_of3A_5, %mul3A_258 : i32
      %multiple_of3A_260 = tpu.assume_multiple %add3A_259, 8 : i32
      "tpu.region"() ({
        %run_scoped3A = tpu.sem_alloc : memref<!tpu.dma_semaphore, #tpu.memory_space<semaphore_mem>>
        %dma_start3A_618 = tpu.memref_slice %arg3[%multiple_of3A_260] : memref<327680xi32, #tpu.memory_space<hbm>> -> memref<1280xi32, #tpu.memory_space<hbm>>
        %dma_start3A_619 = tpu.memref_slice %arg3[%multiple_of3A_260] : memref<327680xi32, #tpu.memory_space<hbm>> -> memref<1280xi32, #tpu.memory_space<hbm>>
        tpu.enqueue_dma source(%dma_start3A_619 : memref<1280xi32, #tpu.memory_space<hbm>>) target(%arg10 : memref<1280xi32, #tpu.memory_space<vmem>>) target_semaphore(%run_scoped3A : memref<!tpu.dma_semaphore, #tpu.memory_space<semaphore_mem>>)
        %dma_wait3A_620 = tpu.memref_slice %arg3[%multiple_of3A_260] : memref<327680xi32, #tpu.memory_space<hbm>> -> memref<1280xi32, #tpu.memory_space<hbm>>
        %dma_wait3A_621 = tpu.memref_slice %arg3[%multiple_of3A_260] : memref<327680xi32, #tpu.memory_space<hbm>> -> memref<1280xi32, #tpu.memory_space<hbm>>
        tpu.wait_dma2 semaphore(%run_scoped3A : memref<!tpu.dma_semaphore, #tpu.memory_space<semaphore_mem>>) src(%dma_wait3A_621 : memref<1280xi32, #tpu.memory_space<hbm>>) dst(%arg10 : memref<1280xi32, #tpu.memory_space<vmem>>)
        tpu.yield
      }) : () -> ()
      %scan3A_261 = arith.constant 0 : i32
      %scan3A_262 = arith.constant 80 : i32
      %scan3A_263 = arith.addi %scan3A_261, %scan3A_262 : i32
      %scan3A_264 = arith.constant 1 : i32
      scf.for %scan3A_618 = %scan3A_261 to %scan3A_263 step %scan3A_264  : i32 {
        %mul3A_619 = arith.constant 1 : i32
        %mul3A_620 = arith.muli %scan3A_618, %mul3A_619 : i32
        %add3A_621 = arith.constant 0 : i32
        %add3A_622 = arith.addi %add3A_621, %mul3A_620 : i32
        %mul3A_623 = arith.constant 16 : i32
        %mul3A_624 = arith.muli %add3A_622, %mul3A_623 : i32
        %get3A = arith.index_cast %mul3A_624 : i32 to index
        %get3A_625 = tpu.vector_load %arg10[%get3A] {strides = array<i32>} : memref<1280xi32, #tpu.memory_space<vmem>>, vector<16xi32>,
        %and3A_626 = arith.constant -32768 : i32
        %and3A_627 = vector.broadcast %and3A_626 : i32 to vector<16xi32>
        %and3A_628 = arith.andi %get3A_625, %and3A_627 : vector<16xi32>
        %and3A_629 = arith.constant 8191 : i32
        %and3A_630 = vector.broadcast %and3A_629 : i32 to vector<16xi32>
        %and3A_631 = arith.andi %get3A_625, %and3A_630 : vector<16xi32>
        %shift_left3A = arith.constant 2 : i32
        %shift_left3A_632 = vector.broadcast %shift_left3A : i32 to vector<16xi32>
        %shift_left3A_633 = arith.shli %and3A_631, %shift_left3A_632 : vector<16xi32>
        %add3A_634 = arith.addi %and3A_628, %shift_left3A_633 : vector<16xi32>
        %shift_right_arithmetic3A = arith.constant 13 : i32
        %shift_right_arithmetic3A_635 = vector.broadcast %shift_right_arithmetic3A : i32 to vector<16xi32>
        %shift_right_arithmetic3A_636 = arith.shrsi %get3A_625, %shift_right_arithmetic3A_635 : vector<16xi32>
        %and3A_637 = arith.constant 3 : i32
        %and3A_638 = vector.broadcast %and3A_637 : i32 to vector<16xi32>
        %and3A_639 = arith.andi %shift_right_arithmetic3A_636, %and3A_638 : vector<16xi32>
        %add3A_640 = arith.addi %add3A_634, %and3A_639 : vector<16xi32>
        %mul3A_641 = arith.constant 16 : i32
        %mul3A_642 = arith.muli %add3A_622, %mul3A_641 : i32
        %swap3A = arith.index_cast %mul3A_642 : i32 to index
        %swap3A_643 = tpu.vector_load %arg10[%swap3A] {strides = array<i32>} : memref<1280xi32, #tpu.memory_space<vmem>>, vector<16xi32>,
        tpu.vector_store %arg10[%swap3A], %add3A_640 {strides = array<i32>} : memref<1280xi32, #tpu.memory_space<vmem>>, vector<16xi32>,
      }
      %scan3A_265 = arith.constant 80 : i32
      %dma_start3A_266 = arith.constant 0 : i32
      %dma_start3A_267 = arith.constant 0 : i32
      %dma_start3A_268 = tpu.memref_slice %arg12[%dma_start3A_266, %dma_start3A_267] : memref<1280x32xf32, #tpu.memory_space<vmem>> -> memref<128x32xf32, #tpu.memory_space<vmem>>
      %dma_start3A_269 = arith.constant 0 : i32
      %dma_start3A_270 = tpu.memref_slice %arg10[%dma_start3A_269] : memref<1280xi32, #tpu.memory_space<vmem>> -> memref<128xi32, #tpu.memory_space<vmem>>
      %dma_start3A_271 = arith.constant 0 : i32
      %dma_start3A_272 = arith.constant 0 : i32
      %dma_start3A_273 = tpu.memref_slice %arg5[%dma_start3A_271, %dma_start3A_272] : memref<1015808x32xf32, #tpu.memory_space<hbm>> -> memref<1015808x32xf32, #tpu.memory_space<hbm>>
      tpu.enqueue_indirect_dma source(%dma_start3A_273 : memref<1015808x32xf32, #tpu.memory_space<hbm>>) target(%dma_start3A_268 : memref<128x32xf32, #tpu.memory_space<vmem>>) offsets(%dma_start3A_270 : memref<128xi32, #tpu.memory_space<vmem>>) semaphore(%arg16 : memref<!tpu.dma_semaphore, #tpu.memory_space<semaphore_mem>>)
      %dma_start3A_274 = arith.constant 128 : i32
      %dma_start3A_275 = arith.constant 0 : i32
      %dma_start3A_276 = tpu.memref_slice %arg12[%dma_start3A_274, %dma_start3A_275] : memref<1280x32xf32, #tpu.memory_space<vmem>> -> memref<128x32xf32, #tpu.memory_space<vmem>>
      %dma_start3A_277 = arith.constant 128 : i32
      %dma_start3A_278 = tpu.memref_slice %arg10[%dma_start3A_277] : memref<1280xi32, #tpu.memory_space<vmem>> -> memref<128xi32, #tpu.memory_space<vmem>>
      %dma_start3A_279 = arith.constant 0 : i32
      %dma_start3A_280 = arith.constant 0 : i32
      %dma_start3A_281 = tpu.memref_slice %arg5[%dma_start3A_279, %dma_start3A_280] : memref<1015808x32xf32, #tpu.memory_space<hbm>> -> memref<1015808x32xf32, #tpu.memory_space<hbm>>
      tpu.enqueue_indirect_dma source(%dma_start3A_281 : memref<1015808x32xf32, #tpu.memory_space<hbm>>) target(%dma_start3A_276 : memref<128x32xf32, #tpu.memory_space<vmem>>) offsets(%dma_start3A_278 : memref<128xi32, #tpu.memory_space<vmem>>) semaphore(%arg16 : memref<!tpu.dma_semaphore, #tpu.memory_space<semaphore_mem>>)
      %dma_start3A_282 = arith.constant 256 : i32
      %dma_start3A_283 = arith.constant 0 : i32
      %dma_start3A_284 = tpu.memref_slice %arg12[%dma_start3A_282, %dma_start3A_283] : memref<1280x32xf32, #tpu.memory_space<vmem>> -> memref<128x32xf32, #tpu.memory_space<vmem>>
      %dma_start3A_285 = arith.constant 256 : i32
      %dma_start3A_286 = tpu.memref_slice %arg10[%dma_start3A_285] : memref<1280xi32, #tpu.memory_space<vmem>> -> memref<128xi32, #tpu.memory_space<vmem>>
      %dma_start3A_287 = arith.constant 0 : i32
      %dma_start3A_288 = arith.constant 0 : i32
      %dma_start3A_289 = tpu.memref_slice %arg5[%dma_start3A_287, %dma_start3A_288] : memref<1015808x32xf32, #tpu.memory_space<hbm>> -> memref<1015808x32xf32, #tpu.memory_space<hbm>>
      tpu.enqueue_indirect_dma source(%dma_start3A_289 : memref<1015808x32xf32, #tpu.memory_space<hbm>>) target(%dma_start3A_284 : memref<128x32xf32, #tpu.memory_space<vmem>>) offsets(%dma_start3A_286 : memref<128xi32, #tpu.memory_space<vmem>>) semaphore(%arg16 : memref<!tpu.dma_semaphore, #tpu.memory_space<semaphore_mem>>)
      %dma_start3A_290 = arith.constant 384 : i32
      %dma_start3A_291 = arith.constant 0 : i32
      %dma_start3A_292 = tpu.memref_slice %arg12[%dma_start3A_290, %dma_start3A_291] : memref<1280x32xf32, #tpu.memory_space<vmem>> -> memref<128x32xf32, #tpu.memory_space<vmem>>
      %dma_start3A_293 = arith.constant 384 : i32
      %dma_start3A_294 = tpu.memref_slice %arg10[%dma_start3A_293] : memref<1280xi32, #tpu.memory_space<vmem>> -> memref<128xi32, #tpu.memory_space<vmem>>
      %dma_start3A_295 = arith.constant 0 : i32
      %dma_start3A_296 = arith.constant 0 : i32
      %dma_start3A_297 = tpu.memref_slice %arg5[%dma_start3A_295, %dma_start3A_296] : memref<1015808x32xf32, #tpu.memory_space<hbm>> -> memref<1015808x32xf32, #tpu.memory_space<hbm>>
      tpu.enqueue_indirect_dma source(%dma_start3A_297 : memref<1015808x32xf32, #tpu.memory_space<hbm>>) target(%dma_start3A_292 : memref<128x32xf32, #tpu.memory_space<vmem>>) offsets(%dma_start3A_294 : memref<128xi32, #tpu.memory_space<vmem>>) semaphore(%arg16 : memref<!tpu.dma_semaphore, #tpu.memory_space<semaphore_mem>>)
      %dma_start3A_298 = arith.constant 512 : i32
      %dma_start3A_299 = arith.constant 0 : i32
      %dma_start3A_300 = tpu.memref_slice %arg12[%dma_start3A_298, %dma_start3A_299] : memref<1280x32xf32, #tpu.memory_space<vmem>> -> memref<128x32xf32, #tpu.memory_space<vmem>>
      %dma_start3A_301 = arith.constant 512 : i32
      %dma_start3A_302 = tpu.memref_slice %arg10[%dma_start3A_301] : memref<1280xi32, #tpu.memory_space<vmem>> -> memref<128xi32, #tpu.memory_space<vmem>>
      %dma_start3A_303 = arith.constant 0 : i32
      %dma_start3A_304 = arith.constant 0 : i32
      %dma_start3A_305 = tpu.memref_slice %arg5[%dma_start3A_303, %dma_start3A_304] : memref<1015808x32xf32, #tpu.memory_space<hbm>> -> memref<1015808x32xf32, #tpu.memory_space<hbm>>
      tpu.enqueue_indirect_dma source(%dma_start3A_305 : memref<1015808x32xf32, #tpu.memory_space<hbm>>) target(%dma_start3A_300 : memref<128x32xf32, #tpu.memory_space<vmem>>) offsets(%dma_start3A_302 : memref<128xi32, #tpu.memory_space<vmem>>) semaphore(%arg16 : memref<!tpu.dma_semaphore, #tpu.memory_space<semaphore_mem>>)
      %dma_start3A_306 = arith.constant 640 : i32
      %dma_start3A_307 = arith.constant 0 : i32
      %dma_start3A_308 = tpu.memref_slice %arg12[%dma_start3A_306, %dma_start3A_307] : memref<1280x32xf32, #tpu.memory_space<vmem>> -> memref<128x32xf32, #tpu.memory_space<vmem>>
      %dma_start3A_309 = arith.constant 640 : i32
      %dma_start3A_310 = tpu.memref_slice %arg10[%dma_start3A_309] : memref<1280xi32, #tpu.memory_space<vmem>> -> memref<128xi32, #tpu.memory_space<vmem>>
      %dma_start3A_311 = arith.constant 0 : i32
      %dma_start3A_312 = arith.constant 0 : i32
      %dma_start3A_313 = tpu.memref_slice %arg5[%dma_start3A_311, %dma_start3A_312] : memref<1015808x32xf32, #tpu.memory_space<hbm>> -> memref<1015808x32xf32, #tpu.memory_space<hbm>>
      tpu.enqueue_indirect_dma source(%dma_start3A_313 : memref<1015808x32xf32, #tpu.memory_space<hbm>>) target(%dma_start3A_308 : memref<128x32xf32, #tpu.memory_space<vmem>>) offsets(%dma_start3A_310 : memref<128xi32, #tpu.memory_space<vmem>>) semaphore(%arg16 : memref<!tpu.dma_semaphore, #tpu.memory_space<semaphore_mem>>)
      %dma_start3A_314 = arith.constant 768 : i32
      %dma_start3A_315 = arith.constant 0 : i32
      %dma_start3A_316 = tpu.memref_slice %arg12[%dma_start3A_314, %dma_start3A_315] : memref<1280x32xf32, #tpu.memory_space<vmem>> -> memref<128x32xf32, #tpu.memory_space<vmem>>
      %dma_start3A_317 = arith.constant 768 : i32
      %dma_start3A_318 = tpu.memref_slice %arg10[%dma_start3A_317] : memref<1280xi32, #tpu.memory_space<vmem>> -> memref<128xi32, #tpu.memory_space<vmem>>
      %dma_start3A_319 = arith.constant 0 : i32
      %dma_start3A_320 = arith.constant 0 : i32
      %dma_start3A_321 = tpu.memref_slice %arg5[%dma_start3A_319, %dma_start3A_320] : memref<1015808x32xf32, #tpu.memory_space<hbm>> -> memref<1015808x32xf32, #tpu.memory_space<hbm>>
      tpu.enqueue_indirect_dma source(%dma_start3A_321 : memref<1015808x32xf32, #tpu.memory_space<hbm>>) target(%dma_start3A_316 : memref<128x32xf32, #tpu.memory_space<vmem>>) offsets(%dma_start3A_318 : memref<128xi32, #tpu.memory_space<vmem>>) semaphore(%arg16 : memref<!tpu.dma_semaphore, #tpu.memory_space<semaphore_mem>>)
      %dma_start3A_322 = arith.constant 896 : i32
      %dma_start3A_323 = arith.constant 0 : i32
      %dma_start3A_324 = tpu.memref_slice %arg12[%dma_start3A_322, %dma_start3A_323] : memref<1280x32xf32, #tpu.memory_space<vmem>> -> memref<128x32xf32, #tpu.memory_space<vmem>>
      %dma_start3A_325 = arith.constant 896 : i32
      %dma_start3A_326 = tpu.memref_slice %arg10[%dma_start3A_325] : memref<1280xi32, #tpu.memory_space<vmem>> -> memref<128xi32, #tpu.memory_space<vmem>>
      %dma_start3A_327 = arith.constant 0 : i32
      %dma_start3A_328 = arith.constant 0 : i32
      %dma_start3A_329 = tpu.memref_slice %arg5[%dma_start3A_327, %dma_start3A_328] : memref<1015808x32xf32, #tpu.memory_space<hbm>> -> memref<1015808x32xf32, #tpu.memory_space<hbm>>
      tpu.enqueue_indirect_dma source(%dma_start3A_329 : memref<1015808x32xf32, #tpu.memory_space<hbm>>) target(%dma_start3A_324 : memref<128x32xf32, #tpu.memory_space<vmem>>) offsets(%dma_start3A_326 : memref<128xi32, #tpu.memory_space<vmem>>) semaphore(%arg16 : memref<!tpu.dma_semaphore, #tpu.memory_space<semaphore_mem>>)
      %dma_start3A_330 = arith.constant 1024 : i32
      %dma_start3A_331 = arith.constant 0 : i32
      %dma_start3A_332 = tpu.memref_slice %arg12[%dma_start3A_330, %dma_start3A_331] : memref<1280x32xf32, #tpu.memory_space<vmem>> -> memref<128x32xf32, #tpu.memory_space<vmem>>
      %dma_start3A_333 = arith.constant 1024 : i32
      %dma_start3A_334 = tpu.memref_slice %arg10[%dma_start3A_333] : memref<1280xi32, #tpu.memory_space<vmem>> -> memref<128xi32, #tpu.memory_space<vmem>>
      %dma_start3A_335 = arith.constant 0 : i32
      %dma_start3A_336 = arith.constant 0 : i32
      %dma_start3A_337 = tpu.memref_slice %arg5[%dma_start3A_335, %dma_start3A_336] : memref<1015808x32xf32, #tpu.memory_space<hbm>> -> memref<1015808x32xf32, #tpu.memory_space<hbm>>
      tpu.enqueue_indirect_dma source(%dma_start3A_337 : memref<1015808x32xf32, #tpu.memory_space<hbm>>) target(%dma_start3A_332 : memref<128x32xf32, #tpu.memory_space<vmem>>) offsets(%dma_start3A_334 : memref<128xi32, #tpu.memory_space<vmem>>) semaphore(%arg16 : memref<!tpu.dma_semaphore, #tpu.memory_space<semaphore_mem>>)
      %dma_start3A_338 = arith.constant 1152 : i32
      %dma_start3A_339 = arith.constant 0 : i32
      %dma_start3A_340 = tpu.memref_slice %arg12[%dma_start3A_338, %dma_start3A_339] : memref<1280x32xf32, #tpu.memory_space<vmem>> -> memref<128x32xf32, #tpu.memory_space<vmem>>
      %dma_start3A_341 = arith.constant 1152 : i32
      %dma_start3A_342 = tpu.memref_slice %arg10[%dma_start3A_341] : memref<1280xi32, #tpu.memory_space<vmem>> -> memref<128xi32, #tpu.memory_space<vmem>>
      %dma_start3A_343 = arith.constant 0 : i32
      %dma_start3A_344 = arith.constant 0 : i32
      %dma_start3A_345 = tpu.memref_slice %arg5[%dma_start3A_343, %dma_start3A_344] : memref<1015808x32xf32, #tpu.memory_space<hbm>> -> memref<1015808x32xf32, #tpu.memory_space<hbm>>
      tpu.enqueue_indirect_dma source(%dma_start3A_345 : memref<1015808x32xf32, #tpu.memory_space<hbm>>) target(%dma_start3A_340 : memref<128x32xf32, #tpu.memory_space<vmem>>) offsets(%dma_start3A_342 : memref<128xi32, #tpu.memory_space<vmem>>) semaphore(%arg16 : memref<!tpu.dma_semaphore, #tpu.memory_space<semaphore_mem>>)
      %dma_wait3A_346 = arith.constant 0 : i32
      %dma_wait3A_347 = arith.constant 0 : i32
      %dma_wait3A_348 = tpu.memref_slice %arg11[%dma_wait3A_346, %dma_wait3A_347] : memref<1280x32xf32, #tpu.memory_space<vmem>> -> memref<128x32xf32, #tpu.memory_space<vmem>>
      %dma_wait3A_349 = arith.constant 0 : i32
      %dma_wait3A_350 = tpu.memref_slice %arg9[%dma_wait3A_349] : memref<1280xi32, #tpu.memory_space<vmem>> -> memref<128xi32, #tpu.memory_space<vmem>>
      %dma_wait3A_351 = arith.constant 0 : i32
      %dma_wait3A_352 = arith.constant 0 : i32
      %dma_wait3A_353 = tpu.memref_slice %arg5[%dma_wait3A_351, %dma_wait3A_352] : memref<1015808x32xf32, #tpu.memory_space<hbm>> -> memref<1015808x32xf32, #tpu.memory_space<hbm>>
      tpu.wait_indirect_dma semaphore(%arg15 : memref<!tpu.dma_semaphore, #tpu.memory_space<semaphore_mem>>) src(%dma_wait3A_353 : memref<1015808x32xf32, #tpu.memory_space<hbm>>) dst(%dma_wait3A_348 : memref<128x32xf32, #tpu.memory_space<vmem>>)
      %dma_wait3A_354 = arith.constant 128 : i32
      %dma_wait3A_355 = arith.constant 0 : i32
      %dma_wait3A_356 = tpu.memref_slice %arg11[%dma_wait3A_354, %dma_wait3A_355] : memref<1280x32xf32, #tpu.memory_space<vmem>> -> memref<128x32xf32, #tpu.memory_space<vmem>>
      %dma_wait3A_357 = arith.constant 128 : i32
      %dma_wait3A_358 = tpu.memref_slice %arg9[%dma_wait3A_357] : memref<1280xi32, #tpu.memory_space<vmem>> -> memref<128xi32, #tpu.memory_space<vmem>>
      %dma_wait3A_359 = arith.constant 0 : i32
      %dma_wait3A_360 = arith.constant 0 : i32
      %dma_wait3A_361 = tpu.memref_slice %arg5[%dma_wait3A_359, %dma_wait3A_360] : memref<1015808x32xf32, #tpu.memory_space<hbm>> -> memref<1015808x32xf32, #tpu.memory_space<hbm>>
      tpu.wait_indirect_dma semaphore(%arg15 : memref<!tpu.dma_semaphore, #tpu.memory_space<semaphore_mem>>) src(%dma_wait3A_361 : memref<1015808x32xf32, #tpu.memory_space<hbm>>) dst(%dma_wait3A_356 : memref<128x32xf32, #tpu.memory_space<vmem>>)
      %dma_wait3A_362 = arith.constant 256 : i32
      %dma_wait3A_363 = arith.constant 0 : i32
      %dma_wait3A_364 = tpu.memref_slice %arg11[%dma_wait3A_362, %dma_wait3A_363] : memref<1280x32xf32, #tpu.memory_space<vmem>> -> memref<128x32xf32, #tpu.memory_space<vmem>>
      %dma_wait3A_365 = arith.constant 256 : i32
      %dma_wait3A_366 = tpu.memref_slice %arg9[%dma_wait3A_365] : memref<1280xi32, #tpu.memory_space<vmem>> -> memref<128xi32, #tpu.memory_space<vmem>>
      %dma_wait3A_367 = arith.constant 0 : i32
      %dma_wait3A_368 = arith.constant 0 : i32
      %dma_wait3A_369 = tpu.memref_slice %arg5[%dma_wait3A_367, %dma_wait3A_368] : memref<1015808x32xf32, #tpu.memory_space<hbm>> -> memref<1015808x32xf32, #tpu.memory_space<hbm>>
      tpu.wait_indirect_dma semaphore(%arg15 : memref<!tpu.dma_semaphore, #tpu.memory_space<semaphore_mem>>) src(%dma_wait3A_369 : memref<1015808x32xf32, #tpu.memory_space<hbm>>) dst(%dma_wait3A_364 : memref<128x32xf32, #tpu.memory_space<vmem>>)
      %dma_wait3A_370 = arith.constant 384 : i32
      %dma_wait3A_371 = arith.constant 0 : i32
      %dma_wait3A_372 = tpu.memref_slice %arg11[%dma_wait3A_370, %dma_wait3A_371] : memref<1280x32xf32, #tpu.memory_space<vmem>> -> memref<128x32xf32, #tpu.memory_space<vmem>>
      %dma_wait3A_373 = arith.constant 384 : i32
      %dma_wait3A_374 = tpu.memref_slice %arg9[%dma_wait3A_373] : memref<1280xi32, #tpu.memory_space<vmem>> -> memref<128xi32, #tpu.memory_space<vmem>>
      %dma_wait3A_375 = arith.constant 0 : i32
      %dma_wait3A_376 = arith.constant 0 : i32
      %dma_wait3A_377 = tpu.memref_slice %arg5[%dma_wait3A_375, %dma_wait3A_376] : memref<1015808x32xf32, #tpu.memory_space<hbm>> -> memref<1015808x32xf32, #tpu.memory_space<hbm>>
      tpu.wait_indirect_dma semaphore(%arg15 : memref<!tpu.dma_semaphore, #tpu.memory_space<semaphore_mem>>) src(%dma_wait3A_377 : memref<1015808x32xf32, #tpu.memory_space<hbm>>) dst(%dma_wait3A_372 : memref<128x32xf32, #tpu.memory_space<vmem>>)
      %dma_wait3A_378 = arith.constant 512 : i32
      %dma_wait3A_379 = arith.constant 0 : i32
      %dma_wait3A_380 = tpu.memref_slice %arg11[%dma_wait3A_378, %dma_wait3A_379] : memref<1280x32xf32, #tpu.memory_space<vmem>> -> memref<128x32xf32, #tpu.memory_space<vmem>>
      %dma_wait3A_381 = arith.constant 512 : i32
      %dma_wait3A_382 = tpu.memref_slice %arg9[%dma_wait3A_381] : memref<1280xi32, #tpu.memory_space<vmem>> -> memref<128xi32, #tpu.memory_space<vmem>>
      %dma_wait3A_383 = arith.constant 0 : i32
      %dma_wait3A_384 = arith.constant 0 : i32
      %dma_wait3A_385 = tpu.memref_slice %arg5[%dma_wait3A_383, %dma_wait3A_384] : memref<1015808x32xf32, #tpu.memory_space<hbm>> -> memref<1015808x32xf32, #tpu.memory_space<hbm>>
      tpu.wait_indirect_dma semaphore(%arg15 : memref<!tpu.dma_semaphore, #tpu.memory_space<semaphore_mem>>) src(%dma_wait3A_385 : memref<1015808x32xf32, #tpu.memory_space<hbm>>) dst(%dma_wait3A_380 : memref<128x32xf32, #tpu.memory_space<vmem>>)
      %dma_wait3A_386 = arith.constant 640 : i32
      %dma_wait3A_387 = arith.constant 0 : i32
      %dma_wait3A_388 = tpu.memref_slice %arg11[%dma_wait3A_386, %dma_wait3A_387] : memref<1280x32xf32, #tpu.memory_space<vmem>> -> memref<128x32xf32, #tpu.memory_space<vmem>>
      %dma_wait3A_389 = arith.constant 640 : i32
      %dma_wait3A_390 = tpu.memref_slice %arg9[%dma_wait3A_389] : memref<1280xi32, #tpu.memory_space<vmem>> -> memref<128xi32, #tpu.memory_space<vmem>>
      %dma_wait3A_391 = arith.constant 0 : i32
      %dma_wait3A_392 = arith.constant 0 : i32
      %dma_wait3A_393 = tpu.memref_slice %arg5[%dma_wait3A_391, %dma_wait3A_392] : memref<1015808x32xf32, #tpu.memory_space<hbm>> -> memref<1015808x32xf32, #tpu.memory_space<hbm>>
      tpu.wait_indirect_dma semaphore(%arg15 : memref<!tpu.dma_semaphore, #tpu.memory_space<semaphore_mem>>) src(%dma_wait3A_393 : memref<1015808x32xf32, #tpu.memory_space<hbm>>) dst(%dma_wait3A_388 : memref<128x32xf32, #tpu.memory_space<vmem>>)
      %dma_wait3A_394 = arith.constant 768 : i32
      %dma_wait3A_395 = arith.constant 0 : i32
      %dma_wait3A_396 = tpu.memref_slice %arg11[%dma_wait3A_394, %dma_wait3A_395] : memref<1280x32xf32, #tpu.memory_space<vmem>> -> memref<128x32xf32, #tpu.memory_space<vmem>>
      %dma_wait3A_397 = arith.constant 768 : i32
      %dma_wait3A_398 = tpu.memref_slice %arg9[%dma_wait3A_397] : memref<1280xi32, #tpu.memory_space<vmem>> -> memref<128xi32, #tpu.memory_space<vmem>>
      %dma_wait3A_399 = arith.constant 0 : i32
      %dma_wait3A_400 = arith.constant 0 : i32
      %dma_wait3A_401 = tpu.memref_slice %arg5[%dma_wait3A_399, %dma_wait3A_400] : memref<1015808x32xf32, #tpu.memory_space<hbm>> -> memref<1015808x32xf32, #tpu.memory_space<hbm>>
      tpu.wait_indirect_dma semaphore(%arg15 : memref<!tpu.dma_semaphore, #tpu.memory_space<semaphore_mem>>) src(%dma_wait3A_401 : memref<1015808x32xf32, #tpu.memory_space<hbm>>) dst(%dma_wait3A_396 : memref<128x32xf32, #tpu.memory_space<vmem>>)
      %dma_wait3A_402 = arith.constant 896 : i32
      %dma_wait3A_403 = arith.constant 0 : i32
      %dma_wait3A_404 = tpu.memref_slice %arg11[%dma_wait3A_402, %dma_wait3A_403] : memref<1280x32xf32, #tpu.memory_space<vmem>> -> memref<128x32xf32, #tpu.memory_space<vmem>>
      %dma_wait3A_405 = arith.constant 896 : i32
      %dma_wait3A_406 = tpu.memref_slice %arg9[%dma_wait3A_405] : memref<1280xi32, #tpu.memory_space<vmem>> -> memref<128xi32, #tpu.memory_space<vmem>>
      %dma_wait3A_407 = arith.constant 0 : i32
      %dma_wait3A_408 = arith.constant 0 : i32
      %dma_wait3A_409 = tpu.memref_slice %arg5[%dma_wait3A_407, %dma_wait3A_408] : memref<1015808x32xf32, #tpu.memory_space<hbm>> -> memref<1015808x32xf32, #tpu.memory_space<hbm>>
      tpu.wait_indirect_dma semaphore(%arg15 : memref<!tpu.dma_semaphore, #tpu.memory_space<semaphore_mem>>) src(%dma_wait3A_409 : memref<1015808x32xf32, #tpu.memory_space<hbm>>) dst(%dma_wait3A_404 : memref<128x32xf32, #tpu.memory_space<vmem>>)
      %dma_wait3A_410 = arith.constant 1024 : i32
      %dma_wait3A_411 = arith.constant 0 : i32
      %dma_wait3A_412 = tpu.memref_slice %arg11[%dma_wait3A_410, %dma_wait3A_411] : memref<1280x32xf32, #tpu.memory_space<vmem>> -> memref<128x32xf32, #tpu.memory_space<vmem>>
      %dma_wait3A_413 = arith.constant 1024 : i32
      %dma_wait3A_414 = tpu.memref_slice %arg9[%dma_wait3A_413] : memref<1280xi32, #tpu.memory_space<vmem>> -> memref<128xi32, #tpu.memory_space<vmem>>
      %dma_wait3A_415 = arith.constant 0 : i32
      %dma_wait3A_416 = arith.constant 0 : i32
      %dma_wait3A_417 = tpu.memref_slice %arg5[%dma_wait3A_415, %dma_wait3A_416] : memref<1015808x32xf32, #tpu.memory_space<hbm>> -> memref<1015808x32xf32, #tpu.memory_space<hbm>>
      tpu.wait_indirect_dma semaphore(%arg15 : memref<!tpu.dma_semaphore, #tpu.memory_space<semaphore_mem>>) src(%dma_wait3A_417 : memref<1015808x32xf32, #tpu.memory_space<hbm>>) dst(%dma_wait3A_412 : memref<128x32xf32, #tpu.memory_space<vmem>>)
      %dma_wait3A_418 = arith.constant 1152 : i32
      %dma_wait3A_419 = arith.constant 0 : i32
      %dma_wait3A_420 = tpu.memref_slice %arg11[%dma_wait3A_418, %dma_wait3A_419] : memref<1280x32xf32, #tpu.memory_space<vmem>> -> memref<128x32xf32, #tpu.memory_space<vmem>>
      %dma_wait3A_421 = arith.constant 1152 : i32
      %dma_wait3A_422 = tpu.memref_slice %arg9[%dma_wait3A_421] : memref<1280xi32, #tpu.memory_space<vmem>> -> memref<128xi32, #tpu.memory_space<vmem>>
      %dma_wait3A_423 = arith.constant 0 : i32
      %dma_wait3A_424 = arith.constant 0 : i32
      %dma_wait3A_425 = tpu.memref_slice %arg5[%dma_wait3A_423, %dma_wait3A_424] : memref<1015808x32xf32, #tpu.memory_space<hbm>> -> memref<1015808x32xf32, #tpu.memory_space<hbm>>
      tpu.wait_indirect_dma semaphore(%arg15 : memref<!tpu.dma_semaphore, #tpu.memory_space<semaphore_mem>>) src(%dma_wait3A_425 : memref<1015808x32xf32, #tpu.memory_space<hbm>>) dst(%dma_wait3A_420 : memref<128x32xf32, #tpu.memory_space<vmem>>)
      %scan3A_426 = arith.constant 0 : i32
      %scan3A_427 = arith.constant 80 : i32
      %scan3A_428 = arith.addi %scan3A_426, %scan3A_427 : i32
      %scan3A_429 = arith.constant 1 : i32
      scf.for %scan3A_618 = %scan3A_426 to %scan3A_428 step %scan3A_429  : i32 {
        %mul3A_619 = arith.constant 1 : i32
        %mul3A_620 = arith.muli %scan3A_618, %mul3A_619 : i32
        %add3A_621 = arith.constant 0 : i32
        %add3A_622 = arith.addi %add3A_621, %mul3A_620 : i32
        %mul3A_623 = arith.constant 16 : i32
        %mul3A_624 = arith.muli %add3A_622, %mul3A_623 : i32
        %add3A_625 = vector.broadcast %mul3A_624 : i32 to vector<16xi32>
        %add3A_626 = arith.addi %iota3A, %add3A_625 : vector<16xi32>
        %mul3A_627 = arith.constant 3277 : i32
        %mul3A_628 = vector.broadcast %mul3A_627 : i32 to vector<16xi32>
        %mul3A_629 = arith.muli %add3A_626, %mul3A_628 : vector<16xi32>
        %shift_right_arithmetic3A = arith.constant 16 : i32
        %shift_right_arithmetic3A_630 = vector.broadcast %shift_right_arithmetic3A : i32 to vector<16xi32>
        %shift_right_arithmetic3A_631 = arith.shrsi %mul3A_629, %shift_right_arithmetic3A_630 : vector<16xi32>
        %mul3A_632 = arith.constant 64 : i32
        %mul3A_633 = arith.muli %mul3A_254, %mul3A_632 : i32
        %add3A_634 = vector.broadcast %mul3A_633 : i32 to vector<16xi32>
        %add3A_635 = arith.addi %shift_right_arithmetic3A_631, %add3A_634 : vector<16xi32>
        %mul3A_636 = arith.constant 0.000000e+00 : f32
        %mul3A_637 = vector.broadcast %mul3A_636 : f32 to vector<16xf32>
        %mul3A_638 = arith.mulf %mul3A_637, %bitcast3A : vector<16xf32>
        %add3A_639 = arith.constant 0 : i32
        %add3A_640 = vector.broadcast %add3A_639 : i32 to vector<16xi32>
        %add3A_641 = arith.addi %iota3A, %add3A_640 : vector<16xi32>
        %and3A_642 = arith.constant 31 : i32
        %and3A_643 = vector.broadcast %and3A_642 : i32 to vector<16xi32>
        %and3A_644 = arith.andi %add3A_641, %and3A_643 : vector<16xi32>
        %add3A_645 = arith.constant 0 : i32
        %add3A_646 = vector.broadcast %add3A_645 : i32 to vector<16xi32>
        %add3A_647 = arith.addi %iota3A, %add3A_646 : vector<16xi32>
        %add3A_648 = arith.constant 1 : i32
        %add3A_649 = vector.broadcast %add3A_648 : i32 to vector<16xi32>
        %add3A_650 = arith.addi %add3A_647, %add3A_649 : vector<16xi32>
        %and3A_651 = arith.constant 31 : i32
        %and3A_652 = vector.broadcast %and3A_651 : i32 to vector<16xi32>
        %and3A_653 = arith.andi %add3A_650, %and3A_652 : vector<16xi32>
        %gather3A = tpu.vector_load_idx %arg11[%add3A_626, %and3A_644] : memref<1280x32xf32, #tpu.memory_space<vmem>>[vector<16xi32>, vector<16xi32>], vector<16xf32>,
        %gather3A_654 = tpu.vector_load_idx %arg11[%add3A_626, %and3A_653] : memref<1280x32xf32, #tpu.memory_space<vmem>>[vector<16xi32>, vector<16xi32>], vector<16xf32>,
        %gather3A_655 = tpu.vector_load_idx %arg8[%add3A_635, %and3A_644] : memref<512x32xf32, #tpu.memory_space<vmem>>[vector<16xi32>, vector<16xi32>], vector<16xf32>,
        %gather3A_656 = tpu.vector_load_idx %arg8[%add3A_635, %and3A_653] : memref<512x32xf32, #tpu.memory_space<vmem>>[vector<16xi32>, vector<16xi32>], vector<16xf32>,
        %mul3A_657 = arith.mulf %gather3A, %gather3A : vector<16xf32>
        %add3A_658 = arith.addf %mul3A_638, %mul3A_657 : vector<16xf32>
        %mul3A_659 = arith.mulf %gather3A_654, %gather3A_654 : vector<16xf32>
        %add3A_660 = arith.addf %mul3A_638, %mul3A_659 : vector<16xf32>
        %mul3A_661 = arith.mulf %gather3A_655, %gather3A_655 : vector<16xf32>
        %add3A_662 = arith.addf %mul3A_638, %mul3A_661 : vector<16xf32>
        %mul3A_663 = arith.mulf %gather3A_656, %gather3A_656 : vector<16xf32>
        %add3A_664 = arith.addf %mul3A_638, %mul3A_663 : vector<16xf32>
        %mul3A_665 = arith.mulf %gather3A_655, %gather3A : vector<16xf32>
        %add3A_666 = arith.addf %mul3A_638, %mul3A_665 : vector<16xf32>
        %mul3A_667 = arith.mulf %gather3A_656, %gather3A_654 : vector<16xf32>
        %add3A_668 = arith.addf %mul3A_638, %mul3A_667 : vector<16xf32>
        %add3A_669 = arith.constant 2 : i32
        %add3A_670 = vector.broadcast %add3A_669 : i32 to vector<16xi32>
        %add3A_671 = arith.addi %iota3A, %add3A_670 : vector<16xi32>
        %and3A_672 = arith.constant 31 : i32
        %and3A_673 = vector.broadcast %and3A_672 : i32 to vector<16xi32>
        %and3A_674 = arith.andi %add3A_671, %and3A_673 : vector<16xi32>
        %add3A_675 = arith.constant 2 : i32
        %add3A_676 = vector.broadcast %add3A_675 : i32 to vector<16xi32>
        %add3A_677 = arith.addi %iota3A, %add3A_676 : vector<16xi32>
        %add3A_678 = arith.constant 1 : i32
        %add3A_679 = vector.broadcast %add3A_678 : i32 to vector<16xi32>
        %add3A_680 = arith.addi %add3A_677, %add3A_679 : vector<16xi32>
        %and3A_681 = arith.constant 31 : i32
        %and3A_682 = vector.broadcast %and3A_681 : i32 to vector<16xi32>
        %and3A_683 = arith.andi %add3A_680, %and3A_682 : vector<16xi32>
        %gather3A_684 = tpu.vector_load_idx %arg11[%add3A_626, %and3A_674] : memref<1280x32xf32, #tpu.memory_space<vmem>>[vector<16xi32>, vector<16xi32>], vector<16xf32>,
        %gather3A_685 = tpu.vector_load_idx %arg11[%add3A_626, %and3A_683] : memref<1280x32xf32, #tpu.memory_space<vmem>>[vector<16xi32>, vector<16xi32>], vector<16xf32>,
        %gather3A_686 = tpu.vector_load_idx %arg8[%add3A_635, %and3A_674] : memref<512x32xf32, #tpu.memory_space<vmem>>[vector<16xi32>, vector<16xi32>], vector<16xf32>,
        %gather3A_687 = tpu.vector_load_idx %arg8[%add3A_635, %and3A_683] : memref<512x32xf32, #tpu.memory_space<vmem>>[vector<16xi32>, vector<16xi32>], vector<16xf32>,
        %mul3A_688 = arith.mulf %gather3A_684, %gather3A_684 : vector<16xf32>
        %add3A_689 = arith.addf %add3A_658, %mul3A_688 : vector<16xf32>
        %mul3A_690 = arith.mulf %gather3A_685, %gather3A_685 : vector<16xf32>
        %add3A_691 = arith.addf %add3A_660, %mul3A_690 : vector<16xf32>
        %mul3A_692 = arith.mulf %gather3A_686, %gather3A_686 : vector<16xf32>
        %add3A_693 = arith.addf %add3A_662, %mul3A_692 : vector<16xf32>
        %mul3A_694 = arith.mulf %gather3A_687, %gather3A_687 : vector<16xf32>
        %add3A_695 = arith.addf %add3A_664, %mul3A_694 : vector<16xf32>
        %mul3A_696 = arith.mulf %gather3A_686, %gather3A_684 : vector<16xf32>
        %add3A_697 = arith.addf %add3A_666, %mul3A_696 : vector<16xf32>
        %mul3A_698 = arith.mulf %gather3A_687, %gather3A_685 : vector<16xf32>
        %add3A_699 = arith.addf %add3A_668, %mul3A_698 : vector<16xf32>
        %add3A_700 = arith.constant 4 : i32
        %add3A_701 = vector.broadcast %add3A_700 : i32 to vector<16xi32>
        %add3A_702 = arith.addi %iota3A, %add3A_701 : vector<16xi32>
        %and3A_703 = arith.constant 31 : i32
        %and3A_704 = vector.broadcast %and3A_703 : i32 to vector<16xi32>
        %and3A_705 = arith.andi %add3A_702, %and3A_704 : vector<16xi32>
        %add3A_706 = arith.constant 4 : i32
        %add3A_707 = vector.broadcast %add3A_706 : i32 to vector<16xi32>
        %add3A_708 = arith.addi %iota3A, %add3A_707 : vector<16xi32>
        %add3A_709 = arith.constant 1 : i32
        %add3A_710 = vector.broadcast %add3A_709 : i32 to vector<16xi32>
        %add3A_711 = arith.addi %add3A_708, %add3A_710 : vector<16xi32>
        %and3A_712 = arith.constant 31 : i32
        %and3A_713 = vector.broadcast %and3A_712 : i32 to vector<16xi32>
        %and3A_714 = arith.andi %add3A_711, %and3A_713 : vector<16xi32>
        %gather3A_715 = tpu.vector_load_idx %arg11[%add3A_626, %and3A_705] : memref<1280x32xf32, #tpu.memory_space<vmem>>[vector<16xi32>, vector<16xi32>], vector<16xf32>,
        %gather3A_716 = tpu.vector_load_idx %arg11[%add3A_626, %and3A_714] : memref<1280x32xf32, #tpu.memory_space<vmem>>[vector<16xi32>, vector<16xi32>], vector<16xf32>,
        %gather3A_717 = tpu.vector_load_idx %arg8[%add3A_635, %and3A_705] : memref<512x32xf32, #tpu.memory_space<vmem>>[vector<16xi32>, vector<16xi32>], vector<16xf32>,
        %gather3A_718 = tpu.vector_load_idx %arg8[%add3A_635, %and3A_714] : memref<512x32xf32, #tpu.memory_space<vmem>>[vector<16xi32>, vector<16xi32>], vector<16xf32>,
        %mul3A_719 = arith.mulf %gather3A_715, %gather3A_715 : vector<16xf32>
        %add3A_720 = arith.addf %add3A_689, %mul3A_719 : vector<16xf32>
        %mul3A_721 = arith.mulf %gather3A_716, %gather3A_716 : vector<16xf32>
        %add3A_722 = arith.addf %add3A_691, %mul3A_721 : vector<16xf32>
        %mul3A_723 = arith.mulf %gather3A_717, %gather3A_717 : vector<16xf32>
        %add3A_724 = arith.addf %add3A_693, %mul3A_723 : vector<16xf32>
        %mul3A_725 = arith.mulf %gather3A_718, %gather3A_718 : vector<16xf32>
        %add3A_726 = arith.addf %add3A_695, %mul3A_725 : vector<16xf32>
        %mul3A_727 = arith.mulf %gather3A_717, %gather3A_715 : vector<16xf32>
        %add3A_728 = arith.addf %add3A_697, %mul3A_727 : vector<16xf32>
        %mul3A_729 = arith.mulf %gather3A_718, %gather3A_716 : vector<16xf32>
        %add3A_730 = arith.addf %add3A_699, %mul3A_729 : vector<16xf32>
        %add3A_731 = arith.constant 6 : i32
        %add3A_732 = vector.broadcast %add3A_731 : i32 to vector<16xi32>
        %add3A_733 = arith.addi %iota3A, %add3A_732 : vector<16xi32>
        %and3A_734 = arith.constant 31 : i32
        %and3A_735 = vector.broadcast %and3A_734 : i32 to vector<16xi32>
        %and3A_736 = arith.andi %add3A_733, %and3A_735 : vector<16xi32>
        %add3A_737 = arith.constant 6 : i32
        %add3A_738 = vector.broadcast %add3A_737 : i32 to vector<16xi32>
        %add3A_739 = arith.addi %iota3A, %add3A_738 : vector<16xi32>
        %add3A_740 = arith.constant 1 : i32
        %add3A_741 = vector.broadcast %add3A_740 : i32 to vector<16xi32>
        %add3A_742 = arith.addi %add3A_739, %add3A_741 : vector<16xi32>
        %and3A_743 = arith.constant 31 : i32
        %and3A_744 = vector.broadcast %and3A_743 : i32 to vector<16xi32>
        %and3A_745 = arith.andi %add3A_742, %and3A_744 : vector<16xi32>
        %gather3A_746 = tpu.vector_load_idx %arg11[%add3A_626, %and3A_736] : memref<1280x32xf32, #tpu.memory_space<vmem>>[vector<16xi32>, vector<16xi32>], vector<16xf32>,
        %gather3A_747 = tpu.vector_load_idx %arg11[%add3A_626, %and3A_745] : memref<1280x32xf32, #tpu.memory_space<vmem>>[vector<16xi32>, vector<16xi32>], vector<16xf32>,
        %gather3A_748 = tpu.vector_load_idx %arg8[%add3A_635, %and3A_736] : memref<512x32xf32, #tpu.memory_space<vmem>>[vector<16xi32>, vector<16xi32>], vector<16xf32>,
        %gather3A_749 = tpu.vector_load_idx %arg8[%add3A_635, %and3A_745] : memref<512x32xf32, #tpu.memory_space<vmem>>[vector<16xi32>, vector<16xi32>], vector<16xf32>,
        %mul3A_750 = arith.mulf %gather3A_746, %gather3A_746 : vector<16xf32>
        %add3A_751 = arith.addf %add3A_720, %mul3A_750 : vector<16xf32>
        %mul3A_752 = arith.mulf %gather3A_747, %gather3A_747 : vector<16xf32>
        %add3A_753 = arith.addf %add3A_722, %mul3A_752 : vector<16xf32>
        %mul3A_754 = arith.mulf %gather3A_748, %gather3A_748 : vector<16xf32>
        %add3A_755 = arith.addf %add3A_724, %mul3A_754 : vector<16xf32>
        %mul3A_756 = arith.mulf %gather3A_749, %gather3A_749 : vector<16xf32>
        %add3A_757 = arith.addf %add3A_726, %mul3A_756 : vector<16xf32>
        %mul3A_758 = arith.mulf %gather3A_748, %gather3A_746 : vector<16xf32>
        %add3A_759 = arith.addf %add3A_728, %mul3A_758 : vector<16xf32>
        %mul3A_760 = arith.mulf %gather3A_749, %gather3A_747 : vector<16xf32>
        %add3A_761 = arith.addf %add3A_730, %mul3A_760 : vector<16xf32>
        %add3A_762 = arith.constant 8 : i32
        %add3A_763 = vector.broadcast %add3A_762 : i32 to vector<16xi32>
        %add3A_764 = arith.addi %iota3A, %add3A_763 : vector<16xi32>
        %and3A_765 = arith.constant 31 : i32
        %and3A_766 = vector.broadcast %and3A_765 : i32 to vector<16xi32>
        %and3A_767 = arith.andi %add3A_764, %and3A_766 : vector<16xi32>
        %add3A_768 = arith.constant 8 : i32
        %add3A_769 = vector.broadcast %add3A_768 : i32 to vector<16xi32>
        %add3A_770 = arith.addi %iota3A, %add3A_769 : vector<16xi32>
        %add3A_771 = arith.constant 1 : i32
        %add3A_772 = vector.broadcast %add3A_771 : i32 to vector<16xi32>
        %add3A_773 = arith.addi %add3A_770, %add3A_772 : vector<16xi32>
        %and3A_774 = arith.constant 31 : i32
        %and3A_775 = vector.broadcast %and3A_774 : i32 to vector<16xi32>
        %and3A_776 = arith.andi %add3A_773, %and3A_775 : vector<16xi32>
        %gather3A_777 = tpu.vector_load_idx %arg11[%add3A_626, %and3A_767] : memref<1280x32xf32, #tpu.memory_space<vmem>>[vector<16xi32>, vector<16xi32>], vector<16xf32>,
        %gather3A_778 = tpu.vector_load_idx %arg11[%add3A_626, %and3A_776] : memref<1280x32xf32, #tpu.memory_space<vmem>>[vector<16xi32>, vector<16xi32>], vector<16xf32>,
        %gather3A_779 = tpu.vector_load_idx %arg8[%add3A_635, %and3A_767] : memref<512x32xf32, #tpu.memory_space<vmem>>[vector<16xi32>, vector<16xi32>], vector<16xf32>,
        %gather3A_780 = tpu.vector_load_idx %arg8[%add3A_635, %and3A_776] : memref<512x32xf32, #tpu.memory_space<vmem>>[vector<16xi32>, vector<16xi32>], vector<16xf32>,
        %mul3A_781 = arith.mulf %gather3A_777, %gather3A_777 : vector<16xf32>
        %add3A_782 = arith.addf %add3A_751, %mul3A_781 : vector<16xf32>
        %mul3A_783 = arith.mulf %gather3A_778, %gather3A_778 : vector<16xf32>
        %add3A_784 = arith.addf %add3A_753, %mul3A_783 : vector<16xf32>
        %mul3A_785 = arith.mulf %gather3A_779, %gather3A_779 : vector<16xf32>
        %add3A_786 = arith.addf %add3A_755, %mul3A_785 : vector<16xf32>
        %mul3A_787 = arith.mulf %gather3A_780, %gather3A_780 : vector<16xf32>
        %add3A_788 = arith.addf %add3A_757, %mul3A_787 : vector<16xf32>
        %mul3A_789 = arith.mulf %gather3A_779, %gather3A_777 : vector<16xf32>
        %add3A_790 = arith.addf %add3A_759, %mul3A_789 : vector<16xf32>
        %mul3A_791 = arith.mulf %gather3A_780, %gather3A_778 : vector<16xf32>
        %add3A_792 = arith.addf %add3A_761, %mul3A_791 : vector<16xf32>
        %add3A_793 = arith.constant 10 : i32
        %add3A_794 = vector.broadcast %add3A_793 : i32 to vector<16xi32>
        %add3A_795 = arith.addi %iota3A, %add3A_794 : vector<16xi32>
        %and3A_796 = arith.constant 31 : i32
        %and3A_797 = vector.broadcast %and3A_796 : i32 to vector<16xi32>
        %and3A_798 = arith.andi %add3A_795, %and3A_797 : vector<16xi32>
        %add3A_799 = arith.constant 10 : i32
        %add3A_800 = vector.broadcast %add3A_799 : i32 to vector<16xi32>
        %add3A_801 = arith.addi %iota3A, %add3A_800 : vector<16xi32>
        %add3A_802 = arith.constant 1 : i32
        %add3A_803 = vector.broadcast %add3A_802 : i32 to vector<16xi32>
        %add3A_804 = arith.addi %add3A_801, %add3A_803 : vector<16xi32>
        %and3A_805 = arith.constant 31 : i32
        %and3A_806 = vector.broadcast %and3A_805 : i32 to vector<16xi32>
        %and3A_807 = arith.andi %add3A_804, %and3A_806 : vector<16xi32>
        %gather3A_808 = tpu.vector_load_idx %arg11[%add3A_626, %and3A_798] : memref<1280x32xf32, #tpu.memory_space<vmem>>[vector<16xi32>, vector<16xi32>], vector<16xf32>,
        %gather3A_809 = tpu.vector_load_idx %arg11[%add3A_626, %and3A_807] : memref<1280x32xf32, #tpu.memory_space<vmem>>[vector<16xi32>, vector<16xi32>], vector<16xf32>,
        %gather3A_810 = tpu.vector_load_idx %arg8[%add3A_635, %and3A_798] : memref<512x32xf32, #tpu.memory_space<vmem>>[vector<16xi32>, vector<16xi32>], vector<16xf32>,
        %gather3A_811 = tpu.vector_load_idx %arg8[%add3A_635, %and3A_807] : memref<512x32xf32, #tpu.memory_space<vmem>>[vector<16xi32>, vector<16xi32>], vector<16xf32>,
        %mul3A_812 = arith.mulf %gather3A_808, %gather3A_808 : vector<16xf32>
        %add3A_813 = arith.addf %add3A_782, %mul3A_812 : vector<16xf32>
        %mul3A_814 = arith.mulf %gather3A_809, %gather3A_809 : vector<16xf32>
        %add3A_815 = arith.addf %add3A_784, %mul3A_814 : vector<16xf32>
        %mul3A_816 = arith.mulf %gather3A_810, %gather3A_810 : vector<16xf32>
        %add3A_817 = arith.addf %add3A_786, %mul3A_816 : vector<16xf32>
        %mul3A_818 = arith.mulf %gather3A_811, %gather3A_811 : vector<16xf32>
        %add3A_819 = arith.addf %add3A_788, %mul3A_818 : vector<16xf32>
        %mul3A_820 = arith.mulf %gather3A_810, %gather3A_808 : vector<16xf32>
        %add3A_821 = arith.addf %add3A_790, %mul3A_820 : vector<16xf32>
        %mul3A_822 = arith.mulf %gather3A_811, %gather3A_809 : vector<16xf32>
        %add3A_823 = arith.addf %add3A_792, %mul3A_822 : vector<16xf32>
        %add3A_824 = arith.constant 12 : i32
        %add3A_825 = vector.broadcast %add3A_824 : i32 to vector<16xi32>
        %add3A_826 = arith.addi %iota3A, %add3A_825 : vector<16xi32>
        %and3A_827 = arith.constant 31 : i32
        %and3A_828 = vector.broadcast %and3A_827 : i32 to vector<16xi32>
        %and3A_829 = arith.andi %add3A_826, %and3A_828 : vector<16xi32>
        %add3A_830 = arith.constant 12 : i32
        %add3A_831 = vector.broadcast %add3A_830 : i32 to vector<16xi32>
        %add3A_832 = arith.addi %iota3A, %add3A_831 : vector<16xi32>
        %add3A_833 = arith.constant 1 : i32
        %add3A_834 = vector.broadcast %add3A_833 : i32 to vector<16xi32>
        %add3A_835 = arith.addi %add3A_832, %add3A_834 : vector<16xi32>
        %and3A_836 = arith.constant 31 : i32
        %and3A_837 = vector.broadcast %and3A_836 : i32 to vector<16xi32>
        %and3A_838 = arith.andi %add3A_835, %and3A_837 : vector<16xi32>
        %gather3A_839 = tpu.vector_load_idx %arg11[%add3A_626, %and3A_829] : memref<1280x32xf32, #tpu.memory_space<vmem>>[vector<16xi32>, vector<16xi32>], vector<16xf32>,
        %gather3A_840 = tpu.vector_load_idx %arg11[%add3A_626, %and3A_838] : memref<1280x32xf32, #tpu.memory_space<vmem>>[vector<16xi32>, vector<16xi32>], vector<16xf32>,
        %gather3A_841 = tpu.vector_load_idx %arg8[%add3A_635, %and3A_829] : memref<512x32xf32, #tpu.memory_space<vmem>>[vector<16xi32>, vector<16xi32>], vector<16xf32>,
        %gather3A_842 = tpu.vector_load_idx %arg8[%add3A_635, %and3A_838] : memref<512x32xf32, #tpu.memory_space<vmem>>[vector<16xi32>, vector<16xi32>], vector<16xf32>,
        %mul3A_843 = arith.mulf %gather3A_839, %gather3A_839 : vector<16xf32>
        %add3A_844 = arith.addf %add3A_813, %mul3A_843 : vector<16xf32>
        %mul3A_845 = arith.mulf %gather3A_840, %gather3A_840 : vector<16xf32>
        %add3A_846 = arith.addf %add3A_815, %mul3A_845 : vector<16xf32>
        %mul3A_847 = arith.mulf %gather3A_841, %gather3A_841 : vector<16xf32>
        %add3A_848 = arith.addf %add3A_817, %mul3A_847 : vector<16xf32>
        %mul3A_849 = arith.mulf %gather3A_842, %gather3A_842 : vector<16xf32>
        %add3A_850 = arith.addf %add3A_819, %mul3A_849 : vector<16xf32>
        %mul3A_851 = arith.mulf %gather3A_841, %gather3A_839 : vector<16xf32>
        %add3A_852 = arith.addf %add3A_821, %mul3A_851 : vector<16xf32>
        %mul3A_853 = arith.mulf %gather3A_842, %gather3A_840 : vector<16xf32>
        %add3A_854 = arith.addf %add3A_823, %mul3A_853 : vector<16xf32>
        %add3A_855 = arith.constant 14 : i32
        %add3A_856 = vector.broadcast %add3A_855 : i32 to vector<16xi32>
        %add3A_857 = arith.addi %iota3A, %add3A_856 : vector<16xi32>
        %and3A_858 = arith.constant 31 : i32
        %and3A_859 = vector.broadcast %and3A_858 : i32 to vector<16xi32>
        %and3A_860 = arith.andi %add3A_857, %and3A_859 : vector<16xi32>
        %add3A_861 = arith.constant 14 : i32
        %add3A_862 = vector.broadcast %add3A_861 : i32 to vector<16xi32>
        %add3A_863 = arith.addi %iota3A, %add3A_862 : vector<16xi32>
        %add3A_864 = arith.constant 1 : i32
        %add3A_865 = vector.broadcast %add3A_864 : i32 to vector<16xi32>
        %add3A_866 = arith.addi %add3A_863, %add3A_865 : vector<16xi32>
        %and3A_867 = arith.constant 31 : i32
        %and3A_868 = vector.broadcast %and3A_867 : i32 to vector<16xi32>
        %and3A_869 = arith.andi %add3A_866, %and3A_868 : vector<16xi32>
        %gather3A_870 = tpu.vector_load_idx %arg11[%add3A_626, %and3A_860] : memref<1280x32xf32, #tpu.memory_space<vmem>>[vector<16xi32>, vector<16xi32>], vector<16xf32>,
        %gather3A_871 = tpu.vector_load_idx %arg11[%add3A_626, %and3A_869] : memref<1280x32xf32, #tpu.memory_space<vmem>>[vector<16xi32>, vector<16xi32>], vector<16xf32>,
        %gather3A_872 = tpu.vector_load_idx %arg8[%add3A_635, %and3A_860] : memref<512x32xf32, #tpu.memory_space<vmem>>[vector<16xi32>, vector<16xi32>], vector<16xf32>,
        %gather3A_873 = tpu.vector_load_idx %arg8[%add3A_635, %and3A_869] : memref<512x32xf32, #tpu.memory_space<vmem>>[vector<16xi32>, vector<16xi32>], vector<16xf32>,
        %mul3A_874 = arith.mulf %gather3A_870, %gather3A_870 : vector<16xf32>
        %add3A_875 = arith.addf %add3A_844, %mul3A_874 : vector<16xf32>
        %mul3A_876 = arith.mulf %gather3A_871, %gather3A_871 : vector<16xf32>
        %add3A_877 = arith.addf %add3A_846, %mul3A_876 : vector<16xf32>
        %mul3A_878 = arith.mulf %gather3A_872, %gather3A_872 : vector<16xf32>
        %add3A_879 = arith.addf %add3A_848, %mul3A_878 : vector<16xf32>
        %mul3A_880 = arith.mulf %gather3A_873, %gather3A_873 : vector<16xf32>
        %add3A_881 = arith.addf %add3A_850, %mul3A_880 : vector<16xf32>
        %mul3A_882 = arith.mulf %gather3A_872, %gather3A_870 : vector<16xf32>
        %add3A_883 = arith.addf %add3A_852, %mul3A_882 : vector<16xf32>
        %mul3A_884 = arith.mulf %gather3A_873, %gather3A_871 : vector<16xf32>
        %add3A_885 = arith.addf %add3A_854, %mul3A_884 : vector<16xf32>
        %add3A_886 = arith.constant 16 : i32
        %add3A_887 = vector.broadcast %add3A_886 : i32 to vector<16xi32>
        %add3A_888 = arith.addi %iota3A, %add3A_887 : vector<16xi32>
        %and3A_889 = arith.constant 31 : i32
        %and3A_890 = vector.broadcast %and3A_889 : i32 to vector<16xi32>
        %and3A_891 = arith.andi %add3A_888, %and3A_890 : vector<16xi32>
        %add3A_892 = arith.constant 16 : i32
        %add3A_893 = vector.broadcast %add3A_892 : i32 to vector<16xi32>
        %add3A_894 = arith.addi %iota3A, %add3A_893 : vector<16xi32>
        %add3A_895 = arith.constant 1 : i32
        %add3A_896 = vector.broadcast %add3A_895 : i32 to vector<16xi32>
        %add3A_897 = arith.addi %add3A_894, %add3A_896 : vector<16xi32>
        %and3A_898 = arith.constant 31 : i32
        %and3A_899 = vector.broadcast %and3A_898 : i32 to vector<16xi32>
        %and3A_900 = arith.andi %add3A_897, %and3A_899 : vector<16xi32>
        %gather3A_901 = tpu.vector_load_idx %arg11[%add3A_626, %and3A_891] : memref<1280x32xf32, #tpu.memory_space<vmem>>[vector<16xi32>, vector<16xi32>], vector<16xf32>,
        %gather3A_902 = tpu.vector_load_idx %arg11[%add3A_626, %and3A_900] : memref<1280x32xf32, #tpu.memory_space<vmem>>[vector<16xi32>, vector<16xi32>], vector<16xf32>,
        %gather3A_903 = tpu.vector_load_idx %arg8[%add3A_635, %and3A_891] : memref<512x32xf32, #tpu.memory_space<vmem>>[vector<16xi32>, vector<16xi32>], vector<16xf32>,
        %gather3A_904 = tpu.vector_load_idx %arg8[%add3A_635, %and3A_900] : memref<512x32xf32, #tpu.memory_space<vmem>>[vector<16xi32>, vector<16xi32>], vector<16xf32>,
        %mul3A_905 = arith.mulf %gather3A_901, %gather3A_901 : vector<16xf32>
        %add3A_906 = arith.addf %add3A_875, %mul3A_905 : vector<16xf32>
        %mul3A_907 = arith.mulf %gather3A_902, %gather3A_902 : vector<16xf32>
        %add3A_908 = arith.addf %add3A_877, %mul3A_907 : vector<16xf32>
        %mul3A_909 = arith.mulf %gather3A_903, %gather3A_903 : vector<16xf32>
        %add3A_910 = arith.addf %add3A_879, %mul3A_909 : vector<16xf32>
        %mul3A_911 = arith.mulf %gather3A_904, %gather3A_904 : vector<16xf32>
        %add3A_912 = arith.addf %add3A_881, %mul3A_911 : vector<16xf32>
        %mul3A_913 = arith.mulf %gather3A_903, %gather3A_901 : vector<16xf32>
        %add3A_914 = arith.addf %add3A_883, %mul3A_913 : vector<16xf32>
        %mul3A_915 = arith.mulf %gather3A_904, %gather3A_902 : vector<16xf32>
        %add3A_916 = arith.addf %add3A_885, %mul3A_915 : vector<16xf32>
        %add3A_917 = arith.constant 18 : i32
        %add3A_918 = vector.broadcast %add3A_917 : i32 to vector<16xi32>
        %add3A_919 = arith.addi %iota3A, %add3A_918 : vector<16xi32>
        %and3A_920 = arith.constant 31 : i32
        %and3A_921 = vector.broadcast %and3A_920 : i32 to vector<16xi32>
        %and3A_922 = arith.andi %add3A_919, %and3A_921 : vector<16xi32>
        %add3A_923 = arith.constant 18 : i32
        %add3A_924 = vector.broadcast %add3A_923 : i32 to vector<16xi32>
        %add3A_925 = arith.addi %iota3A, %add3A_924 : vector<16xi32>
        %add3A_926 = arith.constant 1 : i32
        %add3A_927 = vector.broadcast %add3A_926 : i32 to vector<16xi32>
        %add3A_928 = arith.addi %add3A_925, %add3A_927 : vector<16xi32>
        %and3A_929 = arith.constant 31 : i32
        %and3A_930 = vector.broadcast %and3A_929 : i32 to vector<16xi32>
        %and3A_931 = arith.andi %add3A_928, %and3A_930 : vector<16xi32>
        %gather3A_932 = tpu.vector_load_idx %arg11[%add3A_626, %and3A_922] : memref<1280x32xf32, #tpu.memory_space<vmem>>[vector<16xi32>, vector<16xi32>], vector<16xf32>,
        %gather3A_933 = tpu.vector_load_idx %arg11[%add3A_626, %and3A_931] : memref<1280x32xf32, #tpu.memory_space<vmem>>[vector<16xi32>, vector<16xi32>], vector<16xf32>,
        %gather3A_934 = tpu.vector_load_idx %arg8[%add3A_635, %and3A_922] : memref<512x32xf32, #tpu.memory_space<vmem>>[vector<16xi32>, vector<16xi32>], vector<16xf32>,
        %gather3A_935 = tpu.vector_load_idx %arg8[%add3A_635, %and3A_931] : memref<512x32xf32, #tpu.memory_space<vmem>>[vector<16xi32>, vector<16xi32>], vector<16xf32>,
        %mul3A_936 = arith.mulf %gather3A_932, %gather3A_932 : vector<16xf32>
        %add3A_937 = arith.addf %add3A_906, %mul3A_936 : vector<16xf32>
        %mul3A_938 = arith.mulf %gather3A_933, %gather3A_933 : vector<16xf32>
        %add3A_939 = arith.addf %add3A_908, %mul3A_938 : vector<16xf32>
        %mul3A_940 = arith.mulf %gather3A_934, %gather3A_934 : vector<16xf32>
        %add3A_941 = arith.addf %add3A_910, %mul3A_940 : vector<16xf32>
        %mul3A_942 = arith.mulf %gather3A_935, %gather3A_935 : vector<16xf32>
        %add3A_943 = arith.addf %add3A_912, %mul3A_942 : vector<16xf32>
        %mul3A_944 = arith.mulf %gather3A_934, %gather3A_932 : vector<16xf32>
        %add3A_945 = arith.addf %add3A_914, %mul3A_944 : vector<16xf32>
        %mul3A_946 = arith.mulf %gather3A_935, %gather3A_933 : vector<16xf32>
        %add3A_947 = arith.addf %add3A_916, %mul3A_946 : vector<16xf32>
        %add3A_948 = arith.constant 20 : i32
        %add3A_949 = vector.broadcast %add3A_948 : i32 to vector<16xi32>
        %add3A_950 = arith.addi %iota3A, %add3A_949 : vector<16xi32>
        %and3A_951 = arith.constant 31 : i32
        %and3A_952 = vector.broadcast %and3A_951 : i32 to vector<16xi32>
        %and3A_953 = arith.andi %add3A_950, %and3A_952 : vector<16xi32>
        %add3A_954 = arith.constant 20 : i32
        %add3A_955 = vector.broadcast %add3A_954 : i32 to vector<16xi32>
        %add3A_956 = arith.addi %iota3A, %add3A_955 : vector<16xi32>
        %add3A_957 = arith.constant 1 : i32
        %add3A_958 = vector.broadcast %add3A_957 : i32 to vector<16xi32>
        %add3A_959 = arith.addi %add3A_956, %add3A_958 : vector<16xi32>
        %and3A_960 = arith.constant 31 : i32
        %and3A_961 = vector.broadcast %and3A_960 : i32 to vector<16xi32>
        %and3A_962 = arith.andi %add3A_959, %and3A_961 : vector<16xi32>
        %gather3A_963 = tpu.vector_load_idx %arg11[%add3A_626, %and3A_953] : memref<1280x32xf32, #tpu.memory_space<vmem>>[vector<16xi32>, vector<16xi32>], vector<16xf32>,
        %gather3A_964 = tpu.vector_load_idx %arg11[%add3A_626, %and3A_962] : memref<1280x32xf32, #tpu.memory_space<vmem>>[vector<16xi32>, vector<16xi32>], vector<16xf32>,
        %gather3A_965 = tpu.vector_load_idx %arg8[%add3A_635, %and3A_953] : memref<512x32xf32, #tpu.memory_space<vmem>>[vector<16xi32>, vector<16xi32>], vector<16xf32>,
        %gather3A_966 = tpu.vector_load_idx %arg8[%add3A_635, %and3A_962] : memref<512x32xf32, #tpu.memory_space<vmem>>[vector<16xi32>, vector<16xi32>], vector<16xf32>,
        %mul3A_967 = arith.mulf %gather3A_963, %gather3A_963 : vector<16xf32>
        %add3A_968 = arith.addf %add3A_937, %mul3A_967 : vector<16xf32>
        %mul3A_969 = arith.mulf %gather3A_964, %gather3A_964 : vector<16xf32>
        %add3A_970 = arith.addf %add3A_939, %mul3A_969 : vector<16xf32>
        %mul3A_971 = arith.mulf %gather3A_965, %gather3A_965 : vector<16xf32>
        %add3A_972 = arith.addf %add3A_941, %mul3A_971 : vector<16xf32>
        %mul3A_973 = arith.mulf %gather3A_966, %gather3A_966 : vector<16xf32>
        %add3A_974 = arith.addf %add3A_943, %mul3A_973 : vector<16xf32>
        %mul3A_975 = arith.mulf %gather3A_965, %gather3A_963 : vector<16xf32>
        %add3A_976 = arith.addf %add3A_945, %mul3A_975 : vector<16xf32>
        %mul3A_977 = arith.mulf %gather3A_966, %gather3A_964 : vector<16xf32>
        %add3A_978 = arith.addf %add3A_947, %mul3A_977 : vector<16xf32>
        %add3A_979 = arith.constant 22 : i32
        %add3A_980 = vector.broadcast %add3A_979 : i32 to vector<16xi32>
        %add3A_981 = arith.addi %iota3A, %add3A_980 : vector<16xi32>
        %and3A_982 = arith.constant 31 : i32
        %and3A_983 = vector.broadcast %and3A_982 : i32 to vector<16xi32>
        %and3A_984 = arith.andi %add3A_981, %and3A_983 : vector<16xi32>
        %add3A_985 = arith.constant 22 : i32
        %add3A_986 = vector.broadcast %add3A_985 : i32 to vector<16xi32>
        %add3A_987 = arith.addi %iota3A, %add3A_986 : vector<16xi32>
        %add3A_988 = arith.constant 1 : i32
        %add3A_989 = vector.broadcast %add3A_988 : i32 to vector<16xi32>
        %add3A_990 = arith.addi %add3A_987, %add3A_989 : vector<16xi32>
        %and3A_991 = arith.constant 31 : i32
        %and3A_992 = vector.broadcast %and3A_991 : i32 to vector<16xi32>
        %and3A_993 = arith.andi %add3A_990, %and3A_992 : vector<16xi32>
        %gather3A_994 = tpu.vector_load_idx %arg11[%add3A_626, %and3A_984] : memref<1280x32xf32, #tpu.memory_space<vmem>>[vector<16xi32>, vector<16xi32>], vector<16xf32>,
        %gather3A_995 = tpu.vector_load_idx %arg11[%add3A_626, %and3A_993] : memref<1280x32xf32, #tpu.memory_space<vmem>>[vector<16xi32>, vector<16xi32>], vector<16xf32>,
        %gather3A_996 = tpu.vector_load_idx %arg8[%add3A_635, %and3A_984] : memref<512x32xf32, #tpu.memory_space<vmem>>[vector<16xi32>, vector<16xi32>], vector<16xf32>,
        %gather3A_997 = tpu.vector_load_idx %arg8[%add3A_635, %and3A_993] : memref<512x32xf32, #tpu.memory_space<vmem>>[vector<16xi32>, vector<16xi32>], vector<16xf32>,
        %mul3A_998 = arith.mulf %gather3A_994, %gather3A_994 : vector<16xf32>
        %add3A_999 = arith.addf %add3A_968, %mul3A_998 : vector<16xf32>
        %mul3A_1000 = arith.mulf %gather3A_995, %gather3A_995 : vector<16xf32>
        %add3A_1001 = arith.addf %add3A_970, %mul3A_1000 : vector<16xf32>
        %mul3A_1002 = arith.mulf %gather3A_996, %gather3A_996 : vector<16xf32>
        %add3A_1003 = arith.addf %add3A_972, %mul3A_1002 : vector<16xf32>
        %mul3A_1004 = arith.mulf %gather3A_997, %gather3A_997 : vector<16xf32>
        %add3A_1005 = arith.addf %add3A_974, %mul3A_1004 : vector<16xf32>
        %mul3A_1006 = arith.mulf %gather3A_996, %gather3A_994 : vector<16xf32>
        %add3A_1007 = arith.addf %add3A_976, %mul3A_1006 : vector<16xf32>
        %mul3A_1008 = arith.mulf %gather3A_997, %gather3A_995 : vector<16xf32>
        %add3A_1009 = arith.addf %add3A_978, %mul3A_1008 : vector<16xf32>
        %add3A_1010 = arith.constant 24 : i32
        %add3A_1011 = vector.broadcast %add3A_1010 : i32 to vector<16xi32>
        %add3A_1012 = arith.addi %iota3A, %add3A_1011 : vector<16xi32>
        %and3A_1013 = arith.constant 31 : i32
        %and3A_1014 = vector.broadcast %and3A_1013 : i32 to vector<16xi32>
        %and3A_1015 = arith.andi %add3A_1012, %and3A_1014 : vector<16xi32>
        %add3A_1016 = arith.constant 24 : i32
        %add3A_1017 = vector.broadcast %add3A_1016 : i32 to vector<16xi32>
        %add3A_1018 = arith.addi %iota3A, %add3A_1017 : vector<16xi32>
        %add3A_1019 = arith.constant 1 : i32
        %add3A_1020 = vector.broadcast %add3A_1019 : i32 to vector<16xi32>
        %add3A_1021 = arith.addi %add3A_1018, %add3A_1020 : vector<16xi32>
        %and3A_1022 = arith.constant 31 : i32
        %and3A_1023 = vector.broadcast %and3A_1022 : i32 to vector<16xi32>
        %and3A_1024 = arith.andi %add3A_1021, %and3A_1023 : vector<16xi32>
        %gather3A_1025 = tpu.vector_load_idx %arg11[%add3A_626, %and3A_1015] : memref<1280x32xf32, #tpu.memory_space<vmem>>[vector<16xi32>, vector<16xi32>], vector<16xf32>,
        %gather3A_1026 = tpu.vector_load_idx %arg11[%add3A_626, %and3A_1024] : memref<1280x32xf32, #tpu.memory_space<vmem>>[vector<16xi32>, vector<16xi32>], vector<16xf32>,
        %gather3A_1027 = tpu.vector_load_idx %arg8[%add3A_635, %and3A_1015] : memref<512x32xf32, #tpu.memory_space<vmem>>[vector<16xi32>, vector<16xi32>], vector<16xf32>,
        %gather3A_1028 = tpu.vector_load_idx %arg8[%add3A_635, %and3A_1024] : memref<512x32xf32, #tpu.memory_space<vmem>>[vector<16xi32>, vector<16xi32>], vector<16xf32>,
        %mul3A_1029 = arith.mulf %gather3A_1025, %gather3A_1025 : vector<16xf32>
        %add3A_1030 = arith.addf %add3A_999, %mul3A_1029 : vector<16xf32>
        %mul3A_1031 = arith.mulf %gather3A_1026, %gather3A_1026 : vector<16xf32>
        %add3A_1032 = arith.addf %add3A_1001, %mul3A_1031 : vector<16xf32>
        %mul3A_1033 = arith.mulf %gather3A_1027, %gather3A_1027 : vector<16xf32>
        %add3A_1034 = arith.addf %add3A_1003, %mul3A_1033 : vector<16xf32>
        %mul3A_1035 = arith.mulf %gather3A_1028, %gather3A_1028 : vector<16xf32>
        %add3A_1036 = arith.addf %add3A_1005, %mul3A_1035 : vector<16xf32>
        %mul3A_1037 = arith.mulf %gather3A_1027, %gather3A_1025 : vector<16xf32>
        %add3A_1038 = arith.addf %add3A_1007, %mul3A_1037 : vector<16xf32>
        %mul3A_1039 = arith.mulf %gather3A_1028, %gather3A_1026 : vector<16xf32>
        %add3A_1040 = arith.addf %add3A_1009, %mul3A_1039 : vector<16xf32>
        %add3A_1041 = arith.constant 26 : i32
        %add3A_1042 = vector.broadcast %add3A_1041 : i32 to vector<16xi32>
        %add3A_1043 = arith.addi %iota3A, %add3A_1042 : vector<16xi32>
        %and3A_1044 = arith.constant 31 : i32
        %and3A_1045 = vector.broadcast %and3A_1044 : i32 to vector<16xi32>
        %and3A_1046 = arith.andi %add3A_1043, %and3A_1045 : vector<16xi32>
        %add3A_1047 = arith.constant 26 : i32
        %add3A_1048 = vector.broadcast %add3A_1047 : i32 to vector<16xi32>
        %add3A_1049 = arith.addi %iota3A, %add3A_1048 : vector<16xi32>
        %add3A_1050 = arith.constant 1 : i32
        %add3A_1051 = vector.broadcast %add3A_1050 : i32 to vector<16xi32>
        %add3A_1052 = arith.addi %add3A_1049, %add3A_1051 : vector<16xi32>
        %and3A_1053 = arith.constant 31 : i32
        %and3A_1054 = vector.broadcast %and3A_1053 : i32 to vector<16xi32>
        %and3A_1055 = arith.andi %add3A_1052, %and3A_1054 : vector<16xi32>
        %gather3A_1056 = tpu.vector_load_idx %arg11[%add3A_626, %and3A_1046] : memref<1280x32xf32, #tpu.memory_space<vmem>>[vector<16xi32>, vector<16xi32>], vector<16xf32>,
        %gather3A_1057 = tpu.vector_load_idx %arg11[%add3A_626, %and3A_1055] : memref<1280x32xf32, #tpu.memory_space<vmem>>[vector<16xi32>, vector<16xi32>], vector<16xf32>,
        %gather3A_1058 = tpu.vector_load_idx %arg8[%add3A_635, %and3A_1046] : memref<512x32xf32, #tpu.memory_space<vmem>>[vector<16xi32>, vector<16xi32>], vector<16xf32>,
        %gather3A_1059 = tpu.vector_load_idx %arg8[%add3A_635, %and3A_1055] : memref<512x32xf32, #tpu.memory_space<vmem>>[vector<16xi32>, vector<16xi32>], vector<16xf32>,
        %mul3A_1060 = arith.mulf %gather3A_1056, %gather3A_1056 : vector<16xf32>
        %add3A_1061 = arith.addf %add3A_1030, %mul3A_1060 : vector<16xf32>
        %mul3A_1062 = arith.mulf %gather3A_1057, %gather3A_1057 : vector<16xf32>
        %add3A_1063 = arith.addf %add3A_1032, %mul3A_1062 : vector<16xf32>
        %mul3A_1064 = arith.mulf %gather3A_1058, %gather3A_1058 : vector<16xf32>
        %add3A_1065 = arith.addf %add3A_1034, %mul3A_1064 : vector<16xf32>
        %mul3A_1066 = arith.mulf %gather3A_1059, %gather3A_1059 : vector<16xf32>
        %add3A_1067 = arith.addf %add3A_1036, %mul3A_1066 : vector<16xf32>
        %mul3A_1068 = arith.mulf %gather3A_1058, %gather3A_1056 : vector<16xf32>
        %add3A_1069 = arith.addf %add3A_1038, %mul3A_1068 : vector<16xf32>
        %mul3A_1070 = arith.mulf %gather3A_1059, %gather3A_1057 : vector<16xf32>
        %add3A_1071 = arith.addf %add3A_1040, %mul3A_1070 : vector<16xf32>
        %add3A_1072 = arith.constant 28 : i32
        %add3A_1073 = vector.broadcast %add3A_1072 : i32 to vector<16xi32>
        %add3A_1074 = arith.addi %iota3A, %add3A_1073 : vector<16xi32>
        %and3A_1075 = arith.constant 31 : i32
        %and3A_1076 = vector.broadcast %and3A_1075 : i32 to vector<16xi32>
        %and3A_1077 = arith.andi %add3A_1074, %and3A_1076 : vector<16xi32>
        %add3A_1078 = arith.constant 28 : i32
        %add3A_1079 = vector.broadcast %add3A_1078 : i32 to vector<16xi32>
        %add3A_1080 = arith.addi %iota3A, %add3A_1079 : vector<16xi32>
        %add3A_1081 = arith.constant 1 : i32
        %add3A_1082 = vector.broadcast %add3A_1081 : i32 to vector<16xi32>
        %add3A_1083 = arith.addi %add3A_1080, %add3A_1082 : vector<16xi32>
        %and3A_1084 = arith.constant 31 : i32
        %and3A_1085 = vector.broadcast %and3A_1084 : i32 to vector<16xi32>
        %and3A_1086 = arith.andi %add3A_1083, %and3A_1085 : vector<16xi32>
        %gather3A_1087 = tpu.vector_load_idx %arg11[%add3A_626, %and3A_1077] : memref<1280x32xf32, #tpu.memory_space<vmem>>[vector<16xi32>, vector<16xi32>], vector<16xf32>,
        %gather3A_1088 = tpu.vector_load_idx %arg11[%add3A_626, %and3A_1086] : memref<1280x32xf32, #tpu.memory_space<vmem>>[vector<16xi32>, vector<16xi32>], vector<16xf32>,
        %gather3A_1089 = tpu.vector_load_idx %arg8[%add3A_635, %and3A_1077] : memref<512x32xf32, #tpu.memory_space<vmem>>[vector<16xi32>, vector<16xi32>], vector<16xf32>,
        %gather3A_1090 = tpu.vector_load_idx %arg8[%add3A_635, %and3A_1086] : memref<512x32xf32, #tpu.memory_space<vmem>>[vector<16xi32>, vector<16xi32>], vector<16xf32>,
        %mul3A_1091 = arith.mulf %gather3A_1087, %gather3A_1087 : vector<16xf32>
        %add3A_1092 = arith.addf %add3A_1061, %mul3A_1091 : vector<16xf32>
        %mul3A_1093 = arith.mulf %gather3A_1088, %gather3A_1088 : vector<16xf32>
        %add3A_1094 = arith.addf %add3A_1063, %mul3A_1093 : vector<16xf32>
        %mul3A_1095 = arith.mulf %gather3A_1089, %gather3A_1089 : vector<16xf32>
        %add3A_1096 = arith.addf %add3A_1065, %mul3A_1095 : vector<16xf32>
        %mul3A_1097 = arith.mulf %gather3A_1090, %gather3A_1090 : vector<16xf32>
        %add3A_1098 = arith.addf %add3A_1067, %mul3A_1097 : vector<16xf32>
        %mul3A_1099 = arith.mulf %gather3A_1089, %gather3A_1087 : vector<16xf32>
        %add3A_1100 = arith.addf %add3A_1069, %mul3A_1099 : vector<16xf32>
        %mul3A_1101 = arith.mulf %gather3A_1090, %gather3A_1088 : vector<16xf32>
        %add3A_1102 = arith.addf %add3A_1071, %mul3A_1101 : vector<16xf32>
        %add3A_1103 = arith.constant 30 : i32
        %add3A_1104 = vector.broadcast %add3A_1103 : i32 to vector<16xi32>
        %add3A_1105 = arith.addi %iota3A, %add3A_1104 : vector<16xi32>
        %and3A_1106 = arith.constant 31 : i32
        %and3A_1107 = vector.broadcast %and3A_1106 : i32 to vector<16xi32>
        %and3A_1108 = arith.andi %add3A_1105, %and3A_1107 : vector<16xi32>
        %add3A_1109 = arith.constant 30 : i32
        %add3A_1110 = vector.broadcast %add3A_1109 : i32 to vector<16xi32>
        %add3A_1111 = arith.addi %iota3A, %add3A_1110 : vector<16xi32>
        %add3A_1112 = arith.constant 1 : i32
        %add3A_1113 = vector.broadcast %add3A_1112 : i32 to vector<16xi32>
        %add3A_1114 = arith.addi %add3A_1111, %add3A_1113 : vector<16xi32>
        %and3A_1115 = arith.constant 31 : i32
        %and3A_1116 = vector.broadcast %and3A_1115 : i32 to vector<16xi32>
        %and3A_1117 = arith.andi %add3A_1114, %and3A_1116 : vector<16xi32>
        %gather3A_1118 = tpu.vector_load_idx %arg11[%add3A_626, %and3A_1108] : memref<1280x32xf32, #tpu.memory_space<vmem>>[vector<16xi32>, vector<16xi32>], vector<16xf32>,
        %gather3A_1119 = tpu.vector_load_idx %arg11[%add3A_626, %and3A_1117] : memref<1280x32xf32, #tpu.memory_space<vmem>>[vector<16xi32>, vector<16xi32>], vector<16xf32>,
        %gather3A_1120 = tpu.vector_load_idx %arg8[%add3A_635, %and3A_1108] : memref<512x32xf32, #tpu.memory_space<vmem>>[vector<16xi32>, vector<16xi32>], vector<16xf32>,
        %gather3A_1121 = tpu.vector_load_idx %arg8[%add3A_635, %and3A_1117] : memref<512x32xf32, #tpu.memory_space<vmem>>[vector<16xi32>, vector<16xi32>], vector<16xf32>,
        %mul3A_1122 = arith.mulf %gather3A_1118, %gather3A_1118 : vector<16xf32>
        %add3A_1123 = arith.addf %add3A_1092, %mul3A_1122 : vector<16xf32>
        %mul3A_1124 = arith.mulf %gather3A_1119, %gather3A_1119 : vector<16xf32>
        %add3A_1125 = arith.addf %add3A_1094, %mul3A_1124 : vector<16xf32>
        %mul3A_1126 = arith.mulf %gather3A_1120, %gather3A_1120 : vector<16xf32>
        %add3A_1127 = arith.addf %add3A_1096, %mul3A_1126 : vector<16xf32>
        %mul3A_1128 = arith.mulf %gather3A_1121, %gather3A_1121 : vector<16xf32>
        %add3A_1129 = arith.addf %add3A_1098, %mul3A_1128 : vector<16xf32>
        %mul3A_1130 = arith.mulf %gather3A_1120, %gather3A_1118 : vector<16xf32>
        %add3A_1131 = arith.addf %add3A_1100, %mul3A_1130 : vector<16xf32>
        %mul3A_1132 = arith.mulf %gather3A_1121, %gather3A_1119 : vector<16xf32>
        %add3A_1133 = arith.addf %add3A_1102, %mul3A_1132 : vector<16xf32>
        %add3A_1134 = arith.addf %add3A_1123, %add3A_1125 : vector<16xf32>
        %add3A_1135 = arith.addf %add3A_1127, %add3A_1129 : vector<16xf32>
        %add3A_1136 = arith.addf %add3A_1131, %add3A_1133 : vector<16xf32>
        %bitcast3A_1137 = vector.bitcast %add3A_1135 : vector<16xf32> to vector<16xi32>
        %shift_right_arithmetic3A_1138 = arith.constant 1 : i32
        %shift_right_arithmetic3A_1139 = vector.broadcast %shift_right_arithmetic3A_1138 : i32 to vector<16xi32>
        %shift_right_arithmetic3A_1140 = arith.shrsi %bitcast3A_1137, %shift_right_arithmetic3A_1139 : vector<16xi32>
        %sub3A = arith.constant 1597463007 : i32
        %sub3A_1141 = vector.broadcast %sub3A : i32 to vector<16xi32>
        %sub3A_1142 = arith.subi %sub3A_1141, %shift_right_arithmetic3A_1140 : vector<16xi32>
        %bitcast3A_1143 = vector.bitcast %sub3A_1142 : vector<16xi32> to vector<16xf32>
        %mul3A_1144 = arith.constant 5.000000e-01 : f32
        %mul3A_1145 = vector.broadcast %mul3A_1144 : f32 to vector<16xf32>
        %mul3A_1146 = arith.mulf %mul3A_1145, %add3A_1135 : vector<16xf32>
        %mul3A_1147 = arith.mulf %mul3A_1146, %bitcast3A_1143 : vector<16xf32>
        %mul3A_1148 = arith.mulf %mul3A_1147, %bitcast3A_1143 : vector<16xf32>
        %sub3A_1149 = arith.constant 1.500000e+00 : f32
        %sub3A_1150 = vector.broadcast %sub3A_1149 : f32 to vector<16xf32>
        %sub3A_1151 = arith.subf %sub3A_1150, %mul3A_1148 : vector<16xf32>
        %mul3A_1152 = arith.mulf %bitcast3A_1143, %sub3A_1151 : vector<16xf32>
        %mul3A_1153 = arith.constant 5.000000e-01 : f32
        %mul3A_1154 = vector.broadcast %mul3A_1153 : f32 to vector<16xf32>
        %mul3A_1155 = arith.mulf %mul3A_1154, %add3A_1135 : vector<16xf32>
        %mul3A_1156 = arith.mulf %mul3A_1155, %mul3A_1152 : vector<16xf32>
        %mul3A_1157 = arith.mulf %mul3A_1156, %mul3A_1152 : vector<16xf32>
        %sub3A_1158 = arith.constant 1.500000e+00 : f32
        %sub3A_1159 = vector.broadcast %sub3A_1158 : f32 to vector<16xf32>
        %sub3A_1160 = arith.subf %sub3A_1159, %mul3A_1157 : vector<16xf32>
        %mul3A_1161 = arith.mulf %mul3A_1152, %sub3A_1160 : vector<16xf32>
        %mul3A_1162 = arith.constant 5.000000e-01 : f32
        %mul3A_1163 = vector.broadcast %mul3A_1162 : f32 to vector<16xf32>
        %mul3A_1164 = arith.mulf %mul3A_1163, %add3A_1135 : vector<16xf32>
        %mul3A_1165 = arith.mulf %mul3A_1164, %mul3A_1161 : vector<16xf32>
        %mul3A_1166 = arith.mulf %mul3A_1165, %mul3A_1161 : vector<16xf32>
        %sub3A_1167 = arith.constant 1.500000e+00 : f32
        %sub3A_1168 = vector.broadcast %sub3A_1167 : f32 to vector<16xf32>
        %sub3A_1169 = arith.subf %sub3A_1168, %mul3A_1166 : vector<16xf32>
        %mul3A_1170 = arith.mulf %mul3A_1161, %sub3A_1169 : vector<16xf32>
        %min3A = arith.constant 1.000000e+00 : f32
        %min3A_1171 = vector.broadcast %min3A : f32 to vector<16xf32>
        %min3A_1172 = arith.minimumf %min3A_1171, %mul3A_1170 : vector<16xf32>
        %bitcast3A_1173 = vector.bitcast %add3A_1134 : vector<16xf32> to vector<16xi32>
        %shift_right_arithmetic3A_1174 = arith.constant 1 : i32
        %shift_right_arithmetic3A_1175 = vector.broadcast %shift_right_arithmetic3A_1174 : i32 to vector<16xi32>
        %shift_right_arithmetic3A_1176 = arith.shrsi %bitcast3A_1173, %shift_right_arithmetic3A_1175 : vector<16xi32>
        %sub3A_1177 = arith.constant 1597463007 : i32
        %sub3A_1178 = vector.broadcast %sub3A_1177 : i32 to vector<16xi32>
        %sub3A_1179 = arith.subi %sub3A_1178, %shift_right_arithmetic3A_1176 : vector<16xi32>
        %bitcast3A_1180 = vector.bitcast %sub3A_1179 : vector<16xi32> to vector<16xf32>
        %mul3A_1181 = arith.constant 5.000000e-01 : f32
        %mul3A_1182 = vector.broadcast %mul3A_1181 : f32 to vector<16xf32>
        %mul3A_1183 = arith.mulf %mul3A_1182, %add3A_1134 : vector<16xf32>
        %mul3A_1184 = arith.mulf %mul3A_1183, %bitcast3A_1180 : vector<16xf32>
        %mul3A_1185 = arith.mulf %mul3A_1184, %bitcast3A_1180 : vector<16xf32>
        %sub3A_1186 = arith.constant 1.500000e+00 : f32
        %sub3A_1187 = vector.broadcast %sub3A_1186 : f32 to vector<16xf32>
        %sub3A_1188 = arith.subf %sub3A_1187, %mul3A_1185 : vector<16xf32>
        %mul3A_1189 = arith.mulf %bitcast3A_1180, %sub3A_1188 : vector<16xf32>
        %mul3A_1190 = arith.constant 5.000000e-01 : f32
        %mul3A_1191 = vector.broadcast %mul3A_1190 : f32 to vector<16xf32>
        %mul3A_1192 = arith.mulf %mul3A_1191, %add3A_1134 : vector<16xf32>
        %mul3A_1193 = arith.mulf %mul3A_1192, %mul3A_1189 : vector<16xf32>
        %mul3A_1194 = arith.mulf %mul3A_1193, %mul3A_1189 : vector<16xf32>
        %sub3A_1195 = arith.constant 1.500000e+00 : f32
        %sub3A_1196 = vector.broadcast %sub3A_1195 : f32 to vector<16xf32>
        %sub3A_1197 = arith.subf %sub3A_1196, %mul3A_1194 : vector<16xf32>
        %mul3A_1198 = arith.mulf %mul3A_1189, %sub3A_1197 : vector<16xf32>
        %mul3A_1199 = arith.constant 5.000000e-01 : f32
        %mul3A_1200 = vector.broadcast %mul3A_1199 : f32 to vector<16xf32>
        %mul3A_1201 = arith.mulf %mul3A_1200, %add3A_1134 : vector<16xf32>
        %mul3A_1202 = arith.mulf %mul3A_1201, %mul3A_1198 : vector<16xf32>
        %mul3A_1203 = arith.mulf %mul3A_1202, %mul3A_1198 : vector<16xf32>
        %sub3A_1204 = arith.constant 1.500000e+00 : f32
        %sub3A_1205 = vector.broadcast %sub3A_1204 : f32 to vector<16xf32>
        %sub3A_1206 = arith.subf %sub3A_1205, %mul3A_1203 : vector<16xf32>
        %mul3A_1207 = arith.mulf %mul3A_1198, %sub3A_1206 : vector<16xf32>
        %min3A_1208 = arith.constant 1.000000e+00 : f32
        %min3A_1209 = vector.broadcast %min3A_1208 : f32 to vector<16xf32>
        %min3A_1210 = arith.minimumf %min3A_1209, %mul3A_1207 : vector<16xf32>
        %mul3A_1211 = arith.mulf %min3A_1172, %min3A_1210 : vector<16xf32>
        %mul3A_1212 = arith.mulf %mul3A_1211, %add3A_1136 : vector<16xf32>
        %mul3A_1213 = arith.mulf %add3A_1135, %min3A_1172 : vector<16xf32>
        %mul3A_1214 = arith.mulf %mul3A_1213, %min3A_1172 : vector<16xf32>
        %mul3A_1215 = arith.mulf %min3A_1210, %min3A_1210 : vector<16xf32>
        %mul3A_1216 = arith.mulf %mul3A_1215, %add3A_1134 : vector<16xf32>
        %add3A_1217 = arith.addf %mul3A_1214, %mul3A_1216 : vector<16xf32>
        %add3A_1218 = arith.addf %mul3A_1212, %mul3A_1212 : vector<16xf32>
        %sub3A_1219 = arith.subf %add3A_1217, %add3A_1218 : vector<16xf32>
        %max3A = arith.constant 0.000000e+00 : f32
        %max3A_1220 = vector.broadcast %max3A : f32 to vector<16xf32>
        %max3A_1221 = arith.maximumf %sub3A_1219, %max3A_1220 : vector<16xf32>
        %bitcast3A_1222 = vector.bitcast %max3A_1221 : vector<16xf32> to vector<16xi32>
        %shift_right_arithmetic3A_1223 = arith.constant 1 : i32
        %shift_right_arithmetic3A_1224 = vector.broadcast %shift_right_arithmetic3A_1223 : i32 to vector<16xi32>
        %shift_right_arithmetic3A_1225 = arith.shrsi %bitcast3A_1222, %shift_right_arithmetic3A_1224 : vector<16xi32>
        %sub3A_1226 = arith.constant 1597463007 : i32
        %sub3A_1227 = vector.broadcast %sub3A_1226 : i32 to vector<16xi32>
        %sub3A_1228 = arith.subi %sub3A_1227, %shift_right_arithmetic3A_1225 : vector<16xi32>
        %bitcast3A_1229 = vector.bitcast %sub3A_1228 : vector<16xi32> to vector<16xf32>
        %mul3A_1230 = arith.constant 5.000000e-01 : f32
        %mul3A_1231 = vector.broadcast %mul3A_1230 : f32 to vector<16xf32>
        %mul3A_1232 = arith.mulf %mul3A_1231, %max3A_1221 : vector<16xf32>
        %mul3A_1233 = arith.mulf %mul3A_1232, %bitcast3A_1229 : vector<16xf32>
        %mul3A_1234 = arith.mulf %mul3A_1233, %bitcast3A_1229 : vector<16xf32>
        %sub3A_1235 = arith.constant 1.500000e+00 : f32
        %sub3A_1236 = vector.broadcast %sub3A_1235 : f32 to vector<16xf32>
        %sub3A_1237 = arith.subf %sub3A_1236, %mul3A_1234 : vector<16xf32>
        %mul3A_1238 = arith.mulf %bitcast3A_1229, %sub3A_1237 : vector<16xf32>
        %mul3A_1239 = arith.constant 5.000000e-01 : f32
        %mul3A_1240 = vector.broadcast %mul3A_1239 : f32 to vector<16xf32>
        %mul3A_1241 = arith.mulf %mul3A_1240, %max3A_1221 : vector<16xf32>
        %mul3A_1242 = arith.mulf %mul3A_1241, %mul3A_1238 : vector<16xf32>
        %mul3A_1243 = arith.mulf %mul3A_1242, %mul3A_1238 : vector<16xf32>
        %sub3A_1244 = arith.constant 1.500000e+00 : f32
        %sub3A_1245 = vector.broadcast %sub3A_1244 : f32 to vector<16xf32>
        %sub3A_1246 = arith.subf %sub3A_1245, %mul3A_1243 : vector<16xf32>
        %mul3A_1247 = arith.mulf %mul3A_1238, %sub3A_1246 : vector<16xf32>
        %mul3A_1248 = arith.constant 5.000000e-01 : f32
        %mul3A_1249 = vector.broadcast %mul3A_1248 : f32 to vector<16xf32>
        %mul3A_1250 = arith.mulf %mul3A_1249, %max3A_1221 : vector<16xf32>
        %mul3A_1251 = arith.mulf %mul3A_1250, %mul3A_1247 : vector<16xf32>
        %mul3A_1252 = arith.mulf %mul3A_1251, %mul3A_1247 : vector<16xf32>
        %sub3A_1253 = arith.constant 1.500000e+00 : f32
        %sub3A_1254 = vector.broadcast %sub3A_1253 : f32 to vector<16xf32>
        %sub3A_1255 = arith.subf %sub3A_1254, %mul3A_1252 : vector<16xf32>
        %mul3A_1256 = arith.mulf %mul3A_1247, %sub3A_1255 : vector<16xf32>
        %mul3A_1257 = arith.mulf %max3A_1221, %mul3A_1256 : vector<16xf32>
        %mul3A_1258 = arith.constant 16 : i32
        %mul3A_1259 = arith.muli %add3A_622, %mul3A_1258 : i32
        %swap3A = arith.index_cast %mul3A_1259 : i32 to index
        %swap3A_1260 = tpu.vector_load %arg13[%swap3A] {strides = array<i32>} : memref<1280xf32, #tpu.memory_space<vmem>>, vector<16xf32>,
        tpu.vector_store %arg13[%swap3A], %mul3A_1257 {strides = array<i32>} : memref<1280xf32, #tpu.memory_space<vmem>>, vector<16xf32>,
      }
      %scan3A_430 = arith.constant 80 : i32
      %mul3A_431 = arith.constant 1280 : i32
      %mul3A_432 = arith.muli %mul3A_254, %mul3A_431 : i32
      %add3A_433 = arith.addi %multiple_of3A_5, %mul3A_432 : i32
      %multiple_of3A_434 = tpu.assume_multiple %add3A_433, 8 : i32
      "tpu.region"() ({
        %run_scoped3A = tpu.sem_alloc : memref<!tpu.dma_semaphore, #tpu.memory_space<semaphore_mem>>
        %dma_start3A_618 = tpu.memref_slice %arg6[%multiple_of3A_434] : memref<327680xf32, #tpu.memory_space<hbm>> -> memref<1280xf32, #tpu.memory_space<hbm>>
        %dma_start3A_619 = tpu.memref_slice %arg6[%multiple_of3A_434] : memref<327680xf32, #tpu.memory_space<hbm>> -> memref<1280xf32, #tpu.memory_space<hbm>>
        tpu.enqueue_dma source(%arg13 : memref<1280xf32, #tpu.memory_space<vmem>>) target(%dma_start3A_619 : memref<1280xf32, #tpu.memory_space<hbm>>) target_semaphore(%run_scoped3A : memref<!tpu.dma_semaphore, #tpu.memory_space<semaphore_mem>>)
        %dma_wait3A_620 = tpu.memref_slice %arg6[%multiple_of3A_434] : memref<327680xf32, #tpu.memory_space<hbm>> -> memref<1280xf32, #tpu.memory_space<hbm>>
        %dma_wait3A_621 = tpu.memref_slice %arg6[%multiple_of3A_434] : memref<327680xf32, #tpu.memory_space<hbm>> -> memref<1280xf32, #tpu.memory_space<hbm>>
        tpu.wait_dma2 semaphore(%run_scoped3A : memref<!tpu.dma_semaphore, #tpu.memory_space<semaphore_mem>>) src(%arg13 : memref<1280xf32, #tpu.memory_space<vmem>>) dst(%dma_wait3A_621 : memref<1280xf32, #tpu.memory_space<hbm>>)
        tpu.yield
      }) : () -> ()
      %add3A_435 = arith.constant 2 : i32
      %add3A_436 = arith.addi %mul3A_254, %add3A_435 : i32
      %and3A = arith.constant 7 : i32
      %and3A_437 = arith.andi %add3A_436, %and3A : i32
      %mul3A_438 = arith.constant 1280 : i32
      %mul3A_439 = arith.muli %and3A_437, %mul3A_438 : i32
      %add3A_440 = arith.addi %multiple_of3A_5, %mul3A_439 : i32
      %multiple_of3A_441 = tpu.assume_multiple %add3A_440, 8 : i32
      "tpu.region"() ({
        %run_scoped3A = tpu.sem_alloc : memref<!tpu.dma_semaphore, #tpu.memory_space<semaphore_mem>>
        %dma_start3A_618 = tpu.memref_slice %arg3[%multiple_of3A_441] : memref<327680xi32, #tpu.memory_space<hbm>> -> memref<1280xi32, #tpu.memory_space<hbm>>
        %dma_start3A_619 = tpu.memref_slice %arg3[%multiple_of3A_441] : memref<327680xi32, #tpu.memory_space<hbm>> -> memref<1280xi32, #tpu.memory_space<hbm>>
        tpu.enqueue_dma source(%dma_start3A_619 : memref<1280xi32, #tpu.memory_space<hbm>>) target(%arg9 : memref<1280xi32, #tpu.memory_space<vmem>>) target_semaphore(%run_scoped3A : memref<!tpu.dma_semaphore, #tpu.memory_space<semaphore_mem>>)
        %dma_wait3A_620 = tpu.memref_slice %arg3[%multiple_of3A_441] : memref<327680xi32, #tpu.memory_space<hbm>> -> memref<1280xi32, #tpu.memory_space<hbm>>
        %dma_wait3A_621 = tpu.memref_slice %arg3[%multiple_of3A_441] : memref<327680xi32, #tpu.memory_space<hbm>> -> memref<1280xi32, #tpu.memory_space<hbm>>
        tpu.wait_dma2 semaphore(%run_scoped3A : memref<!tpu.dma_semaphore, #tpu.memory_space<semaphore_mem>>) src(%dma_wait3A_621 : memref<1280xi32, #tpu.memory_space<hbm>>) dst(%arg9 : memref<1280xi32, #tpu.memory_space<vmem>>)
        tpu.yield
      }) : () -> ()
      %scan3A_442 = arith.constant 0 : i32
      %scan3A_443 = arith.constant 80 : i32
      %scan3A_444 = arith.addi %scan3A_442, %scan3A_443 : i32
      %scan3A_445 = arith.constant 1 : i32
      scf.for %scan3A_618 = %scan3A_442 to %scan3A_444 step %scan3A_445  : i32 {
        %mul3A_619 = arith.constant 1 : i32
        %mul3A_620 = arith.muli %scan3A_618, %mul3A_619 : i32
        %add3A_621 = arith.constant 0 : i32
        %add3A_622 = arith.addi %add3A_621, %mul3A_620 : i32
        %mul3A_623 = arith.constant 16 : i32
        %mul3A_624 = arith.muli %add3A_622, %mul3A_623 : i32
        %get3A = arith.index_cast %mul3A_624 : i32 to index
        %get3A_625 = tpu.vector_load %arg9[%get3A] {strides = array<i32>} : memref<1280xi32, #tpu.memory_space<vmem>>, vector<16xi32>,
        %and3A_626 = arith.constant -32768 : i32
        %and3A_627 = vector.broadcast %and3A_626 : i32 to vector<16xi32>
        %and3A_628 = arith.andi %get3A_625, %and3A_627 : vector<16xi32>
        %and3A_629 = arith.constant 8191 : i32
        %and3A_630 = vector.broadcast %and3A_629 : i32 to vector<16xi32>
        %and3A_631 = arith.andi %get3A_625, %and3A_630 : vector<16xi32>
        %shift_left3A = arith.constant 2 : i32
        %shift_left3A_632 = vector.broadcast %shift_left3A : i32 to vector<16xi32>
        %shift_left3A_633 = arith.shli %and3A_631, %shift_left3A_632 : vector<16xi32>
        %add3A_634 = arith.addi %and3A_628, %shift_left3A_633 : vector<16xi32>
        %shift_right_arithmetic3A = arith.constant 13 : i32
        %shift_right_arithmetic3A_635 = vector.broadcast %shift_right_arithmetic3A : i32 to vector<16xi32>
        %shift_right_arithmetic3A_636 = arith.shrsi %get3A_625, %shift_right_arithmetic3A_635 : vector<16xi32>
        %and3A_637 = arith.constant 3 : i32
        %and3A_638 = vector.broadcast %and3A_637 : i32 to vector<16xi32>
        %and3A_639 = arith.andi %shift_right_arithmetic3A_636, %and3A_638 : vector<16xi32>
        %add3A_640 = arith.addi %add3A_634, %and3A_639 : vector<16xi32>
        %mul3A_641 = arith.constant 16 : i32
        %mul3A_642 = arith.muli %add3A_622, %mul3A_641 : i32
        %swap3A = arith.index_cast %mul3A_642 : i32 to index
        %swap3A_643 = tpu.vector_load %arg9[%swap3A] {strides = array<i32>} : memref<1280xi32, #tpu.memory_space<vmem>>, vector<16xi32>,
        tpu.vector_store %arg9[%swap3A], %add3A_640 {strides = array<i32>} : memref<1280xi32, #tpu.memory_space<vmem>>, vector<16xi32>,
      }
      %scan3A_446 = arith.constant 80 : i32
      %dma_start3A_447 = arith.constant 0 : i32
      %dma_start3A_448 = arith.constant 0 : i32
      %dma_start3A_449 = tpu.memref_slice %arg11[%dma_start3A_447, %dma_start3A_448] : memref<1280x32xf32, #tpu.memory_space<vmem>> -> memref<128x32xf32, #tpu.memory_space<vmem>>
      %dma_start3A_450 = arith.constant 0 : i32
      %dma_start3A_451 = tpu.memref_slice %arg9[%dma_start3A_450] : memref<1280xi32, #tpu.memory_space<vmem>> -> memref<128xi32, #tpu.memory_space<vmem>>
      %dma_start3A_452 = arith.constant 0 : i32
      %dma_start3A_453 = arith.constant 0 : i32
      %dma_start3A_454 = tpu.memref_slice %arg5[%dma_start3A_452, %dma_start3A_453] : memref<1015808x32xf32, #tpu.memory_space<hbm>> -> memref<1015808x32xf32, #tpu.memory_space<hbm>>
      tpu.enqueue_indirect_dma source(%dma_start3A_454 : memref<1015808x32xf32, #tpu.memory_space<hbm>>) target(%dma_start3A_449 : memref<128x32xf32, #tpu.memory_space<vmem>>) offsets(%dma_start3A_451 : memref<128xi32, #tpu.memory_space<vmem>>) semaphore(%arg15 : memref<!tpu.dma_semaphore, #tpu.memory_space<semaphore_mem>>)
      %dma_start3A_455 = arith.constant 128 : i32
      %dma_start3A_456 = arith.constant 0 : i32
      %dma_start3A_457 = tpu.memref_slice %arg11[%dma_start3A_455, %dma_start3A_456] : memref<1280x32xf32, #tpu.memory_space<vmem>> -> memref<128x32xf32, #tpu.memory_space<vmem>>
      %dma_start3A_458 = arith.constant 128 : i32
      %dma_start3A_459 = tpu.memref_slice %arg9[%dma_start3A_458] : memref<1280xi32, #tpu.memory_space<vmem>> -> memref<128xi32, #tpu.memory_space<vmem>>
      %dma_start3A_460 = arith.constant 0 : i32
      %dma_start3A_461 = arith.constant 0 : i32
      %dma_start3A_462 = tpu.memref_slice %arg5[%dma_start3A_460, %dma_start3A_461] : memref<1015808x32xf32, #tpu.memory_space<hbm>> -> memref<1015808x32xf32, #tpu.memory_space<hbm>>
      tpu.enqueue_indirect_dma source(%dma_start3A_462 : memref<1015808x32xf32, #tpu.memory_space<hbm>>) target(%dma_start3A_457 : memref<128x32xf32, #tpu.memory_space<vmem>>) offsets(%dma_start3A_459 : memref<128xi32, #tpu.memory_space<vmem>>) semaphore(%arg15 : memref<!tpu.dma_semaphore, #tpu.memory_space<semaphore_mem>>)
      %dma_start3A_463 = arith.constant 256 : i32
      %dma_start3A_464 = arith.constant 0 : i32
      %dma_start3A_465 = tpu.memref_slice %arg11[%dma_start3A_463, %dma_start3A_464] : memref<1280x32xf32, #tpu.memory_space<vmem>> -> memref<128x32xf32, #tpu.memory_space<vmem>>
      %dma_start3A_466 = arith.constant 256 : i32
      %dma_start3A_467 = tpu.memref_slice %arg9[%dma_start3A_466] : memref<1280xi32, #tpu.memory_space<vmem>> -> memref<128xi32, #tpu.memory_space<vmem>>
      %dma_start3A_468 = arith.constant 0 : i32
      %dma_start3A_469 = arith.constant 0 : i32
      %dma_start3A_470 = tpu.memref_slice %arg5[%dma_start3A_468, %dma_start3A_469] : memref<1015808x32xf32, #tpu.memory_space<hbm>> -> memref<1015808x32xf32, #tpu.memory_space<hbm>>
      tpu.enqueue_indirect_dma source(%dma_start3A_470 : memref<1015808x32xf32, #tpu.memory_space<hbm>>) target(%dma_start3A_465 : memref<128x32xf32, #tpu.memory_space<vmem>>) offsets(%dma_start3A_467 : memref<128xi32, #tpu.memory_space<vmem>>) semaphore(%arg15 : memref<!tpu.dma_semaphore, #tpu.memory_space<semaphore_mem>>)
      %dma_start3A_471 = arith.constant 384 : i32
      %dma_start3A_472 = arith.constant 0 : i32
      %dma_start3A_473 = tpu.memref_slice %arg11[%dma_start3A_471, %dma_start3A_472] : memref<1280x32xf32, #tpu.memory_space<vmem>> -> memref<128x32xf32, #tpu.memory_space<vmem>>
      %dma_start3A_474 = arith.constant 384 : i32
      %dma_start3A_475 = tpu.memref_slice %arg9[%dma_start3A_474] : memref<1280xi32, #tpu.memory_space<vmem>> -> memref<128xi32, #tpu.memory_space<vmem>>
      %dma_start3A_476 = arith.constant 0 : i32
      %dma_start3A_477 = arith.constant 0 : i32
      %dma_start3A_478 = tpu.memref_slice %arg5[%dma_start3A_476, %dma_start3A_477] : memref<1015808x32xf32, #tpu.memory_space<hbm>> -> memref<1015808x32xf32, #tpu.memory_space<hbm>>
      tpu.enqueue_indirect_dma source(%dma_start3A_478 : memref<1015808x32xf32, #tpu.memory_space<hbm>>) target(%dma_start3A_473 : memref<128x32xf32, #tpu.memory_space<vmem>>) offsets(%dma_start3A_475 : memref<128xi32, #tpu.memory_space<vmem>>) semaphore(%arg15 : memref<!tpu.dma_semaphore, #tpu.memory_space<semaphore_mem>>)
      %dma_start3A_479 = arith.constant 512 : i32
      %dma_start3A_480 = arith.constant 0 : i32
      %dma_start3A_481 = tpu.memref_slice %arg11[%dma_start3A_479, %dma_start3A_480] : memref<1280x32xf32, #tpu.memory_space<vmem>> -> memref<128x32xf32, #tpu.memory_space<vmem>>
      %dma_start3A_482 = arith.constant 512 : i32
      %dma_start3A_483 = tpu.memref_slice %arg9[%dma_start3A_482] : memref<1280xi32, #tpu.memory_space<vmem>> -> memref<128xi32, #tpu.memory_space<vmem>>
      %dma_start3A_484 = arith.constant 0 : i32
      %dma_start3A_485 = arith.constant 0 : i32
      %dma_start3A_486 = tpu.memref_slice %arg5[%dma_start3A_484, %dma_start3A_485] : memref<1015808x32xf32, #tpu.memory_space<hbm>> -> memref<1015808x32xf32, #tpu.memory_space<hbm>>
      tpu.enqueue_indirect_dma source(%dma_start3A_486 : memref<1015808x32xf32, #tpu.memory_space<hbm>>) target(%dma_start3A_481 : memref<128x32xf32, #tpu.memory_space<vmem>>) offsets(%dma_start3A_483 : memref<128xi32, #tpu.memory_space<vmem>>) semaphore(%arg15 : memref<!tpu.dma_semaphore, #tpu.memory_space<semaphore_mem>>)
      %dma_start3A_487 = arith.constant 640 : i32
      %dma_start3A_488 = arith.constant 0 : i32
      %dma_start3A_489 = tpu.memref_slice %arg11[%dma_start3A_487, %dma_start3A_488] : memref<1280x32xf32, #tpu.memory_space<vmem>> -> memref<128x32xf32, #tpu.memory_space<vmem>>
      %dma_start3A_490 = arith.constant 640 : i32
      %dma_start3A_491 = tpu.memref_slice %arg9[%dma_start3A_490] : memref<1280xi32, #tpu.memory_space<vmem>> -> memref<128xi32, #tpu.memory_space<vmem>>
      %dma_start3A_492 = arith.constant 0 : i32
      %dma_start3A_493 = arith.constant 0 : i32
      %dma_start3A_494 = tpu.memref_slice %arg5[%dma_start3A_492, %dma_start3A_493] : memref<1015808x32xf32, #tpu.memory_space<hbm>> -> memref<1015808x32xf32, #tpu.memory_space<hbm>>
      tpu.enqueue_indirect_dma source(%dma_start3A_494 : memref<1015808x32xf32, #tpu.memory_space<hbm>>) target(%dma_start3A_489 : memref<128x32xf32, #tpu.memory_space<vmem>>) offsets(%dma_start3A_491 : memref<128xi32, #tpu.memory_space<vmem>>) semaphore(%arg15 : memref<!tpu.dma_semaphore, #tpu.memory_space<semaphore_mem>>)
      %dma_start3A_495 = arith.constant 768 : i32
      %dma_start3A_496 = arith.constant 0 : i32
      %dma_start3A_497 = tpu.memref_slice %arg11[%dma_start3A_495, %dma_start3A_496] : memref<1280x32xf32, #tpu.memory_space<vmem>> -> memref<128x32xf32, #tpu.memory_space<vmem>>
      %dma_start3A_498 = arith.constant 768 : i32
      %dma_start3A_499 = tpu.memref_slice %arg9[%dma_start3A_498] : memref<1280xi32, #tpu.memory_space<vmem>> -> memref<128xi32, #tpu.memory_space<vmem>>
      %dma_start3A_500 = arith.constant 0 : i32
      %dma_start3A_501 = arith.constant 0 : i32
      %dma_start3A_502 = tpu.memref_slice %arg5[%dma_start3A_500, %dma_start3A_501] : memref<1015808x32xf32, #tpu.memory_space<hbm>> -> memref<1015808x32xf32, #tpu.memory_space<hbm>>
      tpu.enqueue_indirect_dma source(%dma_start3A_502 : memref<1015808x32xf32, #tpu.memory_space<hbm>>) target(%dma_start3A_497 : memref<128x32xf32, #tpu.memory_space<vmem>>) offsets(%dma_start3A_499 : memref<128xi32, #tpu.memory_space<vmem>>) semaphore(%arg15 : memref<!tpu.dma_semaphore, #tpu.memory_space<semaphore_mem>>)
      %dma_start3A_503 = arith.constant 896 : i32
      %dma_start3A_504 = arith.constant 0 : i32
      %dma_start3A_505 = tpu.memref_slice %arg11[%dma_start3A_503, %dma_start3A_504] : memref<1280x32xf32, #tpu.memory_space<vmem>> -> memref<128x32xf32, #tpu.memory_space<vmem>>
      %dma_start3A_506 = arith.constant 896 : i32
      %dma_start3A_507 = tpu.memref_slice %arg9[%dma_start3A_506] : memref<1280xi32, #tpu.memory_space<vmem>> -> memref<128xi32, #tpu.memory_space<vmem>>
      %dma_start3A_508 = arith.constant 0 : i32
      %dma_start3A_509 = arith.constant 0 : i32
      %dma_start3A_510 = tpu.memref_slice %arg5[%dma_start3A_508, %dma_start3A_509] : memref<1015808x32xf32, #tpu.memory_space<hbm>> -> memref<1015808x32xf32, #tpu.memory_space<hbm>>
      tpu.enqueue_indirect_dma source(%dma_start3A_510 : memref<1015808x32xf32, #tpu.memory_space<hbm>>) target(%dma_start3A_505 : memref<128x32xf32, #tpu.memory_space<vmem>>) offsets(%dma_start3A_507 : memref<128xi32, #tpu.memory_space<vmem>>) semaphore(%arg15 : memref<!tpu.dma_semaphore, #tpu.memory_space<semaphore_mem>>)
      %dma_start3A_511 = arith.constant 1024 : i32
      %dma_start3A_512 = arith.constant 0 : i32
      %dma_start3A_513 = tpu.memref_slice %arg11[%dma_start3A_511, %dma_start3A_512] : memref<1280x32xf32, #tpu.memory_space<vmem>> -> memref<128x32xf32, #tpu.memory_space<vmem>>
      %dma_start3A_514 = arith.constant 1024 : i32
      %dma_start3A_515 = tpu.memref_slice %arg9[%dma_start3A_514] : memref<1280xi32, #tpu.memory_space<vmem>> -> memref<128xi32, #tpu.memory_space<vmem>>
      %dma_start3A_516 = arith.constant 0 : i32
      %dma_start3A_517 = arith.constant 0 : i32
      %dma_start3A_518 = tpu.memref_slice %arg5[%dma_start3A_516, %dma_start3A_517] : memref<1015808x32xf32, #tpu.memory_space<hbm>> -> memref<1015808x32xf32, #tpu.memory_space<hbm>>
      tpu.enqueue_indirect_dma source(%dma_start3A_518 : memref<1015808x32xf32, #tpu.memory_space<hbm>>) target(%dma_start3A_513 : memref<128x32xf32, #tpu.memory_space<vmem>>) offsets(%dma_start3A_515 : memref<128xi32, #tpu.memory_space<vmem>>) semaphore(%arg15 : memref<!tpu.dma_semaphore, #tpu.memory_space<semaphore_mem>>)
      %dma_start3A_519 = arith.constant 1152 : i32
      %dma_start3A_520 = arith.constant 0 : i32
      %dma_start3A_521 = tpu.memref_slice %arg11[%dma_start3A_519, %dma_start3A_520] : memref<1280x32xf32, #tpu.memory_space<vmem>> -> memref<128x32xf32, #tpu.memory_space<vmem>>
      %dma_start3A_522 = arith.constant 1152 : i32
      %dma_start3A_523 = tpu.memref_slice %arg9[%dma_start3A_522] : memref<1280xi32, #tpu.memory_space<vmem>> -> memref<128xi32, #tpu.memory_space<vmem>>
      %dma_start3A_524 = arith.constant 0 : i32
      %dma_start3A_525 = arith.constant 0 : i32
      %dma_start3A_526 = tpu.memref_slice %arg5[%dma_start3A_524, %dma_start3A_525] : memref<1015808x32xf32, #tpu.memory_space<hbm>> -> memref<1015808x32xf32, #tpu.memory_space<hbm>>
      tpu.enqueue_indirect_dma source(%dma_start3A_526 : memref<1015808x32xf32, #tpu.memory_space<hbm>>) target(%dma_start3A_521 : memref<128x32xf32, #tpu.memory_space<vmem>>) offsets(%dma_start3A_523 : memref<128xi32, #tpu.memory_space<vmem>>) semaphore(%arg15 : memref<!tpu.dma_semaphore, #tpu.memory_space<semaphore_mem>>)
      %dma_wait3A_527 = arith.constant 0 : i32
      %dma_wait3A_528 = arith.constant 0 : i32
      %dma_wait3A_529 = tpu.memref_slice %arg12[%dma_wait3A_527, %dma_wait3A_528] : memref<1280x32xf32, #tpu.memory_space<vmem>> -> memref<128x32xf32, #tpu.memory_space<vmem>>
      %dma_wait3A_530 = arith.constant 0 : i32
      %dma_wait3A_531 = tpu.memref_slice %arg10[%dma_wait3A_530] : memref<1280xi32, #tpu.memory_space<vmem>> -> memref<128xi32, #tpu.memory_space<vmem>>
      %dma_wait3A_532 = arith.constant 0 : i32
      %dma_wait3A_533 = arith.constant 0 : i32
      %dma_wait3A_534 = tpu.memref_slice %arg5[%dma_wait3A_532, %dma_wait3A_533] : memref<1015808x32xf32, #tpu.memory_space<hbm>> -> memref<1015808x32xf32, #tpu.memory_space<hbm>>
      tpu.wait_indirect_dma semaphore(%arg16 : memref<!tpu.dma_semaphore, #tpu.memory_space<semaphore_mem>>) src(%dma_wait3A_534 : memref<1015808x32xf32, #tpu.memory_space<hbm>>) dst(%dma_wait3A_529 : memref<128x32xf32, #tpu.memory_space<vmem>>)
      %dma_wait3A_535 = arith.constant 128 : i32
      %dma_wait3A_536 = arith.constant 0 : i32
      %dma_wait3A_537 = tpu.memref_slice %arg12[%dma_wait3A_535, %dma_wait3A_536] : memref<1280x32xf32, #tpu.memory_space<vmem>> -> memref<128x32xf32, #tpu.memory_space<vmem>>
      %dma_wait3A_538 = arith.constant 128 : i32
      %dma_wait3A_539 = tpu.memref_slice %arg10[%dma_wait3A_538] : memref<1280xi32, #tpu.memory_space<vmem>> -> memref<128xi32, #tpu.memory_space<vmem>>
      %dma_wait3A_540 = arith.constant 0 : i32
      %dma_wait3A_541 = arith.constant 0 : i32
      %dma_wait3A_542 = tpu.memref_slice %arg5[%dma_wait3A_540, %dma_wait3A_541] : memref<1015808x32xf32, #tpu.memory_space<hbm>> -> memref<1015808x32xf32, #tpu.memory_space<hbm>>
      tpu.wait_indirect_dma semaphore(%arg16 : memref<!tpu.dma_semaphore, #tpu.memory_space<semaphore_mem>>) src(%dma_wait3A_542 : memref<1015808x32xf32, #tpu.memory_space<hbm>>) dst(%dma_wait3A_537 : memref<128x32xf32, #tpu.memory_space<vmem>>)
      %dma_wait3A_543 = arith.constant 256 : i32
      %dma_wait3A_544 = arith.constant 0 : i32
      %dma_wait3A_545 = tpu.memref_slice %arg12[%dma_wait3A_543, %dma_wait3A_544] : memref<1280x32xf32, #tpu.memory_space<vmem>> -> memref<128x32xf32, #tpu.memory_space<vmem>>
      %dma_wait3A_546 = arith.constant 256 : i32
      %dma_wait3A_547 = tpu.memref_slice %arg10[%dma_wait3A_546] : memref<1280xi32, #tpu.memory_space<vmem>> -> memref<128xi32, #tpu.memory_space<vmem>>
      %dma_wait3A_548 = arith.constant 0 : i32
      %dma_wait3A_549 = arith.constant 0 : i32
      %dma_wait3A_550 = tpu.memref_slice %arg5[%dma_wait3A_548, %dma_wait3A_549] : memref<1015808x32xf32, #tpu.memory_space<hbm>> -> memref<1015808x32xf32, #tpu.memory_space<hbm>>
      tpu.wait_indirect_dma semaphore(%arg16 : memref<!tpu.dma_semaphore, #tpu.memory_space<semaphore_mem>>) src(%dma_wait3A_550 : memref<1015808x32xf32, #tpu.memory_space<hbm>>) dst(%dma_wait3A_545 : memref<128x32xf32, #tpu.memory_space<vmem>>)
      %dma_wait3A_551 = arith.constant 384 : i32
      %dma_wait3A_552 = arith.constant 0 : i32
      %dma_wait3A_553 = tpu.memref_slice %arg12[%dma_wait3A_551, %dma_wait3A_552] : memref<1280x32xf32, #tpu.memory_space<vmem>> -> memref<128x32xf32, #tpu.memory_space<vmem>>
      %dma_wait3A_554 = arith.constant 384 : i32
      %dma_wait3A_555 = tpu.memref_slice %arg10[%dma_wait3A_554] : memref<1280xi32, #tpu.memory_space<vmem>> -> memref<128xi32, #tpu.memory_space<vmem>>
      %dma_wait3A_556 = arith.constant 0 : i32
      %dma_wait3A_557 = arith.constant 0 : i32
      %dma_wait3A_558 = tpu.memref_slice %arg5[%dma_wait3A_556, %dma_wait3A_557] : memref<1015808x32xf32, #tpu.memory_space<hbm>> -> memref<1015808x32xf32, #tpu.memory_space<hbm>>
      tpu.wait_indirect_dma semaphore(%arg16 : memref<!tpu.dma_semaphore, #tpu.memory_space<semaphore_mem>>) src(%dma_wait3A_558 : memref<1015808x32xf32, #tpu.memory_space<hbm>>) dst(%dma_wait3A_553 : memref<128x32xf32, #tpu.memory_space<vmem>>)
      %dma_wait3A_559 = arith.constant 512 : i32
      %dma_wait3A_560 = arith.constant 0 : i32
      %dma_wait3A_561 = tpu.memref_slice %arg12[%dma_wait3A_559, %dma_wait3A_560] : memref<1280x32xf32, #tpu.memory_space<vmem>> -> memref<128x32xf32, #tpu.memory_space<vmem>>
      %dma_wait3A_562 = arith.constant 512 : i32
      %dma_wait3A_563 = tpu.memref_slice %arg10[%dma_wait3A_562] : memref<1280xi32, #tpu.memory_space<vmem>> -> memref<128xi32, #tpu.memory_space<vmem>>
      %dma_wait3A_564 = arith.constant 0 : i32
      %dma_wait3A_565 = arith.constant 0 : i32
      %dma_wait3A_566 = tpu.memref_slice %arg5[%dma_wait3A_564, %dma_wait3A_565] : memref<1015808x32xf32, #tpu.memory_space<hbm>> -> memref<1015808x32xf32, #tpu.memory_space<hbm>>
      tpu.wait_indirect_dma semaphore(%arg16 : memref<!tpu.dma_semaphore, #tpu.memory_space<semaphore_mem>>) src(%dma_wait3A_566 : memref<1015808x32xf32, #tpu.memory_space<hbm>>) dst(%dma_wait3A_561 : memref<128x32xf32, #tpu.memory_space<vmem>>)
      %dma_wait3A_567 = arith.constant 640 : i32
      %dma_wait3A_568 = arith.constant 0 : i32
      %dma_wait3A_569 = tpu.memref_slice %arg12[%dma_wait3A_567, %dma_wait3A_568] : memref<1280x32xf32, #tpu.memory_space<vmem>> -> memref<128x32xf32, #tpu.memory_space<vmem>>
      %dma_wait3A_570 = arith.constant 640 : i32
      %dma_wait3A_571 = tpu.memref_slice %arg10[%dma_wait3A_570] : memref<1280xi32, #tpu.memory_space<vmem>> -> memref<128xi32, #tpu.memory_space<vmem>>
      %dma_wait3A_572 = arith.constant 0 : i32
      %dma_wait3A_573 = arith.constant 0 : i32
      %dma_wait3A_574 = tpu.memref_slice %arg5[%dma_wait3A_572, %dma_wait3A_573] : memref<1015808x32xf32, #tpu.memory_space<hbm>> -> memref<1015808x32xf32, #tpu.memory_space<hbm>>
      tpu.wait_indirect_dma semaphore(%arg16 : memref<!tpu.dma_semaphore, #tpu.memory_space<semaphore_mem>>) src(%dma_wait3A_574 : memref<1015808x32xf32, #tpu.memory_space<hbm>>) dst(%dma_wait3A_569 : memref<128x32xf32, #tpu.memory_space<vmem>>)
      %dma_wait3A_575 = arith.constant 768 : i32
      %dma_wait3A_576 = arith.constant 0 : i32
      %dma_wait3A_577 = tpu.memref_slice %arg12[%dma_wait3A_575, %dma_wait3A_576] : memref<1280x32xf32, #tpu.memory_space<vmem>> -> memref<128x32xf32, #tpu.memory_space<vmem>>
      %dma_wait3A_578 = arith.constant 768 : i32
      %dma_wait3A_579 = tpu.memref_slice %arg10[%dma_wait3A_578] : memref<1280xi32, #tpu.memory_space<vmem>> -> memref<128xi32, #tpu.memory_space<vmem>>
      %dma_wait3A_580 = arith.constant 0 : i32
      %dma_wait3A_581 = arith.constant 0 : i32
      %dma_wait3A_582 = tpu.memref_slice %arg5[%dma_wait3A_580, %dma_wait3A_581] : memref<1015808x32xf32, #tpu.memory_space<hbm>> -> memref<1015808x32xf32, #tpu.memory_space<hbm>>
      tpu.wait_indirect_dma semaphore(%arg16 : memref<!tpu.dma_semaphore, #tpu.memory_space<semaphore_mem>>) src(%dma_wait3A_582 : memref<1015808x32xf32, #tpu.memory_space<hbm>>) dst(%dma_wait3A_577 : memref<128x32xf32, #tpu.memory_space<vmem>>)
      %dma_wait3A_583 = arith.constant 896 : i32
      %dma_wait3A_584 = arith.constant 0 : i32
      %dma_wait3A_585 = tpu.memref_slice %arg12[%dma_wait3A_583, %dma_wait3A_584] : memref<1280x32xf32, #tpu.memory_space<vmem>> -> memref<128x32xf32, #tpu.memory_space<vmem>>
      %dma_wait3A_586 = arith.constant 896 : i32
      %dma_wait3A_587 = tpu.memref_slice %arg10[%dma_wait3A_586] : memref<1280xi32, #tpu.memory_space<vmem>> -> memref<128xi32, #tpu.memory_space<vmem>>
      %dma_wait3A_588 = arith.constant 0 : i32
      %dma_wait3A_589 = arith.constant 0 : i32
      %dma_wait3A_590 = tpu.memref_slice %arg5[%dma_wait3A_588, %dma_wait3A_589] : memref<1015808x32xf32, #tpu.memory_space<hbm>> -> memref<1015808x32xf32, #tpu.memory_space<hbm>>
      tpu.wait_indirect_dma semaphore(%arg16 : memref<!tpu.dma_semaphore, #tpu.memory_space<semaphore_mem>>) src(%dma_wait3A_590 : memref<1015808x32xf32, #tpu.memory_space<hbm>>) dst(%dma_wait3A_585 : memref<128x32xf32, #tpu.memory_space<vmem>>)
      %dma_wait3A_591 = arith.constant 1024 : i32
      %dma_wait3A_592 = arith.constant 0 : i32
      %dma_wait3A_593 = tpu.memref_slice %arg12[%dma_wait3A_591, %dma_wait3A_592] : memref<1280x32xf32, #tpu.memory_space<vmem>> -> memref<128x32xf32, #tpu.memory_space<vmem>>
      %dma_wait3A_594 = arith.constant 1024 : i32
      %dma_wait3A_595 = tpu.memref_slice %arg10[%dma_wait3A_594] : memref<1280xi32, #tpu.memory_space<vmem>> -> memref<128xi32, #tpu.memory_space<vmem>>
      %dma_wait3A_596 = arith.constant 0 : i32
      %dma_wait3A_597 = arith.constant 0 : i32
      %dma_wait3A_598 = tpu.memref_slice %arg5[%dma_wait3A_596, %dma_wait3A_597] : memref<1015808x32xf32, #tpu.memory_space<hbm>> -> memref<1015808x32xf32, #tpu.memory_space<hbm>>
      tpu.wait_indirect_dma semaphore(%arg16 : memref<!tpu.dma_semaphore, #tpu.memory_space<semaphore_mem>>) src(%dma_wait3A_598 : memref<1015808x32xf32, #tpu.memory_space<hbm>>) dst(%dma_wait3A_593 : memref<128x32xf32, #tpu.memory_space<vmem>>)
      %dma_wait3A_599 = arith.constant 1152 : i32
      %dma_wait3A_600 = arith.constant 0 : i32
      %dma_wait3A_601 = tpu.memref_slice %arg12[%dma_wait3A_599, %dma_wait3A_600] : memref<1280x32xf32, #tpu.memory_space<vmem>> -> memref<128x32xf32, #tpu.memory_space<vmem>>
      %dma_wait3A_602 = arith.constant 1152 : i32
      %dma_wait3A_603 = tpu.memref_slice %arg10[%dma_wait3A_602] : memref<1280xi32, #tpu.memory_space<vmem>> -> memref<128xi32, #tpu.memory_space<vmem>>
      %dma_wait3A_604 = arith.constant 0 : i32
      %dma_wait3A_605 = arith.constant 0 : i32
      %dma_wait3A_606 = tpu.memref_slice %arg5[%dma_wait3A_604, %dma_wait3A_605] : memref<1015808x32xf32, #tpu.memory_space<hbm>> -> memref<1015808x32xf32, #tpu.memory_space<hbm>>
      tpu.wait_indirect_dma semaphore(%arg16 : memref<!tpu.dma_semaphore, #tpu.memory_space<semaphore_mem>>) src(%dma_wait3A_606 : memref<1015808x32xf32, #tpu.memory_space<hbm>>) dst(%dma_wait3A_601 : memref<128x32xf32, #tpu.memory_space<vmem>>)
      %add3A_607 = arith.constant 1 : i32
      %add3A_608 = arith.addi %mul3A_254, %add3A_607 : i32
      %scan3A_609 = arith.constant 0 : i32
      %scan3A_610 = arith.constant 80 : i32
      %scan3A_611 = arith.addi %scan3A_609, %scan3A_610 : i32
      %scan3A_612 = arith.constant 1 : i32
      scf.for %scan3A_618 = %scan3A_609 to %scan3A_611 step %scan3A_612  : i32 {
        %mul3A_619 = arith.constant 1 : i32
        %mul3A_620 = arith.muli %scan3A_618, %mul3A_619 : i32
        %add3A_621 = arith.constant 0 : i32
        %add3A_622 = arith.addi %add3A_621, %mul3A_620 : i32
        %mul3A_623 = arith.constant 16 : i32
        %mul3A_624 = arith.muli %add3A_622, %mul3A_623 : i32
        %add3A_625 = vector.broadcast %mul3A_624 : i32 to vector<16xi32>
        %add3A_626 = arith.addi %iota3A, %add3A_625 : vector<16xi32>
        %mul3A_627 = arith.constant 3277 : i32
        %mul3A_628 = vector.broadcast %mul3A_627 : i32 to vector<16xi32>
        %mul3A_629 = arith.muli %add3A_626, %mul3A_628 : vector<16xi32>
        %shift_right_arithmetic3A = arith.constant 16 : i32
        %shift_right_arithmetic3A_630 = vector.broadcast %shift_right_arithmetic3A : i32 to vector<16xi32>
        %shift_right_arithmetic3A_631 = arith.shrsi %mul3A_629, %shift_right_arithmetic3A_630 : vector<16xi32>
        %mul3A_632 = arith.constant 64 : i32
        %mul3A_633 = arith.muli %add3A_608, %mul3A_632 : i32
        %add3A_634 = vector.broadcast %mul3A_633 : i32 to vector<16xi32>
        %add3A_635 = arith.addi %shift_right_arithmetic3A_631, %add3A_634 : vector<16xi32>
        %mul3A_636 = arith.constant 0.000000e+00 : f32
        %mul3A_637 = vector.broadcast %mul3A_636 : f32 to vector<16xf32>
        %mul3A_638 = arith.mulf %mul3A_637, %bitcast3A : vector<16xf32>
        %add3A_639 = arith.constant 0 : i32
        %add3A_640 = vector.broadcast %add3A_639 : i32 to vector<16xi32>
        %add3A_641 = arith.addi %iota3A, %add3A_640 : vector<16xi32>
        %and3A_642 = arith.constant 31 : i32
        %and3A_643 = vector.broadcast %and3A_642 : i32 to vector<16xi32>
        %and3A_644 = arith.andi %add3A_641, %and3A_643 : vector<16xi32>
        %add3A_645 = arith.constant 0 : i32
        %add3A_646 = vector.broadcast %add3A_645 : i32 to vector<16xi32>
        %add3A_647 = arith.addi %iota3A, %add3A_646 : vector<16xi32>
        %add3A_648 = arith.constant 1 : i32
        %add3A_649 = vector.broadcast %add3A_648 : i32 to vector<16xi32>
        %add3A_650 = arith.addi %add3A_647, %add3A_649 : vector<16xi32>
        %and3A_651 = arith.constant 31 : i32
        %and3A_652 = vector.broadcast %and3A_651 : i32 to vector<16xi32>
        %and3A_653 = arith.andi %add3A_650, %and3A_652 : vector<16xi32>
        %gather3A = tpu.vector_load_idx %arg12[%add3A_626, %and3A_644] : memref<1280x32xf32, #tpu.memory_space<vmem>>[vector<16xi32>, vector<16xi32>], vector<16xf32>,
        %gather3A_654 = tpu.vector_load_idx %arg12[%add3A_626, %and3A_653] : memref<1280x32xf32, #tpu.memory_space<vmem>>[vector<16xi32>, vector<16xi32>], vector<16xf32>,
        %gather3A_655 = tpu.vector_load_idx %arg8[%add3A_635, %and3A_644] : memref<512x32xf32, #tpu.memory_space<vmem>>[vector<16xi32>, vector<16xi32>], vector<16xf32>,
        %gather3A_656 = tpu.vector_load_idx %arg8[%add3A_635, %and3A_653] : memref<512x32xf32, #tpu.memory_space<vmem>>[vector<16xi32>, vector<16xi32>], vector<16xf32>,
        %mul3A_657 = arith.mulf %gather3A, %gather3A : vector<16xf32>
        %add3A_658 = arith.addf %mul3A_638, %mul3A_657 : vector<16xf32>
        %mul3A_659 = arith.mulf %gather3A_654, %gather3A_654 : vector<16xf32>
        %add3A_660 = arith.addf %mul3A_638, %mul3A_659 : vector<16xf32>
        %mul3A_661 = arith.mulf %gather3A_655, %gather3A_655 : vector<16xf32>
        %add3A_662 = arith.addf %mul3A_638, %mul3A_661 : vector<16xf32>
        %mul3A_663 = arith.mulf %gather3A_656, %gather3A_656 : vector<16xf32>
        %add3A_664 = arith.addf %mul3A_638, %mul3A_663 : vector<16xf32>
        %mul3A_665 = arith.mulf %gather3A_655, %gather3A : vector<16xf32>
        %add3A_666 = arith.addf %mul3A_638, %mul3A_665 : vector<16xf32>
        %mul3A_667 = arith.mulf %gather3A_656, %gather3A_654 : vector<16xf32>
        %add3A_668 = arith.addf %mul3A_638, %mul3A_667 : vector<16xf32>
        %add3A_669 = arith.constant 2 : i32
        %add3A_670 = vector.broadcast %add3A_669 : i32 to vector<16xi32>
        %add3A_671 = arith.addi %iota3A, %add3A_670 : vector<16xi32>
        %and3A_672 = arith.constant 31 : i32
        %and3A_673 = vector.broadcast %and3A_672 : i32 to vector<16xi32>
        %and3A_674 = arith.andi %add3A_671, %and3A_673 : vector<16xi32>
        %add3A_675 = arith.constant 2 : i32
        %add3A_676 = vector.broadcast %add3A_675 : i32 to vector<16xi32>
        %add3A_677 = arith.addi %iota3A, %add3A_676 : vector<16xi32>
        %add3A_678 = arith.constant 1 : i32
        %add3A_679 = vector.broadcast %add3A_678 : i32 to vector<16xi32>
        %add3A_680 = arith.addi %add3A_677, %add3A_679 : vector<16xi32>
        %and3A_681 = arith.constant 31 : i32
        %and3A_682 = vector.broadcast %and3A_681 : i32 to vector<16xi32>
        %and3A_683 = arith.andi %add3A_680, %and3A_682 : vector<16xi32>
        %gather3A_684 = tpu.vector_load_idx %arg12[%add3A_626, %and3A_674] : memref<1280x32xf32, #tpu.memory_space<vmem>>[vector<16xi32>, vector<16xi32>], vector<16xf32>,
        %gather3A_685 = tpu.vector_load_idx %arg12[%add3A_626, %and3A_683] : memref<1280x32xf32, #tpu.memory_space<vmem>>[vector<16xi32>, vector<16xi32>], vector<16xf32>,
        %gather3A_686 = tpu.vector_load_idx %arg8[%add3A_635, %and3A_674] : memref<512x32xf32, #tpu.memory_space<vmem>>[vector<16xi32>, vector<16xi32>], vector<16xf32>,
        %gather3A_687 = tpu.vector_load_idx %arg8[%add3A_635, %and3A_683] : memref<512x32xf32, #tpu.memory_space<vmem>>[vector<16xi32>, vector<16xi32>], vector<16xf32>,
        %mul3A_688 = arith.mulf %gather3A_684, %gather3A_684 : vector<16xf32>
        %add3A_689 = arith.addf %add3A_658, %mul3A_688 : vector<16xf32>
        %mul3A_690 = arith.mulf %gather3A_685, %gather3A_685 : vector<16xf32>
        %add3A_691 = arith.addf %add3A_660, %mul3A_690 : vector<16xf32>
        %mul3A_692 = arith.mulf %gather3A_686, %gather3A_686 : vector<16xf32>
        %add3A_693 = arith.addf %add3A_662, %mul3A_692 : vector<16xf32>
        %mul3A_694 = arith.mulf %gather3A_687, %gather3A_687 : vector<16xf32>
        %add3A_695 = arith.addf %add3A_664, %mul3A_694 : vector<16xf32>
        %mul3A_696 = arith.mulf %gather3A_686, %gather3A_684 : vector<16xf32>
        %add3A_697 = arith.addf %add3A_666, %mul3A_696 : vector<16xf32>
        %mul3A_698 = arith.mulf %gather3A_687, %gather3A_685 : vector<16xf32>
        %add3A_699 = arith.addf %add3A_668, %mul3A_698 : vector<16xf32>
        %add3A_700 = arith.constant 4 : i32
        %add3A_701 = vector.broadcast %add3A_700 : i32 to vector<16xi32>
        %add3A_702 = arith.addi %iota3A, %add3A_701 : vector<16xi32>
        %and3A_703 = arith.constant 31 : i32
        %and3A_704 = vector.broadcast %and3A_703 : i32 to vector<16xi32>
        %and3A_705 = arith.andi %add3A_702, %and3A_704 : vector<16xi32>
        %add3A_706 = arith.constant 4 : i32
        %add3A_707 = vector.broadcast %add3A_706 : i32 to vector<16xi32>
        %add3A_708 = arith.addi %iota3A, %add3A_707 : vector<16xi32>
        %add3A_709 = arith.constant 1 : i32
        %add3A_710 = vector.broadcast %add3A_709 : i32 to vector<16xi32>
        %add3A_711 = arith.addi %add3A_708, %add3A_710 : vector<16xi32>
        %and3A_712 = arith.constant 31 : i32
        %and3A_713 = vector.broadcast %and3A_712 : i32 to vector<16xi32>
        %and3A_714 = arith.andi %add3A_711, %and3A_713 : vector<16xi32>
        %gather3A_715 = tpu.vector_load_idx %arg12[%add3A_626, %and3A_705] : memref<1280x32xf32, #tpu.memory_space<vmem>>[vector<16xi32>, vector<16xi32>], vector<16xf32>,
        %gather3A_716 = tpu.vector_load_idx %arg12[%add3A_626, %and3A_714] : memref<1280x32xf32, #tpu.memory_space<vmem>>[vector<16xi32>, vector<16xi32>], vector<16xf32>,
        %gather3A_717 = tpu.vector_load_idx %arg8[%add3A_635, %and3A_705] : memref<512x32xf32, #tpu.memory_space<vmem>>[vector<16xi32>, vector<16xi32>], vector<16xf32>,
        %gather3A_718 = tpu.vector_load_idx %arg8[%add3A_635, %and3A_714] : memref<512x32xf32, #tpu.memory_space<vmem>>[vector<16xi32>, vector<16xi32>], vector<16xf32>,
        %mul3A_719 = arith.mulf %gather3A_715, %gather3A_715 : vector<16xf32>
        %add3A_720 = arith.addf %add3A_689, %mul3A_719 : vector<16xf32>
        %mul3A_721 = arith.mulf %gather3A_716, %gather3A_716 : vector<16xf32>
        %add3A_722 = arith.addf %add3A_691, %mul3A_721 : vector<16xf32>
        %mul3A_723 = arith.mulf %gather3A_717, %gather3A_717 : vector<16xf32>
        %add3A_724 = arith.addf %add3A_693, %mul3A_723 : vector<16xf32>
        %mul3A_725 = arith.mulf %gather3A_718, %gather3A_718 : vector<16xf32>
        %add3A_726 = arith.addf %add3A_695, %mul3A_725 : vector<16xf32>
        %mul3A_727 = arith.mulf %gather3A_717, %gather3A_715 : vector<16xf32>
        %add3A_728 = arith.addf %add3A_697, %mul3A_727 : vector<16xf32>
        %mul3A_729 = arith.mulf %gather3A_718, %gather3A_716 : vector<16xf32>
        %add3A_730 = arith.addf %add3A_699, %mul3A_729 : vector<16xf32>
        %add3A_731 = arith.constant 6 : i32
        %add3A_732 = vector.broadcast %add3A_731 : i32 to vector<16xi32>
        %add3A_733 = arith.addi %iota3A, %add3A_732 : vector<16xi32>
        %and3A_734 = arith.constant 31 : i32
        %and3A_735 = vector.broadcast %and3A_734 : i32 to vector<16xi32>
        %and3A_736 = arith.andi %add3A_733, %and3A_735 : vector<16xi32>
        %add3A_737 = arith.constant 6 : i32
        %add3A_738 = vector.broadcast %add3A_737 : i32 to vector<16xi32>
        %add3A_739 = arith.addi %iota3A, %add3A_738 : vector<16xi32>
        %add3A_740 = arith.constant 1 : i32
        %add3A_741 = vector.broadcast %add3A_740 : i32 to vector<16xi32>
        %add3A_742 = arith.addi %add3A_739, %add3A_741 : vector<16xi32>
        %and3A_743 = arith.constant 31 : i32
        %and3A_744 = vector.broadcast %and3A_743 : i32 to vector<16xi32>
        %and3A_745 = arith.andi %add3A_742, %and3A_744 : vector<16xi32>
        %gather3A_746 = tpu.vector_load_idx %arg12[%add3A_626, %and3A_736] : memref<1280x32xf32, #tpu.memory_space<vmem>>[vector<16xi32>, vector<16xi32>], vector<16xf32>,
        %gather3A_747 = tpu.vector_load_idx %arg12[%add3A_626, %and3A_745] : memref<1280x32xf32, #tpu.memory_space<vmem>>[vector<16xi32>, vector<16xi32>], vector<16xf32>,
        %gather3A_748 = tpu.vector_load_idx %arg8[%add3A_635, %and3A_736] : memref<512x32xf32, #tpu.memory_space<vmem>>[vector<16xi32>, vector<16xi32>], vector<16xf32>,
        %gather3A_749 = tpu.vector_load_idx %arg8[%add3A_635, %and3A_745] : memref<512x32xf32, #tpu.memory_space<vmem>>[vector<16xi32>, vector<16xi32>], vector<16xf32>,
        %mul3A_750 = arith.mulf %gather3A_746, %gather3A_746 : vector<16xf32>
        %add3A_751 = arith.addf %add3A_720, %mul3A_750 : vector<16xf32>
        %mul3A_752 = arith.mulf %gather3A_747, %gather3A_747 : vector<16xf32>
        %add3A_753 = arith.addf %add3A_722, %mul3A_752 : vector<16xf32>
        %mul3A_754 = arith.mulf %gather3A_748, %gather3A_748 : vector<16xf32>
        %add3A_755 = arith.addf %add3A_724, %mul3A_754 : vector<16xf32>
        %mul3A_756 = arith.mulf %gather3A_749, %gather3A_749 : vector<16xf32>
        %add3A_757 = arith.addf %add3A_726, %mul3A_756 : vector<16xf32>
        %mul3A_758 = arith.mulf %gather3A_748, %gather3A_746 : vector<16xf32>
        %add3A_759 = arith.addf %add3A_728, %mul3A_758 : vector<16xf32>
        %mul3A_760 = arith.mulf %gather3A_749, %gather3A_747 : vector<16xf32>
        %add3A_761 = arith.addf %add3A_730, %mul3A_760 : vector<16xf32>
        %add3A_762 = arith.constant 8 : i32
        %add3A_763 = vector.broadcast %add3A_762 : i32 to vector<16xi32>
        %add3A_764 = arith.addi %iota3A, %add3A_763 : vector<16xi32>
        %and3A_765 = arith.constant 31 : i32
        %and3A_766 = vector.broadcast %and3A_765 : i32 to vector<16xi32>
        %and3A_767 = arith.andi %add3A_764, %and3A_766 : vector<16xi32>
        %add3A_768 = arith.constant 8 : i32
        %add3A_769 = vector.broadcast %add3A_768 : i32 to vector<16xi32>
        %add3A_770 = arith.addi %iota3A, %add3A_769 : vector<16xi32>
        %add3A_771 = arith.constant 1 : i32
        %add3A_772 = vector.broadcast %add3A_771 : i32 to vector<16xi32>
        %add3A_773 = arith.addi %add3A_770, %add3A_772 : vector<16xi32>
        %and3A_774 = arith.constant 31 : i32
        %and3A_775 = vector.broadcast %and3A_774 : i32 to vector<16xi32>
        %and3A_776 = arith.andi %add3A_773, %and3A_775 : vector<16xi32>
        %gather3A_777 = tpu.vector_load_idx %arg12[%add3A_626, %and3A_767] : memref<1280x32xf32, #tpu.memory_space<vmem>>[vector<16xi32>, vector<16xi32>], vector<16xf32>,
        %gather3A_778 = tpu.vector_load_idx %arg12[%add3A_626, %and3A_776] : memref<1280x32xf32, #tpu.memory_space<vmem>>[vector<16xi32>, vector<16xi32>], vector<16xf32>,
        %gather3A_779 = tpu.vector_load_idx %arg8[%add3A_635, %and3A_767] : memref<512x32xf32, #tpu.memory_space<vmem>>[vector<16xi32>, vector<16xi32>], vector<16xf32>,
        %gather3A_780 = tpu.vector_load_idx %arg8[%add3A_635, %and3A_776] : memref<512x32xf32, #tpu.memory_space<vmem>>[vector<16xi32>, vector<16xi32>], vector<16xf32>,
        %mul3A_781 = arith.mulf %gather3A_777, %gather3A_777 : vector<16xf32>
        %add3A_782 = arith.addf %add3A_751, %mul3A_781 : vector<16xf32>
        %mul3A_783 = arith.mulf %gather3A_778, %gather3A_778 : vector<16xf32>
        %add3A_784 = arith.addf %add3A_753, %mul3A_783 : vector<16xf32>
        %mul3A_785 = arith.mulf %gather3A_779, %gather3A_779 : vector<16xf32>
        %add3A_786 = arith.addf %add3A_755, %mul3A_785 : vector<16xf32>
        %mul3A_787 = arith.mulf %gather3A_780, %gather3A_780 : vector<16xf32>
        %add3A_788 = arith.addf %add3A_757, %mul3A_787 : vector<16xf32>
        %mul3A_789 = arith.mulf %gather3A_779, %gather3A_777 : vector<16xf32>
        %add3A_790 = arith.addf %add3A_759, %mul3A_789 : vector<16xf32>
        %mul3A_791 = arith.mulf %gather3A_780, %gather3A_778 : vector<16xf32>
        %add3A_792 = arith.addf %add3A_761, %mul3A_791 : vector<16xf32>
        %add3A_793 = arith.constant 10 : i32
        %add3A_794 = vector.broadcast %add3A_793 : i32 to vector<16xi32>
        %add3A_795 = arith.addi %iota3A, %add3A_794 : vector<16xi32>
        %and3A_796 = arith.constant 31 : i32
        %and3A_797 = vector.broadcast %and3A_796 : i32 to vector<16xi32>
        %and3A_798 = arith.andi %add3A_795, %and3A_797 : vector<16xi32>
        %add3A_799 = arith.constant 10 : i32
        %add3A_800 = vector.broadcast %add3A_799 : i32 to vector<16xi32>
        %add3A_801 = arith.addi %iota3A, %add3A_800 : vector<16xi32>
        %add3A_802 = arith.constant 1 : i32
        %add3A_803 = vector.broadcast %add3A_802 : i32 to vector<16xi32>
        %add3A_804 = arith.addi %add3A_801, %add3A_803 : vector<16xi32>
        %and3A_805 = arith.constant 31 : i32
        %and3A_806 = vector.broadcast %and3A_805 : i32 to vector<16xi32>
        %and3A_807 = arith.andi %add3A_804, %and3A_806 : vector<16xi32>
        %gather3A_808 = tpu.vector_load_idx %arg12[%add3A_626, %and3A_798] : memref<1280x32xf32, #tpu.memory_space<vmem>>[vector<16xi32>, vector<16xi32>], vector<16xf32>,
        %gather3A_809 = tpu.vector_load_idx %arg12[%add3A_626, %and3A_807] : memref<1280x32xf32, #tpu.memory_space<vmem>>[vector<16xi32>, vector<16xi32>], vector<16xf32>,
        %gather3A_810 = tpu.vector_load_idx %arg8[%add3A_635, %and3A_798] : memref<512x32xf32, #tpu.memory_space<vmem>>[vector<16xi32>, vector<16xi32>], vector<16xf32>,
        %gather3A_811 = tpu.vector_load_idx %arg8[%add3A_635, %and3A_807] : memref<512x32xf32, #tpu.memory_space<vmem>>[vector<16xi32>, vector<16xi32>], vector<16xf32>,
        %mul3A_812 = arith.mulf %gather3A_808, %gather3A_808 : vector<16xf32>
        %add3A_813 = arith.addf %add3A_782, %mul3A_812 : vector<16xf32>
        %mul3A_814 = arith.mulf %gather3A_809, %gather3A_809 : vector<16xf32>
        %add3A_815 = arith.addf %add3A_784, %mul3A_814 : vector<16xf32>
        %mul3A_816 = arith.mulf %gather3A_810, %gather3A_810 : vector<16xf32>
        %add3A_817 = arith.addf %add3A_786, %mul3A_816 : vector<16xf32>
        %mul3A_818 = arith.mulf %gather3A_811, %gather3A_811 : vector<16xf32>
        %add3A_819 = arith.addf %add3A_788, %mul3A_818 : vector<16xf32>
        %mul3A_820 = arith.mulf %gather3A_810, %gather3A_808 : vector<16xf32>
        %add3A_821 = arith.addf %add3A_790, %mul3A_820 : vector<16xf32>
        %mul3A_822 = arith.mulf %gather3A_811, %gather3A_809 : vector<16xf32>
        %add3A_823 = arith.addf %add3A_792, %mul3A_822 : vector<16xf32>
        %add3A_824 = arith.constant 12 : i32
        %add3A_825 = vector.broadcast %add3A_824 : i32 to vector<16xi32>
        %add3A_826 = arith.addi %iota3A, %add3A_825 : vector<16xi32>
        %and3A_827 = arith.constant 31 : i32
        %and3A_828 = vector.broadcast %and3A_827 : i32 to vector<16xi32>
        %and3A_829 = arith.andi %add3A_826, %and3A_828 : vector<16xi32>
        %add3A_830 = arith.constant 12 : i32
        %add3A_831 = vector.broadcast %add3A_830 : i32 to vector<16xi32>
        %add3A_832 = arith.addi %iota3A, %add3A_831 : vector<16xi32>
        %add3A_833 = arith.constant 1 : i32
        %add3A_834 = vector.broadcast %add3A_833 : i32 to vector<16xi32>
        %add3A_835 = arith.addi %add3A_832, %add3A_834 : vector<16xi32>
        %and3A_836 = arith.constant 31 : i32
        %and3A_837 = vector.broadcast %and3A_836 : i32 to vector<16xi32>
        %and3A_838 = arith.andi %add3A_835, %and3A_837 : vector<16xi32>
        %gather3A_839 = tpu.vector_load_idx %arg12[%add3A_626, %and3A_829] : memref<1280x32xf32, #tpu.memory_space<vmem>>[vector<16xi32>, vector<16xi32>], vector<16xf32>,
        %gather3A_840 = tpu.vector_load_idx %arg12[%add3A_626, %and3A_838] : memref<1280x32xf32, #tpu.memory_space<vmem>>[vector<16xi32>, vector<16xi32>], vector<16xf32>,
        %gather3A_841 = tpu.vector_load_idx %arg8[%add3A_635, %and3A_829] : memref<512x32xf32, #tpu.memory_space<vmem>>[vector<16xi32>, vector<16xi32>], vector<16xf32>,
        %gather3A_842 = tpu.vector_load_idx %arg8[%add3A_635, %and3A_838] : memref<512x32xf32, #tpu.memory_space<vmem>>[vector<16xi32>, vector<16xi32>], vector<16xf32>,
        %mul3A_843 = arith.mulf %gather3A_839, %gather3A_839 : vector<16xf32>
        %add3A_844 = arith.addf %add3A_813, %mul3A_843 : vector<16xf32>
        %mul3A_845 = arith.mulf %gather3A_840, %gather3A_840 : vector<16xf32>
        %add3A_846 = arith.addf %add3A_815, %mul3A_845 : vector<16xf32>
        %mul3A_847 = arith.mulf %gather3A_841, %gather3A_841 : vector<16xf32>
        %add3A_848 = arith.addf %add3A_817, %mul3A_847 : vector<16xf32>
        %mul3A_849 = arith.mulf %gather3A_842, %gather3A_842 : vector<16xf32>
        %add3A_850 = arith.addf %add3A_819, %mul3A_849 : vector<16xf32>
        %mul3A_851 = arith.mulf %gather3A_841, %gather3A_839 : vector<16xf32>
        %add3A_852 = arith.addf %add3A_821, %mul3A_851 : vector<16xf32>
        %mul3A_853 = arith.mulf %gather3A_842, %gather3A_840 : vector<16xf32>
        %add3A_854 = arith.addf %add3A_823, %mul3A_853 : vector<16xf32>
        %add3A_855 = arith.constant 14 : i32
        %add3A_856 = vector.broadcast %add3A_855 : i32 to vector<16xi32>
        %add3A_857 = arith.addi %iota3A, %add3A_856 : vector<16xi32>
        %and3A_858 = arith.constant 31 : i32
        %and3A_859 = vector.broadcast %and3A_858 : i32 to vector<16xi32>
        %and3A_860 = arith.andi %add3A_857, %and3A_859 : vector<16xi32>
        %add3A_861 = arith.constant 14 : i32
        %add3A_862 = vector.broadcast %add3A_861 : i32 to vector<16xi32>
        %add3A_863 = arith.addi %iota3A, %add3A_862 : vector<16xi32>
        %add3A_864 = arith.constant 1 : i32
        %add3A_865 = vector.broadcast %add3A_864 : i32 to vector<16xi32>
        %add3A_866 = arith.addi %add3A_863, %add3A_865 : vector<16xi32>
        %and3A_867 = arith.constant 31 : i32
        %and3A_868 = vector.broadcast %and3A_867 : i32 to vector<16xi32>
        %and3A_869 = arith.andi %add3A_866, %and3A_868 : vector<16xi32>
        %gather3A_870 = tpu.vector_load_idx %arg12[%add3A_626, %and3A_860] : memref<1280x32xf32, #tpu.memory_space<vmem>>[vector<16xi32>, vector<16xi32>], vector<16xf32>,
        %gather3A_871 = tpu.vector_load_idx %arg12[%add3A_626, %and3A_869] : memref<1280x32xf32, #tpu.memory_space<vmem>>[vector<16xi32>, vector<16xi32>], vector<16xf32>,
        %gather3A_872 = tpu.vector_load_idx %arg8[%add3A_635, %and3A_860] : memref<512x32xf32, #tpu.memory_space<vmem>>[vector<16xi32>, vector<16xi32>], vector<16xf32>,
        %gather3A_873 = tpu.vector_load_idx %arg8[%add3A_635, %and3A_869] : memref<512x32xf32, #tpu.memory_space<vmem>>[vector<16xi32>, vector<16xi32>], vector<16xf32>,
        %mul3A_874 = arith.mulf %gather3A_870, %gather3A_870 : vector<16xf32>
        %add3A_875 = arith.addf %add3A_844, %mul3A_874 : vector<16xf32>
        %mul3A_876 = arith.mulf %gather3A_871, %gather3A_871 : vector<16xf32>
        %add3A_877 = arith.addf %add3A_846, %mul3A_876 : vector<16xf32>
        %mul3A_878 = arith.mulf %gather3A_872, %gather3A_872 : vector<16xf32>
        %add3A_879 = arith.addf %add3A_848, %mul3A_878 : vector<16xf32>
        %mul3A_880 = arith.mulf %gather3A_873, %gather3A_873 : vector<16xf32>
        %add3A_881 = arith.addf %add3A_850, %mul3A_880 : vector<16xf32>
        %mul3A_882 = arith.mulf %gather3A_872, %gather3A_870 : vector<16xf32>
        %add3A_883 = arith.addf %add3A_852, %mul3A_882 : vector<16xf32>
        %mul3A_884 = arith.mulf %gather3A_873, %gather3A_871 : vector<16xf32>
        %add3A_885 = arith.addf %add3A_854, %mul3A_884 : vector<16xf32>
        %add3A_886 = arith.constant 16 : i32
        %add3A_887 = vector.broadcast %add3A_886 : i32 to vector<16xi32>
        %add3A_888 = arith.addi %iota3A, %add3A_887 : vector<16xi32>
        %and3A_889 = arith.constant 31 : i32
        %and3A_890 = vector.broadcast %and3A_889 : i32 to vector<16xi32>
        %and3A_891 = arith.andi %add3A_888, %and3A_890 : vector<16xi32>
        %add3A_892 = arith.constant 16 : i32
        %add3A_893 = vector.broadcast %add3A_892 : i32 to vector<16xi32>
        %add3A_894 = arith.addi %iota3A, %add3A_893 : vector<16xi32>
        %add3A_895 = arith.constant 1 : i32
        %add3A_896 = vector.broadcast %add3A_895 : i32 to vector<16xi32>
        %add3A_897 = arith.addi %add3A_894, %add3A_896 : vector<16xi32>
        %and3A_898 = arith.constant 31 : i32
        %and3A_899 = vector.broadcast %and3A_898 : i32 to vector<16xi32>
        %and3A_900 = arith.andi %add3A_897, %and3A_899 : vector<16xi32>
        %gather3A_901 = tpu.vector_load_idx %arg12[%add3A_626, %and3A_891] : memref<1280x32xf32, #tpu.memory_space<vmem>>[vector<16xi32>, vector<16xi32>], vector<16xf32>,
        %gather3A_902 = tpu.vector_load_idx %arg12[%add3A_626, %and3A_900] : memref<1280x32xf32, #tpu.memory_space<vmem>>[vector<16xi32>, vector<16xi32>], vector<16xf32>,
        %gather3A_903 = tpu.vector_load_idx %arg8[%add3A_635, %and3A_891] : memref<512x32xf32, #tpu.memory_space<vmem>>[vector<16xi32>, vector<16xi32>], vector<16xf32>,
        %gather3A_904 = tpu.vector_load_idx %arg8[%add3A_635, %and3A_900] : memref<512x32xf32, #tpu.memory_space<vmem>>[vector<16xi32>, vector<16xi32>], vector<16xf32>,
        %mul3A_905 = arith.mulf %gather3A_901, %gather3A_901 : vector<16xf32>
        %add3A_906 = arith.addf %add3A_875, %mul3A_905 : vector<16xf32>
        %mul3A_907 = arith.mulf %gather3A_902, %gather3A_902 : vector<16xf32>
        %add3A_908 = arith.addf %add3A_877, %mul3A_907 : vector<16xf32>
        %mul3A_909 = arith.mulf %gather3A_903, %gather3A_903 : vector<16xf32>
        %add3A_910 = arith.addf %add3A_879, %mul3A_909 : vector<16xf32>
        %mul3A_911 = arith.mulf %gather3A_904, %gather3A_904 : vector<16xf32>
        %add3A_912 = arith.addf %add3A_881, %mul3A_911 : vector<16xf32>
        %mul3A_913 = arith.mulf %gather3A_903, %gather3A_901 : vector<16xf32>
        %add3A_914 = arith.addf %add3A_883, %mul3A_913 : vector<16xf32>
        %mul3A_915 = arith.mulf %gather3A_904, %gather3A_902 : vector<16xf32>
        %add3A_916 = arith.addf %add3A_885, %mul3A_915 : vector<16xf32>
        %add3A_917 = arith.constant 18 : i32
        %add3A_918 = vector.broadcast %add3A_917 : i32 to vector<16xi32>
        %add3A_919 = arith.addi %iota3A, %add3A_918 : vector<16xi32>
        %and3A_920 = arith.constant 31 : i32
        %and3A_921 = vector.broadcast %and3A_920 : i32 to vector<16xi32>
        %and3A_922 = arith.andi %add3A_919, %and3A_921 : vector<16xi32>
        %add3A_923 = arith.constant 18 : i32
        %add3A_924 = vector.broadcast %add3A_923 : i32 to vector<16xi32>
        %add3A_925 = arith.addi %iota3A, %add3A_924 : vector<16xi32>
        %add3A_926 = arith.constant 1 : i32
        %add3A_927 = vector.broadcast %add3A_926 : i32 to vector<16xi32>
        %add3A_928 = arith.addi %add3A_925, %add3A_927 : vector<16xi32>
        %and3A_929 = arith.constant 31 : i32
        %and3A_930 = vector.broadcast %and3A_929 : i32 to vector<16xi32>
        %and3A_931 = arith.andi %add3A_928, %and3A_930 : vector<16xi32>
        %gather3A_932 = tpu.vector_load_idx %arg12[%add3A_626, %and3A_922] : memref<1280x32xf32, #tpu.memory_space<vmem>>[vector<16xi32>, vector<16xi32>], vector<16xf32>,
        %gather3A_933 = tpu.vector_load_idx %arg12[%add3A_626, %and3A_931] : memref<1280x32xf32, #tpu.memory_space<vmem>>[vector<16xi32>, vector<16xi32>], vector<16xf32>,
        %gather3A_934 = tpu.vector_load_idx %arg8[%add3A_635, %and3A_922] : memref<512x32xf32, #tpu.memory_space<vmem>>[vector<16xi32>, vector<16xi32>], vector<16xf32>,
        %gather3A_935 = tpu.vector_load_idx %arg8[%add3A_635, %and3A_931] : memref<512x32xf32, #tpu.memory_space<vmem>>[vector<16xi32>, vector<16xi32>], vector<16xf32>,
        %mul3A_936 = arith.mulf %gather3A_932, %gather3A_932 : vector<16xf32>
        %add3A_937 = arith.addf %add3A_906, %mul3A_936 : vector<16xf32>
        %mul3A_938 = arith.mulf %gather3A_933, %gather3A_933 : vector<16xf32>
        %add3A_939 = arith.addf %add3A_908, %mul3A_938 : vector<16xf32>
        %mul3A_940 = arith.mulf %gather3A_934, %gather3A_934 : vector<16xf32>
        %add3A_941 = arith.addf %add3A_910, %mul3A_940 : vector<16xf32>
        %mul3A_942 = arith.mulf %gather3A_935, %gather3A_935 : vector<16xf32>
        %add3A_943 = arith.addf %add3A_912, %mul3A_942 : vector<16xf32>
        %mul3A_944 = arith.mulf %gather3A_934, %gather3A_932 : vector<16xf32>
        %add3A_945 = arith.addf %add3A_914, %mul3A_944 : vector<16xf32>
        %mul3A_946 = arith.mulf %gather3A_935, %gather3A_933 : vector<16xf32>
        %add3A_947 = arith.addf %add3A_916, %mul3A_946 : vector<16xf32>
        %add3A_948 = arith.constant 20 : i32
        %add3A_949 = vector.broadcast %add3A_948 : i32 to vector<16xi32>
        %add3A_950 = arith.addi %iota3A, %add3A_949 : vector<16xi32>
        %and3A_951 = arith.constant 31 : i32
        %and3A_952 = vector.broadcast %and3A_951 : i32 to vector<16xi32>
        %and3A_953 = arith.andi %add3A_950, %and3A_952 : vector<16xi32>
        %add3A_954 = arith.constant 20 : i32
        %add3A_955 = vector.broadcast %add3A_954 : i32 to vector<16xi32>
        %add3A_956 = arith.addi %iota3A, %add3A_955 : vector<16xi32>
        %add3A_957 = arith.constant 1 : i32
        %add3A_958 = vector.broadcast %add3A_957 : i32 to vector<16xi32>
        %add3A_959 = arith.addi %add3A_956, %add3A_958 : vector<16xi32>
        %and3A_960 = arith.constant 31 : i32
        %and3A_961 = vector.broadcast %and3A_960 : i32 to vector<16xi32>
        %and3A_962 = arith.andi %add3A_959, %and3A_961 : vector<16xi32>
        %gather3A_963 = tpu.vector_load_idx %arg12[%add3A_626, %and3A_953] : memref<1280x32xf32, #tpu.memory_space<vmem>>[vector<16xi32>, vector<16xi32>], vector<16xf32>,
        %gather3A_964 = tpu.vector_load_idx %arg12[%add3A_626, %and3A_962] : memref<1280x32xf32, #tpu.memory_space<vmem>>[vector<16xi32>, vector<16xi32>], vector<16xf32>,
        %gather3A_965 = tpu.vector_load_idx %arg8[%add3A_635, %and3A_953] : memref<512x32xf32, #tpu.memory_space<vmem>>[vector<16xi32>, vector<16xi32>], vector<16xf32>,
        %gather3A_966 = tpu.vector_load_idx %arg8[%add3A_635, %and3A_962] : memref<512x32xf32, #tpu.memory_space<vmem>>[vector<16xi32>, vector<16xi32>], vector<16xf32>,
        %mul3A_967 = arith.mulf %gather3A_963, %gather3A_963 : vector<16xf32>
        %add3A_968 = arith.addf %add3A_937, %mul3A_967 : vector<16xf32>
        %mul3A_969 = arith.mulf %gather3A_964, %gather3A_964 : vector<16xf32>
        %add3A_970 = arith.addf %add3A_939, %mul3A_969 : vector<16xf32>
        %mul3A_971 = arith.mulf %gather3A_965, %gather3A_965 : vector<16xf32>
        %add3A_972 = arith.addf %add3A_941, %mul3A_971 : vector<16xf32>
        %mul3A_973 = arith.mulf %gather3A_966, %gather3A_966 : vector<16xf32>
        %add3A_974 = arith.addf %add3A_943, %mul3A_973 : vector<16xf32>
        %mul3A_975 = arith.mulf %gather3A_965, %gather3A_963 : vector<16xf32>
        %add3A_976 = arith.addf %add3A_945, %mul3A_975 : vector<16xf32>
        %mul3A_977 = arith.mulf %gather3A_966, %gather3A_964 : vector<16xf32>
        %add3A_978 = arith.addf %add3A_947, %mul3A_977 : vector<16xf32>
        %add3A_979 = arith.constant 22 : i32
        %add3A_980 = vector.broadcast %add3A_979 : i32 to vector<16xi32>
        %add3A_981 = arith.addi %iota3A, %add3A_980 : vector<16xi32>
        %and3A_982 = arith.constant 31 : i32
        %and3A_983 = vector.broadcast %and3A_982 : i32 to vector<16xi32>
        %and3A_984 = arith.andi %add3A_981, %and3A_983 : vector<16xi32>
        %add3A_985 = arith.constant 22 : i32
        %add3A_986 = vector.broadcast %add3A_985 : i32 to vector<16xi32>
        %add3A_987 = arith.addi %iota3A, %add3A_986 : vector<16xi32>
        %add3A_988 = arith.constant 1 : i32
        %add3A_989 = vector.broadcast %add3A_988 : i32 to vector<16xi32>
        %add3A_990 = arith.addi %add3A_987, %add3A_989 : vector<16xi32>
        %and3A_991 = arith.constant 31 : i32
        %and3A_992 = vector.broadcast %and3A_991 : i32 to vector<16xi32>
        %and3A_993 = arith.andi %add3A_990, %and3A_992 : vector<16xi32>
        %gather3A_994 = tpu.vector_load_idx %arg12[%add3A_626, %and3A_984] : memref<1280x32xf32, #tpu.memory_space<vmem>>[vector<16xi32>, vector<16xi32>], vector<16xf32>,
        %gather3A_995 = tpu.vector_load_idx %arg12[%add3A_626, %and3A_993] : memref<1280x32xf32, #tpu.memory_space<vmem>>[vector<16xi32>, vector<16xi32>], vector<16xf32>,
        %gather3A_996 = tpu.vector_load_idx %arg8[%add3A_635, %and3A_984] : memref<512x32xf32, #tpu.memory_space<vmem>>[vector<16xi32>, vector<16xi32>], vector<16xf32>,
        %gather3A_997 = tpu.vector_load_idx %arg8[%add3A_635, %and3A_993] : memref<512x32xf32, #tpu.memory_space<vmem>>[vector<16xi32>, vector<16xi32>], vector<16xf32>,
        %mul3A_998 = arith.mulf %gather3A_994, %gather3A_994 : vector<16xf32>
        %add3A_999 = arith.addf %add3A_968, %mul3A_998 : vector<16xf32>
        %mul3A_1000 = arith.mulf %gather3A_995, %gather3A_995 : vector<16xf32>
        %add3A_1001 = arith.addf %add3A_970, %mul3A_1000 : vector<16xf32>
        %mul3A_1002 = arith.mulf %gather3A_996, %gather3A_996 : vector<16xf32>
        %add3A_1003 = arith.addf %add3A_972, %mul3A_1002 : vector<16xf32>
        %mul3A_1004 = arith.mulf %gather3A_997, %gather3A_997 : vector<16xf32>
        %add3A_1005 = arith.addf %add3A_974, %mul3A_1004 : vector<16xf32>
        %mul3A_1006 = arith.mulf %gather3A_996, %gather3A_994 : vector<16xf32>
        %add3A_1007 = arith.addf %add3A_976, %mul3A_1006 : vector<16xf32>
        %mul3A_1008 = arith.mulf %gather3A_997, %gather3A_995 : vector<16xf32>
        %add3A_1009 = arith.addf %add3A_978, %mul3A_1008 : vector<16xf32>
        %add3A_1010 = arith.constant 24 : i32
        %add3A_1011 = vector.broadcast %add3A_1010 : i32 to vector<16xi32>
        %add3A_1012 = arith.addi %iota3A, %add3A_1011 : vector<16xi32>
        %and3A_1013 = arith.constant 31 : i32
        %and3A_1014 = vector.broadcast %and3A_1013 : i32 to vector<16xi32>
        %and3A_1015 = arith.andi %add3A_1012, %and3A_1014 : vector<16xi32>
        %add3A_1016 = arith.constant 24 : i32
        %add3A_1017 = vector.broadcast %add3A_1016 : i32 to vector<16xi32>
        %add3A_1018 = arith.addi %iota3A, %add3A_1017 : vector<16xi32>
        %add3A_1019 = arith.constant 1 : i32
        %add3A_1020 = vector.broadcast %add3A_1019 : i32 to vector<16xi32>
        %add3A_1021 = arith.addi %add3A_1018, %add3A_1020 : vector<16xi32>
        %and3A_1022 = arith.constant 31 : i32
        %and3A_1023 = vector.broadcast %and3A_1022 : i32 to vector<16xi32>
        %and3A_1024 = arith.andi %add3A_1021, %and3A_1023 : vector<16xi32>
        %gather3A_1025 = tpu.vector_load_idx %arg12[%add3A_626, %and3A_1015] : memref<1280x32xf32, #tpu.memory_space<vmem>>[vector<16xi32>, vector<16xi32>], vector<16xf32>,
        %gather3A_1026 = tpu.vector_load_idx %arg12[%add3A_626, %and3A_1024] : memref<1280x32xf32, #tpu.memory_space<vmem>>[vector<16xi32>, vector<16xi32>], vector<16xf32>,
        %gather3A_1027 = tpu.vector_load_idx %arg8[%add3A_635, %and3A_1015] : memref<512x32xf32, #tpu.memory_space<vmem>>[vector<16xi32>, vector<16xi32>], vector<16xf32>,
        %gather3A_1028 = tpu.vector_load_idx %arg8[%add3A_635, %and3A_1024] : memref<512x32xf32, #tpu.memory_space<vmem>>[vector<16xi32>, vector<16xi32>], vector<16xf32>,
        %mul3A_1029 = arith.mulf %gather3A_1025, %gather3A_1025 : vector<16xf32>
        %add3A_1030 = arith.addf %add3A_999, %mul3A_1029 : vector<16xf32>
        %mul3A_1031 = arith.mulf %gather3A_1026, %gather3A_1026 : vector<16xf32>
        %add3A_1032 = arith.addf %add3A_1001, %mul3A_1031 : vector<16xf32>
        %mul3A_1033 = arith.mulf %gather3A_1027, %gather3A_1027 : vector<16xf32>
        %add3A_1034 = arith.addf %add3A_1003, %mul3A_1033 : vector<16xf32>
        %mul3A_1035 = arith.mulf %gather3A_1028, %gather3A_1028 : vector<16xf32>
        %add3A_1036 = arith.addf %add3A_1005, %mul3A_1035 : vector<16xf32>
        %mul3A_1037 = arith.mulf %gather3A_1027, %gather3A_1025 : vector<16xf32>
        %add3A_1038 = arith.addf %add3A_1007, %mul3A_1037 : vector<16xf32>
        %mul3A_1039 = arith.mulf %gather3A_1028, %gather3A_1026 : vector<16xf32>
        %add3A_1040 = arith.addf %add3A_1009, %mul3A_1039 : vector<16xf32>
        %add3A_1041 = arith.constant 26 : i32
        %add3A_1042 = vector.broadcast %add3A_1041 : i32 to vector<16xi32>
        %add3A_1043 = arith.addi %iota3A, %add3A_1042 : vector<16xi32>
        %and3A_1044 = arith.constant 31 : i32
        %and3A_1045 = vector.broadcast %and3A_1044 : i32 to vector<16xi32>
        %and3A_1046 = arith.andi %add3A_1043, %and3A_1045 : vector<16xi32>
        %add3A_1047 = arith.constant 26 : i32
        %add3A_1048 = vector.broadcast %add3A_1047 : i32 to vector<16xi32>
        %add3A_1049 = arith.addi %iota3A, %add3A_1048 : vector<16xi32>
        %add3A_1050 = arith.constant 1 : i32
        %add3A_1051 = vector.broadcast %add3A_1050 : i32 to vector<16xi32>
        %add3A_1052 = arith.addi %add3A_1049, %add3A_1051 : vector<16xi32>
        %and3A_1053 = arith.constant 31 : i32
        %and3A_1054 = vector.broadcast %and3A_1053 : i32 to vector<16xi32>
        %and3A_1055 = arith.andi %add3A_1052, %and3A_1054 : vector<16xi32>
        %gather3A_1056 = tpu.vector_load_idx %arg12[%add3A_626, %and3A_1046] : memref<1280x32xf32, #tpu.memory_space<vmem>>[vector<16xi32>, vector<16xi32>], vector<16xf32>,
        %gather3A_1057 = tpu.vector_load_idx %arg12[%add3A_626, %and3A_1055] : memref<1280x32xf32, #tpu.memory_space<vmem>>[vector<16xi32>, vector<16xi32>], vector<16xf32>,
        %gather3A_1058 = tpu.vector_load_idx %arg8[%add3A_635, %and3A_1046] : memref<512x32xf32, #tpu.memory_space<vmem>>[vector<16xi32>, vector<16xi32>], vector<16xf32>,
        %gather3A_1059 = tpu.vector_load_idx %arg8[%add3A_635, %and3A_1055] : memref<512x32xf32, #tpu.memory_space<vmem>>[vector<16xi32>, vector<16xi32>], vector<16xf32>,
        %mul3A_1060 = arith.mulf %gather3A_1056, %gather3A_1056 : vector<16xf32>
        %add3A_1061 = arith.addf %add3A_1030, %mul3A_1060 : vector<16xf32>
        %mul3A_1062 = arith.mulf %gather3A_1057, %gather3A_1057 : vector<16xf32>
        %add3A_1063 = arith.addf %add3A_1032, %mul3A_1062 : vector<16xf32>
        %mul3A_1064 = arith.mulf %gather3A_1058, %gather3A_1058 : vector<16xf32>
        %add3A_1065 = arith.addf %add3A_1034, %mul3A_1064 : vector<16xf32>
        %mul3A_1066 = arith.mulf %gather3A_1059, %gather3A_1059 : vector<16xf32>
        %add3A_1067 = arith.addf %add3A_1036, %mul3A_1066 : vector<16xf32>
        %mul3A_1068 = arith.mulf %gather3A_1058, %gather3A_1056 : vector<16xf32>
        %add3A_1069 = arith.addf %add3A_1038, %mul3A_1068 : vector<16xf32>
        %mul3A_1070 = arith.mulf %gather3A_1059, %gather3A_1057 : vector<16xf32>
        %add3A_1071 = arith.addf %add3A_1040, %mul3A_1070 : vector<16xf32>
        %add3A_1072 = arith.constant 28 : i32
        %add3A_1073 = vector.broadcast %add3A_1072 : i32 to vector<16xi32>
        %add3A_1074 = arith.addi %iota3A, %add3A_1073 : vector<16xi32>
        %and3A_1075 = arith.constant 31 : i32
        %and3A_1076 = vector.broadcast %and3A_1075 : i32 to vector<16xi32>
        %and3A_1077 = arith.andi %add3A_1074, %and3A_1076 : vector<16xi32>
        %add3A_1078 = arith.constant 28 : i32
        %add3A_1079 = vector.broadcast %add3A_1078 : i32 to vector<16xi32>
        %add3A_1080 = arith.addi %iota3A, %add3A_1079 : vector<16xi32>
        %add3A_1081 = arith.constant 1 : i32
        %add3A_1082 = vector.broadcast %add3A_1081 : i32 to vector<16xi32>
        %add3A_1083 = arith.addi %add3A_1080, %add3A_1082 : vector<16xi32>
        %and3A_1084 = arith.constant 31 : i32
        %and3A_1085 = vector.broadcast %and3A_1084 : i32 to vector<16xi32>
        %and3A_1086 = arith.andi %add3A_1083, %and3A_1085 : vector<16xi32>
        %gather3A_1087 = tpu.vector_load_idx %arg12[%add3A_626, %and3A_1077] : memref<1280x32xf32, #tpu.memory_space<vmem>>[vector<16xi32>, vector<16xi32>], vector<16xf32>,
        %gather3A_1088 = tpu.vector_load_idx %arg12[%add3A_626, %and3A_1086] : memref<1280x32xf32, #tpu.memory_space<vmem>>[vector<16xi32>, vector<16xi32>], vector<16xf32>,
        %gather3A_1089 = tpu.vector_load_idx %arg8[%add3A_635, %and3A_1077] : memref<512x32xf32, #tpu.memory_space<vmem>>[vector<16xi32>, vector<16xi32>], vector<16xf32>,
        %gather3A_1090 = tpu.vector_load_idx %arg8[%add3A_635, %and3A_1086] : memref<512x32xf32, #tpu.memory_space<vmem>>[vector<16xi32>, vector<16xi32>], vector<16xf32>,
        %mul3A_1091 = arith.mulf %gather3A_1087, %gather3A_1087 : vector<16xf32>
        %add3A_1092 = arith.addf %add3A_1061, %mul3A_1091 : vector<16xf32>
        %mul3A_1093 = arith.mulf %gather3A_1088, %gather3A_1088 : vector<16xf32>
        %add3A_1094 = arith.addf %add3A_1063, %mul3A_1093 : vector<16xf32>
        %mul3A_1095 = arith.mulf %gather3A_1089, %gather3A_1089 : vector<16xf32>
        %add3A_1096 = arith.addf %add3A_1065, %mul3A_1095 : vector<16xf32>
        %mul3A_1097 = arith.mulf %gather3A_1090, %gather3A_1090 : vector<16xf32>
        %add3A_1098 = arith.addf %add3A_1067, %mul3A_1097 : vector<16xf32>
        %mul3A_1099 = arith.mulf %gather3A_1089, %gather3A_1087 : vector<16xf32>
        %add3A_1100 = arith.addf %add3A_1069, %mul3A_1099 : vector<16xf32>
        %mul3A_1101 = arith.mulf %gather3A_1090, %gather3A_1088 : vector<16xf32>
        %add3A_1102 = arith.addf %add3A_1071, %mul3A_1101 : vector<16xf32>
        %add3A_1103 = arith.constant 30 : i32
        %add3A_1104 = vector.broadcast %add3A_1103 : i32 to vector<16xi32>
        %add3A_1105 = arith.addi %iota3A, %add3A_1104 : vector<16xi32>
        %and3A_1106 = arith.constant 31 : i32
        %and3A_1107 = vector.broadcast %and3A_1106 : i32 to vector<16xi32>
        %and3A_1108 = arith.andi %add3A_1105, %and3A_1107 : vector<16xi32>
        %add3A_1109 = arith.constant 30 : i32
        %add3A_1110 = vector.broadcast %add3A_1109 : i32 to vector<16xi32>
        %add3A_1111 = arith.addi %iota3A, %add3A_1110 : vector<16xi32>
        %add3A_1112 = arith.constant 1 : i32
        %add3A_1113 = vector.broadcast %add3A_1112 : i32 to vector<16xi32>
        %add3A_1114 = arith.addi %add3A_1111, %add3A_1113 : vector<16xi32>
        %and3A_1115 = arith.constant 31 : i32
        %and3A_1116 = vector.broadcast %and3A_1115 : i32 to vector<16xi32>
        %and3A_1117 = arith.andi %add3A_1114, %and3A_1116 : vector<16xi32>
        %gather3A_1118 = tpu.vector_load_idx %arg12[%add3A_626, %and3A_1108] : memref<1280x32xf32, #tpu.memory_space<vmem>>[vector<16xi32>, vector<16xi32>], vector<16xf32>,
        %gather3A_1119 = tpu.vector_load_idx %arg12[%add3A_626, %and3A_1117] : memref<1280x32xf32, #tpu.memory_space<vmem>>[vector<16xi32>, vector<16xi32>], vector<16xf32>,
        %gather3A_1120 = tpu.vector_load_idx %arg8[%add3A_635, %and3A_1108] : memref<512x32xf32, #tpu.memory_space<vmem>>[vector<16xi32>, vector<16xi32>], vector<16xf32>,
        %gather3A_1121 = tpu.vector_load_idx %arg8[%add3A_635, %and3A_1117] : memref<512x32xf32, #tpu.memory_space<vmem>>[vector<16xi32>, vector<16xi32>], vector<16xf32>,
        %mul3A_1122 = arith.mulf %gather3A_1118, %gather3A_1118 : vector<16xf32>
        %add3A_1123 = arith.addf %add3A_1092, %mul3A_1122 : vector<16xf32>
        %mul3A_1124 = arith.mulf %gather3A_1119, %gather3A_1119 : vector<16xf32>
        %add3A_1125 = arith.addf %add3A_1094, %mul3A_1124 : vector<16xf32>
        %mul3A_1126 = arith.mulf %gather3A_1120, %gather3A_1120 : vector<16xf32>
        %add3A_1127 = arith.addf %add3A_1096, %mul3A_1126 : vector<16xf32>
        %mul3A_1128 = arith.mulf %gather3A_1121, %gather3A_1121 : vector<16xf32>
        %add3A_1129 = arith.addf %add3A_1098, %mul3A_1128 : vector<16xf32>
        %mul3A_1130 = arith.mulf %gather3A_1120, %gather3A_1118 : vector<16xf32>
        %add3A_1131 = arith.addf %add3A_1100, %mul3A_1130 : vector<16xf32>
        %mul3A_1132 = arith.mulf %gather3A_1121, %gather3A_1119 : vector<16xf32>
        %add3A_1133 = arith.addf %add3A_1102, %mul3A_1132 : vector<16xf32>
        %add3A_1134 = arith.addf %add3A_1123, %add3A_1125 : vector<16xf32>
        %add3A_1135 = arith.addf %add3A_1127, %add3A_1129 : vector<16xf32>
        %add3A_1136 = arith.addf %add3A_1131, %add3A_1133 : vector<16xf32>
        %bitcast3A_1137 = vector.bitcast %add3A_1135 : vector<16xf32> to vector<16xi32>
        %shift_right_arithmetic3A_1138 = arith.constant 1 : i32
        %shift_right_arithmetic3A_1139 = vector.broadcast %shift_right_arithmetic3A_1138 : i32 to vector<16xi32>
        %shift_right_arithmetic3A_1140 = arith.shrsi %bitcast3A_1137, %shift_right_arithmetic3A_1139 : vector<16xi32>
        %sub3A = arith.constant 1597463007 : i32
        %sub3A_1141 = vector.broadcast %sub3A : i32 to vector<16xi32>
        %sub3A_1142 = arith.subi %sub3A_1141, %shift_right_arithmetic3A_1140 : vector<16xi32>
        %bitcast3A_1143 = vector.bitcast %sub3A_1142 : vector<16xi32> to vector<16xf32>
        %mul3A_1144 = arith.constant 5.000000e-01 : f32
        %mul3A_1145 = vector.broadcast %mul3A_1144 : f32 to vector<16xf32>
        %mul3A_1146 = arith.mulf %mul3A_1145, %add3A_1135 : vector<16xf32>
        %mul3A_1147 = arith.mulf %mul3A_1146, %bitcast3A_1143 : vector<16xf32>
        %mul3A_1148 = arith.mulf %mul3A_1147, %bitcast3A_1143 : vector<16xf32>
        %sub3A_1149 = arith.constant 1.500000e+00 : f32
        %sub3A_1150 = vector.broadcast %sub3A_1149 : f32 to vector<16xf32>
        %sub3A_1151 = arith.subf %sub3A_1150, %mul3A_1148 : vector<16xf32>
        %mul3A_1152 = arith.mulf %bitcast3A_1143, %sub3A_1151 : vector<16xf32>
        %mul3A_1153 = arith.constant 5.000000e-01 : f32
        %mul3A_1154 = vector.broadcast %mul3A_1153 : f32 to vector<16xf32>
        %mul3A_1155 = arith.mulf %mul3A_1154, %add3A_1135 : vector<16xf32>
        %mul3A_1156 = arith.mulf %mul3A_1155, %mul3A_1152 : vector<16xf32>
        %mul3A_1157 = arith.mulf %mul3A_1156, %mul3A_1152 : vector<16xf32>
        %sub3A_1158 = arith.constant 1.500000e+00 : f32
        %sub3A_1159 = vector.broadcast %sub3A_1158 : f32 to vector<16xf32>
        %sub3A_1160 = arith.subf %sub3A_1159, %mul3A_1157 : vector<16xf32>
        %mul3A_1161 = arith.mulf %mul3A_1152, %sub3A_1160 : vector<16xf32>
        %mul3A_1162 = arith.constant 5.000000e-01 : f32
        %mul3A_1163 = vector.broadcast %mul3A_1162 : f32 to vector<16xf32>
        %mul3A_1164 = arith.mulf %mul3A_1163, %add3A_1135 : vector<16xf32>
        %mul3A_1165 = arith.mulf %mul3A_1164, %mul3A_1161 : vector<16xf32>
        %mul3A_1166 = arith.mulf %mul3A_1165, %mul3A_1161 : vector<16xf32>
        %sub3A_1167 = arith.constant 1.500000e+00 : f32
        %sub3A_1168 = vector.broadcast %sub3A_1167 : f32 to vector<16xf32>
        %sub3A_1169 = arith.subf %sub3A_1168, %mul3A_1166 : vector<16xf32>
        %mul3A_1170 = arith.mulf %mul3A_1161, %sub3A_1169 : vector<16xf32>
        %min3A = arith.constant 1.000000e+00 : f32
        %min3A_1171 = vector.broadcast %min3A : f32 to vector<16xf32>
        %min3A_1172 = arith.minimumf %min3A_1171, %mul3A_1170 : vector<16xf32>
        %bitcast3A_1173 = vector.bitcast %add3A_1134 : vector<16xf32> to vector<16xi32>
        %shift_right_arithmetic3A_1174 = arith.constant 1 : i32
        %shift_right_arithmetic3A_1175 = vector.broadcast %shift_right_arithmetic3A_1174 : i32 to vector<16xi32>
        %shift_right_arithmetic3A_1176 = arith.shrsi %bitcast3A_1173, %shift_right_arithmetic3A_1175 : vector<16xi32>
        %sub3A_1177 = arith.constant 1597463007 : i32
        %sub3A_1178 = vector.broadcast %sub3A_1177 : i32 to vector<16xi32>
        %sub3A_1179 = arith.subi %sub3A_1178, %shift_right_arithmetic3A_1176 : vector<16xi32>
        %bitcast3A_1180 = vector.bitcast %sub3A_1179 : vector<16xi32> to vector<16xf32>
        %mul3A_1181 = arith.constant 5.000000e-01 : f32
        %mul3A_1182 = vector.broadcast %mul3A_1181 : f32 to vector<16xf32>
        %mul3A_1183 = arith.mulf %mul3A_1182, %add3A_1134 : vector<16xf32>
        %mul3A_1184 = arith.mulf %mul3A_1183, %bitcast3A_1180 : vector<16xf32>
        %mul3A_1185 = arith.mulf %mul3A_1184, %bitcast3A_1180 : vector<16xf32>
        %sub3A_1186 = arith.constant 1.500000e+00 : f32
        %sub3A_1187 = vector.broadcast %sub3A_1186 : f32 to vector<16xf32>
        %sub3A_1188 = arith.subf %sub3A_1187, %mul3A_1185 : vector<16xf32>
        %mul3A_1189 = arith.mulf %bitcast3A_1180, %sub3A_1188 : vector<16xf32>
        %mul3A_1190 = arith.constant 5.000000e-01 : f32
        %mul3A_1191 = vector.broadcast %mul3A_1190 : f32 to vector<16xf32>
        %mul3A_1192 = arith.mulf %mul3A_1191, %add3A_1134 : vector<16xf32>
        %mul3A_1193 = arith.mulf %mul3A_1192, %mul3A_1189 : vector<16xf32>
        %mul3A_1194 = arith.mulf %mul3A_1193, %mul3A_1189 : vector<16xf32>
        %sub3A_1195 = arith.constant 1.500000e+00 : f32
        %sub3A_1196 = vector.broadcast %sub3A_1195 : f32 to vector<16xf32>
        %sub3A_1197 = arith.subf %sub3A_1196, %mul3A_1194 : vector<16xf32>
        %mul3A_1198 = arith.mulf %mul3A_1189, %sub3A_1197 : vector<16xf32>
        %mul3A_1199 = arith.constant 5.000000e-01 : f32
        %mul3A_1200 = vector.broadcast %mul3A_1199 : f32 to vector<16xf32>
        %mul3A_1201 = arith.mulf %mul3A_1200, %add3A_1134 : vector<16xf32>
        %mul3A_1202 = arith.mulf %mul3A_1201, %mul3A_1198 : vector<16xf32>
        %mul3A_1203 = arith.mulf %mul3A_1202, %mul3A_1198 : vector<16xf32>
        %sub3A_1204 = arith.constant 1.500000e+00 : f32
        %sub3A_1205 = vector.broadcast %sub3A_1204 : f32 to vector<16xf32>
        %sub3A_1206 = arith.subf %sub3A_1205, %mul3A_1203 : vector<16xf32>
        %mul3A_1207 = arith.mulf %mul3A_1198, %sub3A_1206 : vector<16xf32>
        %min3A_1208 = arith.constant 1.000000e+00 : f32
        %min3A_1209 = vector.broadcast %min3A_1208 : f32 to vector<16xf32>
        %min3A_1210 = arith.minimumf %min3A_1209, %mul3A_1207 : vector<16xf32>
        %mul3A_1211 = arith.mulf %min3A_1172, %min3A_1210 : vector<16xf32>
        %mul3A_1212 = arith.mulf %mul3A_1211, %add3A_1136 : vector<16xf32>
        %mul3A_1213 = arith.mulf %add3A_1135, %min3A_1172 : vector<16xf32>
        %mul3A_1214 = arith.mulf %mul3A_1213, %min3A_1172 : vector<16xf32>
        %mul3A_1215 = arith.mulf %min3A_1210, %min3A_1210 : vector<16xf32>
        %mul3A_1216 = arith.mulf %mul3A_1215, %add3A_1134 : vector<16xf32>
        %add3A_1217 = arith.addf %mul3A_1214, %mul3A_1216 : vector<16xf32>
        %add3A_1218 = arith.addf %mul3A_1212, %mul3A_1212 : vector<16xf32>
        %sub3A_1219 = arith.subf %add3A_1217, %add3A_1218 : vector<16xf32>
        %max3A = arith.constant 0.000000e+00 : f32
        %max3A_1220 = vector.broadcast %max3A : f32 to vector<16xf32>
        %max3A_1221 = arith.maximumf %sub3A_1219, %max3A_1220 : vector<16xf32>
        %bitcast3A_1222 = vector.bitcast %max3A_1221 : vector<16xf32> to vector<16xi32>
        %shift_right_arithmetic3A_1223 = arith.constant 1 : i32
        %shift_right_arithmetic3A_1224 = vector.broadcast %shift_right_arithmetic3A_1223 : i32 to vector<16xi32>
        %shift_right_arithmetic3A_1225 = arith.shrsi %bitcast3A_1222, %shift_right_arithmetic3A_1224 : vector<16xi32>
        %sub3A_1226 = arith.constant 1597463007 : i32
        %sub3A_1227 = vector.broadcast %sub3A_1226 : i32 to vector<16xi32>
        %sub3A_1228 = arith.subi %sub3A_1227, %shift_right_arithmetic3A_1225 : vector<16xi32>
        %bitcast3A_1229 = vector.bitcast %sub3A_1228 : vector<16xi32> to vector<16xf32>
        %mul3A_1230 = arith.constant 5.000000e-01 : f32
        %mul3A_1231 = vector.broadcast %mul3A_1230 : f32 to vector<16xf32>
        %mul3A_1232 = arith.mulf %mul3A_1231, %max3A_1221 : vector<16xf32>
        %mul3A_1233 = arith.mulf %mul3A_1232, %bitcast3A_1229 : vector<16xf32>
        %mul3A_1234 = arith.mulf %mul3A_1233, %bitcast3A_1229 : vector<16xf32>
        %sub3A_1235 = arith.constant 1.500000e+00 : f32
        %sub3A_1236 = vector.broadcast %sub3A_1235 : f32 to vector<16xf32>
        %sub3A_1237 = arith.subf %sub3A_1236, %mul3A_1234 : vector<16xf32>
        %mul3A_1238 = arith.mulf %bitcast3A_1229, %sub3A_1237 : vector<16xf32>
        %mul3A_1239 = arith.constant 5.000000e-01 : f32
        %mul3A_1240 = vector.broadcast %mul3A_1239 : f32 to vector<16xf32>
        %mul3A_1241 = arith.mulf %mul3A_1240, %max3A_1221 : vector<16xf32>
        %mul3A_1242 = arith.mulf %mul3A_1241, %mul3A_1238 : vector<16xf32>
        %mul3A_1243 = arith.mulf %mul3A_1242, %mul3A_1238 : vector<16xf32>
        %sub3A_1244 = arith.constant 1.500000e+00 : f32
        %sub3A_1245 = vector.broadcast %sub3A_1244 : f32 to vector<16xf32>
        %sub3A_1246 = arith.subf %sub3A_1245, %mul3A_1243 : vector<16xf32>
        %mul3A_1247 = arith.mulf %mul3A_1238, %sub3A_1246 : vector<16xf32>
        %mul3A_1248 = arith.constant 5.000000e-01 : f32
        %mul3A_1249 = vector.broadcast %mul3A_1248 : f32 to vector<16xf32>
        %mul3A_1250 = arith.mulf %mul3A_1249, %max3A_1221 : vector<16xf32>
        %mul3A_1251 = arith.mulf %mul3A_1250, %mul3A_1247 : vector<16xf32>
        %mul3A_1252 = arith.mulf %mul3A_1251, %mul3A_1247 : vector<16xf32>
        %sub3A_1253 = arith.constant 1.500000e+00 : f32
        %sub3A_1254 = vector.broadcast %sub3A_1253 : f32 to vector<16xf32>
        %sub3A_1255 = arith.subf %sub3A_1254, %mul3A_1252 : vector<16xf32>
        %mul3A_1256 = arith.mulf %mul3A_1247, %sub3A_1255 : vector<16xf32>
        %mul3A_1257 = arith.mulf %max3A_1221, %mul3A_1256 : vector<16xf32>
        %mul3A_1258 = arith.constant 16 : i32
        %mul3A_1259 = arith.muli %add3A_622, %mul3A_1258 : i32
        %swap3A = arith.index_cast %mul3A_1259 : i32 to index
        %swap3A_1260 = tpu.vector_load %arg13[%swap3A] {strides = array<i32>} : memref<1280xf32, #tpu.memory_space<vmem>>, vector<16xf32>,
        tpu.vector_store %arg13[%swap3A], %mul3A_1257 {strides = array<i32>} : memref<1280xf32, #tpu.memory_space<vmem>>, vector<16xf32>,
      }
      %scan3A_613 = arith.constant 80 : i32
      %mul3A_614 = arith.constant 1280 : i32
      %mul3A_615 = arith.muli %add3A_608, %mul3A_614 : i32
      %add3A_616 = arith.addi %multiple_of3A_5, %mul3A_615 : i32
      %multiple_of3A_617 = tpu.assume_multiple %add3A_616, 8 : i32
      "tpu.region"() ({
        %run_scoped3A = tpu.sem_alloc : memref<!tpu.dma_semaphore, #tpu.memory_space<semaphore_mem>>
        %dma_start3A_618 = tpu.memref_slice %arg6[%multiple_of3A_617] : memref<327680xf32, #tpu.memory_space<hbm>> -> memref<1280xf32, #tpu.memory_space<hbm>>
        %dma_start3A_619 = tpu.memref_slice %arg6[%multiple_of3A_617] : memref<327680xf32, #tpu.memory_space<hbm>> -> memref<1280xf32, #tpu.memory_space<hbm>>
        tpu.enqueue_dma source(%arg13 : memref<1280xf32, #tpu.memory_space<vmem>>) target(%dma_start3A_619 : memref<1280xf32, #tpu.memory_space<hbm>>) target_semaphore(%run_scoped3A : memref<!tpu.dma_semaphore, #tpu.memory_space<semaphore_mem>>)
        %dma_wait3A_620 = tpu.memref_slice %arg6[%multiple_of3A_617] : memref<327680xf32, #tpu.memory_space<hbm>> -> memref<1280xf32, #tpu.memory_space<hbm>>
        %dma_wait3A_621 = tpu.memref_slice %arg6[%multiple_of3A_617] : memref<327680xf32, #tpu.memory_space<hbm>> -> memref<1280xf32, #tpu.memory_space<hbm>>
        tpu.wait_dma2 semaphore(%run_scoped3A : memref<!tpu.dma_semaphore, #tpu.memory_space<semaphore_mem>>) src(%arg13 : memref<1280xf32, #tpu.memory_space<vmem>>) dst(%dma_wait3A_621 : memref<1280xf32, #tpu.memory_space<hbm>>)
        tpu.yield
      }) : () -> ()
    }
    %scan3A_167 = arith.constant 4 : i32
    %dma_wait3A_168 = arith.constant 0 : i32
    %dma_wait3A_169 = arith.constant 0 : i32
    %dma_wait3A_170 = tpu.memref_slice %arg11[%dma_wait3A_168, %dma_wait3A_169] : memref<1280x32xf32, #tpu.memory_space<vmem>> -> memref<128x32xf32, #tpu.memory_space<vmem>>
    %dma_wait3A_171 = arith.constant 0 : i32
    %dma_wait3A_172 = tpu.memref_slice %arg9[%dma_wait3A_171] : memref<1280xi32, #tpu.memory_space<vmem>> -> memref<128xi32, #tpu.memory_space<vmem>>
    %dma_wait3A_173 = arith.constant 0 : i32
    %dma_wait3A_174 = arith.constant 0 : i32
    %dma_wait3A_175 = tpu.memref_slice %arg5[%dma_wait3A_173, %dma_wait3A_174] : memref<1015808x32xf32, #tpu.memory_space<hbm>> -> memref<1015808x32xf32, #tpu.memory_space<hbm>>
    tpu.wait_indirect_dma semaphore(%arg15 : memref<!tpu.dma_semaphore, #tpu.memory_space<semaphore_mem>>) src(%dma_wait3A_175 : memref<1015808x32xf32, #tpu.memory_space<hbm>>) dst(%dma_wait3A_170 : memref<128x32xf32, #tpu.memory_space<vmem>>)
    %dma_wait3A_176 = arith.constant 128 : i32
    %dma_wait3A_177 = arith.constant 0 : i32
    %dma_wait3A_178 = tpu.memref_slice %arg11[%dma_wait3A_176, %dma_wait3A_177] : memref<1280x32xf32, #tpu.memory_space<vmem>> -> memref<128x32xf32, #tpu.memory_space<vmem>>
    %dma_wait3A_179 = arith.constant 128 : i32
    %dma_wait3A_180 = tpu.memref_slice %arg9[%dma_wait3A_179] : memref<1280xi32, #tpu.memory_space<vmem>> -> memref<128xi32, #tpu.memory_space<vmem>>
    %dma_wait3A_181 = arith.constant 0 : i32
    %dma_wait3A_182 = arith.constant 0 : i32
    %dma_wait3A_183 = tpu.memref_slice %arg5[%dma_wait3A_181, %dma_wait3A_182] : memref<1015808x32xf32, #tpu.memory_space<hbm>> -> memref<1015808x32xf32, #tpu.memory_space<hbm>>
    tpu.wait_indirect_dma semaphore(%arg15 : memref<!tpu.dma_semaphore, #tpu.memory_space<semaphore_mem>>) src(%dma_wait3A_183 : memref<1015808x32xf32, #tpu.memory_space<hbm>>) dst(%dma_wait3A_178 : memref<128x32xf32, #tpu.memory_space<vmem>>)
    %dma_wait3A_184 = arith.constant 256 : i32
    %dma_wait3A_185 = arith.constant 0 : i32
    %dma_wait3A_186 = tpu.memref_slice %arg11[%dma_wait3A_184, %dma_wait3A_185] : memref<1280x32xf32, #tpu.memory_space<vmem>> -> memref<128x32xf32, #tpu.memory_space<vmem>>
    %dma_wait3A_187 = arith.constant 256 : i32
    %dma_wait3A_188 = tpu.memref_slice %arg9[%dma_wait3A_187] : memref<1280xi32, #tpu.memory_space<vmem>> -> memref<128xi32, #tpu.memory_space<vmem>>
    %dma_wait3A_189 = arith.constant 0 : i32
    %dma_wait3A_190 = arith.constant 0 : i32
    %dma_wait3A_191 = tpu.memref_slice %arg5[%dma_wait3A_189, %dma_wait3A_190] : memref<1015808x32xf32, #tpu.memory_space<hbm>> -> memref<1015808x32xf32, #tpu.memory_space<hbm>>
    tpu.wait_indirect_dma semaphore(%arg15 : memref<!tpu.dma_semaphore, #tpu.memory_space<semaphore_mem>>) src(%dma_wait3A_191 : memref<1015808x32xf32, #tpu.memory_space<hbm>>) dst(%dma_wait3A_186 : memref<128x32xf32, #tpu.memory_space<vmem>>)
    %dma_wait3A_192 = arith.constant 384 : i32
    %dma_wait3A_193 = arith.constant 0 : i32
    %dma_wait3A_194 = tpu.memref_slice %arg11[%dma_wait3A_192, %dma_wait3A_193] : memref<1280x32xf32, #tpu.memory_space<vmem>> -> memref<128x32xf32, #tpu.memory_space<vmem>>
    %dma_wait3A_195 = arith.constant 384 : i32
    %dma_wait3A_196 = tpu.memref_slice %arg9[%dma_wait3A_195] : memref<1280xi32, #tpu.memory_space<vmem>> -> memref<128xi32, #tpu.memory_space<vmem>>
    %dma_wait3A_197 = arith.constant 0 : i32
    %dma_wait3A_198 = arith.constant 0 : i32
    %dma_wait3A_199 = tpu.memref_slice %arg5[%dma_wait3A_197, %dma_wait3A_198] : memref<1015808x32xf32, #tpu.memory_space<hbm>> -> memref<1015808x32xf32, #tpu.memory_space<hbm>>
    tpu.wait_indirect_dma semaphore(%arg15 : memref<!tpu.dma_semaphore, #tpu.memory_space<semaphore_mem>>) src(%dma_wait3A_199 : memref<1015808x32xf32, #tpu.memory_space<hbm>>) dst(%dma_wait3A_194 : memref<128x32xf32, #tpu.memory_space<vmem>>)
    %dma_wait3A_200 = arith.constant 512 : i32
    %dma_wait3A_201 = arith.constant 0 : i32
    %dma_wait3A_202 = tpu.memref_slice %arg11[%dma_wait3A_200, %dma_wait3A_201] : memref<1280x32xf32, #tpu.memory_space<vmem>> -> memref<128x32xf32, #tpu.memory_space<vmem>>
    %dma_wait3A_203 = arith.constant 512 : i32
    %dma_wait3A_204 = tpu.memref_slice %arg9[%dma_wait3A_203] : memref<1280xi32, #tpu.memory_space<vmem>> -> memref<128xi32, #tpu.memory_space<vmem>>
    %dma_wait3A_205 = arith.constant 0 : i32
    %dma_wait3A_206 = arith.constant 0 : i32
    %dma_wait3A_207 = tpu.memref_slice %arg5[%dma_wait3A_205, %dma_wait3A_206] : memref<1015808x32xf32, #tpu.memory_space<hbm>> -> memref<1015808x32xf32, #tpu.memory_space<hbm>>
    tpu.wait_indirect_dma semaphore(%arg15 : memref<!tpu.dma_semaphore, #tpu.memory_space<semaphore_mem>>) src(%dma_wait3A_207 : memref<1015808x32xf32, #tpu.memory_space<hbm>>) dst(%dma_wait3A_202 : memref<128x32xf32, #tpu.memory_space<vmem>>)
    %dma_wait3A_208 = arith.constant 640 : i32
    %dma_wait3A_209 = arith.constant 0 : i32
    %dma_wait3A_210 = tpu.memref_slice %arg11[%dma_wait3A_208, %dma_wait3A_209] : memref<1280x32xf32, #tpu.memory_space<vmem>> -> memref<128x32xf32, #tpu.memory_space<vmem>>
    %dma_wait3A_211 = arith.constant 640 : i32
    %dma_wait3A_212 = tpu.memref_slice %arg9[%dma_wait3A_211] : memref<1280xi32, #tpu.memory_space<vmem>> -> memref<128xi32, #tpu.memory_space<vmem>>
    %dma_wait3A_213 = arith.constant 0 : i32
    %dma_wait3A_214 = arith.constant 0 : i32
    %dma_wait3A_215 = tpu.memref_slice %arg5[%dma_wait3A_213, %dma_wait3A_214] : memref<1015808x32xf32, #tpu.memory_space<hbm>> -> memref<1015808x32xf32, #tpu.memory_space<hbm>>
    tpu.wait_indirect_dma semaphore(%arg15 : memref<!tpu.dma_semaphore, #tpu.memory_space<semaphore_mem>>) src(%dma_wait3A_215 : memref<1015808x32xf32, #tpu.memory_space<hbm>>) dst(%dma_wait3A_210 : memref<128x32xf32, #tpu.memory_space<vmem>>)
    %dma_wait3A_216 = arith.constant 768 : i32
    %dma_wait3A_217 = arith.constant 0 : i32
    %dma_wait3A_218 = tpu.memref_slice %arg11[%dma_wait3A_216, %dma_wait3A_217] : memref<1280x32xf32, #tpu.memory_space<vmem>> -> memref<128x32xf32, #tpu.memory_space<vmem>>
    %dma_wait3A_219 = arith.constant 768 : i32
    %dma_wait3A_220 = tpu.memref_slice %arg9[%dma_wait3A_219] : memref<1280xi32, #tpu.memory_space<vmem>> -> memref<128xi32, #tpu.memory_space<vmem>>
    %dma_wait3A_221 = arith.constant 0 : i32
    %dma_wait3A_222 = arith.constant 0 : i32
    %dma_wait3A_223 = tpu.memref_slice %arg5[%dma_wait3A_221, %dma_wait3A_222] : memref<1015808x32xf32, #tpu.memory_space<hbm>> -> memref<1015808x32xf32, #tpu.memory_space<hbm>>
    tpu.wait_indirect_dma semaphore(%arg15 : memref<!tpu.dma_semaphore, #tpu.memory_space<semaphore_mem>>) src(%dma_wait3A_223 : memref<1015808x32xf32, #tpu.memory_space<hbm>>) dst(%dma_wait3A_218 : memref<128x32xf32, #tpu.memory_space<vmem>>)
    %dma_wait3A_224 = arith.constant 896 : i32
    %dma_wait3A_225 = arith.constant 0 : i32
    %dma_wait3A_226 = tpu.memref_slice %arg11[%dma_wait3A_224, %dma_wait3A_225] : memref<1280x32xf32, #tpu.memory_space<vmem>> -> memref<128x32xf32, #tpu.memory_space<vmem>>
    %dma_wait3A_227 = arith.constant 896 : i32
    %dma_wait3A_228 = tpu.memref_slice %arg9[%dma_wait3A_227] : memref<1280xi32, #tpu.memory_space<vmem>> -> memref<128xi32, #tpu.memory_space<vmem>>
    %dma_wait3A_229 = arith.constant 0 : i32
    %dma_wait3A_230 = arith.constant 0 : i32
    %dma_wait3A_231 = tpu.memref_slice %arg5[%dma_wait3A_229, %dma_wait3A_230] : memref<1015808x32xf32, #tpu.memory_space<hbm>> -> memref<1015808x32xf32, #tpu.memory_space<hbm>>
    tpu.wait_indirect_dma semaphore(%arg15 : memref<!tpu.dma_semaphore, #tpu.memory_space<semaphore_mem>>) src(%dma_wait3A_231 : memref<1015808x32xf32, #tpu.memory_space<hbm>>) dst(%dma_wait3A_226 : memref<128x32xf32, #tpu.memory_space<vmem>>)
    %dma_wait3A_232 = arith.constant 1024 : i32
    %dma_wait3A_233 = arith.constant 0 : i32
    %dma_wait3A_234 = tpu.memref_slice %arg11[%dma_wait3A_232, %dma_wait3A_233] : memref<1280x32xf32, #tpu.memory_space<vmem>> -> memref<128x32xf32, #tpu.memory_space<vmem>>
    %dma_wait3A_235 = arith.constant 1024 : i32
    %dma_wait3A_236 = tpu.memref_slice %arg9[%dma_wait3A_235] : memref<1280xi32, #tpu.memory_space<vmem>> -> memref<128xi32, #tpu.memory_space<vmem>>
    %dma_wait3A_237 = arith.constant 0 : i32
    %dma_wait3A_238 = arith.constant 0 : i32
    %dma_wait3A_239 = tpu.memref_slice %arg5[%dma_wait3A_237, %dma_wait3A_238] : memref<1015808x32xf32, #tpu.memory_space<hbm>> -> memref<1015808x32xf32, #tpu.memory_space<hbm>>
    tpu.wait_indirect_dma semaphore(%arg15 : memref<!tpu.dma_semaphore, #tpu.memory_space<semaphore_mem>>) src(%dma_wait3A_239 : memref<1015808x32xf32, #tpu.memory_space<hbm>>) dst(%dma_wait3A_234 : memref<128x32xf32, #tpu.memory_space<vmem>>)
    %dma_wait3A_240 = arith.constant 1152 : i32
    %dma_wait3A_241 = arith.constant 0 : i32
    %dma_wait3A_242 = tpu.memref_slice %arg11[%dma_wait3A_240, %dma_wait3A_241] : memref<1280x32xf32, #tpu.memory_space<vmem>> -> memref<128x32xf32, #tpu.memory_space<vmem>>
    %dma_wait3A_243 = arith.constant 1152 : i32
    %dma_wait3A_244 = tpu.memref_slice %arg9[%dma_wait3A_243] : memref<1280xi32, #tpu.memory_space<vmem>> -> memref<128xi32, #tpu.memory_space<vmem>>
    %dma_wait3A_245 = arith.constant 0 : i32
    %dma_wait3A_246 = arith.constant 0 : i32
    %dma_wait3A_247 = tpu.memref_slice %arg5[%dma_wait3A_245, %dma_wait3A_246] : memref<1015808x32xf32, #tpu.memory_space<hbm>> -> memref<1015808x32xf32, #tpu.memory_space<hbm>>
    tpu.wait_indirect_dma semaphore(%arg15 : memref<!tpu.dma_semaphore, #tpu.memory_space<semaphore_mem>>) src(%dma_wait3A_247 : memref<1015808x32xf32, #tpu.memory_space<hbm>>) dst(%dma_wait3A_242 : memref<128x32xf32, #tpu.memory_space<vmem>>)
    return
  }
}

module attributes {stable_mosaic.version = 14 : i64} {
  func.func @_transpose_body(%arg0: i32, %arg1: memref<32x32768xf32, #tpu.memory_space<vmem>>, %arg2: memref<8192x128xf32, #tpu.memory_space<vmem>>) attributes {dimension_semantics = [#tpu.dimension_semantics<arbitrary>], iteration_bounds = array<i64: 31>, scalar_prefetch = 0 : i64, scratch_operands = 0 : i64, tpu.core_type = #tpu.core_type<tc>, window_params = [{transform_indices = @transform_0, window_bounds = array<i64: 32, 32768>}, {transform_indices = @transform_1, window_bounds = array<i64: 8192, 128>}]} {
    %get3A = arith.constant 0 : index
    %get3A_0 = arith.constant 0 : index
    %get3A_1 = vector.load %arg1[%get3A, %get3A_0] : memref<32x32768xf32, #tpu.memory_space<vmem>>, vector<32x32768xf32>
    %iota3A = tpu.iota {dimensions = array<i32: 0>} : vector<32x32xi32>
    %iota3A_2 = tpu.iota {dimensions = array<i32: 1>} : vector<32x32xi32>
    %add3A = arith.constant 0 : i32
    %add3A_3 = vector.broadcast %add3A : i32 to vector<32x32xi32>
    %add3A_4 = arith.addi %iota3A, %add3A_3 : vector<32x32xi32>
    %eq3A = arith.cmpi eq, %add3A_4, %iota3A_2 : vector<32x32xi32>
    %convert_element_type3A = arith.extui %eq3A : vector<32x32xi1> to vector<32x32xi32>
    %convert_element_type3A_5 = arith.sitofp %convert_element_type3A : vector<32x32xi32> to vector<32x32xf32>
    %slice3A = vector.extract_strided_slice %get3A_1 {offsets = [0, 0], sizes = [32, 8192], strides = [1, 1]} : vector<32x32768xf32> to vector<32x8192xf32>
    %dot_general3A = arith.constant dense<0.000000e+00> : vector<8192x32xf32>
    %dot_general3A_6 = tpu.matmul %slice3A, %convert_element_type3A_5, %dot_general3A {dimension_numbers = #tpu.dot_dimension_numbers<[0], [0], [1], [1], [0, 1, 1, 1], [], []>, transpose_lhs_hint = false} : vector<32x8192xf32>, vector<32x32xf32>, vector<8192x32xf32> -> vector<8192x32xf32>
    %slice3A_7 = vector.extract_strided_slice %get3A_1 {offsets = [0, 8192], sizes = [32, 8192], strides = [1, 1]} : vector<32x32768xf32> to vector<32x8192xf32>
    %dot_general3A_8 = arith.constant dense<0.000000e+00> : vector<8192x32xf32>
    %dot_general3A_9 = tpu.matmul %slice3A_7, %convert_element_type3A_5, %dot_general3A_8 {dimension_numbers = #tpu.dot_dimension_numbers<[0], [0], [1], [1], [0, 1, 1, 1], [], []>, transpose_lhs_hint = false} : vector<32x8192xf32>, vector<32x32xf32>, vector<8192x32xf32> -> vector<8192x32xf32>
    %slice3A_10 = vector.extract_strided_slice %get3A_1 {offsets = [0, 16384], sizes = [32, 8192], strides = [1, 1]} : vector<32x32768xf32> to vector<32x8192xf32>
    %dot_general3A_11 = arith.constant dense<0.000000e+00> : vector<8192x32xf32>
    %dot_general3A_12 = tpu.matmul %slice3A_10, %convert_element_type3A_5, %dot_general3A_11 {dimension_numbers = #tpu.dot_dimension_numbers<[0], [0], [1], [1], [0, 1, 1, 1], [], []>, transpose_lhs_hint = false} : vector<32x8192xf32>, vector<32x32xf32>, vector<8192x32xf32> -> vector<8192x32xf32>
    %slice3A_13 = vector.extract_strided_slice %get3A_1 {offsets = [0, 24576], sizes = [32, 8192], strides = [1, 1]} : vector<32x32768xf32> to vector<32x8192xf32>
    %dot_general3A_14 = arith.constant dense<0.000000e+00> : vector<8192x32xf32>
    %dot_general3A_15 = tpu.matmul %slice3A_13, %convert_element_type3A_5, %dot_general3A_14 {dimension_numbers = #tpu.dot_dimension_numbers<[0], [0], [1], [1], [0, 1, 1, 1], [], []>, transpose_lhs_hint = false} : vector<32x8192xf32>, vector<32x32xf32>, vector<8192x32xf32> -> vector<8192x32xf32>
    %concatenate3A = tpu.concatenate %dot_general3A_6, %dot_general3A_9, %dot_general3A_12, %dot_general3A_15 in 1 : vector<8192x32xf32>, vector<8192x32xf32>, vector<8192x32xf32>, vector<8192x32xf32> -> vector<8192x128xf32>
    %swap3A = arith.constant 0 : index
    %swap3A_16 = arith.constant 0 : index
    %swap3A_17 = vector.load %arg2[%swap3A, %swap3A_16] : memref<8192x128xf32, #tpu.memory_space<vmem>>, vector<8192x128xf32>
    tpu.vector_store %arg2[%swap3A, %swap3A_16], %concatenate3A {strides = array<i32>} : memref<8192x128xf32, #tpu.memory_space<vmem>>, vector<8192x128xf32>,
    return
  }
  func.func @transform_0(%arg0: i32) -> (i32, i32) {
    %c0_i32 = arith.constant 0 : i32
    %c0_i32_0 = arith.constant 0 : i32
    return %c0_i32, %arg0 : i32, i32
  }
  func.func @transform_1(%arg0: i32) -> (i32, i32) {
    %c0_i32 = arith.constant 0 : i32
    %c0_i32_0 = arith.constant 0 : i32
    return %arg0, %c0_i32 : i32, i32
  }
}

</mosaic_0001>

<sc_bundles>
// kernel: _cml.5.cloned.1.call-start
scs
__scs_entry_jumppad:
0x0: {  	(pc) =	sbr.rel $0x88, $3  }
0x1: {  	(tag) =	ssettag $0x0;
	lr =	simm.s32 $0x1  }
0x2: {  	[smem:$0x3F9D] =	sst lr;
	_ =	strace $0xD0000000  }
0x3: {  	_ = 	snop  }
0x4: {  	_ = 	snop  }
0x5: {  	_ = 	snop  }
0x6: {  	_ = 	snop  }
0x7: {  	_ = 	snop  }
__scs_overlays_trampoline_lowered:
0x8: {  	[smem:$0x3FAC] =	sst s0  }
0x9: {  	[smem:$0x3FAD] =	sst s1  }
0xa: {  	[smem:$0x3FAE] =	sst s2  }
0xb: {  	[smem:$0x3FAF] =	sst s3  }
0xc: {  	[smem:$0x3FB0] =	sst s4  }
0xd: {  	[smem:$0x3FB1] =	sst s5  }
0xe: {  	[smem:$0x3FB2] =	sst s6  }
0xf: {  	[smem:$0x3FB3] =	sst s7  }
0x10: {  	[smem:$0x3FB4] =	sst s8  }
0x11: {  	[smem:$0x3FB5] =	sst s9;
	s0 =	simm.s32 @!p0 $0x0  }
0x12: {  	s1 =	sld [smem:$0x3F9B];
	s0 =	simm.s32 @p0 $0x1  }
0x13: {  	[smem:$0x3FB6] =	sst s0;
	s0 =	simm.s32 @!p1 $0x0  }
0x14: {  	s2 =	sld [smem:$0x3F9A];
	s0 =	simm.s32 @p1 $0x1  }
0x15: {  	[smem:$0x3FB7] =	sst s0;
	s0 =	simm.s32 @!p2 $0x0  }
0x16: {  	s3 =	sld [smem:$0x3FDB];
	s0 =	simm.s32 @p2 $0x1  }
0x17: {  	s4 =	simm.s32 $0x1BF5;
	[smem:$0x3FB9] =	sst s0  }
0x18: {  	s0 =	sld [smem:$0x3F9C];
	_ =	swait.ge [sflag:s4], $0x0  }
0x19: {  	s7 =	sld [smem:$0x3F9D]  }
0x1a: {  	s8 =	sadd.s32 $0xFFFFE003, lr  }
0x1b: {  	s9 =	sadd.s32 $0xFFFFFEF7, lr;
	s5 =	simm.s32 $0xFFFFFFFF;
	p2 =	slt.u32 s8, $0xFFFFF086  }
0x1c: {  	p1 =	slt.u32 s9, $0xF7A;
	s5 =	simm.s32 @!p2 $0x0  }
0x1d: {  	s5 =	simm.s32 @p1 $0x1;
	p0 =	seq.s32 s7, s2  }
0x1e: {  	s7 =	smul.u32 @!p0 $0xF7A, s2;
	p2 =	seq.s32 @!p0 s5, $0x0  }
0x1f: {  	s9 =	smul.u32 $0xF7A, s1;
	s8 =	simm.s32 @!p0 $0x1BF5;
	p2 =	por !p2, p0  }
0x20: {  	[sflag:s8] =	ssyncset.s32 @!p0 $0xFFFFF086;
	s6 =	sadd.s32 @!p0 s3, s7;
	s7 =	simm.s32 @!p0 $0x108  }
0x21: {  	s3 =	sadd.s32 s3, s9;
	s6 =	sadd.s32 @!p0 $0x88, s6;
	s7 =	simm.s32 @p2 $0x1082  }
0x22: {  	[simem:s7], [sflag:s8] =	dma.local @!p0 [hbm:s6], $0xF7A  }
0x23: {  	s9 =	sor.u32 $0xD0000000, s2;
	s6 =	simm.s32 $0x108;
	_ =	swait.ge @!p0 [sflag:s8], $0x0  }
0x24: {  	s3 =	sadd.s32 $0x88, s3;
	s6 =	simm.s32 @!p1 $0x1082;
	[sflag:s4] =	ssyncset.s32 $0xFFFFF086  }
0x25: {  	[simem:s6], [sflag:s4] =	dma.local [hbm:s3], $0xF7A  }
0x26: {  	[smem:$0x3F9D] =	sst s1;
	(tag) =	ssettag s2;
	_ =	strace s9  }
0x27: {  	s1 =	sld [smem:$0x3FAD]  }
0x28: {  	s2 =	sld [smem:$0x3FAE]  }
0x29: {  	s4 =	sld [smem:$0x3FB0]  }
0x2a: {  	p0 =	seq.s32 s5, $0x0;
	s5 =	sld [smem:$0x3FB1]  }
0x2b: {  	s6 =	sld [smem:$0x3FB2]  }
0x2c: {  	s7 =	sld [smem:$0x3FB3]  }
0x2d: {  	s3 =	simm.s32 $0x108;
	s8 =	sld [smem:$0x3FB4]  }
0x2e: {  	s3 =	simm.s32 @!p0 $0x1082;
	s9 =	sld [smem:$0x3FB5]  }
0x2f: {  	lr =	sadd.s32 s0, s3;
	s0 =	sld [smem:$0x3FAC]  }
0x30: {  	s3 =	sld [smem:$0x3FAF]  }
0x31: {  	[smem:$0x3FB8] =	sst s10  }
0x32: {  	s10 =	sld [smem:$0x3FB6];
	_ =	sdelay $0x3  }
0x33: {  	p0 =	seq.s32 s10, $0x1;
	s10 =	sld [smem:$0x3FB8];
	_ =	sdelay $0x3  }
0x34: {  	[smem:$0x3FB8] =	sst s10  }
0x35: {  	s10 =	sld [smem:$0x3FB7];
	_ =	sdelay $0x3  }
0x36: {  	p1 =	seq.s32 s10, $0x1;
	s10 =	sld [smem:$0x3FB8];
	_ =	sdelay $0x3  }
0x37: {  	[smem:$0x3FB8] =	sst s10  }
0x38: {  	s10 =	sld [smem:$0x3FB9]  }
0x39: {  	_ = 	snop;
	(pc) =	sbr.ind lr, $3  }
0x3a: {  	_ = 	snop  }
0x3b: {  	_ = 	snop  }
0x3c: {  	p2 =	seq.s32 s10, $0x1;
	s10 =	sld [smem:$0x3FB8]  }
0x3d: {  	_ =	shalt  }
0x3e: {  	_ =	shalt  }
0x3f: {  	_ =	shalt  }
0x40: {  	_ =	shalt  }
0x41: {  	_ =	shalt  }
0x42: {  	_ =	shalt  }
0x43: {  	_ =	shalt  }
0x44: {  	_ =	shalt  }
0x45: {  	_ =	shalt  }
0x46: {  	_ =	shalt  }
0x47: {  	_ =	shalt  }
0x48: {  	_ =	shalt  }
0x49: {  	_ =	shalt  }
0x4a: {  	_ =	shalt  }
0x4b: {  	_ =	shalt  }
0x4c: {  	_ =	shalt  }
0x4d: {  	_ =	shalt  }
0x4e: {  	_ =	shalt  }
0x4f: {  	_ =	shalt  }
0x50: {  	_ =	shalt  }
0x51: {  	_ =	shalt  }
0x52: {  	_ =	shalt  }
0x53: {  	_ =	shalt  }
0x54: {  	_ =	shalt  }
0x55: {  	_ =	shalt  }
0x56: {  	_ =	shalt  }
0x57: {  	_ =	shalt  }
0x58: {  	_ =	shalt  }
0x59: {  	_ =	shalt  }
0x5a: {  	_ =	shalt  }
0x5b: {  	_ =	shalt  }
0x5c: {  	_ =	shalt  }
0x5d: {  	_ =	shalt  }
0x5e: {  	_ =	shalt  }
0x5f: {  	_ =	shalt  }
0x60: {  	_ =	shalt  }
0x61: {  	_ =	shalt  }
0x62: {  	_ =	shalt  }
0x63: {  	_ =	shalt  }
0x64: {  	_ =	shalt  }
0x65: {  	_ =	shalt  }
0x66: {  	_ =	shalt  }
0x67: {  	_ =	shalt  }
0x68: {  	_ =	shalt  }
0x69: {  	_ =	shalt  }
0x6a: {  	_ =	shalt  }
0x6b: {  	_ =	shalt  }
0x6c: {  	_ =	shalt  }
0x6d: {  	_ =	shalt  }
0x6e: {  	_ =	shalt  }
0x6f: {  	_ =	shalt  }
0x70: {  	_ =	shalt  }
0x71: {  	_ =	shalt  }
0x72: {  	_ =	shalt  }
0x73: {  	_ =	shalt  }
0x74: {  	_ =	shalt  }
0x75: {  	_ =	shalt  }
0x76: {  	_ =	shalt  }
0x77: {  	_ =	shalt  }
0x78: {  	_ =	shalt  }
0x79: {  	_ =	shalt  }
0x7a: {  	_ =	shalt  }
0x7b: {  	_ =	shalt  }
0x7c: {  	_ =	shalt  }
0x7d: {  	_ =	shalt  }
0x7e: {  	_ =	shalt  }
0x7f: {  	_ =	shalt  }
0x80: {  	_ =	shalt  }
0x81: {  	_ =	shalt  }
0x82: {  	_ =	shalt  }
0x83: {  	_ =	shalt  }
0x84: {  	_ =	shalt  }
0x85: {  	_ =	shalt  }
0x86: {  	_ =	shalt  }
0x87: {  	_ =	shalt  }
.Lfunc_end0:
.L_simem_size_0:
called_computation_lowered:
.L_overlay_start_0:
0x88: {  	s2 =	sld [smem:$0x3FD9]  }
0x89: {  	s3 =	sld [smem:$0x3FFE];
	_ =	sdelay $0x1  }
0x8a: {  	s1 =	srdreg.scid  }
0x8b: {  	s0 =	sand.u32 $0x1, s1  }
0x8c: {  	s17 =	sshll.u32 s0, $0xA;
	s2 =	sadd.s32 s3, s2  }
0x8d: {  	s2 =	sadd.s32 s2, s17  }
0x8e: {  	[smem:$0x3FC4] =	sst s2  }
0x8f: {  	_ = 	snop  }
0x90: {  	s2 =	sld [smem:$0x3FC9]  }
0x91: {  	s18 =	sld [smem:$0x3FC8]  }
0x92: {  	s4 =	sld [smem:$0x3FD0];
	(tm) =	ssettm $0x1  }
0x93: {  	s5 =	sld [smem:$0x3FFB];
	_ =	sdelay $0x3  }
0x94: {  	_ =	strace s5  }
0x95: {  	s5 =	sld [smem:$0x3FFC];
	_ =	sdelay $0x3  }
0x96: {  	_ =	strace s5  }
0x97: {  	s5 =	sld [smem:$0x3FFD];
	_ =	sdelay $0x3  }
0x98: {  	_ =	strace s5  }
0x99: {  	_ =	strace $0x8FFFFFFF  }
0x9a: {  	s19 =	sld [smem:$0x3FDB];
	_ =	sdelay $0x1  }
0x9b: {  	s6 =	simm.s32 $_scs_section_size  }
0x9c: {  	s7 =	simm.s32 $_size__tile_overlayer_lowered;
	s8 =	simm.s32 $_tile_overlayer_lowered  }
0x9d: {  	s22 =	simm.s32 $0x1BFF;
	s21 =	sshll.u32 s8, $0x1;
	s5 =	sadd.s32 s6, s19  }
0x9e: {  	s9 =	simm.s32 $0x0;
	s20 =	sshll.u32 s7, $0x1;
	s7 =	sadd.s32 s21, s5  }
0x9f: {  	[timem:s9], [sflag:s22] =	dma.local [hbm:s7], s20  }
0xa0: {  	_ =	swait.ge [sflag:s22], s20  }
0xa1: {  	s6 =	ssub.s32 $0x0, s20;
	[sflag:s22] =	ssyncset.done $0x0  }
0xa2: {  	[sflag:s22] =	ssyncadd.s32 s6;
	_ =	sdelay $0x1  }
0xa3: {  	s23 =	simm.s32 $0x1B8B  }
0xa4: {  	_ =	swait.ge [sflag:s23], $0x1  }
0xa5: {  	[sflag:s23] =	ssyncset.done $0x0  }
0xa6: {  	s25 =	simm.s32 $0x1B8E;
	s24 =	sld [smem:$0x3FFE];
	[sflag:s23] =	ssyncadd.s32 $0xFFFFFFFF  }
0xa7: {  	s26 =	simm.s32 $execute0_lowered;
	[smem:$0x3FD2] =	sst s25  }
0xa8: {  	s7 =	sshll.u32 s26, $0x1;
	_ =	strace $0x80000046;
	[dreg:$0x1] =	wrdreg $0xFFFFFFFF  }
0xa9: {  	s28 =	simm.s32 $_size_execute0_lowered;
	s5 =	sadd.s32 s5, s7;
	[dreg:$0x0] =	wrdreg $0x0  }
0xaa: {  	s7 =	sshll.u32 s28, $0x1;
	[dreg:$0x2] =	wrdreg s5  }
0xab: {  	[dreg:$0x3] =	wrdreg s7  }
0xac: {  	[dreg:$0x4] =	wrdreg $0xC0  }
0xad: {  	_ =	task [dreg:s9], $0x5FFFF  }
0xae: {  	[dreg:$0x1] =	wrdreg $0xFFFFFFFF  }
0xaf: {  	[dreg:$0x0] =	wrdreg $0x60  }
0xb0: {  	[dreg:$0x2] =	wrdreg s2  }
0xb1: {  	[dreg:$0x3] =	wrdreg s18  }
0xb2: {  	[dreg:$0x4] =	wrdreg s24  }
0xb3: {  	[dreg:$0x5] =	wrdreg s4  }
0xb4: {  	[dreg:$0x6] =	wrdreg $0x9  }
0xb5: {  	_ =	task.clear_ibuf [dreg:s9], $0x7FFFF;
	_ =	strace $0x90000046  }
0xb6: {  	s29 =	simm.s32 $0x9;
	_ =	strace $0x80000048  }
0xb7: {  	_ =	swait.ge [sflag:s29], $0x1  }
0xb8: {  	[sflag:s29] =	ssyncadd.s32 $0xFFFFFFFF  }
0xb9: {  	_ =	strace $0x90000048  }
0xba: {  	_ =	sfence  }
0xbb: {  	s30 =	sld [smem:$0x0];
	_ =	sdelay $0x2  }
0xbc: {  	s31 =	sshll.u32 s1, $0xD;
	s1 =	sshrl.u32 s1, $0x2  }
0xbd: {  	s3 =	sand.u32 $0x4000, s31;
	s1 =	sadd.s32 s1, s30  }
0xbe: {  	s0 =	sor.u32 s3, s0;
	s1 =	sshll.u32 s1, $0x11  }
0xbf: {  	s0 =	sor.u32 s1, s0  }
0xc0: {  	s0 =	sadd.s32 $0x8F2B, s0  }
0xc1: {  	[sflag:s0] =	ssyncadd.remote.s32 $0x1  }
0xc2: {  	_ =	sfence.sel $0xFFFF  }
0xc3: {  	[dreg:$0x0] =	wrdreg $0xFFFFFFFF;
	(pc) =	sbr.abs _section_cstart, $3  }
0xc4: {  	[dreg:$0x1] =	wrdreg $0xFFFFFFFF  }
0xc5: {  	_ =	task.clear_ibuf [dreg:s9], $0x2FFFF;
	_ =	strace $0x9FFFFFFF  }
0xc6: {  	(tm) =	ssettm $0x7FFFFFFF  }
0xc7: {  	_ =	shalt  }
tec
execute0_lowered:
.L_overlay_start_1:
0x0: {  	(tag) =	ssettag $0x1  }
0x1: {  	v24 =	vlaneseq.u32  }
0x2: {  	v39 =	vimm.s32 $0x14131211;
	v1 =	vimm.s32 $0x18171615;
	vm0 =	vcmask $0x1F10  }
0x3: {  	v46 =	vimm.s32 $0x1C1B1A19;
	v47 =	vimm.s32 $0x1F1E1D;
	v49 =	vimm.s32 $0x15141312  }
0x4: {  	v50 =	vimm.s32 $0x19181716;
	v6 =	vimm.s32 $0x1D1C1B1A;
	v51 =	vimm.s32 $0x1001F1E  }
0x5: {  	v8 =	vimm.s32 $0x16151413;
	v9 =	vimm.s32 $0x1A191817;
	v56 =	vimm.s32 $0x3020100  }
0x6: {  	v11 =	vimm.s32 $0x1E1D1C1B;
	v12 =	vimm.s32 $0x1F1E1D1C;
	v13 =	vimm.s32 $0x17161514  }
0x7: {  	v14 =	vimm.s32 $0x1B1A1918;
	v15 =	vimm.s32 $0x201001F;
	v17 =	vimm.s32 $0x4030201  }
0x8: {  	v57 =	vimm.s32 $0x5040302;
	v62 =	vimm.s32 $0x6050403;
	v23 =	vimm.s32 $0x87654321  }
0x9: {  	v33 =	vimm.s32 $0x98765432;
	v34 =	vimm.s32 $0x32107654;
	v41 =	vimm.s32 $0x43218765  }
0xa: {  	v44 =	vimm.s32 $0xA9876543;
	vm14 =	vcmask $0x2F10;
	vm15 =	vcmask $0x3F30  }
0xb: {  	v26 =	vadd.s32 $0x1, v24;
	v48 =	vadd.s32 $0x2, v24;
	v0 =	vadd.s32 $0x3, v24  }
0xc: {  	v40 =	vadd.s32 $0x4, v24;
	v29 =	vadd.s32 $0x5, v24;
	v32 =	vadd.s32 $0x6, v24  }
0xd: {  	v45 =	vadd.s32 $0x7, v24;
	v58 =	vadd.s32 $0x8, v24;
	v43 =	vadd.s32 $0x9, v24  }
0xe: {  	s1 =	rddreg [dreg:$0x0];
	v53 =	vadd.s32 $0xA, v24;
	v59 =	vadd.s32 $0xB, v24;
	v42 =	vadd.s32 $0xC, v24  }
0xf: {  	s0 =	rddreg [dreg:$0x1];
	v3 =	vunpack.c.0.s8.s32 v1;
	v18 =	vadd.s32 $0xD, v24;
	v25 =	vadd.s32 $0xE, v24  }
0x10: {  	s3 =	rddreg [dreg:$0x2];
	s6 =	simm.s32 $0x0;
	v4 =	vunpack.c.0.s8.s32 v46;
	v1 =	vunpack.c.0.s8.s32 v47;
	v5 =	vunpack.c.0.s8.s32 v49  }
0x11: {  	v7 =	vunpack.c.0.s8.s32 v50;
	v6 =	vunpack.c.0.s8.s32 v6;
	v8 =	vunpack.c.0.s8.s32 v8;
	[smem:$0x7FF] =	sst s6;
	[tilespmem:$0x1FE10] =	vst v0  }
0x12: {  	s2 =	rddreg [dreg:$0x3];
	v9 =	vunpack.c.0.s8.s32 v9;
	v12 =	vunpack.c.0.s8.s32 v12;
	v11 =	vunpack.c.0.s8.s32 v11;
	_ =	strace $0x80000047;
	[tilespmem:$0x1FE20] =	vst v26  }
0x13: {  	v13 =	vunpack.c.0.s8.s32 v13;
	v14 =	vunpack.c.0.s8.s32 v14;
	v21 =	vunpack.c.0.s8.s32 v17;
	[tilespmem:$0x1FE30] =	vst v48  }
0x14: {  	v15 =	vunpack.c.0.s8.s32 v15;
	v60 =	vunpack.c.0.s8.s32 v57;
	v47 =	vimm.s32 $0x54329876;
	[tilespmem:$0x1FE40] =	vst v40  }
0x15: {  	v49 =	vimm.s32 $0xB0A0908;
	v50 =	vimm.s32 $0x6543A987;
	v0 =	vunpack.c.0.s8.s32 v39;
	[tilespmem:$0x1FE50] =	vst v29  }
0x16: {  	v10 =	vsel vm0, v1, v4;
	v52 =	vsel vm0, v7, v5;
	v55 =	vsel vm0, v9, v8;
	[tilespmem:$0x1FE60] =	vst v32  }
0x17: {  	v8 =	vunpack.c.0.s8.s32 v56;
	v13 =	vsel vm0, v14, v13;
	v61 =	vsel vm0, v21, v1;
	[tilespmem:$0x1FE70] =	vst v45  }
0x18: {  	v63 =	vsel vm0, v15, v11;
	v21 =	vimm.s32 $0x76543210;
	v9 =	vsel vm0, v11, v9;
	[tilespmem:$0x1FE80] =	vst v58  }
0x19: {  	v11 =	vunpack.c.l.s4.s8 v34;
	v36 =	vsel vm0, v12, v14;
	v5 =	vunpack.c.0.s8.s32 v49;
	[tilespmem:$0x1FE90] =	vst v43  }
0x1a: {  	[tilespmem:$0x1FEA0] =	vst v53;
	v2 =	vsel vm0, v3, v0;
	v0 =	vunpack.c.0.s8.s32 v51;
	v3 =	vsel vm0, v4, v3  }
0x1b: {  	[tilespmem:$0x1FEB0] =	vst v59;
	v4 =	vunpack.c.0.s8.s32 v62;
	v51 =	vadd.s32 $0xF, v24;
	v31 =	vcombine.low v2, v10  }
0x1c: {  	[tilespmem:$0x1FEC0] =	vst v42;
	v8 =	vsel vm0, v8, v12;
	v38 =	vunpack.c.0.s8.s32 v11;
	v54 =	vsel vm0, v0, v6  }
0x1d: {  	[tilespmem:$0x1FED0] =	vst v18;
	v20 =	vcombine.low v13, v8;
	v8 =	vsel vm0, v60, v0;
	v6 =	vsel vm0, v6, v7  }
0x1e: {  	[tilespmem:$0x1FEE0] =	vst v25;
	v13 =	vcombine.low v3, v61;
	v17 =	vsel vm0, v4, v15;
	v4 =	vunpack.c.l.s4.s8 v21  }
0x1f: {  	[tilespmem:$0x1FF80] =	vst v51;
	v3 =	vunpack.c.l.s4.s8 v47;
	v60 =	vimm.s32 $0xE0D0C0B;
	v61 =	vor.u32 $0x10, v24  }
0x20: {  	v19 =	vcombine.low v52, v54;
	v22 =	vcombine.low v6, v8;
	v6 =	vunpack.c.l.s4.s8 v23;
	[tilespmem:$0x1FEF0] =	vst v31  }
0x21: {  	v8 =	vunpack.c.l.s4.s8 v33;
	v35 =	vcombine.low v9, v17;
	v9 =	vunpack.c.l.s4.s8 v50;
	[tilespmem:$0x1FFB0] =	vst v61  }
0x22: {  	s4 =	srdreg.scid;
	s5 =	stileid.u32;
	v52 =	vimm.s32 $0xC0B0A09;
	v4 =	vunpack.c.0.s8.s32 v4;
	v3 =	vunpack.c.0.s8.s32 v3;
	[tilespmem:$0x1FF10] =	vst v20  }
0x23: {  	s11 =	simm.s32 $0x4;
	s12 =	simm.s32 $0x80;
	s13 =	simm.s32 $0x200;
	[tilespmem:$0x1FF20] =	vst v13;
	v6 =	vunpack.c.0.s8.s32 v6;
	v8 =	vunpack.c.0.s8.s32 v8;
	v9 =	vunpack.c.0.s8.s32 v9  }
0x24: {  	s18 =	simm.s32 $0x4200;
	s19 =	simm.s32 $0x4C00;
	s30 =	simm.s32 $0x4480;
	[tilespmem:$0x1FF00] =	vst v19;
	v14 =	vcombine.low v36, v4;
	v4 =	vand.u32 $0xF, v38;
	v3 =	vand.u32 $0xF, v3  }
0x25: {  	s31 =	simm.s32 $0x9C00;
	s14 =	simm.s32 $0x4580;
	s15 =	simm.s32 $0xBC00;
	[tilespmem:$0x1FF30] =	vst v22;
	v37 =	vand.u32 $0xF, v6;
	v39 =	vand.u32 $0xF, v8;
	v6 =	vunpack.c.l.s4.s8 v41  }
0x26: {  	s16 =	simm.s32 $0x4600;
	s17 =	simm.s32 $0xCC00;
	s10 =	simm.s32 $0x4700;
	[tilespmem:$0x1FF40] =	vst v35;
	v8 =	vunpack.c.l.s4.s8 v44;
	v4 =	vsel vm14, v4, v12;
	v10 =	vcombine.low v10, v37  }
0x27: {  	s9 =	simm.s32 $0x2;
	s4 =	sand.u32 $0x1, s4;
	s5 =	sshll.u32 s5, $0x1;
	v46 =	vcombine.low v54, v39;
	v54 =	vcombine.low v55, v63;
	v4 =	vsel vm15, v5, v4;
	[tilespmem:$0x1FF50] =	vst v14  }
0x28: {  	s20 =	simm.s32 $0x3;
	s22 =	simm.s32 $0x0;
	s25 =	sor.u32 s4, s5;
	v55 =	vimm.s32 $0xD0C0B0A;
	v6 =	vunpack.c.0.s8.s32 v6;
	v8 =	vunpack.c.0.s8.s32 v8;
	[tilespmem:$0x1FFC0] =	vst v4  }
0x29: {  	s7 =	sadd.s32 $0x400, s3;
	s26 =	ssub.s32 $0x2, s4;
	s5 =	smul.u32 $0x2800, s25;
	v0 =	vsel vm14, v3, v0;
	v57 =	vand.u32 $0xF, v9;
	v2 =	vunpack.c.0.s8.s32 v55;
	[tilespmem:$0x1FF60] =	vst v10  }
0x2a: {  	[dreg:$0x5] =	wrdreg s7;
	s7 =	sadd.s32 $0x3E0400, s3;
	s4 =	sshrl.u32 s26, $0x1;
	v9 =	vunpack.c.0.s8.s32 v60;
	[tilespmem:$0x1FF70] =	vst v46;
	v6 =	vand.u32 $0xF, v6;
	v56 =	vand.u32 $0xF, v8  }
0x2b: {  	s6 =	sshll.u32 s25, $0x6;
	s25 =	simm.s32 $0x4680;
	s3 =	ssub.s32 s26, s4;
	[tilespmem:$0x1FF90] =	vst v54;
	v8 =	vsel vm14, v57, v15;
	v3 =	vcombine.low v63, v56;
	v63 =	vsel vm15, v2, v0  }
0x2c: {  	s1 =	sadd.s32 s1, s6;
	s6 =	simm.s32 $0xEC00;
	s4 =	simm.s32 $0x18C00;
	v1 =	vsel vm14, v6, v1;
	v6 =	vunpack.c.0.s8.s32 v52;
	v8 =	vsel vm15, v9, v8;
	[tilespmem:$0x1FFE0] =	vst v63  }
0x2d: {  	s8 =	sshrl.u32 s5, $0x3;
	[dreg:$0x6] =	wrdreg s1;
	s29 =	smax.u32 s3, $0x1;
	[tilespmem:$0x1FFF0] =	vst v8  }
0x2e: {  	s1 =	simm.s32 $0x4500;
	s28 =	sadd.s32 s0, s8;
	[dreg:$0x8] =	wrdreg s29;
	v62 =	vsel vm15, v6, v1;
	[tilespmem:$0x1FFA0] =	vst v3  }
0x2f: {  	s3 =	simm.s32 $0xAC00;
	s8 =	simm.s32 $0xDC00;
	[dreg:$0x7] =	wrdreg s28;
	[tilespmem:$0x1FFD0] =	vst v62  }
.LBB2_1:
0x30: {  	[dreg:$0x9] =	wrdreg s22  }
0x31: {  	s21 =	simm.s32 $0x0;
	s29 =	rddreg [dreg:$0x6]  }
0x32: {  	[tilespmem:s21], [sflag:$0x4] =	stream.linear.gather [hbm4b:s29+s21], $0x200, $0x38;
	[tilespmem:$0x19100] =	vst v63  }
0x33: {  	_ =	swait.ge [sflag:s11], $0x200  }
0x34: {  	[sflag:s11] =	ssyncset.done $0x0  }
0x35: {  	s22 =	simm.s32 $0x40;
	s21 =	simm.s32 $0x0;
	[sflag:s11] =	ssyncadd.s32 $0xFFFFFE00  }
.LBB2_2:
0x36: {  	p0 =	sne.s32 s22, $0x7C0;
	v0 =	vld [tilespmem:s21+$0x0];
	_ =	sdelay $0x4  }
.Ltmp0:
0x37: {  	v1 =	vshll.u32 v0, $0x2;
	(pc) =	sbr.rel @p0 .LBB2_2-.Ltmp0, $4  }
0x38: {  	v2 =	vand.u32 $0xFFFF8000, v0;
	v0 =	vshrl.u32 v0, $0xD;
	v1 =	vand.u32 $0x7FFC, v1  }
0x39: {  	v0 =	vand.u32 $0x3, v0;
	v1 =	vor.u32 v2, v1  }
0x3a: {  	v0 =	vor.u32 v0, v1  }
0x3b: {  	[tilespmem:s21+$0x0] =	vst v0;
	s21 =	sshra.s32 s22, $0x2;
	s22 =	sadd.s32 $0x40, s22  }
0x3c: {  	v0 =	vld [tilespmem:s21+$0x0];
	_ =	sdelay $0x4  }
0x3d: {  	v1 =	vshll.u32 v0, $0x2  }
0x3e: {  	v2 =	vand.u32 $0xFFFF8000, v0;
	v0 =	vshrl.u32 v0, $0xD;
	v1 =	vand.u32 $0x7FFC, v1  }
0x3f: {  	v0 =	vand.u32 $0x3, v0;
	v1 =	vor.u32 v2, v1  }
0x40: {  	v0 =	vor.u32 v0, v1  }
0x41: {  	s22 =	rddreg [dreg:$0x5];
	[tilespmem:s21+$0x0] =	vst v0;
	s21 =	simm.s32 $0x0  }
0x42: {  	[tilespmem:s13], [sflag:$0x1] =	stream.indirect.gather [hbm4b:s22+s12], $0x20, s21, s12, $0xb8;
	[tilespmem:$0x19100] =	vst v63  }
0x43: {  	s23 =	simm.s32 $0x1200  }
0x44: {  	[tilespmem:s23], [sflag:$0x1] =	stream.indirect.gather [hbm4b:s22+s12], $0x20, s12, s12, $0xb8;
	[tilespmem:$0x19100] =	vst v63  }
0x45: {  	s29 =	simm.s32 $0x2200;
	s24 =	simm.s32 $0x100  }
0x46: {  	[tilespmem:s29], [sflag:$0x1] =	stream.indirect.gather [hbm4b:s22+s12], $0x20, s24, s12, $0xb8;
	[tilespmem:$0x19100] =	vst v63  }
0x47: {  	s26 =	simm.s32 $0x180;
	s28 =	simm.s32 $0x3200  }
0x48: {  	[tilespmem:s28], [sflag:$0x1] =	stream.indirect.gather [hbm4b:s22+s12], $0x20, s26, s12, $0xb8;
	[tilespmem:$0x19100] =	vst v63  }
0x49: {  	s29 =	rddreg [dreg:$0x7]  }
0x4a: {  	[tilespmem:s18], [sflag:$0x4] =	stream.linear.gather [hbm4b:s29+s21], $0x500, $0x38;
	[tilespmem:$0x19100] =	vst v63  }
0x4b: {  	_ =	swait.ge [sflag:s11], $0x500  }
0x4c: {  	[sflag:s11] =	ssyncset.done $0x0  }
0x4d: {  	s22 =	simm.s32 $0x40;
	s21 =	simm.s32 $0x0;
	[sflag:s11] =	ssyncadd.s32 $0xFFFFFB00  }
.LBB2_4:
0x4e: {  	p0 =	sne.s32 s22, $0x13C0;
	v0 =	vld [tilespmem:s21+$0x4200];
	_ =	sdelay $0x4  }
.Ltmp1:
0x4f: {  	v1 =	vshll.u32 v0, $0x2;
	(pc) =	sbr.rel @p0 .LBB2_4-.Ltmp1, $4  }
0x50: {  	v2 =	vand.u32 $0xFFFF8000, v0;
	v0 =	vshrl.u32 v0, $0xD;
	v1 =	vand.u32 $0x7FFC, v1  }
0x51: {  	v0 =	vand.u32 $0x3, v0;
	v1 =	vor.u32 v2, v1  }
0x52: {  	v0 =	vor.u32 v0, v1  }
0x53: {  	[tilespmem:s21+$0x4200] =	vst v0;
	s21 =	sshra.s32 s22, $0x2;
	s22 =	sadd.s32 $0x40, s22  }
0x54: {  	v0 =	vld [tilespmem:s21+$0x4200];
	_ =	sdelay $0x4  }
0x55: {  	v1 =	vshll.u32 v0, $0x2  }
0x56: {  	v2 =	vand.u32 $0xFFFF8000, v0;
	v0 =	vshrl.u32 v0, $0xD;
	v1 =	vand.u32 $0x7FFC, v1  }
0x57: {  	v0 =	vand.u32 $0x3, v0;
	v1 =	vor.u32 v2, v1  }
0x58: {  	v0 =	vor.u32 v0, v1  }
0x59: {  	[tilespmem:s21+$0x4200] =	vst v0  }
0x5a: {  	[tilespmem:s19], [sflag:$0x2] =	stream.indirect.gather [hbm4b:s7+s12], $0x20, s18, s12, $0xb8;
	[tilespmem:$0x19100] =	vst v63  }
0x5b: {  	s26 =	simm.s32 $0x4280;
	s22 =	simm.s32 $0x5C00  }
0x5c: {  	[tilespmem:s22], [sflag:$0x2] =	stream.indirect.gather [hbm4b:s7+s12], $0x20, s26, s12, $0xb8;
	[tilespmem:$0x19100] =	vst v63  }
0x5d: {  	s28 =	simm.s32 $0x4300;
	s29 =	simm.s32 $0x6C00  }
0x5e: {  	[tilespmem:s29], [sflag:$0x2] =	stream.indirect.gather [hbm4b:s7+s12], $0x20, s28, s12, $0xb8;
	[tilespmem:$0x19100] =	vst v63  }
0x5f: {  	s23 =	simm.s32 $0x4380;
	s24 =	simm.s32 $0x7C00  }
0x60: {  	[tilespmem:s24], [sflag:$0x2] =	stream.indirect.gather [hbm4b:s7+s12], $0x20, s23, s12, $0xb8;
	[tilespmem:$0x19100] =	vst v63  }
0x61: {  	s26 =	simm.s32 $0x4400;
	s28 =	simm.s32 $0x8C00  }
0x62: {  	[tilespmem:s28], [sflag:$0x2] =	stream.indirect.gather [hbm4b:s7+s12], $0x20, s26, s12, $0xb8;
	[tilespmem:$0x19100] =	vst v63  }
0x63: {  	_ = 	snop  }
0x64: {  	[tilespmem:s31], [sflag:$0x2] =	stream.indirect.gather [hbm4b:s7+s12], $0x20, s30, s12, $0xb8;
	[tilespmem:$0x19100] =	vst v63  }
0x65: {  	_ = 	snop  }
0x66: {  	[tilespmem:s3], [sflag:$0x2] =	stream.indirect.gather [hbm4b:s7+s12], $0x20, s1, s12, $0xb8;
	[tilespmem:$0x19100] =	vst v63  }
0x67: {  	_ = 	snop  }
0x68: {  	[tilespmem:s15], [sflag:$0x2] =	stream.indirect.gather [hbm4b:s7+s12], $0x20, s14, s12, $0xb8;
	[tilespmem:$0x19100] =	vst v63  }
0x69: {  	_ = 	snop  }
0x6a: {  	[tilespmem:s17], [sflag:$0x2] =	stream.indirect.gather [hbm4b:s7+s12], $0x20, s16, s12, $0xb8;
	[tilespmem:$0x19100] =	vst v63  }
0x6b: {  	s29 =	simm.s32 $0x1  }
0x6c: {  	[tilespmem:s8], [sflag:$0x2] =	stream.indirect.gather [hbm4b:s7+s12], $0x20, s25, s12, $0xb8;
	[tilespmem:$0x19100] =	vst v63  }
0x6d: {  	_ =	swait.ge [sflag:s29], $0x1000  }
0x6e: {  	[sflag:s29] =	ssyncset.done $0x0  }
0x6f: {  	[sflag:s29] =	ssyncadd.s32 $0xFFFFF000  }
0x70: {  	_ =	swait.ge [sflag:s29], $0x1000  }
0x71: {  	[sflag:s29] =	ssyncset.done $0x0  }
0x72: {  	[sflag:s29] =	ssyncadd.s32 $0xFFFFF000  }
0x73: {  	_ =	swait.ge [sflag:s29], $0x1000  }
0x74: {  	[sflag:s29] =	ssyncset.done $0x0  }
0x75: {  	[sflag:s29] =	ssyncadd.s32 $0xFFFFF000  }
0x76: {  	_ =	swait.ge [sflag:s29], $0x1000  }
0x77: {  	[sflag:s29] =	ssyncset.done $0x0  }
0x78: {  	s21 =	simm.s32 $0x0;
	s22 =	simm.s32 $0x0;
	[sflag:s29] =	ssyncadd.s32 $0xFFFFF000  }
.LBB2_6:
0x79: {  	s24 =	sshllo.u32 s22, $0x1  }
0x7a: {  	s23 =	smul.u32 $0x500, s24;
	_ =	sdelay $0x1  }
0x7b: {  	s23 =	sadd.s32 s5, s23  }
0x7c: {  	s23 =	sshrl.u32 s23, $0x3  }
0x7d: {  	s26 =	sadd.s32 s0, s23  }
0x7e: {  	[tilespmem:s10], [sflag:$0x4] =	stream.linear.gather [hbm4b:s26+s21], $0x500, $0x38;
	[tilespmem:$0x19100] =	vst v63  }
0x7f: {  	_ =	swait.ge [sflag:s11], $0x500  }
0x80: {  	s28 =	simm.s32 $0x0;
	[sflag:s11] =	ssyncset.done $0x0  }
0x81: {  	s29 =	simm.s32 $0x40;
	s26 =	sshll.u32 s22, $0x1;
	[sflag:s11] =	ssyncadd.s32 $0xFFFFFB00  }
.LBB2_7:
0x82: {  	p0 =	sne.s32 s29, $0x13C0;
	v0 =	vld [tilespmem:s28+$0x4700];
	_ =	sdelay $0x4  }
.Ltmp2:
0x83: {  	v1 =	vshll.u32 v0, $0x2;
	(pc) =	sbr.rel @p0 .LBB2_7-.Ltmp2, $4  }
0x84: {  	v2 =	vand.u32 $0xFFFF8000, v0;
	v0 =	vshrl.u32 v0, $0xD;
	v1 =	vand.u32 $0x7FFC, v1  }
0x85: {  	v0 =	vand.u32 $0x3, v0;
	v1 =	vor.u32 v2, v1  }
0x86: {  	v0 =	vor.u32 v0, v1  }
0x87: {  	[tilespmem:s28+$0x4700] =	vst v0;
	s28 =	sshra.s32 s29, $0x2;
	s29 =	sadd.s32 $0x40, s29  }
0x88: {  	v0 =	vld [tilespmem:s28+$0x4700];
	_ =	sdelay $0x4  }
0x89: {  	v1 =	vshll.u32 v0, $0x2  }
0x8a: {  	v2 =	vand.u32 $0xFFFF8000, v0;
	v0 =	vshrl.u32 v0, $0xD;
	v1 =	vand.u32 $0x7FFC, v1  }
0x8b: {  	v0 =	vand.u32 $0x3, v0;
	v1 =	vor.u32 v2, v1  }
0x8c: {  	v0 =	vor.u32 v0, v1  }
0x8d: {  	[tilespmem:s28+$0x4700] =	vst v0  }
0x8e: {  	[tilespmem:s6], [sflag:$0x3] =	stream.indirect.gather [hbm4b:s7+s12], $0x20, s10, s12, $0xb8;
	[tilespmem:$0x19100] =	vst v63  }
0x8f: {  	s29 =	simm.s32 $0xFC00;
	s28 =	simm.s32 $0x4780  }
0x90: {  	[tilespmem:s29], [sflag:$0x3] =	stream.indirect.gather [hbm4b:s7+s12], $0x20, s28, s12, $0xb8;
	[tilespmem:$0x19100] =	vst v63  }
0x91: {  	s28 =	simm.s32 $0x4800;
	s29 =	simm.s32 $0x10C00  }
0x92: {  	[tilespmem:s29], [sflag:$0x3] =	stream.indirect.gather [hbm4b:s7+s12], $0x20, s28, s12, $0xb8;
	[tilespmem:$0x19100] =	vst v63  }
0x93: {  	s28 =	simm.s32 $0x4880;
	s29 =	simm.s32 $0x11C00  }
0x94: {  	[tilespmem:s29], [sflag:$0x3] =	stream.indirect.gather [hbm4b:s7+s12], $0x20, s28, s12, $0xb8;
	[tilespmem:$0x19100] =	vst v63  }
0x95: {  	s28 =	simm.s32 $0x4900;
	s29 =	simm.s32 $0x12C00  }
0x96: {  	[tilespmem:s29], [sflag:$0x3] =	stream.indirect.gather [hbm4b:s7+s12], $0x20, s28, s12, $0xb8;
	[tilespmem:$0x19100] =	vst v63  }
0x97: {  	s28 =	simm.s32 $0x4980;
	s29 =	simm.s32 $0x13C00  }
0x98: {  	[tilespmem:s29], [sflag:$0x3] =	stream.indirect.gather [hbm4b:s7+s12], $0x20, s28, s12, $0xb8;
	[tilespmem:$0x19100] =	vst v63  }
0x99: {  	s28 =	simm.s32 $0x4A00;
	s29 =	simm.s32 $0x14C00  }
0x9a: {  	[tilespmem:s29], [sflag:$0x3] =	stream.indirect.gather [hbm4b:s7+s12], $0x20, s28, s12, $0xb8;
	[tilespmem:$0x19100] =	vst v63  }
0x9b: {  	s28 =	simm.s32 $0x4A80;
	s29 =	simm.s32 $0x15C00  }
0x9c: {  	[tilespmem:s29], [sflag:$0x3] =	stream.indirect.gather [hbm4b:s7+s12], $0x20, s28, s12, $0xb8;
	[tilespmem:$0x19100] =	vst v63  }
0x9d: {  	s28 =	simm.s32 $0x4B00;
	s29 =	simm.s32 $0x16C00  }
0x9e: {  	[tilespmem:s29], [sflag:$0x3] =	stream.indirect.gather [hbm4b:s7+s12], $0x20, s28, s12, $0xb8;
	[tilespmem:$0x19100] =	vst v63  }
0x9f: {  	s28 =	simm.s32 $0x4B80;
	s29 =	simm.s32 $0x17C00  }
0xa0: {  	[tilespmem:s29], [sflag:$0x3] =	stream.indirect.gather [hbm4b:s7+s12], $0x20, s28, s12, $0xb8;
	[tilespmem:$0x19100] =	vst v63  }
0xa1: {  	_ =	swait.ge [sflag:s9], $0x1000  }
0xa2: {  	[sflag:s9] =	ssyncset.done $0x0  }
0xa3: {  	[sflag:s9] =	ssyncadd.s32 $0xFFFFF000  }
0xa4: {  	_ =	swait.ge [sflag:s9], $0x1000  }
0xa5: {  	[sflag:s9] =	ssyncset.done $0x0  }
0xa6: {  	[sflag:s9] =	ssyncadd.s32 $0xFFFFF000  }
0xa7: {  	_ =	swait.ge [sflag:s9], $0x1000  }
0xa8: {  	[sflag:s9] =	ssyncset.done $0x0  }
0xa9: {  	[sflag:s9] =	ssyncadd.s32 $0xFFFFF000  }
0xaa: {  	_ =	swait.ge [sflag:s9], $0x1000  }
0xab: {  	[sflag:s9] =	ssyncset.done $0x0  }
0xac: {  	[sflag:s9] =	ssyncadd.s32 $0xFFFFF000  }
0xad: {  	_ =	swait.ge [sflag:s9], $0x1000  }
0xae: {  	[sflag:s9] =	ssyncset.done $0x0  }
0xaf: {  	[sflag:s9] =	ssyncadd.s32 $0xFFFFF000  }
0xb0: {  	_ =	swait.ge [sflag:s9], $0x1000  }
0xb1: {  	[sflag:s9] =	ssyncset.done $0x0  }
0xb2: {  	[sflag:s9] =	ssyncadd.s32 $0xFFFFF000  }
0xb3: {  	_ =	swait.ge [sflag:s9], $0x1000  }
0xb4: {  	[sflag:s9] =	ssyncset.done $0x0  }
0xb5: {  	[sflag:s9] =	ssyncadd.s32 $0xFFFFF000  }
0xb6: {  	_ =	swait.ge [sflag:s9], $0x1000  }
0xb7: {  	[sflag:s9] =	ssyncset.done $0x0  }
0xb8: {  	[sflag:s9] =	ssyncadd.s32 $0xFFFFF000  }
0xb9: {  	_ =	swait.ge [sflag:s9], $0x1000  }
0xba: {  	v0 =	vld [tilespmem:$0x1FFF0];
	_ =	sdelay $0x1  }
0xbb: {  	s28 =	simm.s32 $0x0  }
0xbc: {  	v4 =	vor.u32 s28, v24  }
0xbd: {  	v23 =	vshll.u32 v4, $0x5  }
0xbe: {  	[sflag:s9] =	ssyncset.done $0x0;
	v1 =	vld [tilespmem:$0x1FF50];
	v0 =	vor.u32 v0, v23  }
0xbf: {  	[sflag:s9] =	ssyncadd.s32 $0xFFFFF000  }
0xc0: {  	_ =	swait.ge [sflag:s9], $0x1000  }
0xc1: {  	[sflag:s9] =	ssyncset.done $0x0  }
0xc2: {  	v35 =	vld [tilespmem:$0x1FF80];
	[sflag:s9] =	ssyncadd.s32 $0xFFFFF000  }
0xc3: {  	v1 =	vor.u32 v1, v23;
	v0 =	vld.idx.msk [tilespmem:v0+s19+$0x0], $0xffff;
	_ =	sdelay $0x4  }
0xc4: {  	v7 =	vor.u32 v35, v23;
	[tilespmem:$0x1FBB0] =	vst v0;
	v0 =	vld.idx.msk [tilespmem:v1+s19+$0x0], $0xffff;
	_ =	sdelay $0x2  }
0xc5: {  	v11 =	vmul.u32 $0xCCD, v4  }
0xc6: {  	s28 =	sshll.u32 s22, $0x7  }
0xc7: {  	v4 =	vld.idx.msk [tilespmem:v7+s19+$0x0], $0xffff;
	v7 =	vshrl.u32 v11, $0x10;
	[tilespmem:$0x1FB70] =	vst v0;
	v0 =	vmov s28  }
0xc8: {  	[tilespmem:$0x1FC90] =	vst v0;
	v7 =	vor.u32 v0, v7;
	v0 =	vld [tilespmem:$0x1FFD0];
	_ =	sdelay $0x4  }
0xc9: {  	v0 =	vor.u32 v0, v23  }
0xca: {  	[tilespmem:$0x1FB90] =	vst v0;
	v0 =	vld [tilespmem:$0x1FFA0]  }
0xcb: {  	v39 =	vld [tilespmem:$0x1FF20]  }
0xcc: {  	v8 =	vor.u32 v42, v23;
	v37 =	vld [tilespmem:$0x1FF90]  }
0xcd: {  	v9 =	vor.u32 v59, v23;
	v27 =	vld [tilespmem:$0x1FF00]  }
0xce: {  	v10 =	vor.u32 v53, v23;
	v36 =	vld [tilespmem:$0x1FFB0]  }
0xcf: {  	v12 =	vor.u32 v58, v23;
	v16 =	vld [tilespmem:$0x1FF40];
	v0 =	vor.u32 v0, v23  }
0xd0: {  	[tilespmem:$0x1FB80] =	vst v0;
	v0 =	vld [tilespmem:$0x1FF10]  }
0xd1: {  	v49 =	vld.idx.msk [tilespmem:v8+s19+$0x0], $0xffff  }
0xd2: {  	v41 =	vld.idx.msk [tilespmem:v9+s19+$0x0], $0xffff  }
0xd3: {  	v13 =	vor.u32 v45, v23;
	v54 =	vld.idx.msk [tilespmem:v10+s19+$0x0], $0xffff  }
0xd4: {  	v15 =	vor.u32 v48, v23;
	v56 =	vld.idx.msk [tilespmem:v12+s19+$0x0], $0xffff;
	v22 =	vshll.u32 v7, $0x5  }
0xd5: {  	v17 =	vor.u32 v24, v23;
	v21 =	vor.u32 v0, v23;
	v47 =	vor.u32 v0, v22;
	v0 =	vld [tilespmem:$0x1FE30]  }
0xd6: {  	v12 =	vld [tilespmem:$0x1FF70]  }
0xd7: {  	v60 =	vor.u32 v43, v23;
	v10 =	vld [tilespmem:$0x1FF60]  }
0xd8: {  	v63 =	vld.idx.msk [tilespmem:v13+s19+$0x0], $0xffff;
	v13 =	vor.u32 v26, v23  }
0xd9: {  	v18 =	vor.u32 v40, v23;
	v55 =	vld.idx.msk [tilespmem:v15+s19+$0x0], $0xffff  }
0xda: {  	v15 =	vld.idx.msk [tilespmem:v17+s19+$0x0], $0xffff;
	v3 =	vor.u32 v37, v23;
	v26 =	vor.u32 v0, v22;
	v0 =	vlaneseq.u32  }
0xdb: {  	v8 =	vor.u32 v29, v23;
	v29 =	vor.u32 v0, v22;
	v0 =	vld [tilespmem:$0x1FE50]  }
0xdc: {  	v43 =	vld.idx.msk [tilespmem:v60+s19+$0x0], $0xffff;
	v5 =	vor.u32 v27, v23  }
0xdd: {  	v17 =	vld.idx.msk [tilespmem:v13+s19+$0x0], $0xffff  }
0xde: {  	v13 =	vld.idx.msk [tilespmem:v18+s19+$0x0], $0xffff  }
0xdf: {  	v28 =	vld.idx.msk [tilespmem:v3+s19+$0x0], $0xffff  }
0xe0: {  	v18 =	vor.u32 v40, v22;
	v40 =	vor.u32 v0, v22;
	v0 =	vld [tilespmem:$0x1FE70]  }
0xe1: {  	v2 =	vor.u32 v39, v23;
	v14 =	vld.idx.msk [tilespmem:v5+s19+$0x0], $0xffff  }
0xe2: {  	v6 =	vor.u32 v36, v23;
	v3 =	vld [tilespmem:$0x1FE10]  }
0xe3: {  	v5 =	vld [tilespmem:$0x1FED0]  }
0xe4: {  	v24 =	vor.u32 v25, v23;
	v62 =	vld.idx.msk [tilespmem:v8+s19+$0x0], $0xffff  }
0xe5: {  	v45 =	vor.u32 v0, v22;
	v0 =	vld [tilespmem:$0x1FE60]  }
0xe6: {  	v20 =	vld.idx.msk [tilespmem:v2+s19+$0x0], $0xffff;
	v11 =	vor.u32 v32, v23  }
0xe7: {  	v33 =	vor.u32 v31, v23;
	[tilespmem:$0x1FC10] =	vst v54;
	v8 =	vmov v31;
	v6 =	vld.idx.msk [tilespmem:v6+s19+$0x0], $0xffff;
	v1 =	vor.u32 v12, v23  }
0xe8: {  	[tilespmem:$0x1FB60] =	vst v1;
	v1 =	vld [tilespmem:$0x1FE20];
	v9 =	vor.u32 v3, v23;
	v31 =	vor.u32 v5, v23;
	v48 =	vor.u32 v39, v22  }
0xe9: {  	v2 =	vld.idx.msk [tilespmem:v24+s19+$0x0], $0xffff;
	v39 =	vor.u32 v36, v22;
	v36 =	vor.u32 v42, v22;
	v42 =	vor.u32 v53, v22  }
0xea: {  	[tilespmem:$0x1FBA0] =	vst v56;
	v53 =	vmul.f32 v54, v54;
	v54 =	vmul.f32 v56, v56;
	v56 =	vor.u32 v0, v22;
	v0 =	vld [tilespmem:$0x1FE90]  }
0xeb: {  	v52 =	vmul.f32 v49, v49;
	v11 =	vld.idx.msk [tilespmem:v11+s19+$0x0], $0xffff;
	v19 =	vor.u32 v3, v22  }
0xec: {  	[tilespmem:$0x1FC30] =	vst v49;
	v49 =	vmul.f32 v55, v55;
	v61 =	vmul.f32 v15, v15;
	v7 =	vld [tilespmem:$0x1FF30]  }
0xed: {  	v57 =	vld.idx.msk [tilespmem:v9+s19+$0x0], $0xffff;
	v44 =	vor.u32 v27, v22;
	v27 =	vor.u32 v1, v22  }
0xee: {  	[tilespmem:$0x1FBD0] =	vst v55;
	v49 =	vadd.f32 v49, v61;
	v55 =	vmul.f32 v13, v13;
	v1 =	vld.idx.msk [tilespmem:v31+s19+$0x0], $0xffff  }
0xef: {  	[tilespmem:$0x1FBF0] =	vst v62;
	v58 =	vor.u32 v0, v22;
	v0 =	vld [tilespmem:$0x1FE80]  }
0xf0: {  	v60 =	vmul.f32 v62, v62;
	v49 =	vadd.f32 v55, v49;
	v62 =	vmul.f32 v11, v11;
	v9 =	vld.idx.msk [tilespmem:v19+s13+$0x0], $0xffff  }
0xf1: {  	v38 =	vor.u32 v16, v23;
	v19 =	vld.idx.msk [tilespmem:v26+s13+$0x0], $0xffff  }
0xf2: {  	v61 =	vmul.f32 v63, v63;
	v50 =	vor.u32 v37, v22;
	v62 =	vadd.f32 v62, v49;
	v26 =	vld.idx.msk [tilespmem:v27+s13+$0x0], $0xffff  }
0xf3: {  	[tilespmem:$0x1FBC0] =	vst v57;
	v27 =	vld.idx.msk [tilespmem:v29+s13+$0x0], $0xffff;
	v29 =	vmul.f32 v57, v57;
	v57 =	vmul.f32 v17, v17  }
0xf4: {  	[tilespmem:$0x1FC00] =	vst v13;
	v37 =	vor.u32 v25, v22;
	v54 =	vadd.f32 v54, v62;
	v59 =	vor.u32 v0, v22;
	v0 =	vld [tilespmem:$0x1FEB0]  }
0xf5: {  	v51 =	vor.u32 v8, v22;
	v32 =	vor.u32 v7, v23;
	v13 =	vld.idx.msk [tilespmem:v18+s13+$0x0], $0xffff;
	v57 =	vadd.f32 v29, v57  }
0xf6: {  	v8 =	vmovc v41;
	v18 =	vmov v63;
	v63 =	vmul.f32 v43, v43;
	v53 =	vadd.f32 v53, v54;
	v29 =	vld.idx.msk [tilespmem:v40+s13+$0x0], $0xffff  }
0xf7: {  	v31 =	vmul.f32 v9, v9;
	v55 =	vmul.f32 v19, v19;
	v57 =	vadd.f32 v60, v57;
	v45 =	vld.idx.msk [tilespmem:v45+s13+$0x0], $0xffff  }
0xf8: {  	v62 =	vor.u32 v5, v22;
	v60 =	vmul.f32 v26, v26;
	v40 =	vld.idx.msk [tilespmem:v56+s13+$0x0], $0xffff;
	v56 =	vmul.f32 v27, v27  }
0xf9: {  	v37 =	vld.idx.msk [tilespmem:v37+s13+$0x0], $0xffff;
	v52 =	vadd.f32 v52, v53;
	v57 =	vadd.f32 v61, v57;
	v61 =	vor.u32 v0, v22  }
0xfa: {  	v55 =	vadd.f32 v55, v56;
	v56 =	vadd.f32 v31, v60;
	v31 =	vmul.f32 v13, v13;
	v58 =	vld.idx.msk [tilespmem:v58+s13+$0x0], $0xffff  }
0xfb: {  	v57 =	vadd.f32 v63, v57;
	v60 =	vmul.f32 v41, v41;
	v41 =	vmul.f32 v29, v29;
	v49 =	vld.idx.msk [tilespmem:v59+s13+$0x0], $0xffff  }
0xfc: {  	v53 =	vmul.f32 v2, v2;
	v54 =	vmul.f32 v45, v45;
	v55 =	vadd.f32 v31, v55;
	v31 =	vld.idx.msk [tilespmem:v42+s13+$0x0], $0xffff  }
0xfd: {  	v42 =	vadd.f32 v41, v56;
	v57 =	vadd.f32 v60, v57;
	v60 =	vld.idx.msk [tilespmem:v33+s19+$0x0], $0xffff;
	v41 =	vmul.f32 v1, v1  }
0xfe: {  	v52 =	vadd.f32 v53, v52;
	v63 =	vor.u32 v35, v22;
	v35 =	vmul.f32 v40, v40;
	v59 =	vld.idx.msk [tilespmem:v61+s13+$0x0], $0xffff  }
0xff: {  	v46 =	vor.u32 v10, v23;
	v33 =	vld.idx.msk [tilespmem:v36+s13+$0x0], $0xffff;
	v54 =	vadd.f32 v54, v42;
	v57 =	vadd.f32 v41, v57  }
0x100: {  	v42 =	vld.idx.msk [tilespmem:v62+s13+$0x0], $0xffff;
	v55 =	vadd.f32 v35, v55;
	v56 =	vmul.f32 v58, v58;
	v0 =	vmul.f32 v49, v49  }
0x101: {  	v25 =	vld.idx.msk [tilespmem:v21+s19+$0x0], $0xffff;
	v62 =	vor.u32 v16, v22;
	v35 =	vmul.f32 v4, v4;
	v41 =	vmul.f32 v31, v31  }
0x102: {  	v39 =	vld.idx.msk [tilespmem:v39+s13+$0x0], $0xffff;
	v54 =	vadd.f32 v56, v54;
	v56 =	vmul.f32 v6, v6;
	v0 =	vadd.f32 v0, v55  }
0x103: {  	v32 =	vld.idx.msk [tilespmem:v32+s19+$0x0], $0xffff;
	v57 =	vadd.f32 v35, v57;
	v35 =	vmul.f32 v60, v60;
	v53 =	vmul.f32 v59, v59  }
0x104: {  	[tilespmem:$0x1FC20] =	vst v1;
	v1 =	vld [tilespmem:$0x1FB60];
	v52 =	vadd.f32 v56, v52;
	v55 =	vmul.f32 v14, v14;
	v0 =	vadd.f32 v41, v0  }
0x105: {  	v30 =	vld [tilespmem:$0x1FFE0];
	v41 =	vmul.f32 v42, v42;
	v53 =	vadd.f32 v53, v54;
	v54 =	vmul.f32 v33, v33  }
0x106: {  	v44 =	vld.idx.msk [tilespmem:v44+s13+$0x0], $0xffff;
	v57 =	vadd.f32 v35, v57;
	v35 =	vmul.f32 v25, v25;
	v52 =	vadd.f32 v55, v52  }
0x107: {  	v16 =	vld [tilespmem:$0x1FFC0];
	v0 =	vadd.f32 v54, v0;
	v53 =	vadd.f32 v41, v53;
	v41 =	vmul.f32 v37, v37  }
0x108: {  	v52 =	vadd.f32 v35, v52  }
0x109: {  	v35 =	vmul.f32 v32, v32;
	v0 =	vadd.f32 v41, v0;
	v41 =	vmul.f32 v39, v39  }
0x10a: {  	v5 =	vld.idx.msk [tilespmem:v46+s19+$0x0], $0xffff  }
0x10b: {  	v46 =	vld.idx.msk [tilespmem:v47+s13+$0x0], $0xffff;
	v52 =	vadd.f32 v35, v52;
	v35 =	vmul.f32 v44, v44;
	v0 =	vadd.f32 v41, v0  }
0x10c: {  	v34 =	vor.u32 v30, v23;
	v47 =	vor.u32 v16, v23;
	v23 =	vld.idx.msk [tilespmem:v1+s19+$0x0], $0xffff  }
0x10d: {  	v1 =	vadd.f32 v35, v0;
	v0 =	vld [tilespmem:$0x1FB80];
	_ =	sdelay $0x1  }
0x10e: {  	v36 =	vld.idx.msk [tilespmem:v63+s13+$0x0], $0xffff  }
0x10f: {  	v51 =	vld.idx.msk [tilespmem:v51+s13+$0x0], $0xffff  }
0x110: {  	v38 =	vld.idx.msk [tilespmem:v38+s19+$0x0], $0xffff  }
0x111: {  	v61 =	vmul.f32 v28, v28;
	_ =	sdelay $0x1  }
0x112: {  	v57 =	vadd.f32 v61, v57;
	v61 =	vmul.f32 v20, v20;
	v54 =	vmul.f32 v36, v36  }
0x113: {  	v63 =	vmul.f32 v51, v51;
	v35 =	vld.idx.msk [tilespmem:v0+s19+$0x0], $0xffff  }
0x114: {  	v55 =	vadd.f32 v61, v57;
	v53 =	vadd.f32 v54, v53;
	v41 =	vmul.f32 v38, v38;
	v0 =	vld [tilespmem:$0x1FF50];
	_ =	sdelay $0x1  }
0x115: {  	v50 =	vld.idx.msk [tilespmem:v50+s13+$0x0], $0xffff;
	v53 =	vadd.f32 v63, v53;
	v63 =	vmul.f32 v5, v5;
	v41 =	vadd.f32 v41, v55  }
0x116: {  	[tilespmem:$0x1FBE0] =	vst v19;
	v19 =	vld [tilespmem:$0x1FB70]  }
0x117: {  	v48 =	vld.idx.msk [tilespmem:v48+s13+$0x0], $0xffff;
	v41 =	vadd.f32 v63, v41;
	v63 =	vmul.f32 v46, v46  }
0x118: {  	v57 =	vor.u32 v0, v22;
	v0 =	vld [tilespmem:$0x1FFF0]  }
0x119: {  	[tilespmem:$0x1FC40] =	vst v4;
	v54 =	vor.u32 v7, v22;
	v4 =	vadd.f32 v63, v1;
	v1 =	vld [tilespmem:$0x1FB90]  }
0x11a: {  	v61 =	vmul.f32 v50, v50  }
0x11b: {  	v55 =	vmul.f32 v19, v19  }
0x11c: {  	v24 =	vld [tilespmem:$0x1FFD0];
	v53 =	vadd.f32 v61, v53  }
0x11d: {  	v52 =	vadd.f32 v55, v52;
	v55 =	vld.idx.msk [tilespmem:v62+s13+$0x0], $0xffff;
	v62 =	vor.u32 v0, v22;
	v0 =	vmul.f32 v48, v48  }
0x11e: {  	v61 =	vor.u32 v10, v22;
	v54 =	vld.idx.msk [tilespmem:v54+s13+$0x0], $0xffff  }
0x11f: {  	[tilespmem:$0x1FC50] =	vst v2;
	v2 =	vadd.f32 v0, v53;
	v0 =	vld [tilespmem:$0x1FFA0];
	_ =	sdelay $0x1  }
0x120: {  	v56 =	vmul.f32 v50, v28;
	v28 =	vld.idx.msk [tilespmem:v1+s19+$0x0], $0xffff;
	v1 =	vmul.f32 v23, v23;
	_ =	sdelay $0x1  }
0x121: {  	v51 =	vmul.f32 v51, v60;
	v60 =	vor.u32 v24, v22;
	v3 =	vadd.f32 v1, v52;
	v52 =	vld.idx.msk [tilespmem:v61+s13+$0x0], $0xffff  }
0x122: {  	v50 =	vmul.f32 v35, v35;
	v53 =	vld.idx.msk [tilespmem:v57+s13+$0x0], $0xffff;
	v57 =	vor.u32 v0, v22;
	v0 =	vmul.f32 v54, v54  }
0x123: {  	v34 =	vld.idx.msk [tilespmem:v34+s19+$0x0], $0xffff;
	[tilespmem:$0x1FC80] =	vst v20  }
0x124: {  	v20 =	vld.idx.msk [tilespmem:v47+s19+$0x0], $0xffff;
	v41 =	vadd.f32 v50, v41;
	v0 =	vadd.f32 v0, v4;
	v4 =	vmul.f32 v28, v28  }
0x125: {  	v63 =	vor.u32 v12, v22;
	v12 =	vmul.f32 v45, v18;
	v18 =	vld [tilespmem:$0x1FBB0]  }
0x126: {  	v4 =	vadd.f32 v4, v41;
	v41 =	vld.idx.msk [tilespmem:v60+s13+$0x0], $0xffff  }
0x127: {  	v60 =	vmul.f32 v52, v5;
	v5 =	vld [tilespmem:$0x1FBA0];
	_ =	sdelay $0x2  }
0x128: {  	v50 =	vmul.f32 v20, v20  }
0x129: {  	v45 =	vmul.f32 v18, v18  }
0x12a: {  	[tilespmem:$0x1FC70] =	vst v14;
	v3 =	vadd.f32 v50, v3;
	v14 =	vmul.f32 v49, v5;
	v49 =	vmul.f32 v34, v34;
	_ =	sdelay $0x1  }
0x12b: {  	v7 =	vld [tilespmem:$0x1FBE0];
	v4 =	vadd.f32 v45, v4;
	v3 =	vadd.f32 v49, v3  }
0x12c: {  	v5 =	vld [tilespmem:$0x1FBD0]  }
0x12d: {  	v3 =	vadd.f32 v4, v3;
	v4 =	vld [tilespmem:$0x1FBC0];
	_ =	sdelay $0x4  }
0x12e: {  	v4 =	vmul.f32 v9, v4;
	v9 =	vmul.f32 v7, v5;
	v5 =	vld [tilespmem:$0x1FBF0];
	_ =	sdelay $0x4  }
0x12f: {  	[tilespmem:$0x1FC60] =	vst v6;
	v6 =	vmul.f32 v59, v8;
	v8 =	vmul.f32 v29, v5;
	v5 =	vld [tilespmem:$0x1FC00]  }
0x130: {  	v15 =	vmul.f32 v27, v15;
	_ =	sdelay $0x1  }
0x131: {  	v10 =	vadd.f32 $0.0e+00, v15;
	_ =	sdelay $0x1  }
0x132: {  	v9 =	vadd.f32 v9, v10;
	v10 =	vmul.f32 v13, v5;
	v5 =	vld [tilespmem:$0x1FC10]  }
0x133: {  	v1 =	vmul.f32 v55, v55  }
0x134: {  	v47 =	vor.u32 v30, v22;
	v22 =	vor.u32 v16, v22  }
0x135: {  	v17 =	vmul.f32 v26, v17;
	v1 =	vadd.f32 v1, v2;
	v2 =	vld.idx.msk [tilespmem:v63+s13+$0x0], $0xffff  }
0x136: {  	v57 =	vld.idx.msk [tilespmem:v57+s13+$0x0], $0xffff  }
0x137: {  	v15 =	vadd.f32 $0.0e+00, v17;
	v7 =	vmul.f32 v31, v5;
	v5 =	vld [tilespmem:$0x1FC20]  }
0x138: {  	v11 =	vmul.f32 v40, v11;
	v50 =	vmul.f32 v53, v53;
	v9 =	vadd.f32 v10, v9  }
0x139: {  	v52 =	vmul.f32 v52, v52;
	v22 =	vld.idx.msk [tilespmem:v22+s13+$0x0], $0xffff;
	v4 =	vadd.f32 v4, v15  }
0x13a: {  	v47 =	vld.idx.msk [tilespmem:v47+s13+$0x0], $0xffff;
	v0 =	vadd.f32 v50, v0;
	v50 =	vmul.f32 v2, v2;
	v9 =	vadd.f32 v11, v9  }
0x13b: {  	v62 =	vld.idx.msk [tilespmem:v62+s13+$0x0], $0xffff;
	v1 =	vadd.f32 v52, v1;
	v35 =	vmul.f32 v57, v35;
	v4 =	vadd.f32 v8, v4  }
0x13c: {  	v57 =	vmul.f32 v57, v57;
	v9 =	vadd.f32 v14, v9;
	v14 =	vmul.f32 v42, v5;
	v5 =	vld [tilespmem:$0x1FC30]  }
0x13d: {  	v43 =	vmul.f32 v58, v43;
	v4 =	vadd.f32 v12, v4  }
0x13e: {  	v0 =	vadd.f32 v50, v0;
	v1 =	vadd.f32 v57, v1;
	v57 =	vmul.f32 v22, v22  }
0x13f: {  	v50 =	vmul.f32 v41, v41;
	v4 =	vadd.f32 v43, v4  }
0x140: {  	v40 =	vmul.f32 v47, v47;
	v49 =	vmul.f32 v62, v62;
	v0 =	vadd.f32 v57, v0  }
0x141: {  	v1 =	vadd.f32 v50, v1;
	v4 =	vadd.f32 v6, v4;
	v6 =	vmul.f32 v33, v5;
	v5 =	vld [tilespmem:$0x1FC40];
	_ =	sdelay $0x1  }
0x142: {  	v0 =	vadd.f32 v40, v0;
	v1 =	vadd.f32 v49, v1  }
0x143: {  	v7 =	vadd.f32 v7, v9  }
0x144: {  	v0 =	vadd.f32 v1, v0;
	v1 =	vshra.s32 v3, $0x1  }
0x145: {  	v4 =	vadd.f32 v14, v4;
	v6 =	vadd.f32 v6, v7;
	v7 =	vld [tilespmem:$0x1FC50];
	v5 =	vmul.f32 v36, v5  }
0x146: {  	v1 =	vsub.s32 $0x5F3759DF, v1;
	v13 =	vmul.f32 $5.000000000e-01, v3  }
0x147: {  	v8 =	vshra.s32 v0, $0x1;
	v10 =	vmul.f32 $5.000000000e-01, v0;
	v4 =	vadd.f32 v5, v4;
	v5 =	vld [tilespmem:$0x1FC60]  }
0x148: {  	v8 =	vsub.s32 $0x5F3759DF, v8;
	v15 =	vmul.f32 v1, v13  }
0x149: {  	v11 =	vmul.f32 v8, v10  }
0x14a: {  	v12 =	vmul.f32 v1, v15;
	v7 =	vmul.f32 v37, v7  }
0x14b: {  	v11 =	vmul.f32 v8, v11  }
0x14c: {  	v12 =	vsub.f32 $1.500000000e+00, v12;
	v6 =	vadd.f32 v7, v6;
	v5 =	vmul.f32 v39, v5  }
0x14d: {  	v9 =	vsub.f32 $1.500000000e+00, v11;
	v11 =	vld [tilespmem:$0x1FC80]  }
0x14e: {  	v1 =	vmul.f32 v1, v12;
	v5 =	vadd.f32 v5, v6;
	v6 =	vld [tilespmem:$0x1FC70];
	_ =	sdelay $0x1  }
0x14f: {  	v8 =	vmul.f32 v8, v9;
	v9 =	vmul.f32 v1, v13;
	_ =	sdelay $0x1  }
0x150: {  	v9 =	vmul.f32 v9, v1;
	v7 =	vmul.f32 v8, v10;
	v4 =	vadd.f32 v51, v4  }
0x151: {  	v11 =	vmul.f32 v48, v11;
	v6 =	vmul.f32 v44, v6  }
0x152: {  	v9 =	vsub.f32 $1.500000000e+00, v9;
	v7 =	vmul.f32 v7, v8;
	v4 =	vadd.f32 v56, v4  }
0x153: {  	v12 =	vmul.f32 v55, v38;
	v5 =	vadd.f32 v6, v5;
	v6 =	vmul.f32 v46, v25  }
0x154: {  	v1 =	vmul.f32 v9, v1;
	v7 =	vsub.f32 $1.500000000e+00, v7;
	v4 =	vadd.f32 v11, v4  }
0x155: {  	v5 =	vadd.f32 v6, v5;
	v6 =	vmul.f32 v54, v32  }
0x156: {  	v7 =	vmul.f32 v7, v8;
	v8 =	vmul.f32 v1, v13;
	v4 =	vadd.f32 v12, v4  }
0x157: {  	v5 =	vadd.f32 v6, v5;
	v6 =	vmul.f32 v53, v19  }
0x158: {  	v9 =	vmul.f32 v7, v10;
	v8 =	vmul.f32 v8, v1;
	v4 =	vadd.f32 v60, v4  }
0x159: {  	v2 =	vmul.f32 v2, v23;
	v5 =	vadd.f32 v6, v5  }
0x15a: {  	v9 =	vmul.f32 v9, v7;
	v8 =	vsub.f32 $1.500000000e+00, v8;
	v4 =	vadd.f32 v35, v4  }
0x15b: {  	v6 =	vmul.f32 v41, v28;
	v2 =	vadd.f32 v2, v5;
	v5 =	vmul.f32 v22, v20  }
0x15c: {  	v11 =	vmul.f32 v62, v18;
	v10 =	vmul.f32 v47, v34;
	v9 =	vsub.f32 $1.500000000e+00, v9  }
0x15d: {  	v1 =	vmul.f32 v8, v1;
	v4 =	vadd.f32 v6, v4;
	v2 =	vadd.f32 v5, v2  }
0x15e: {  	v5 =	vmul.f32 v9, v7  }
0x15f: {  	v1 =	vmin.f32 v1, $1.000000000e+00;
	v4 =	vadd.f32 v11, v4;
	v2 =	vadd.f32 v10, v2  }
0x160: {  	v6 =	vmul.f32 v1, v1;
	v5 =	vmin.f32 v5, $1.000000000e+00  }
0x161: {  	v1 =	vmul.f32 v5, v1;
	v0 =	vmul.f32 v5, v0;
	v2 =	vadd.f32 v4, v2  }
0x162: {  	v3 =	vmul.f32 v6, v3  }
0x163: {  	v0 =	vmul.f32 v0, v5;
	v1 =	vmul.f32 v1, v2;
	_ =	sdelay $0x1  }
0x164: {  	v0 =	vadd.f32 v0, v3;
	v1 =	vadd.f32 v1, v1;
	_ =	sdelay $0x1  }
0x165: {  	v0 =	vsub.f32 v0, v1;
	_ =	sdelay $0x1  }
0x166: {  	v0 =	vmax.f32 v0, $0.0e+00  }
0x167: {  	v1 =	vshra.s32 v0, $0x1;
	v2 =	vmul.f32 $5.000000000e-01, v0  }
0x168: {  	v1 =	vsub.s32 $0x5F3759DF, v1  }
0x169: {  	v3 =	vmul.f32 v1, v2;
	_ =	sdelay $0x1  }
0x16a: {  	v3 =	vmul.f32 v1, v3;
	_ =	sdelay $0x1  }
0x16b: {  	v3 =	vsub.f32 $1.500000000e+00, v3;
	_ =	sdelay $0x1  }
0x16c: {  	v1 =	vmul.f32 v1, v3;
	_ =	sdelay $0x1  }
0x16d: {  	v3 =	vmul.f32 v1, v2;
	_ =	sdelay $0x1  }
0x16e: {  	v3 =	vmul.f32 v3, v1;
	_ =	sdelay $0x1  }
0x16f: {  	v3 =	vsub.f32 $1.500000000e+00, v3;
	_ =	sdelay $0x1  }
0x170: {  	v1 =	vmul.f32 v3, v1;
	_ =	sdelay $0x1  }
0x171: {  	v2 =	vmul.f32 v1, v2;
	_ =	sdelay $0x1  }
0x172: {  	v2 =	vmul.f32 v2, v1;
	_ =	sdelay $0x1  }
0x173: {  	v2 =	vsub.f32 $1.500000000e+00, v2  }
0x174: {  	v21 =	vld [tilespmem:$0x1FEC0]  }
0x175: {  	s28 =	simm.s32 $0x10;
	v26 =	vld [tilespmem:$0x1FE30];
	v50 =	vlaneseq.u32;
	v1 =	vmul.f32 v2, v1  }
0x176: {  	v58 =	vld [tilespmem:$0x1FE80];
	v3 =	vor.u32 s28, v50  }
0x177: {  	v4 =	vmul.u32 $0xCCD, v3;
	v6 =	vshll.u32 v3, $0x5;
	v3 =	vld [tilespmem:$0x1FC90];
	v0 =	vmul.f32 v1, v0  }
0x178: {  	v14 =	vld [tilespmem:$0x1FE60];
	s28 =	simm.s32 $0x18C00  }
0x179: {  	v9 =	vld [tilespmem:$0x1FF70];
	[tilespmem:s28+$0x0] =	vst v0;
	v0 =	vor.u32 v16, v6  }
0x17a: {  	v59 =	vld [tilespmem:$0x1FEB0]  }
0x17b: {  	v17 =	vld [tilespmem:$0x1FE10];
	v4 =	vshrl.u32 v4, $0x10  }
0x17c: {  	v61 =	vld [tilespmem:$0x1FEE0];
	v3 =	vor.u32 v3, v4  }
0x17d: {  	v39 =	vld [tilespmem:$0x1FF30];
	v2 =	vshll.u32 v3, $0x5  }
0x17e: {  	v35 =	vmov v14;
	v14 =	vmov v21;
	v21 =	vld.idx.msk [tilespmem:v0+s19+$0x0], $0xffff;
	v0 =	vor.u32 v9, v2  }
0x17f: {  	v63 =	vld [tilespmem:$0x1FEF0]  }
0x180: {  	v52 =	vld [tilespmem:$0x1FF00]  }
0x181: {  	v15 =	vld [tilespmem:$0x1FED0]  }
0x182: {  	v55 =	vld [tilespmem:$0x1FF10]  }
0x183: {  	v29 =	vld.idx.msk [tilespmem:v0+s13+$0x0], $0xffff;
	v0 =	vor.u32 v39, v6  }
0x184: {  	v37 =	vmov v17;
	v17 =	vld [tilespmem:$0x1FE50]  }
0x185: {  	v5 =	vld [tilespmem:$0x1FFF0]  }
0x186: {  	v51 =	vld [tilespmem:$0x1FF20]  }
0x187: {  	v47 =	vld [tilespmem:$0x1FE20]  }
0x188: {  	v40 =	vld.idx.msk [tilespmem:v0+s19+$0x0], $0xffff;
	v0 =	vor.u32 v63, v6  }
0x189: {  	v8 =	vld [tilespmem:$0x1FFA0]  }
0x18a: {  	v46 =	vld [tilespmem:$0x1FFB0];
	v4 =	vor.u32 v5, v6  }
0x18b: {  	v32 =	vld [tilespmem:$0x1FF90];
	v3 =	vor.u32 v30, v6  }
0x18c: {  	v11 =	vld [tilespmem:$0x1FF40];
	v1 =	vor.u32 v30, v2  }
0x18d: {  	v49 =	vld.idx.msk [tilespmem:v0+s19+$0x0], $0xffff  }
0x18e: {  	v0 =	vld [tilespmem:$0x1FE40]  }
0x18f: {  	v5 =	vor.u32 v5, v2;
	v54 =	vld.idx.msk [tilespmem:v4+s19+$0x0], $0xffff  }
0x190: {  	v18 =	vld.idx.msk [tilespmem:v3+s19+$0x0], $0xffff;
	v3 =	vor.u32 v16, v2  }
0x191: {  	v20 =	vld.idx.msk [tilespmem:v1+s13+$0x0], $0xffff  }
0x192: {  	v1 =	vor.u32 v9, v6;
	v9 =	vld [tilespmem:$0x1FF60]  }
0x193: {  	v4 =	vor.u32 v24, v2;
	v33 =	vor.u32 v0, v6;
	v0 =	vld [tilespmem:$0x1FE70]  }
0x194: {  	v7 =	vor.u32 v24, v6;
	v19 =	vld.idx.msk [tilespmem:v5+s13+$0x0], $0xffff  }
0x195: {  	v5 =	vor.u32 v8, v6;
	v23 =	vld.idx.msk [tilespmem:v3+s13+$0x0], $0xffff  }
0x196: {  	v12 =	vor.u32 v61, v6;
	v3 =	vld [tilespmem:$0x1FF50]  }
0x197: {  	v57 =	vmov v17;
	v53 =	vld [tilespmem:$0x1FEA0];
	v34 =	vor.u32 v17, v6  }
0x198: {  	v24 =	vld.idx.msk [tilespmem:v4+s13+$0x0], $0xffff;
	v4 =	vor.u32 v9, v6;
	v17 =	vor.u32 v0, v6;
	v0 =	vor.u32 v39, v2  }
0x199: {  	v22 =	vld.idx.msk [tilespmem:v7+s19+$0x0], $0xffff;
	v7 =	vor.u32 v8, v2;
	[tilespmem:$0x1FCA0] =	vst v0;
	v0 =	vmul.f32 v54, v54  }
0x19a: {  	v10 =	vld.idx.msk [tilespmem:v5+s19+$0x0], $0xffff;
	v5 =	vor.u32 v9, v2;
	v9 =	vor.u32 v11, v6  }
0x19b: {  	v12 =	vld.idx.msk [tilespmem:v12+s19+$0x0], $0xffff;
	v8 =	vor.u32 v3, v6;
	[tilespmem:$0x1FCB0] =	vst v0;
	v0 =	vmul.f32 v18, v18  }
0x19c: {  	v28 =	vld.idx.msk [tilespmem:v1+s19+$0x0], $0xffff;
	v1 =	vor.u32 v3, v2  }
0x19d: {  	v3 =	vld.idx.msk [tilespmem:v4+s19+$0x0], $0xffff;
	v4 =	vor.u32 v11, v2;
	[tilespmem:$0x1FCD0] =	vst v0;
	v0 =	vmul.f32 v19, v19  }
0x19e: {  	v7 =	vld.idx.msk [tilespmem:v7+s13+$0x0], $0xffff;
	[tilespmem:$0x1FCC0] =	vst v18;
	v11 =	vor.u32 v55, v6  }
0x19f: {  	v41 =	vmov v58;
	v58 =	vld.idx.msk [tilespmem:v9+s19+$0x0], $0xffff;
	v9 =	vor.u32 v52, v6;
	[tilespmem:$0x1FCF0] =	vst v0;
	v0 =	vmul.f32 v22, v22  }
0x1a0: {  	[tilespmem:$0x1FD00] =	vst v22;
	v30 =	vld.idx.msk [tilespmem:v8+s19+$0x0], $0xffff  }
0x1a1: {  	v8 =	vor.u32 v51, v6;
	v38 =	vld.idx.msk [tilespmem:v1+s13+$0x0], $0xffff;
	[tilespmem:$0x1FD10] =	vst v0;
	v0 =	vmul.f32 v20, v20  }
0x1a2: {  	[tilespmem:$0x1FCE0] =	vst v19;
	v43 =	vld.idx.msk [tilespmem:v4+s13+$0x0], $0xffff  }
0x1a3: {  	v1 =	vor.u32 v32, v6;
	v44 =	vld.idx.msk [tilespmem:v11+s19+$0x0], $0xffff;
	[tilespmem:$0x1FD30] =	vst v0;
	v0 =	vmul.f32 v21, v21  }
0x1a4: {  	v42 =	vmov v59;
	v13 =	vor.u32 v59, v6;
	[tilespmem:$0x1FD20] =	vst v20;
	v59 =	vld.idx.msk [tilespmem:v9+s19+$0x0], $0xffff  }
0x1a5: {  	v9 =	vld [tilespmem:$0x1FE90];
	[tilespmem:$0x1FD50] =	vst v0;
	v0 =	vmul.f32 v24, v24  }
0x1a6: {  	[tilespmem:$0x1FD40] =	vst v21;
	v4 =	vor.u32 v46, v6;
	v45 =	vld.idx.msk [tilespmem:v8+s19+$0x0], $0xffff  }
0x1a7: {  	v11 =	vor.u32 v14, v6;
	v8 =	vld [tilespmem:$0x1FF80];
	[tilespmem:$0x1FD70] =	vst v0;
	v0 =	vmul.f32 v10, v10  }
0x1a8: {  	[tilespmem:$0x1FD60] =	vst v24;
	v60 =	vld.idx.msk [tilespmem:v1+s19+$0x0], $0xffff;
	v1 =	vor.u32 v53, v6  }
0x1a9: {  	v15 =	vor.u32 v15, v6;
	v13 =	vld.idx.msk [tilespmem:v13+s19+$0x0], $0xffff;
	[tilespmem:$0x1FD80] =	vst v0;
	v0 =	vmul.f32 v23, v23  }
0x1aa: {  	[tilespmem:$0x1FD90] =	vst v23;
	v5 =	vld.idx.msk [tilespmem:v5+s13+$0x0], $0xffff;
	v9 =	vor.u32 v9, v6  }
0x1ab: {  	v25 =	vor.u32 v35, v6;
	v4 =	vld.idx.msk [tilespmem:v4+s19+$0x0], $0xffff;
	[tilespmem:$0x1FDA0] =	vst v0;
	v0 =	vmul.f32 v28, v28  }
0x1ac: {  	v31 =	vor.u32 v50, v6;
	v36 =	vor.u32 v47, v6;
	[tilespmem:$0x1FDB0] =	vst v28;
	v62 =	vld.idx.msk [tilespmem:v11+s19+$0x0], $0xffff  }
0x1ad: {  	v8 =	vor.u32 v8, v6;
	v1 =	vld.idx.msk [tilespmem:v1+s19+$0x0], $0xffff;
	[tilespmem:$0x1FDC0] =	vst v0;
	v0 =	vmul.f32 v7, v10  }
0x1ae: {  	v27 =	vor.u32 v26, v6;
	v16 =	vor.u32 v41, v6;
	[tilespmem:$0x1FDE0] =	vst v29;
	v39 =	vld.idx.msk [tilespmem:v15+s19+$0x0], $0xffff  }
0x1af: {  	v48 =	vmov v26;
	v26 =	vor.u32 v37, v6;
	v9 =	vld.idx.msk [tilespmem:v9+s19+$0x0], $0xffff;
	[tilespmem:$0x1FDD0] =	vst v0;
	v0 =	vmul.f32 v29, v29  }
0x1b0: {  	v15 =	vor.u32 v55, v2;
	v18 =	vor.u32 v51, v2;
	v19 =	vor.u32 v52, v2;
	v11 =	vld.idx.msk [tilespmem:v17+s19+$0x0], $0xffff  }
0x1b1: {  	v17 =	vmul.f32 v30, v30;
	v22 =	vor.u32 v63, v2;
	[tilespmem:$0x1FDF0] =	vst v0;
	v0 =	vmul.f32 v7, v7  }
0x1b2: {  	v8 =	vld.idx.msk [tilespmem:v8+s19+$0x0], $0xffff;
	v20 =	vor.u32 v32, v2;
	v21 =	vor.u32 v46, v2;
	v23 =	vor.u32 v61, v2  }
0x1b3: {  	s29 =	simm.s32 $0x20;
	v61 =	vmov v30;
	v28 =	vmov v1;
	v10 =	vld.idx.msk [tilespmem:v16+s19+$0x0], $0xffff;
	v16 =	vmul.f32 v3, v3;
	[tilespmem:$0x1FE00] =	vst v0  }
.LBB2_9:
0x1b4: {  	v0 =	vmul.f32 v5, v5;
	_ =	sdelay $0x1  }
0x1b5: {  	[tilespmem:$0x1FA70] =	vst v0;
	v0 =	vmul.f32 v5, v3;
	_ =	sdelay $0x1  }
0x1b6: {  	[tilespmem:$0x1FB40] =	vst v0;
	v0 =	vmul.f32 v58, v58;
	_ =	sdelay $0x1  }
0x1b7: {  	[tilespmem:$0x1FA40] =	vst v0;
	v0 =	vmul.f32 v38, v38  }
0x1b8: {  	v24 =	vld.idx.msk [tilespmem:v25+s19+$0x0], $0xffff  }
0x1b9: {  	v26 =	vld.idx.msk [tilespmem:v26+s19+$0x0], $0xffff;
	[tilespmem:$0x1FA60] =	vst v0;
	v0 =	vmul.f32 v43, v43  }
0x1ba: {  	v25 =	vld.idx.msk [tilespmem:v27+s19+$0x0], $0xffff  }
0x1bb: {  	[tilespmem:$0x1FA50] =	vst v0;
	v0 =	vld [tilespmem:$0x1FE40]  }
0x1bc: {  	v55 =	vor.u32 v37, v2;
	v31 =	vld.idx.msk [tilespmem:v31+s19+$0x0], $0xffff  }
0x1bd: {  	v56 =	vor.u32 v48, v2;
	[tilespmem:$0x1FAB0] =	vst v4;
	v48 =	vmul.f32 v4, v4;
	v4 =	vld [tilespmem:$0x1FE90]  }
0x1be: {  	v29 =	vld.idx.msk [tilespmem:v36+s19+$0x0], $0xffff;
	v36 =	vor.u32 v47, v2  }
0x1bf: {  	[tilespmem:$0x1FB00] =	vst v43;
	v27 =	vld.idx.msk [tilespmem:v33+s19+$0x0], $0xffff;
	v43 =	vor.u32 v57, v2  }
0x1c0: {  	v5 =	vld.idx.msk [tilespmem:v34+s19+$0x0], $0xffff;
	v52 =	vor.u32 v0, v2  }
0x1c1: {  	[tilespmem:$0x1FAF0] =	vst v58;
	v34 =	vld.idx.msk [tilespmem:v55+s13+$0x0], $0xffff;
	v55 =	vmul.f32 v25, v25  }
0x1c2: {  	v33 =	vld.idx.msk [tilespmem:v56+s13+$0x0], $0xffff;
	v58 =	vor.u32 v50, v2;
	v57 =	vor.u32 v4, v2;
	v4 =	vmul.f32 v31, v31  }
0x1c3: {  	v37 =	vld.idx.msk [tilespmem:v36+s13+$0x0], $0xffff;
	v56 =	vmul.f32 v26, v26;
	v30 =	vmul.f32 v29, v29  }
0x1c4: {  	[tilespmem:$0x1FB20] =	vst v38;
	v4 =	vadd.f32 v55, v4;
	v55 =	vmul.f32 v27, v27;
	v38 =	vld.idx.msk [tilespmem:v43+s13+$0x0], $0xffff  }
0x1c5: {  	v7 =	vmov v41;
	v30 =	vadd.f32 v56, v30;
	v36 =	vld.idx.msk [tilespmem:v52+s13+$0x0], $0xffff;
	v52 =	vmul.f32 v5, v5  }
0x1c6: {  	[tilespmem:$0x1FB10] =	vst v40;
	v4 =	vadd.f32 v55, v4;
	v43 =	vor.u32 v7, v2;
	v7 =	vmul.f32 v24, v24;
	v0 =	vld [tilespmem:$0x1FE70]  }
0x1c7: {  	v51 =	vmul.f32 v40, v40;
	v40 =	vld.idx.msk [tilespmem:v58+s13+$0x0], $0xffff;
	v58 =	vmul.f32 v11, v11;
	v30 =	vadd.f32 v52, v30  }
0x1c8: {  	v1 =	vmul.f32 v10, v10;
	v4 =	vadd.f32 v7, v4  }
0x1c9: {  	[tilespmem:$0x1FA80] =	vst v28;
	v63 =	vmul.f32 v28, v28;
	v28 =	vmul.f32 v9, v9;
	v7 =	vadd.f32 v58, v30  }
0x1ca: {  	v1 =	vadd.f32 v1, v4  }
0x1cb: {  	[tilespmem:$0x1FB50] =	vst v54;
	v54 =	vor.u32 v0, v2;
	v0 =	vmul.f32 v13, v13;
	v4 =	vadd.f32 v28, v7;
	_ =	sdelay $0x1  }
0x1cc: {  	v6 =	vmovc v42;
	v42 =	vor.u32 v53, v2;
	v53 =	vmul.f32 v39, v39;
	v0 =	vadd.f32 v0, v4;
	_ =	sdelay $0x1  }
0x1cd: {  	v3 =	vmul.f32 v8, v8;
	v0 =	vadd.f32 v53, v0  }
0x1ce: {  	[tilespmem:$0x1FAC0] =	vst v59;
	v46 =	vmul.f32 v59, v59;
	v32 =	vor.u32 v35, v2;
	v59 =	vld [tilespmem:$0x1FED0]  }
0x1cf: {  	v0 =	vadd.f32 v3, v0;
	v3 =	vld [tilespmem:$0x1FCA0]  }
0x1d0: {  	[tilespmem:$0x1FAA0] =	vst v12;
	v50 =	vmul.f32 v12, v12;
	v12 =	vld.idx.msk [tilespmem:v43+s13+$0x0], $0xffff  }
0x1d1: {  	v41 =	vor.u32 v14, v2;
	[tilespmem:$0x1FAE0] =	vst v44;
	v44 =	vmul.f32 v44, v44;
	v6 =	vor.u32 v6, v2;
	v43 =	vld [tilespmem:$0x1FF80]  }
0x1d2: {  	[tilespmem:$0x1FB30] =	vst v61;
	v47 =	vmul.f32 v60, v60;
	v61 =	vmul.f32 v62, v62;
	v1 =	vadd.f32 v63, v1  }
0x1d3: {  	v14 =	vmul.f32 v49, v49;
	[tilespmem:$0x1FA90] =	vst v8;
	v32 =	vld.idx.msk [tilespmem:v32+s13+$0x0], $0xffff;
	v8 =	vor.u32 v59, v2  }
0x1d4: {  	v59 =	vmul.f32 v33, v33;
	v55 =	vmul.f32 v40, v40;
	v1 =	vadd.f32 v61, v1;
	v52 =	vld.idx.msk [tilespmem:v57+s13+$0x0], $0xffff  }
0x1d5: {  	v56 =	vmul.f32 v34, v34;
	v57 =	vmul.f32 v37, v37;
	v54 =	vld.idx.msk [tilespmem:v54+s13+$0x0], $0xffff  }
0x1d6: {  	v6 =	vld.idx.msk [tilespmem:v6+s13+$0x0], $0xffff;
	v43 =	vor.u32 v43, v2;
	v1 =	vadd.f32 v50, v1;
	v30 =	vadd.f32 v59, v55  }
0x1d7: {  	v55 =	vadd.f32 v56, v57;
	v56 =	vmul.f32 v36, v36;
	v0 =	vadd.f32 v14, v0;
	v14 =	vld.idx.msk [tilespmem:v3+s13+$0x0], $0xffff  }
0x1d8: {  	[tilespmem:$0x1FAD0] =	vst v45;
	v45 =	vmul.f32 v45, v45;
	v35 =	vmul.f32 v38, v38;
	v1 =	vadd.f32 v48, v1;
	v3 =	vld [tilespmem:$0x1FA40]  }
0x1d9: {  	v2 =	vld.idx.msk [tilespmem:v42+s13+$0x0], $0xffff;
	v28 =	vmul.f32 v32, v32;
	v7 =	vadd.f32 v56, v30;
	v0 =	vadd.f32 v47, v0  }
0x1da: {  	v42 =	vld.idx.msk [tilespmem:v8+s13+$0x0], $0xffff;
	v8 =	vadd.f32 v35, v55;
	v1 =	vadd.f32 v46, v1;
	v57 =	vmul.f32 v54, v54  }
0x1db: {  	v4 =	vadd.f32 v28, v7;
	v0 =	vadd.f32 v45, v0  }
0x1dc: {  	v30 =	vmul.f32 v52, v52;
	v43 =	vld.idx.msk [tilespmem:v43+s13+$0x0], $0xffff;
	v1 =	vadd.f32 v44, v1;
	v7 =	vadd.f32 v57, v8  }
0x1dd: {  	v0 =	vadd.f32 v3, v0;
	v3 =	vld [tilespmem:$0x1FDC0]  }
0x1de: {  	v28 =	vmul.f32 v6, v6;
	v1 =	vadd.f32 v51, v1;
	v7 =	vadd.f32 v30, v7  }
0x1df: {  	v22 =	vld.idx.msk [tilespmem:v22+s13+$0x0], $0xffff  }
0x1e0: {  	v1 =	vadd.f32 v17, v1;
	v30 =	vmul.f32 v42, v42;
	v7 =	vadd.f32 v28, v7  }
0x1e1: {  	v20 =	vld.idx.msk [tilespmem:v20+s13+$0x0], $0xffff  }
0x1e2: {  	v28 =	vmul.f32 v43, v43;
	v7 =	vadd.f32 v30, v7;
	v1 =	vadd.f32 v3, v1;
	v3 =	vld [tilespmem:$0x1FD80]  }
0x1e3: {  	v18 =	vld.idx.msk [tilespmem:v18+s13+$0x0], $0xffff  }
0x1e4: {  	v30 =	vmul.f32 v22, v22;
	v7 =	vadd.f32 v28, v7  }
0x1e5: {  	v0 =	vadd.f32 v16, v0  }
0x1e6: {  	v28 =	vmul.f32 v20, v20;
	v7 =	vadd.f32 v30, v7  }
0x1e7: {  	v0 =	vadd.f32 v3, v0;
	v3 =	vld [tilespmem:$0x1FA50]  }
0x1e8: {  	v41 =	vld.idx.msk [tilespmem:v41+s13+$0x0], $0xffff;
	v30 =	vmul.f32 v18, v18;
	v7 =	vadd.f32 v28, v7  }
0x1e9: {  	v8 =	vmul.f32 v12, v12  }
0x1ea: {  	v23 =	vld.idx.msk [tilespmem:v23+s13+$0x0], $0xffff;
	v7 =	vadd.f32 v30, v7  }
0x1eb: {  	v21 =	vld.idx.msk [tilespmem:v21+s13+$0x0], $0xffff;
	v4 =	vadd.f32 v8, v4;
	v8 =	vmul.f32 v2, v2  }
0x1ec: {  	v3 =	vadd.f32 v3, v7;
	v7 =	vmul.f32 v52, v9;
	v9 =	vld [tilespmem:$0x1FD50]  }
0x1ed: {  	v4 =	vadd.f32 v8, v4;
	v8 =	vmul.f32 v41, v41  }
0x1ee: {  	v19 =	vld.idx.msk [tilespmem:v19+s13+$0x0], $0xffff  }
0x1ef: {  	v4 =	vadd.f32 v8, v4;
	v8 =	vmul.f32 v23, v23  }
0x1f0: {  	v15 =	vld.idx.msk [tilespmem:v15+s13+$0x0], $0xffff  }
0x1f1: {  	v4 =	vadd.f32 v8, v4;
	v8 =	vmul.f32 v21, v21;
	v1 =	vadd.f32 v9, v1;
	v9 =	vld [tilespmem:$0x1FD10];
	_ =	sdelay $0x1  }
0x1f2: {  	v4 =	vadd.f32 v8, v4;
	v8 =	vmul.f32 v19, v19;
	_ =	sdelay $0x1  }
0x1f3: {  	v4 =	vadd.f32 v8, v4;
	v8 =	vmul.f32 v15, v15  }
0x1f4: {  	v0 =	vadd.f32 v9, v0;
	v9 =	vmul.f32 v12, v10;
	v10 =	vld [tilespmem:$0x1FA60]  }
0x1f5: {  	v28 =	vmul.f32 v14, v14;
	v4 =	vadd.f32 v8, v4;
	_ =	sdelay $0x1  }
0x1f6: {  	v4 =	vadd.f32 v28, v4;
	_ =	sdelay $0x1  }
0x1f7: {  	v4 =	vadd.f32 v10, v4;
	v10 =	vld [tilespmem:$0x1FA70];
	_ =	sdelay $0x4  }
0x1f8: {  	v3 =	vadd.f32 v10, v3;
	v10 =	vmul.f32 v54, v11;
	v11 =	vld [tilespmem:$0x1FCD0];
	_ =	sdelay $0x1  }
0x1f9: {  	v12 =	vld [tilespmem:$0x1FDF0];
	_ =	sdelay $0x2  }
0x1fa: {  	v1 =	vadd.f32 v11, v1;
	v11 =	vld [tilespmem:$0x1FCB0];
	_ =	sdelay $0x1  }
0x1fb: {  	v12 =	vadd.f32 v12, v4;
	v4 =	vld [tilespmem:$0x1FE00];
	_ =	sdelay $0x2  }
0x1fc: {  	v0 =	vadd.f32 v11, v0;
	_ =	sdelay $0x1  }
0x1fd: {  	v3 =	vadd.f32 v4, v3;
	v4 =	vadd.f32 v0, v1;
	v1 =	vld [tilespmem:$0x1FDA0];
	_ =	sdelay $0x4  }
0x1fe: {  	v1 =	vadd.f32 v1, v12;
	v12 =	vld [tilespmem:$0x1FD70];
	_ =	sdelay $0x2  }
0x1ff: {  	v6 =	vmul.f32 v6, v13  }
0x200: {  	v13 =	vmul.f32 v40, v31;
	v17 =	vmul.f32 v37, v29  }
0x201: {  	v3 =	vadd.f32 v12, v3  }
0x202: {  	v0 =	vmul.f32 v34, v26;
	v12 =	vadd.f32 $0.0e+00, v13;
	v13 =	vadd.f32 $0.0e+00, v17;
	_ =	sdelay $0x1  }
0x203: {  	v5 =	vmul.f32 v38, v5;
	v0 =	vadd.f32 v0, v13;
	_ =	sdelay $0x1  }
0x204: {  	v0 =	vadd.f32 v5, v0  }
0x205: {  	v17 =	vmul.f32 v33, v25  }
0x206: {  	v0 =	vadd.f32 v10, v0  }
0x207: {  	v12 =	vadd.f32 v17, v12;
	v13 =	vmul.f32 v36, v27  }
0x208: {  	v0 =	vadd.f32 v7, v0;
	v7 =	vld [tilespmem:$0x1FA80]  }
0x209: {  	v11 =	vmul.f32 v32, v24;
	v12 =	vadd.f32 v13, v12;
	_ =	sdelay $0x1  }
0x20a: {  	v11 =	vadd.f32 v11, v12;
	_ =	sdelay $0x1  }
0x20b: {  	v9 =	vadd.f32 v9, v11;
	v2 =	vmul.f32 v2, v7;
	_ =	sdelay $0x1  }
0x20c: {  	v0 =	vadd.f32 v6, v0;
	v6 =	vmul.f32 v41, v62;
	v2 =	vadd.f32 v2, v9;
	_ =	sdelay $0x1  }
0x20d: {  	v2 =	vadd.f32 v6, v2;
	v6 =	vld [tilespmem:$0x1FAA0];
	_ =	sdelay $0x4  }
0x20e: {  	v6 =	vmul.f32 v23, v6;
	_ =	sdelay $0x1  }
0x20f: {  	v2 =	vadd.f32 v6, v2;
	v6 =	vld [tilespmem:$0x1FAB0];
	_ =	sdelay $0x4  }
0x210: {  	v6 =	vmul.f32 v21, v6;
	_ =	sdelay $0x1  }
0x211: {  	v2 =	vadd.f32 v6, v2;
	v6 =	vld [tilespmem:$0x1FAC0]  }
0x212: {  	v16 =	vmul.f32 v20, v60;
	v20 =	vld [tilespmem:$0x1FD30];
	_ =	sdelay $0x2  }
0x213: {  	v9 =	vld [tilespmem:$0x1FA90]  }
0x214: {  	v6 =	vmul.f32 v19, v6  }
0x215: {  	v1 =	vadd.f32 v20, v1;
	v20 =	vld [tilespmem:$0x1FCF0]  }
0x216: {  	v7 =	vmul.f32 v42, v39;
	v2 =	vadd.f32 v6, v2;
	v6 =	vld [tilespmem:$0x1FAE0];
	_ =	sdelay $0x1  }
0x217: {  	v0 =	vadd.f32 v7, v0;
	v9 =	vmul.f32 v43, v9;
	_ =	sdelay $0x1  }
0x218: {  	v8 =	vmul.f32 v22, v49;
	v0 =	vadd.f32 v9, v0  }
0x219: {  	v3 =	vadd.f32 v20, v3;
	v6 =	vmul.f32 v15, v6  }
0x21a: {  	v0 =	vadd.f32 v8, v0;
	v8 =	vld [tilespmem:$0x1FAD0]  }
0x21b: {  	v1 =	vadd.f32 v3, v1;
	v2 =	vadd.f32 v6, v2;
	v6 =	vld [tilespmem:$0x1FB10]  }
0x21c: {  	v17 =	vmul.f32 $5.000000000e-01, v4;
	v3 =	vshra.s32 v4, $0x1  }
0x21d: {  	v3 =	vsub.s32 $0x5F3759DF, v3;
	v5 =	vshra.s32 v1, $0x1;
	v13 =	vmul.f32 $5.000000000e-01, v1  }
0x21e: {  	v20 =	vmul.f32 v3, v17;
	v5 =	vsub.s32 $0x5F3759DF, v5  }
0x21f: {  	v10 =	vmul.f32 v5, v13;
	v0 =	vadd.f32 v16, v0;
	v8 =	vmul.f32 v18, v8  }
0x220: {  	v12 =	vmul.f32 v3, v20;
	v6 =	vmul.f32 v14, v6  }
0x221: {  	v10 =	vmul.f32 v5, v10;
	v0 =	vadd.f32 v8, v0;
	v8 =	vld [tilespmem:$0x1FB30]  }
0x222: {  	v11 =	vsub.f32 $1.500000000e+00, v12;
	v2 =	vadd.f32 v6, v2;
	v6 =	vld [tilespmem:$0x1FB20]  }
0x223: {  	v10 =	vsub.f32 $1.500000000e+00, v10  }
0x224: {  	v3 =	vmul.f32 v3, v11;
	v11 =	vld [tilespmem:$0x1FB00]  }
0x225: {  	v5 =	vmul.f32 v5, v10;
	v10 =	vld [tilespmem:$0x1FAF0];
	_ =	sdelay $0x1  }
0x226: {  	v9 =	vmul.f32 v5, v13;
	v6 =	vmul.f32 v6, v8;
	_ =	sdelay $0x1  }
0x227: {  	v9 =	vmul.f32 v9, v5;
	v2 =	vadd.f32 v6, v2;
	v6 =	vld [tilespmem:$0x1FB40]  }
0x228: {  	v10 =	vmul.f32 v11, v10  }
0x229: {  	v9 =	vsub.f32 $1.500000000e+00, v9  }
0x22a: {  	v0 =	vadd.f32 v10, v0  }
0x22b: {  	v5 =	vmul.f32 v9, v5;
	v9 =	vld [tilespmem:$0x1FDE0]  }
0x22c: {  	v0 =	vadd.f32 v6, v0;
	v6 =	vld [tilespmem:$0x1FDB0];
	_ =	sdelay $0x4  }
0x22d: {  	v10 =	vld [tilespmem:$0x1FD60];
	v6 =	vmul.f32 v9, v6  }
0x22e: {  	v9 =	vld [tilespmem:$0x1FD00]  }
0x22f: {  	v2 =	vadd.f32 v6, v2;
	v6 =	vld [tilespmem:$0x1FDD0];
	_ =	sdelay $0x3  }
0x230: {  	v9 =	vmul.f32 v10, v9;
	v10 =	vld [tilespmem:$0x1FD90]  }
0x231: {  	v0 =	vadd.f32 v6, v0;
	v6 =	vld [tilespmem:$0x1FD40]  }
0x232: {  	v7 =	vmul.f32 v3, v17;
	_ =	sdelay $0x1  }
0x233: {  	v7 =	vmul.f32 v7, v3  }
0x234: {  	v11 =	vld [tilespmem:$0x1FD20]  }
0x235: {  	v7 =	vsub.f32 $1.500000000e+00, v7;
	v6 =	vmul.f32 v10, v6;
	v10 =	vld [tilespmem:$0x1FCC0];
	_ =	sdelay $0x1  }
0x236: {  	v3 =	vmul.f32 v7, v3  }
0x237: {  	v8 =	vmul.f32 v5, v13  }
0x238: {  	v12 =	vld [tilespmem:$0x1FB50];
	v7 =	vmul.f32 v3, v17  }
0x239: {  	v8 =	vmul.f32 v8, v5;
	v10 =	vmul.f32 v11, v10;
	v11 =	vld [tilespmem:$0x1FCE0];
	_ =	sdelay $0x1  }
0x23a: {  	v7 =	vmul.f32 v7, v3;
	v8 =	vsub.f32 $1.500000000e+00, v8;
	_ =	sdelay $0x1  }
0x23b: {  	v7 =	vsub.f32 $1.500000000e+00, v7;
	v5 =	vmul.f32 v8, v5  }
0x23c: {  	v0 =	vadd.f32 v9, v0;
	v2 =	vadd.f32 v6, v2;
	v11 =	vmul.f32 v11, v12  }
0x23d: {  	v3 =	vmul.f32 v7, v3  }
0x23e: {  	v5 =	vmin.f32 v5, $1.000000000e+00;
	v2 =	vadd.f32 v10, v2;
	v0 =	vadd.f32 v11, v0  }
0x23f: {  	v3 =	vmin.f32 v3, $1.000000000e+00;
	v1 =	vmul.f32 v5, v1  }
0x240: {  	v6 =	vmul.f32 v3, v3;
	v0 =	vadd.f32 v0, v2;
	v2 =	vmul.f32 v5, v3  }
0x241: {  	v1 =	vmul.f32 v1, v5  }
0x242: {  	v3 =	vmul.f32 v6, v4;
	v0 =	vmul.f32 v2, v0;
	_ =	sdelay $0x1  }
0x243: {  	v1 =	vadd.f32 v1, v3;
	v0 =	vadd.f32 v0, v0;
	_ =	sdelay $0x1  }
0x244: {  	v0 =	vsub.f32 v1, v0;
	_ =	sdelay $0x1  }
0x245: {  	v0 =	vmax.f32 v0, $0.0e+00  }
0x246: {  	v1 =	vshra.s32 v0, $0x1;
	v2 =	vmul.f32 $5.000000000e-01, v0  }
0x247: {  	v1 =	vsub.s32 $0x5F3759DF, v1  }
0x248: {  	v3 =	vmul.f32 v1, v2;
	_ =	sdelay $0x1  }
0x249: {  	v3 =	vmul.f32 v1, v3  }
0x24a: {  	v63 =	vld [tilespmem:$0x1FE50]  }
0x24b: {  	v50 =	vld [tilespmem:$0x1FE30];
	v3 =	vsub.f32 $1.500000000e+00, v3  }
0x24c: {  	v58 =	vld [tilespmem:$0x1FE80]  }
0x24d: {  	v59 =	vld [tilespmem:$0x1FEB0];
	v1 =	vmul.f32 v1, v3  }
0x24e: {  	v55 =	vld [tilespmem:$0x1FE90]  }
0x24f: {  	v35 =	vld [tilespmem:$0x1FEC0];
	v3 =	vmul.f32 v1, v2  }
0x250: {  	v56 =	vld [tilespmem:$0x1FEF0]  }
0x251: {  	v53 =	vld [tilespmem:$0x1FEA0];
	v3 =	vmul.f32 v3, v1  }
0x252: {  	v51 =	vld [tilespmem:$0x1FE70]  }
0x253: {  	v57 =	vld [tilespmem:$0x1FE40];
	v3 =	vsub.f32 $1.500000000e+00, v3  }
0x254: {  	v47 =	vld [tilespmem:$0x1FE20]  }
0x255: {  	v26 =	vld [tilespmem:$0x1FEE0];
	v1 =	vmul.f32 v3, v1  }
0x256: {  	v48 =	vlaneseq.u32;
	v20 =	vld [tilespmem:$0x1FF90]  }
0x257: {  	v5 =	vld [tilespmem:$0x1FFF0];
	v3 =	vor.u32 s29, v48;
	v2 =	vmul.f32 v1, v2  }
0x258: {  	v4 =	vmul.u32 $0xCCD, v3;
	v6 =	vshll.u32 v3, $0x5;
	v3 =	vld [tilespmem:$0x1FC90]  }
0x259: {  	v7 =	vld [tilespmem:$0x1FFE0];
	v2 =	vmul.f32 v2, v1  }
0x25a: {  	v17 =	vld [tilespmem:$0x1FF20]  }
0x25b: {  	v18 =	vld [tilespmem:$0x1FF10];
	v2 =	vsub.f32 $1.500000000e+00, v2  }
0x25c: {  	v21 =	vld [tilespmem:$0x1FFB0];
	v4 =	vshrl.u32 v4, $0x10  }
0x25d: {  	v9 =	vld [tilespmem:$0x1FFC0];
	v3 =	vor.u32 v3, v4;
	v4 =	vor.u32 v5, v6;
	v1 =	vmul.f32 v2, v1  }
0x25e: {  	v19 =	vld [tilespmem:$0x1FF00];
	v2 =	vshll.u32 v3, $0x5;
	v3 =	vor.u32 v7, v6  }
0x25f: {  	v8 =	vld [tilespmem:$0x1FFD0];
	v0 =	vmul.f32 v1, v0  }
0x260: {  	s28 =	sadd.s32 $0x10, s28;
	v15 =	vld [tilespmem:$0x1FED0]  }
0x261: {  	v14 =	vld [tilespmem:$0x1FF30];
	v1 =	vor.u32 v7, v2;
	[tilespmem:s28+$0x0] =	vst v0  }
0x262: {  	v0 =	vor.u32 v9, v6;
	v54 =	vld.idx.msk [tilespmem:v4+s19+$0x0], $0xffff  }
0x263: {  	v22 =	vld.idx.msk [tilespmem:v3+s19+$0x0], $0xffff;
	v3 =	vor.u32 v9, v2  }
0x264: {  	v7 =	vor.u32 v8, v6;
	v4 =	vor.u32 v8, v2;
	v8 =	vld [tilespmem:$0x1FFA0]  }
0x265: {  	v9 =	vld [tilespmem:$0x1FF70]  }
0x266: {  	v24 =	vld.idx.msk [tilespmem:v1+s13+$0x0], $0xffff  }
0x267: {  	v5 =	vor.u32 v5, v2;
	v28 =	vld.idx.msk [tilespmem:v0+s19+$0x0], $0xffff  }
0x268: {  	v30 =	vld.idx.msk [tilespmem:v3+s13+$0x0], $0xffff  }
0x269: {  	v3 =	vld [tilespmem:$0x1FF50]  }
0x26a: {  	v1 =	vor.u32 v9, v6;
	v0 =	vor.u32 v9, v2;
	v9 =	vld [tilespmem:$0x1FF60]  }
0x26b: {  	v11 =	vld [tilespmem:$0x1FF40]  }
0x26c: {  	v23 =	vld.idx.msk [tilespmem:v5+s13+$0x0], $0xffff;
	v5 =	vor.u32 v8, v6  }
0x26d: {  	v31 =	vor.u32 v48, v6;
	v48 =	vmov v50;
	v27 =	vor.u32 v50, v6;
	v50 =	vld [tilespmem:$0x1FE10]  }
0x26e: {  	v29 =	vld.idx.msk [tilespmem:v7+s19+$0x0], $0xffff;
	v7 =	vor.u32 v8, v2;
	v8 =	vor.u32 v3, v6  }
0x26f: {  	v32 =	vld.idx.msk [tilespmem:v4+s13+$0x0], $0xffff;
	v4 =	vor.u32 v9, v6  }
0x270: {  	v52 =	vld.idx.msk [tilespmem:v1+s19+$0x0], $0xffff;
	v1 =	vor.u32 v3, v2  }
0x271: {  	v10 =	vld.idx.msk [tilespmem:v5+s19+$0x0], $0xffff;
	v5 =	vor.u32 v9, v2;
	v9 =	vor.u32 v11, v6  }
0x272: {  	v37 =	vld.idx.msk [tilespmem:v0+s13+$0x0], $0xffff;
	v0 =	vor.u32 v14, v6  }
0x273: {  	v61 =	vld.idx.msk [tilespmem:v8+s19+$0x0], $0xffff;
	v8 =	vor.u32 v17, v6  }
0x274: {  	v3 =	vld.idx.msk [tilespmem:v4+s19+$0x0], $0xffff  }
0x275: {  	v4 =	vor.u32 v11, v2;
	v11 =	vor.u32 v18, v6;
	v38 =	vld.idx.msk [tilespmem:v1+s13+$0x0], $0xffff  }
0x276: {  	v41 =	vmov v58;
	v58 =	vld.idx.msk [tilespmem:v9+s19+$0x0], $0xffff  }
0x277: {  	v40 =	vld.idx.msk [tilespmem:v0+s19+$0x0], $0xffff  }
0x278: {  	v1 =	vor.u32 v20, v6;
	v45 =	vld.idx.msk [tilespmem:v8+s19+$0x0], $0xffff  }
0x279: {  	v9 =	vor.u32 v19, v6;
	v8 =	vld [tilespmem:$0x1FF80]  }
0x27a: {  	v0 =	vor.u32 v56, v6;
	v44 =	vld.idx.msk [tilespmem:v11+s19+$0x0], $0xffff  }
0x27b: {  	v46 =	vmovc v57;
	v42 =	vmovc v59;
	v39 =	vmov v35;
	v12 =	vor.u32 v26, v6;
	v11 =	vor.u32 v35, v6;
	v35 =	vld [tilespmem:$0x1FE60]  }
0x27c: {  	v13 =	vor.u32 v59, v6;
	v15 =	vor.u32 v15, v6;
	v16 =	vor.u32 v41, v6;
	v43 =	vld.idx.msk [tilespmem:v4+s13+$0x0], $0xffff  }
0x27d: {  	v33 =	vor.u32 v57, v6;
	v57 =	vmovc v63;
	v34 =	vor.u32 v63, v6;
	v63 =	vmov v26;
	v60 =	vld.idx.msk [tilespmem:v1+s19+$0x0], $0xffff  }
0x27e: {  	v36 =	vor.u32 v47, v6;
	v26 =	vor.u32 v50, v6;
	v4 =	vor.u32 v21, v6;
	v59 =	vld.idx.msk [tilespmem:v9+s19+$0x0], $0xffff  }
0x27f: {  	v1 =	vor.u32 v53, v6;
	v9 =	vor.u32 v55, v6;
	v49 =	vld.idx.msk [tilespmem:v0+s19+$0x0], $0xffff;
	v0 =	vor.u32 v51, v6  }
0x280: {  	v8 =	vor.u32 v8, v6;
	v25 =	vor.u32 v35, v6;
	v6 =	vor.u32 v14, v2  }
0x281: {  	[tilespmem:$0x1FCA0] =	vst v6;
	v6 =	vmul.f32 v54, v54  }
0x282: {  	[tilespmem:$0x1FCC0] =	vst v22  }
0x283: {  	[tilespmem:$0x1FCB0] =	vst v6;
	v6 =	vmul.f32 v22, v22  }
0x284: {  	[tilespmem:$0x1FCE0] =	vst v23  }
0x285: {  	[tilespmem:$0x1FCD0] =	vst v6;
	v6 =	vmul.f32 v23, v23  }
0x286: {  	[tilespmem:$0x1FD00] =	vst v29  }
0x287: {  	[tilespmem:$0x1FCF0] =	vst v6;
	v6 =	vmul.f32 v29, v29  }
0x288: {  	[tilespmem:$0x1FD20] =	vst v24  }
0x289: {  	[tilespmem:$0x1FD10] =	vst v6;
	v6 =	vmul.f32 v24, v24  }
0x28a: {  	[tilespmem:$0x1FD40] =	vst v28  }
0x28b: {  	[tilespmem:$0x1FD30] =	vst v6;
	v6 =	vmul.f32 v28, v28;
	v28 =	vld.idx.msk [tilespmem:v1+s19+$0x0], $0xffff;
	v1 =	vmul.f32 v10, v10  }
0x28c: {  	v7 =	vld.idx.msk [tilespmem:v7+s13+$0x0], $0xffff;
	[tilespmem:$0x1FD60] =	vst v32  }
0x28d: {  	[tilespmem:$0x1FD80] =	vst v1;
	v1 =	vmul.f32 v30, v30  }
0x28e: {  	v12 =	vld.idx.msk [tilespmem:v12+s19+$0x0], $0xffff;
	[tilespmem:$0x1FD90] =	vst v30  }
0x28f: {  	v13 =	vld.idx.msk [tilespmem:v13+s19+$0x0], $0xffff;
	[tilespmem:$0x1FDA0] =	vst v1;
	v1 =	vmul.f32 v52, v52  }
0x290: {  	v5 =	vld.idx.msk [tilespmem:v5+s13+$0x0], $0xffff;
	[tilespmem:$0x1FDB0] =	vst v52  }
0x291: {  	v4 =	vld.idx.msk [tilespmem:v4+s19+$0x0], $0xffff;
	[tilespmem:$0x1FDC0] =	vst v1;
	v1 =	vmul.f32 v7, v10  }
0x292: {  	p0 =	sne.s32 s29, $0x4F0;
	v19 =	vor.u32 v19, v2;
	v20 =	vor.u32 v20, v2;
	[tilespmem:$0x1FDE0] =	vst v37;
	v14 =	vmov v39;
	v39 =	vld.idx.msk [tilespmem:v15+s19+$0x0], $0xffff  }
.Ltmp3:
0x293: {  	v21 =	vor.u32 v21, v2;
	v62 =	vld.idx.msk [tilespmem:v11+s19+$0x0], $0xffff;
	[tilespmem:$0x1FDD0] =	vst v1;
	v1 =	vmul.f32 v37, v37;
	(pc) =	sbr.rel @p0 .LBB2_9-.Ltmp3, $4  }
0x294: {  	v15 =	vor.u32 v18, v2;
	v9 =	vld.idx.msk [tilespmem:v9+s19+$0x0], $0xffff;
	[tilespmem:$0x1FD50] =	vst v6;
	v6 =	vmul.f32 v32, v32  }
0x295: {  	v18 =	vor.u32 v17, v2;
	v11 =	vld.idx.msk [tilespmem:v0+s19+$0x0], $0xffff;
	[tilespmem:$0x1FDF0] =	vst v1;
	v1 =	vmul.f32 v7, v7  }
0x296: {  	v17 =	vmul.f32 v61, v61;
	v22 =	vor.u32 v56, v2;
	v8 =	vld.idx.msk [tilespmem:v8+s19+$0x0], $0xffff;
	[tilespmem:$0x1FD70] =	vst v6  }
0x297: {  	s29 =	sadd.s32 $0x10, s29;
	v23 =	vor.u32 v63, v2;
	v10 =	vld.idx.msk [tilespmem:v16+s19+$0x0], $0xffff;
	v16 =	vmul.f32 v3, v3;
	v37 =	vmovc v50;
	v50 =	vlaneseq.u32;
	[tilespmem:$0x1FE00] =	vst v1  }
0x298: {  	_ =	sdelay $0x3  }
0x299: {  	v27 =	vld.idx.msk [tilespmem:v27+s19+$0x0], $0xffff  }
0x29a: {  	v29 =	vld.idx.msk [tilespmem:v31+s19+$0x0], $0xffff  }
0x29b: {  	v56 =	vld.idx.msk [tilespmem:v26+s19+$0x0], $0xffff;
	v32 =	vor.u32 v37, v2  }
0x29c: {  	v26 =	vld.idx.msk [tilespmem:v36+s19+$0x0], $0xffff;
	v7 =	vor.u32 v47, v2  }
0x29d: {  	v24 =	vld.idx.msk [tilespmem:v33+s19+$0x0], $0xffff;
	v6 =	vor.u32 v48, v2  }
0x29e: {  	v36 =	vld.idx.msk [tilespmem:v25+s19+$0x0], $0xffff;
	v47 =	vor.u32 v50, v2  }
0x29f: {  	[tilespmem:$0x1FAA0] =	vst v12;
	v48 =	vld.idx.msk [tilespmem:v34+s19+$0x0], $0xffff  }
0x2a0: {  	v1 =	vmov v12;
	[tilespmem:$0x1FA80] =	vst v28;
	v12 =	vmul.f32 v27, v27;
	v33 =	vmul.f32 v29, v29;
	v31 =	vld.idx.msk [tilespmem:v32+s13+$0x0], $0xffff  }
0x2a1: {  	v46 =	vor.u32 v46, v2;
	v37 =	vmul.f32 v56, v56;
	v30 =	vmul.f32 v26, v26;
	v25 =	vld.idx.msk [tilespmem:v7+s13+$0x0], $0xffff  }
0x2a2: {  	[tilespmem:$0x1FA90] =	vst v8;
	v12 =	vadd.f32 v12, v33;
	v33 =	vld.idx.msk [tilespmem:v6+s13+$0x0], $0xffff;
	v6 =	vor.u32 v57, v2  }
0x2a3: {  	[tilespmem:$0x1FA10] =	vst v27;
	v27 =	vmov v28;
	v28 =	vadd.f32 v37, v30;
	v37 =	vld.idx.msk [tilespmem:v47+s13+$0x0], $0xffff  }
0x2a4: {  	v52 =	vmovc v4;
	v0 =	vmov v8;
	v8 =	vor.u32 v35, v2;
	[tilespmem:$0x1FA20] =	vst v24;
	v32 =	vmul.f32 v24, v24  }
0x2a5: {  	v35 =	vor.u32 v51, v2;
	v4 =	vmul.f32 v10, v10;
	[tilespmem:$0x1FA30] =	vst v36;
	v47 =	vmul.f32 v48, v48  }
0x2a6: {  	v7 =	vor.u32 v41, v2;
	v57 =	vmul.f32 v36, v36;
	v36 =	vld.idx.msk [tilespmem:v46+s13+$0x0], $0xffff;
	v12 =	vadd.f32 v32, v12  }
0x2a7: {  	v28 =	vadd.f32 v47, v28;
	v30 =	vmul.f32 v31, v31;
	v34 =	vld.idx.msk [tilespmem:v6+s13+$0x0], $0xffff;
	v6 =	vmul.f32 v11, v11  }
0x2a8: {  	v46 =	vmovc v58;
	v58 =	vmul.f32 v25, v25;
	v12 =	vadd.f32 v57, v12;
	v24 =	vmul.f32 v37, v37  }
0x2a9: {  	v8 =	vld.idx.msk [tilespmem:v8+s13+$0x0], $0xffff;
	v47 =	vmul.f32 v9, v9;
	v32 =	vmul.f32 v33, v33;
	v6 =	vadd.f32 v6, v28  }
0x2aa: {  	v57 =	vmovc v38;
	v38 =	vor.u32 v55, v2;
	v30 =	vadd.f32 v30, v58;
	v12 =	vadd.f32 v4, v12  }
0x2ab: {  	v35 =	vld.idx.msk [tilespmem:v35+s13+$0x0], $0xffff;
	v58 =	vor.u32 v53, v2;
	v32 =	vadd.f32 v32, v24;
	v6 =	vadd.f32 v47, v6  }
0x2ac: {  	v4 =	vld [tilespmem:$0x1FED0];
	v24 =	vmovc v43;
	v43 =	vmul.f32 v27, v27;
	v27 =	vmov v44;
	v44 =	vmul.f32 v13, v13  }
0x2ad: {  	v7 =	vld.idx.msk [tilespmem:v7+s13+$0x0], $0xffff;
	v55 =	vmov v40;
	v40 =	vor.u32 v14, v2  }
0x2ae: {  	v28 =	vor.u32 v42, v2;
	v42 =	vmul.f32 v36, v36;
	v6 =	vadd.f32 v44, v6;
	v44 =	vld [tilespmem:$0x1FF80]  }
0x2af: {  	v41 =	vmul.f32 v34, v34  }
0x2b0: {  	v38 =	vld.idx.msk [tilespmem:v38+s13+$0x0], $0xffff;
	v47 =	vmov v45;
	v32 =	vadd.f32 v42, v32  }
0x2b1: {  	v58 =	vld.idx.msk [tilespmem:v58+s13+$0x0], $0xffff;
	v45 =	vor.u32 v4, v2;
	v30 =	vadd.f32 v41, v30;
	v41 =	vmul.f32 v8, v8  }
0x2b2: {  	v42 =	vmul.f32 v52, v52;
	v12 =	vadd.f32 v43, v12;
	v4 =	vmul.f32 v35, v35  }
0x2b3: {  	v40 =	vld.idx.msk [tilespmem:v40+s13+$0x0], $0xffff;
	v43 =	vmul.f32 v7, v7;
	v32 =	vadd.f32 v41, v32;
	v2 =	vor.u32 v44, v2  }
0x2b4: {  	v28 =	vld.idx.msk [tilespmem:v28+s13+$0x0], $0xffff;
	v41 =	vmul.f32 v62, v62;
	v30 =	vadd.f32 v4, v30;
	v4 =	vmul.f32 v39, v39  }
0x2b5: {  	v23 =	vld.idx.msk [tilespmem:v23+s13+$0x0], $0xffff;
	v44 =	vmul.f32 v1, v1;
	v1 =	vmul.f32 v38, v38  }
0x2b6: {  	v12 =	vadd.f32 v41, v12;
	v41 =	vld.idx.msk [tilespmem:v45+s13+$0x0], $0xffff;
	v32 =	vadd.f32 v43, v32;
	v43 =	vmul.f32 v58, v58  }
0x2b7: {  	v6 =	vadd.f32 v4, v6;
	v4 =	vmul.f32 v0, v0;
	v30 =	vadd.f32 v1, v30  }
0x2b8: {  	v12 =	vadd.f32 v44, v12;
	v32 =	vadd.f32 v43, v32;
	v1 =	vmul.f32 v40, v40;
	v2 =	vld.idx.msk [tilespmem:v2+s13+$0x0], $0xffff  }
0x2b9: {  	v14 =	vld [tilespmem:$0x1FCA0];
	v0 =	vmul.f32 v28, v28;
	v6 =	vadd.f32 v4, v6;
	v4 =	vmul.f32 v49, v49  }
0x2ba: {  	v22 =	vld.idx.msk [tilespmem:v22+s13+$0x0], $0xffff;
	v12 =	vadd.f32 v42, v12;
	v32 =	vadd.f32 v1, v32;
	v1 =	vmul.f32 v59, v59  }
0x2bb: {  	v21 =	vld.idx.msk [tilespmem:v21+s13+$0x0], $0xffff;
	v44 =	vmul.f32 v23, v23;
	v30 =	vadd.f32 v0, v30;
	v0 =	vmul.f32 v41, v41  }
0x2bc: {  	v20 =	vld.idx.msk [tilespmem:v20+s13+$0x0], $0xffff;
	v6 =	vadd.f32 v4, v6;
	v4 =	vmul.f32 v60, v60;
	v12 =	vadd.f32 v1, v12  }
0x2bd: {  	v19 =	vld.idx.msk [tilespmem:v19+s13+$0x0], $0xffff;
	v30 =	vadd.f32 v0, v30;
	v0 =	vmul.f32 v27, v27;
	v1 =	vmul.f32 v2, v2  }
0x2be: {  	v18 =	vld.idx.msk [tilespmem:v18+s13+$0x0], $0xffff;
	v42 =	vmul.f32 v55, v55;
	v6 =	vadd.f32 v4, v6;
	v4 =	vmul.f32 v47, v47  }
0x2bf: {  	v15 =	vld.idx.msk [tilespmem:v15+s13+$0x0], $0xffff;
	v12 =	vadd.f32 v0, v12;
	v30 =	vadd.f32 v1, v30;
	v1 =	vmul.f32 v22, v22  }
0x2c0: {  	v32 =	vadd.f32 v44, v32;
	v6 =	vadd.f32 v4, v6;
	v0 =	vmul.f32 v21, v21  }
0x2c1: {  	v14 =	vld.idx.msk [tilespmem:v14+s13+$0x0], $0xffff;
	v12 =	vadd.f32 v42, v12;
	v30 =	vadd.f32 v1, v30;
	v1 =	vmul.f32 v20, v20  }
0x2c2: {  	v4 =	vmul.f32 v46, v46;
	v32 =	vadd.f32 v0, v32;
	v0 =	vmul.f32 v19, v19  }
0x2c3: {  	v12 =	vadd.f32 v17, v12;
	v17 =	vmul.f32 v18, v18;
	v30 =	vadd.f32 v1, v30  }
0x2c4: {  	v6 =	vadd.f32 v4, v6;
	v32 =	vadd.f32 v0, v32;
	v0 =	vmul.f32 v15, v15  }
0x2c5: {  	v45 =	vld [tilespmem:$0x1FDC0];
	v42 =	vmov v13;
	v13 =	vmul.f32 v24, v24;
	v17 =	vadd.f32 v17, v30  }
0x2c6: {  	v44 =	vld [tilespmem:$0x1FDF0];
	v6 =	vadd.f32 v16, v6;
	v16 =	vadd.f32 v0, v32;
	v1 =	vmul.f32 v14, v14  }
0x2c7: {  	v13 =	vadd.f32 v13, v17;
	v17 =	vld [tilespmem:$0x1FD50]  }
0x2c8: {  	v16 =	vadd.f32 v1, v16;
	v1 =	vmul.f32 v57, v57;
	_ =	sdelay $0x1  }
0x2c9: {  	v12 =	vadd.f32 v45, v12;
	v16 =	vadd.f32 v1, v16  }
0x2ca: {  	v7 =	vmul.f32 v7, v10;
	v0 =	vld [tilespmem:$0x1FD80]  }
0x2cb: {  	v10 =	vadd.f32 v44, v16;
	v16 =	vld [tilespmem:$0x1FE00];
	v12 =	vadd.f32 v17, v12;
	v17 =	vmul.f32 v5, v5  }
0x2cc: {  	v4 =	vld [tilespmem:$0x1FD10]  }
0x2cd: {  	v13 =	vadd.f32 v17, v13;
	v17 =	vld [tilespmem:$0x1FCD0]  }
0x2ce: {  	v43 =	vld [tilespmem:$0x1FCB0]  }
0x2cf: {  	v32 =	vld [tilespmem:$0x1FA10];
	v6 =	vadd.f32 v0, v6  }
0x2d0: {  	v13 =	vadd.f32 v16, v13;
	v16 =	vmul.f32 v37, v29;
	v29 =	vld [tilespmem:$0x1FDA0]  }
0x2d1: {  	v30 =	vld [tilespmem:$0x1FD70];
	v6 =	vadd.f32 v4, v6  }
0x2d2: {  	v12 =	vadd.f32 v17, v12;
	v17 =	vld [tilespmem:$0x1FD30]  }
0x2d3: {  	v6 =	vadd.f32 v43, v6  }
0x2d4: {  	v26 =	vmul.f32 v25, v26;
	v45 =	vmul.f32 v35, v11;
	v35 =	vld [tilespmem:$0x1FA20]  }
0x2d5: {  	v4 =	vadd.f32 v6, v12;
	v6 =	vadd.f32 v29, v10  }
0x2d6: {  	v1 =	vadd.f32 $0.0e+00, v26;
	v10 =	vadd.f32 v30, v13;
	v12 =	vmul.f32 v33, v32  }
0x2d7: {  	v13 =	vadd.f32 $0.0e+00, v16;
	v16 =	vmul.f32 v31, v56;
	v6 =	vadd.f32 v17, v6;
	v17 =	vld [tilespmem:$0x1FCF0]  }
0x2d8: {  	v37 =	vmul.f32 v34, v48  }
0x2d9: {  	v12 =	vadd.f32 v12, v13;
	v13 =	vmul.f32 v36, v35;
	v36 =	vld [tilespmem:$0x1FA30];
	v1 =	vadd.f32 v16, v1;
	_ =	sdelay $0x1  }
0x2da: {  	v0 =	vadd.f32 v37, v1  }
0x2db: {  	v9 =	vmul.f32 v38, v9;
	v38 =	vshra.s32 v4, $0x1;
	v10 =	vadd.f32 v17, v10  }
0x2dc: {  	v48 =	vld [tilespmem:$0x1FA80];
	v34 =	vmul.f32 v18, v47;
	v43 =	vsub.s32 $0x5F3759DF, v38;
	v0 =	vadd.f32 v45, v0  }
0x2dd: {  	v12 =	vadd.f32 v13, v12;
	v8 =	vmul.f32 v8, v36;
	v6 =	vadd.f32 v10, v6  }
0x2de: {  	v13 =	vmul.f32 $5.000000000e-01, v4;
	v17 =	vmul.f32 v28, v42;
	v0 =	vadd.f32 v9, v0  }
0x2df: {  	v8 =	vadd.f32 v8, v12;
	v44 =	vshra.s32 v6, $0x1;
	v12 =	vmul.f32 $5.000000000e-01, v6  }
0x2e0: {  	v25 =	vld [tilespmem:$0x1FAA0];
	v45 =	vmul.f32 v43, v13;
	v0 =	vadd.f32 v17, v0;
	v10 =	vsub.s32 $0x5F3759DF, v44  }
0x2e1: {  	v17 =	vld [tilespmem:$0x1FA90];
	v7 =	vadd.f32 v7, v8;
	v8 =	vmul.f32 v58, v48;
	v16 =	vmul.f32 v10, v12  }
0x2e2: {  	v29 =	vmul.f32 v22, v49;
	v56 =	vmul.f32 v43, v45  }
0x2e3: {  	v58 =	vmul.f32 v40, v62;
	v7 =	vadd.f32 v8, v7;
	v62 =	vmul.f32 v10, v16  }
0x2e4: {  	v31 =	vmul.f32 v19, v59;
	v9 =	vsub.f32 $1.500000000e+00, v56;
	v16 =	vmul.f32 v41, v39  }
0x2e5: {  	v8 =	vmul.f32 v23, v25;
	v7 =	vadd.f32 v58, v7;
	v11 =	vsub.f32 $1.500000000e+00, v62  }
0x2e6: {  	v1 =	vmul.f32 v43, v9;
	v2 =	vmul.f32 v2, v17;
	v0 =	vadd.f32 v16, v0  }
0x2e7: {  	v47 =	vld [tilespmem:$0x1FD40];
	v28 =	vmul.f32 v21, v52;
	v7 =	vadd.f32 v8, v7;
	v26 =	vmul.f32 v10, v11  }
0x2e8: {  	v49 =	vld [tilespmem:$0x1FCC0];
	v35 =	vmul.f32 v14, v55;
	v30 =	vmul.f32 v1, v13;
	v0 =	vadd.f32 v2, v0  }
0x2e9: {  	v14 =	vmul.f32 v24, v46;
	v46 =	vld [tilespmem:$0x1FDD0];
	v7 =	vadd.f32 v28, v7;
	v11 =	vmul.f32 v26, v12  }
0x2ea: {  	v55 =	vld [tilespmem:$0x1FCE0];
	v16 =	vmul.f32 v20, v60;
	v2 =	vmul.f32 v30, v1;
	v0 =	vadd.f32 v29, v0  }
0x2eb: {  	v32 =	vmul.f32 v15, v27;
	v40 =	vld [tilespmem:$0x1FDE0];
	v7 =	vadd.f32 v31, v7;
	v33 =	vmul.f32 v11, v26  }
0x2ec: {  	v39 =	vld [tilespmem:$0x1FDB0];
	v2 =	vsub.f32 $1.500000000e+00, v2;
	v0 =	vadd.f32 v16, v0  }
0x2ed: {  	v48 =	vld [tilespmem:$0x1FD90];
	v7 =	vadd.f32 v32, v7;
	v10 =	vsub.f32 $1.500000000e+00, v33  }
0x2ee: {  	v43 =	vld [tilespmem:$0x1FD00];
	v1 =	vmul.f32 v2, v1;
	v0 =	vadd.f32 v34, v0  }
0x2ef: {  	v37 =	vmul.f32 v57, v61;
	v44 =	vld [tilespmem:$0x1FD60];
	v7 =	vadd.f32 v35, v7;
	v36 =	vmul.f32 v10, v26  }
0x2f0: {  	v3 =	vmul.f32 v5, v3;
	v52 =	vld [tilespmem:$0x1FD20];
	v38 =	vmul.f32 v1, v13;
	v0 =	vadd.f32 v14, v0  }
0x2f1: {  	v8 =	vmul.f32 v40, v39;
	v7 =	vadd.f32 v37, v7;
	v41 =	vmul.f32 v36, v12  }
0x2f2: {  	v42 =	vmul.f32 v38, v1;
	v0 =	vadd.f32 v3, v0  }
0x2f3: {  	v9 =	vmul.f32 v48, v47;
	v7 =	vadd.f32 v8, v7;
	v45 =	vmul.f32 v41, v36  }
0x2f4: {  	v5 =	vmul.f32 v44, v43;
	v3 =	vsub.f32 $1.500000000e+00, v42;
	v0 =	vadd.f32 v46, v0  }
0x2f5: {  	v11 =	vmul.f32 v55, v54;
	v10 =	vmul.f32 v52, v49;
	v8 =	vsub.f32 $1.500000000e+00, v45  }
0x2f6: {  	v7 =	vadd.f32 v9, v7;
	v1 =	vmul.f32 v3, v1;
	v0 =	vadd.f32 v5, v0  }
0x2f7: {  	v2 =	vmul.f32 v8, v36  }
0x2f8: {  	v56 =	vadd.f32 v10, v7;
	v1 =	vmin.f32 v1, $1.000000000e+00;
	v0 =	vadd.f32 v11, v0  }
0x2f9: {  	v57 =	vmul.f32 v1, v1;
	v2 =	vmin.f32 v2, $1.000000000e+00  }
0x2fa: {  	v0 =	vadd.f32 v0, v56;
	v1 =	vmul.f32 v2, v1;
	v58 =	vmul.f32 v2, v6  }
0x2fb: {  	v4 =	vmul.f32 v57, v4  }
0x2fc: {  	v0 =	vmul.f32 v1, v0;
	v59 =	vmul.f32 v58, v2;
	_ =	sdelay $0x1  }
0x2fd: {  	v1 =	vadd.f32 v59, v4;
	v0 =	vadd.f32 v0, v0;
	_ =	sdelay $0x1  }
0x2fe: {  	v0 =	vsub.f32 v1, v0;
	_ =	sdelay $0x1  }
0x2ff: {  	v0 =	vmax.f32 v0, $0.0e+00  }
0x300: {  	v60 =	vshra.s32 v0, $0x1;
	v61 =	vmul.f32 $5.000000000e-01, v0  }
0x301: {  	v1 =	vsub.s32 $0x5F3759DF, v60  }
0x302: {  	v62 =	vmul.f32 v1, v61;
	_ =	sdelay $0x1  }
0x303: {  	v3 =	vmul.f32 v1, v62;
	_ =	sdelay $0x1  }
0x304: {  	v3 =	vsub.f32 $1.500000000e+00, v3;
	_ =	sdelay $0x1  }
0x305: {  	v1 =	vmul.f32 v1, v3;
	_ =	sdelay $0x1  }
0x306: {  	v3 =	vmul.f32 v1, v61;
	_ =	sdelay $0x1  }
0x307: {  	v3 =	vmul.f32 v3, v1;
	_ =	sdelay $0x1  }
0x308: {  	v3 =	vsub.f32 $1.500000000e+00, v3;
	_ =	sdelay $0x1  }
0x309: {  	v1 =	vmul.f32 v3, v1;
	_ =	sdelay $0x1  }
0x30a: {  	v2 =	vmul.f32 v1, v61;
	_ =	sdelay $0x1  }
0x30b: {  	v2 =	vmul.f32 v2, v1;
	_ =	sdelay $0x1  }
0x30c: {  	v2 =	vsub.f32 $1.500000000e+00, v2;
	_ =	sdelay $0x1  }
0x30d: {  	s29 =	smul.u32 $0xA00, s22;
	v1 =	vmul.f32 v2, v1;
	_ =	sdelay $0x1  }
0x30e: {  	s26 =	sadd.s32 $0x2, s26;
	s29 =	sadd.s32 s5, s29;
	v0 =	vmul.f32 v1, v0  }
0x30f: {  	s28 =	sadd.s32 $0x10, s28;
	s26 =	sand.u32 $0x6, s26;
	s29 =	sshrl.u32 s29, $0x3  }
0x310: {  	s26 =	smul.u32 $0x500, s26;
	[tilespmem:s28+$0x0] =	vst v0;
	s28 =	sadd.s32 s2, s29;
	s29 =	simm.s32 $0x0  }
0x311: {  	[hbm4b:s28+s29] =	stream.linear.scatter [tilespmem:s4], [sflag:$0x4], $0x500, $0x38;
	[tilespmem:$0x19100] =	vst v63  }
0x312: {  	s26 =	sadd.s32 s5, s26;
	_ =	swait.ge [sflag:s11], $0x500  }
0x313: {  	s26 =	sshrl.u32 s26, $0x3;
	[sflag:s11] =	ssyncset.done $0x0  }
0x314: {  	s26 =	sadd.s32 s0, s26;
	[sflag:s11] =	ssyncadd.s32 $0xFFFFFB00  }
0x315: {  	[tilespmem:s18], [sflag:$0x4] =	stream.linear.gather [hbm4b:s26+s29], $0x500, $0x38;
	[tilespmem:$0x19100] =	vst v63  }
0x316: {  	_ =	swait.ge [sflag:s11], $0x500  }
0x317: {  	v17 =	vld [tilespmem:$0x1FE50]  }
0x318: {  	[sflag:s11] =	ssyncset.done $0x0;
	v40 =	vld [tilespmem:$0x1FE40]  }
0x319: {  	s28 =	simm.s32 $0x40;
	s26 =	simm.s32 $0x0;
	v15 =	vld [tilespmem:$0x1FE30];
	[sflag:s11] =	ssyncadd.s32 $0xFFFFFB00  }
.LBB2_11:
0x31a: {  	p0 =	sne.s32 s28, $0x13C0;
	v0 =	vld [tilespmem:s26+$0x4200];
	_ =	sdelay $0x4  }
.Ltmp4:
0x31b: {  	v1 =	vshll.u32 v0, $0x2;
	(pc) =	sbr.rel @p0 .LBB2_11-.Ltmp4, $4  }
0x31c: {  	v2 =	vand.u32 $0xFFFF8000, v0;
	v0 =	vshrl.u32 v0, $0xD;
	v1 =	vand.u32 $0x7FFC, v1  }
0x31d: {  	v0 =	vand.u32 $0x3, v0;
	v1 =	vor.u32 v2, v1  }
0x31e: {  	v0 =	vor.u32 v0, v1  }
0x31f: {  	[tilespmem:s26+$0x4200] =	vst v0;
	s26 =	sshra.s32 s28, $0x2;
	s28 =	sadd.s32 $0x40, s28  }
0x320: {  	v0 =	vld [tilespmem:s26+$0x4200];
	_ =	sdelay $0x4  }
0x321: {  	v1 =	vshll.u32 v0, $0x2  }
0x322: {  	v2 =	vand.u32 $0xFFFF8000, v0;
	v0 =	vshrl.u32 v0, $0xD;
	v1 =	vand.u32 $0x7FFC, v1  }
0x323: {  	v0 =	vand.u32 $0x3, v0;
	v1 =	vor.u32 v2, v1  }
0x324: {  	v0 =	vor.u32 v0, v1  }
0x325: {  	[tilespmem:s26+$0x4200] =	vst v0  }
0x326: {  	[tilespmem:s19], [sflag:$0x2] =	stream.indirect.gather [hbm4b:s7+s12], $0x20, s18, s12, $0xb8;
	[tilespmem:$0x19100] =	vst v63  }
0x327: {  	s29 =	simm.s32 $0x4280;
	s28 =	simm.s32 $0x5C00  }
0x328: {  	[tilespmem:s28], [sflag:$0x2] =	stream.indirect.gather [hbm4b:s7+s12], $0x20, s29, s12, $0xb8;
	[tilespmem:$0x19100] =	vst v63  }
0x329: {  	s26 =	simm.s32 $0x4300;
	s29 =	simm.s32 $0x6C00  }
0x32a: {  	[tilespmem:s29], [sflag:$0x2] =	stream.indirect.gather [hbm4b:s7+s12], $0x20, s26, s12, $0xb8;
	[tilespmem:$0x19100] =	vst v63  }
0x32b: {  	s26 =	simm.s32 $0x4380;
	s29 =	simm.s32 $0x7C00  }
0x32c: {  	[tilespmem:s29], [sflag:$0x2] =	stream.indirect.gather [hbm4b:s7+s12], $0x20, s26, s12, $0xb8;
	[tilespmem:$0x19100] =	vst v63  }
0x32d: {  	s26 =	simm.s32 $0x4400;
	s29 =	simm.s32 $0x8C00  }
0x32e: {  	[tilespmem:s29], [sflag:$0x2] =	stream.indirect.gather [hbm4b:s7+s12], $0x20, s26, s12, $0xb8;
	[tilespmem:$0x19100] =	vst v63  }
0x32f: {  	_ = 	snop  }
0x330: {  	[tilespmem:s31], [sflag:$0x2] =	stream.indirect.gather [hbm4b:s7+s12], $0x20, s30, s12, $0xb8;
	[tilespmem:$0x19100] =	vst v63  }
0x331: {  	_ = 	snop  }
0x332: {  	[tilespmem:s3], [sflag:$0x2] =	stream.indirect.gather [hbm4b:s7+s12], $0x20, s1, s12, $0xb8;
	[tilespmem:$0x19100] =	vst v63  }
0x333: {  	_ = 	snop  }
0x334: {  	[tilespmem:s15], [sflag:$0x2] =	stream.indirect.gather [hbm4b:s7+s12], $0x20, s14, s12, $0xb8;
	[tilespmem:$0x19100] =	vst v63  }
0x335: {  	_ = 	snop  }
0x336: {  	[tilespmem:s17], [sflag:$0x2] =	stream.indirect.gather [hbm4b:s7+s12], $0x20, s16, s12, $0xb8;
	[tilespmem:$0x19100] =	vst v63  }
0x337: {  	_ = 	snop  }
0x338: {  	[tilespmem:s8], [sflag:$0x2] =	stream.indirect.gather [hbm4b:s7+s12], $0x20, s25, s12, $0xb8;
	[tilespmem:$0x19100] =	vst v63  }
0x339: {  	_ =	swait.ge [sflag:s20], $0x1000  }
0x33a: {  	[sflag:s20] =	ssyncset.done $0x0  }
0x33b: {  	[sflag:s20] =	ssyncadd.s32 $0xFFFFF000  }
0x33c: {  	_ =	swait.ge [sflag:s20], $0x1000  }
0x33d: {  	[sflag:s20] =	ssyncset.done $0x0  }
0x33e: {  	[sflag:s20] =	ssyncadd.s32 $0xFFFFF000  }
0x33f: {  	_ =	swait.ge [sflag:s20], $0x1000  }
0x340: {  	[sflag:s20] =	ssyncset.done $0x0  }
0x341: {  	[sflag:s20] =	ssyncadd.s32 $0xFFFFF000  }
0x342: {  	_ =	swait.ge [sflag:s20], $0x1000  }
0x343: {  	[sflag:s20] =	ssyncset.done $0x0  }
0x344: {  	[sflag:s20] =	ssyncadd.s32 $0xFFFFF000  }
0x345: {  	_ =	swait.ge [sflag:s20], $0x1000  }
0x346: {  	[sflag:s20] =	ssyncset.done $0x0  }
0x347: {  	[sflag:s20] =	ssyncadd.s32 $0xFFFFF000  }
0x348: {  	_ =	swait.ge [sflag:s20], $0x1000  }
0x349: {  	[sflag:s20] =	ssyncset.done $0x0  }
0x34a: {  	[sflag:s20] =	ssyncadd.s32 $0xFFFFF000  }
0x34b: {  	_ =	swait.ge [sflag:s20], $0x1000  }
0x34c: {  	[sflag:s20] =	ssyncset.done $0x0  }
0x34d: {  	[sflag:s20] =	ssyncadd.s32 $0xFFFFF000  }
0x34e: {  	_ =	swait.ge [sflag:s20], $0x1000  }
0x34f: {  	[sflag:s20] =	ssyncset.done $0x0  }
0x350: {  	[sflag:s20] =	ssyncadd.s32 $0xFFFFF000  }
0x351: {  	_ =	swait.ge [sflag:s20], $0x1000  }
0x352: {  	v0 =	vld [tilespmem:$0x1FFF0];
	_ =	sdelay $0x1  }
0x353: {  	s28 =	simm.s32 $0x0  }
0x354: {  	v4 =	vor.u32 s28, v50  }
0x355: {  	v23 =	vshll.u32 v4, $0x5  }
0x356: {  	[sflag:s20] =	ssyncset.done $0x0;
	v1 =	vld [tilespmem:$0x1FF50];
	v0 =	vor.u32 v0, v23  }
0x357: {  	[sflag:s20] =	ssyncadd.s32 $0xFFFFF000  }
0x358: {  	_ =	swait.ge [sflag:s20], $0x1000  }
0x359: {  	[sflag:s20] =	ssyncset.done $0x0  }
0x35a: {  	[sflag:s20] =	ssyncadd.s32 $0xFFFFF000  }
0x35b: {  	v1 =	vor.u32 v1, v23;
	v0 =	vld.idx.msk [tilespmem:v0+s6+$0x0], $0xffff;
	_ =	sdelay $0x3  }
0x35c: {  	v28 =	vld [tilespmem:$0x1FF80]  }
0x35d: {  	[tilespmem:$0x1F7B0] =	vst v0;
	v0 =	vld.idx.msk [tilespmem:v1+s6+$0x0], $0xffff;
	_ =	sdelay $0x3  }
0x35e: {  	v7 =	vor.u32 v28, v23  }
0x35f: {  	[tilespmem:$0x1F760] =	vst v0;
	v0 =	vld [tilespmem:$0x1FEB0];
	_ =	sdelay $0x2  }
0x360: {  	v11 =	vmul.u32 $0xCCD, v4;
	v36 =	vld [tilespmem:$0x1FF20]  }
0x361: {  	s24 =	sshll.u32 s24, $0x6;
	v13 =	vor.u32 v51, v23;
	v51 =	vld.idx.msk [tilespmem:v7+s6+$0x0], $0xffff  }
0x362: {  	v7 =	vshrl.u32 v11, $0x10;
	v1 =	vmov s24;
	v9 =	vor.u32 v0, v23;
	v0 =	vld [tilespmem:$0x1FE80]  }
0x363: {  	[tilespmem:$0x1F880] =	vst v1;
	v7 =	vadd.s32 v1, v7;
	v1 =	vld [tilespmem:$0x1FFD0]  }
0x364: {  	v29 =	vld [tilespmem:$0x1FF90];
	_ =	sdelay $0x1  }
0x365: {  	v2 =	vor.u32 v36, v23  }
0x366: {  	v12 =	vor.u32 v0, v23;
	v0 =	vld [tilespmem:$0x1FE60]  }
0x367: {  	v1 =	vor.u32 v1, v23  }
0x368: {  	v3 =	vor.u32 v29, v23;
	[tilespmem:$0x1F780] =	vst v1;
	v1 =	vld [tilespmem:$0x1FFA0];
	_ =	sdelay $0x1  }
0x369: {  	v20 =	vld.idx.msk [tilespmem:v2+s6+$0x0], $0xffff  }
0x36a: {  	v11 =	vor.u32 v0, v23;
	v0 =	vld [tilespmem:$0x1FE10]  }
0x36b: {  	v2 =	vld [tilespmem:$0x1FEC0]  }
0x36c: {  	v34 =	vld.idx.msk [tilespmem:v3+s6+$0x0], $0xffff;
	v1 =	vor.u32 v1, v23  }
0x36d: {  	[tilespmem:$0x1F770] =	vst v1;
	v1 =	vld [tilespmem:$0x1FE20]  }
0x36e: {  	v22 =	vshll.u32 v7, $0x5;
	v3 =	vld.idx.msk [tilespmem:v9+s6+$0x0], $0xffff  }
0x36f: {  	v9 =	vor.u32 v0, v23;
	v19 =	vor.u32 v0, v22;
	v0 =	vld [tilespmem:$0x1FE90]  }
0x370: {  	v27 =	vld [tilespmem:$0x1FF00]  }
0x371: {  	v16 =	vld [tilespmem:$0x1FFB0]  }
0x372: {  	v10 =	vor.u32 v53, v23;
	v61 =	vld.idx.msk [tilespmem:v13+s6+$0x0], $0xffff  }
0x373: {  	v8 =	vor.u32 v2, v23;
	v13 =	vor.u32 v1, v23;
	v1 =	vld [tilespmem:$0x1FF10]  }
0x374: {  	v25 =	vor.u32 v0, v23;
	v0 =	vld [tilespmem:$0x1FE30]  }
0x375: {  	v21 =	vld [tilespmem:$0x1FFE0]  }
0x376: {  	v4 =	vld [tilespmem:$0x1FEF0];
	v5 =	vor.u32 v27, v23  }
0x377: {  	v45 =	vld.idx.msk [tilespmem:v10+s6+$0x0], $0xffff;
	v6 =	vor.u32 v16, v23  }
0x378: {  	v18 =	vor.u32 v40, v23;
	v43 =	vld.idx.msk [tilespmem:v8+s6+$0x0], $0xffff;
	v8 =	vor.u32 v17, v23;
	v30 =	vor.u32 v1, v23  }
0x379: {  	v47 =	vor.u32 v1, v22;
	v1 =	vld [tilespmem:$0x1FE20];
	v26 =	vor.u32 v0, v22;
	v0 =	vlaneseq.u32  }
0x37a: {  	v17 =	vor.u32 v50, v23;
	v50 =	vor.u32 v29, v22;
	v29 =	vor.u32 v0, v22;
	v0 =	vld [tilespmem:$0x1FE50]  }
0x37b: {  	v14 =	vld.idx.msk [tilespmem:v5+s6+$0x0], $0xffff  }
0x37c: {  	v39 =	vld.idx.msk [tilespmem:v6+s6+$0x0], $0xffff  }
0x37d: {  	v24 =	vor.u32 v63, v23;
	v6 =	vld [tilespmem:$0x1FF40]  }
0x37e: {  	v44 =	vor.u32 v27, v22;
	v27 =	vor.u32 v1, v22;
	v1 =	vld.idx.msk [tilespmem:v18+s6+$0x0], $0xffff  }
0x37f: {  	v18 =	vor.u32 v40, v22;
	v40 =	vor.u32 v0, v22;
	v0 =	vld [tilespmem:$0x1FE70]  }
0x380: {  	v15 =	vor.u32 v15, v23;
	v5 =	vld [tilespmem:$0x1FED0]  }
0x381: {  	v7 =	vld [tilespmem:$0x1FF30]  }
0x382: {  	v48 =	vor.u32 v36, v22;
	v36 =	vor.u32 v2, v22;
	v2 =	vld.idx.msk [tilespmem:v24+s6+$0x0], $0xffff  }
0x383: {  	v60 =	vld.idx.msk [tilespmem:v8+s6+$0x0], $0xffff  }
0x384: {  	[tilespmem:$0x1F800] =	vst v45;
	v42 =	vor.u32 v53, v22;
	v53 =	vmul.f32 v45, v45;
	v45 =	vor.u32 v0, v22;
	v0 =	vld [tilespmem:$0x1FE60]  }
0x385: {  	v8 =	vld.idx.msk [tilespmem:v15+s6+$0x0], $0xffff  }
0x386: {  	v15 =	vld.idx.msk [tilespmem:v17+s6+$0x0], $0xffff  }
0x387: {  	v49 =	vld.idx.msk [tilespmem:v12+s6+$0x0], $0xffff  }
0x388: {  	v17 =	vld.idx.msk [tilespmem:v13+s6+$0x0], $0xffff  }
0x389: {  	v56 =	vor.u32 v0, v22;
	v0 =	vld [tilespmem:$0x1FE90]  }
0x38a: {  	v11 =	vld.idx.msk [tilespmem:v11+s6+$0x0], $0xffff  }
0x38b: {  	v57 =	vld.idx.msk [tilespmem:v9+s6+$0x0], $0xffff  }
0x38c: {  	[tilespmem:$0x1F7A0] =	vst v61;
	v37 =	vor.u32 v63, v22;
	v52 =	vmul.f32 v43, v43;
	v9 =	vld.idx.msk [tilespmem:v19+s13+$0x0], $0xffff  }
0x38d: {  	[tilespmem:$0x1F820] =	vst v43;
	v63 =	vmul.f32 v8, v8;
	v55 =	vmul.f32 v15, v15;
	v43 =	vld.idx.msk [tilespmem:v25+s6+$0x0], $0xffff  }
0x38e: {  	v35 =	vor.u32 v21, v23;
	v33 =	vor.u32 v4, v23;
	[tilespmem:$0x1F790] =	vst v49;
	v58 =	vor.u32 v0, v22;
	v0 =	vld [tilespmem:$0x1FE80]  }
0x38f: {  	v54 =	vmul.f32 v49, v49;
	v49 =	vadd.f32 v63, v55;
	v55 =	vmul.f32 v1, v1;
	v13 =	vld.idx.msk [tilespmem:v26+s13+$0x0], $0xffff  }
0x390: {  	v61 =	vmul.f32 v61, v61;
	v38 =	vor.u32 v6, v23;
	v31 =	vor.u32 v5, v23;
	v26 =	vld.idx.msk [tilespmem:v27+s13+$0x0], $0xffff  }
0x391: {  	v16 =	vor.u32 v16, v22;
	v62 =	vmul.f32 v11, v11;
	v49 =	vadd.f32 v55, v49;
	v27 =	vld.idx.msk [tilespmem:v29+s13+$0x0], $0xffff  }
0x392: {  	[tilespmem:$0x1F7C0] =	vst v57;
	v25 =	vld.idx.msk [tilespmem:v18+s13+$0x0], $0xffff;
	v29 =	vmul.f32 v57, v57;
	v57 =	vmul.f32 v17, v17  }
0x393: {  	v32 =	vor.u32 v7, v23;
	v62 =	vadd.f32 v62, v49;
	v59 =	vor.u32 v0, v22;
	v0 =	vld [tilespmem:$0x1FEB0]  }
0x394: {  	[tilespmem:$0x1F7E0] =	vst v60;
	v60 =	vmul.f32 v60, v60;
	v57 =	vadd.f32 v29, v57;
	v29 =	vld.idx.msk [tilespmem:v40+s13+$0x0], $0xffff  }
0x395: {  	[tilespmem:$0x1F7F0] =	vst v1;
	v1 =	vld.idx.msk [tilespmem:v31+s6+$0x0], $0xffff;
	v31 =	vmul.f32 v9, v9;
	v54 =	vadd.f32 v54, v62  }
0x396: {  	v55 =	vmul.f32 v13, v13;
	v57 =	vadd.f32 v60, v57;
	v40 =	vld.idx.msk [tilespmem:v56+s13+$0x0], $0xffff;
	v56 =	vmul.f32 v27, v27  }
0x397: {  	v62 =	vor.u32 v5, v22;
	v63 =	vmul.f32 v43, v43;
	v60 =	vmul.f32 v26, v26;
	v45 =	vld.idx.msk [tilespmem:v45+s13+$0x0], $0xffff  }
0x398: {  	v57 =	vadd.f32 v61, v57;
	v55 =	vadd.f32 v55, v56;
	v58 =	vld.idx.msk [tilespmem:v58+s13+$0x0], $0xffff;
	v61 =	vor.u32 v0, v22  }
0x399: {  	v56 =	vadd.f32 v31, v60;
	v31 =	vmul.f32 v25, v25;
	v49 =	vld.idx.msk [tilespmem:v59+s13+$0x0], $0xffff;
	v59 =	vmul.f32 v29, v29  }
0x39a: {  	v10 =	vld [tilespmem:$0x1FF60];
	[tilespmem:$0x1F850] =	vst v39;
	v53 =	vadd.f32 v53, v54;
	v57 =	vadd.f32 v63, v57;
	v60 =	vmul.f32 v3, v3  }
0x39b: {  	v5 =	vld.idx.msk [tilespmem:v42+s13+$0x0], $0xffff;
	v55 =	vadd.f32 v31, v55;
	v42 =	vadd.f32 v59, v56;
	v56 =	vmul.f32 v40, v40  }
0x39c: {  	v37 =	vld.idx.msk [tilespmem:v37+s13+$0x0], $0xffff;
	v52 =	vadd.f32 v52, v53;
	v53 =	vmul.f32 v2, v2;
	v54 =	vmul.f32 v45, v45  }
0x39d: {  	v63 =	vor.u32 v28, v22;
	v57 =	vadd.f32 v60, v57;
	v55 =	vadd.f32 v56, v55;
	v59 =	vld.idx.msk [tilespmem:v61+s13+$0x0], $0xffff  }
0x39e: {  	v60 =	vld.idx.msk [tilespmem:v33+s6+$0x0], $0xffff;
	v56 =	vmul.f32 v58, v58;
	v54 =	vadd.f32 v54, v42;
	v61 =	vmul.f32 v1, v1  }
0x39f: {  	v4 =	vor.u32 v4, v22;
	v52 =	vadd.f32 v53, v52;
	v33 =	vld.idx.msk [tilespmem:v36+s13+$0x0], $0xffff;
	v0 =	vmul.f32 v49, v49  }
0x3a0: {  	v42 =	vld.idx.msk [tilespmem:v62+s13+$0x0], $0xffff;
	v54 =	vadd.f32 v56, v54;
	v56 =	vmul.f32 v39, v39;
	v57 =	vadd.f32 v61, v57  }
0x3a1: {  	v30 =	vld.idx.msk [tilespmem:v30+s6+$0x0], $0xffff;
	v61 =	vmul.f32 v51, v51;
	v0 =	vadd.f32 v0, v55;
	v55 =	vmul.f32 v5, v5  }
0x3a2: {  	[tilespmem:$0x1F840] =	vst v2;
	v36 =	vld.idx.msk [tilespmem:v63+s13+$0x0], $0xffff;
	v52 =	vadd.f32 v56, v52;
	v53 =	vmul.f32 v59, v59  }
0x3a3: {  	v32 =	vld.idx.msk [tilespmem:v32+s6+$0x0], $0xffff;
	v57 =	vadd.f32 v61, v57;
	v61 =	vmul.f32 v60, v60;
	v0 =	vadd.f32 v55, v0  }
0x3a4: {  	v39 =	vld.idx.msk [tilespmem:v16+s13+$0x0], $0xffff;
	v55 =	vmul.f32 v14, v14;
	v53 =	vadd.f32 v53, v54;
	v54 =	vmul.f32 v33, v33  }
0x3a5: {  	v44 =	vld.idx.msk [tilespmem:v44+s13+$0x0], $0xffff;
	v56 =	vmul.f32 v42, v42;
	v57 =	vadd.f32 v61, v57;
	v61 =	vmul.f32 v34, v34  }
0x3a6: {  	v2 =	vmovc v34;
	v52 =	vadd.f32 v55, v52;
	v34 =	vmul.f32 v30, v30;
	v0 =	vadd.f32 v54, v0  }
0x3a7: {  	v54 =	vmul.f32 v36, v36;
	v53 =	vadd.f32 v56, v53;
	v56 =	vmul.f32 v37, v37  }
0x3a8: {  	v46 =	vor.u32 v10, v23;
	v52 =	vadd.f32 v34, v52;
	v34 =	vld.idx.msk [tilespmem:v35+s6+$0x0], $0xffff;
	v35 =	vmul.f32 v32, v32  }
0x3a9: {  	v12 =	vld [tilespmem:$0x1FF70];
	v0 =	vadd.f32 v56, v0;
	v53 =	vadd.f32 v54, v53;
	v54 =	vmul.f32 v39, v39  }
0x3aa: {  	v38 =	vld.idx.msk [tilespmem:v38+s6+$0x0], $0xffff  }
0x3ab: {  	v16 =	vld [tilespmem:$0x1FFC0];
	v52 =	vadd.f32 v35, v52;
	v35 =	vmul.f32 v44, v44;
	v0 =	vadd.f32 v54, v0  }
0x3ac: {  	[tilespmem:$0x1F830] =	vst v51;
	v51 =	vld.idx.msk [tilespmem:v4+s13+$0x0], $0xffff  }
0x3ad: {  	[tilespmem:$0x1F810] =	vst v1;
	v1 =	vadd.f32 v35, v0;
	v0 =	vld [tilespmem:$0x1F770]  }
0x3ae: {  	v41 =	vor.u32 v12, v23;
	v56 =	vld.idx.msk [tilespmem:v46+s6+$0x0], $0xffff  }
0x3af: {  	v57 =	vadd.f32 v61, v57;
	v61 =	vmul.f32 v20, v20  }
0x3b0: {  	v46 =	vld.idx.msk [tilespmem:v47+s13+$0x0], $0xffff  }
0x3b1: {  	v63 =	vmul.f32 v51, v51;
	v55 =	vadd.f32 v61, v57;
	v61 =	vmul.f32 v38, v38  }
0x3b2: {  	v50 =	vld.idx.msk [tilespmem:v50+s13+$0x0], $0xffff;
	v47 =	vor.u32 v16, v23  }
0x3b3: {  	v23 =	vld.idx.msk [tilespmem:v41+s6+$0x0], $0xffff;
	v41 =	vadd.f32 v61, v55;
	v53 =	vadd.f32 v63, v53;
	v63 =	vmul.f32 v56, v56  }
0x3b4: {  	v31 =	vld [tilespmem:$0x1F760]  }
0x3b5: {  	v41 =	vadd.f32 v63, v41;
	v63 =	vmul.f32 v46, v46;
	v35 =	vld.idx.msk [tilespmem:v0+s6+$0x0], $0xffff  }
0x3b6: {  	v0 =	vld [tilespmem:$0x1FF50]  }
0x3b7: {  	v62 =	vor.u32 v6, v22;
	v4 =	vadd.f32 v63, v1;
	v1 =	vld [tilespmem:$0x1F780]  }
0x3b8: {  	v54 =	vor.u32 v7, v22  }
0x3b9: {  	v48 =	vld.idx.msk [tilespmem:v48+s13+$0x0], $0xffff  }
0x3ba: {  	v19 =	vld [tilespmem:$0x1FFD0];
	v55 =	vmul.f32 v31, v31;
	v61 =	vmul.f32 v50, v50  }
0x3bb: {  	v7 =	vld [tilespmem:$0x1F790];
	v57 =	vor.u32 v0, v22  }
0x3bc: {  	v52 =	vadd.f32 v55, v52;
	v55 =	vld.idx.msk [tilespmem:v62+s13+$0x0], $0xffff;
	v53 =	vadd.f32 v61, v53;
	v61 =	vor.u32 v10, v22  }
0x3bd: {  	v54 =	vld.idx.msk [tilespmem:v54+s13+$0x0], $0xffff  }
0x3be: {  	[tilespmem:$0x1F870] =	vst v20;
	v20 =	vld.idx.msk [tilespmem:v47+s6+$0x0], $0xffff  }
0x3bf: {  	[tilespmem:$0x1F7D0] =	vst v8;
	v8 =	vmov v3;
	v43 =	vmul.f32 v58, v43;
	v28 =	vld.idx.msk [tilespmem:v1+s6+$0x0], $0xffff;
	v1 =	vmul.f32 v23, v23  }
0x3c0: {  	v51 =	vmul.f32 v51, v60;
	v63 =	vor.u32 v12, v22;
	v0 =	vmul.f32 v48, v48;
	v18 =	vld.idx.msk [tilespmem:v57+s13+$0x0], $0xffff  }
0x3c1: {  	v60 =	vor.u32 v19, v22;
	v3 =	vadd.f32 v1, v52;
	v52 =	vld.idx.msk [tilespmem:v61+s13+$0x0], $0xffff;
	v61 =	vmul.f32 v35, v35  }
0x3c2: {  	v58 =	vld [tilespmem:$0x1F7B0];
	v50 =	vmul.f32 v50, v2;
	v2 =	vadd.f32 v0, v53;
	v0 =	vmul.f32 v54, v54  }
0x3c3: {  	[tilespmem:$0x1F860] =	vst v14;
	v14 =	vmul.f32 v49, v7;
	v1 =	vmul.f32 v55, v55;
	v41 =	vadd.f32 v61, v41  }
0x3c4: {  	v7 =	vld [tilespmem:$0x1F7A0];
	v61 =	vmul.f32 v20, v20;
	v0 =	vadd.f32 v0, v4;
	v4 =	vmul.f32 v28, v28  }
0x3c5: {  	v1 =	vadd.f32 v1, v2;
	v2 =	vld.idx.msk [tilespmem:v63+s13+$0x0], $0xffff;
	v63 =	vmul.f32 v18, v18  }
0x3c6: {  	v3 =	vadd.f32 v61, v3;
	v4 =	vadd.f32 v4, v41  }
0x3c7: {  	v41 =	vld.idx.msk [tilespmem:v60+s13+$0x0], $0xffff;
	v60 =	vmul.f32 v34, v34;
	v0 =	vadd.f32 v63, v0;
	v63 =	vmul.f32 v58, v58;
	_ =	sdelay $0x1  }
0x3c8: {  	v3 =	vadd.f32 v60, v3;
	v4 =	vadd.f32 v63, v4  }
0x3c9: {  	v12 =	vmul.f32 v45, v7;
	v7 =	vld [tilespmem:$0x1F7D0]  }
0x3ca: {  	v3 =	vadd.f32 v4, v3;
	v4 =	vld [tilespmem:$0x1F7C0];
	_ =	sdelay $0x4  }
0x3cb: {  	v4 =	vmul.f32 v9, v4;
	v9 =	vmul.f32 v13, v7;
	v7 =	vld [tilespmem:$0x1F7E0];
	_ =	sdelay $0x3  }
0x3cc: {  	v53 =	vld [tilespmem:$0x1FFA0]  }
0x3cd: {  	v6 =	vmul.f32 v59, v8;
	v8 =	vmul.f32 v29, v7;
	v7 =	vld [tilespmem:$0x1F7F0]  }
0x3ce: {  	v15 =	vmul.f32 v27, v15  }
0x3cf: {  	v24 =	vld [tilespmem:$0x1FFF0]  }
0x3d0: {  	v10 =	vadd.f32 $0.0e+00, v15  }
0x3d1: {  	v57 =	vor.u32 v53, v22  }
0x3d2: {  	v9 =	vadd.f32 v9, v10;
	v10 =	vmul.f32 v25, v7;
	v7 =	vld [tilespmem:$0x1F800];
	_ =	sdelay $0x1  }
0x3d3: {  	v62 =	vor.u32 v24, v22;
	v47 =	vor.u32 v21, v22;
	v22 =	vor.u32 v16, v22  }
0x3d4: {  	v17 =	vmul.f32 v26, v17  }
0x3d5: {  	v57 =	vld.idx.msk [tilespmem:v57+s13+$0x0], $0xffff  }
0x3d6: {  	v15 =	vadd.f32 $0.0e+00, v17;
	v7 =	vmul.f32 v5, v7;
	v5 =	vld [tilespmem:$0x1F810]  }
0x3d7: {  	v11 =	vmul.f32 v40, v11;
	v9 =	vadd.f32 v10, v9  }
0x3d8: {  	v56 =	vmul.f32 v52, v56;
	v52 =	vmul.f32 v52, v52;
	v22 =	vld.idx.msk [tilespmem:v22+s13+$0x0], $0xffff;
	v4 =	vadd.f32 v4, v15  }
0x3d9: {  	v62 =	vld.idx.msk [tilespmem:v62+s13+$0x0], $0xffff;
	v9 =	vadd.f32 v11, v9  }
0x3da: {  	v47 =	vld.idx.msk [tilespmem:v47+s13+$0x0], $0xffff;
	v1 =	vadd.f32 v52, v1;
	v60 =	vmul.f32 v2, v2;
	v4 =	vadd.f32 v8, v4  }
0x3db: {  	v63 =	vmul.f32 v57, v57;
	v9 =	vadd.f32 v14, v9;
	v14 =	vmul.f32 v42, v5;
	v5 =	vld [tilespmem:$0x1F820]  }
0x3dc: {  	v4 =	vadd.f32 v12, v4  }
0x3dd: {  	v0 =	vadd.f32 v60, v0;
	v1 =	vadd.f32 v63, v1;
	v63 =	vmul.f32 v22, v22  }
0x3de: {  	v49 =	vmul.f32 v62, v62;
	v60 =	vmul.f32 v41, v41;
	v4 =	vadd.f32 v43, v4  }
0x3df: {  	v35 =	vmul.f32 v57, v35;
	v57 =	vmul.f32 v47, v47;
	v0 =	vadd.f32 v63, v0  }
0x3e0: {  	v1 =	vadd.f32 v60, v1;
	v4 =	vadd.f32 v6, v4;
	v6 =	vmul.f32 v33, v5;
	v5 =	vld [tilespmem:$0x1F830];
	_ =	sdelay $0x1  }
0x3e1: {  	v0 =	vadd.f32 v57, v0;
	v1 =	vadd.f32 v49, v1  }
0x3e2: {  	v7 =	vadd.f32 v7, v9  }
0x3e3: {  	v0 =	vadd.f32 v1, v0;
	v1 =	vshra.s32 v3, $0x1  }
0x3e4: {  	v4 =	vadd.f32 v14, v4;
	v6 =	vadd.f32 v6, v7;
	v7 =	vld [tilespmem:$0x1F840];
	v5 =	vmul.f32 v36, v5  }
0x3e5: {  	v13 =	vmul.f32 $5.000000000e-01, v3;
	v1 =	vsub.s32 $0x5F3759DF, v1  }
0x3e6: {  	v8 =	vshra.s32 v0, $0x1;
	v10 =	vmul.f32 $5.000000000e-01, v0;
	v4 =	vadd.f32 v5, v4;
	v5 =	vld [tilespmem:$0x1F850]  }
0x3e7: {  	v15 =	vmul.f32 v1, v13;
	v8 =	vsub.s32 $0x5F3759DF, v8  }
0x3e8: {  	v11 =	vmul.f32 v8, v10  }
0x3e9: {  	v12 =	vmul.f32 v1, v15;
	v7 =	vmul.f32 v37, v7  }
0x3ea: {  	v11 =	vmul.f32 v8, v11  }
0x3eb: {  	v12 =	vsub.f32 $1.500000000e+00, v12;
	v6 =	vadd.f32 v7, v6;
	v5 =	vmul.f32 v39, v5  }
0x3ec: {  	v9 =	vsub.f32 $1.500000000e+00, v11;
	v11 =	vld [tilespmem:$0x1F870]  }
0x3ed: {  	v1 =	vmul.f32 v1, v12;
	v5 =	vadd.f32 v5, v6;
	v6 =	vld [tilespmem:$0x1F860];
	_ =	sdelay $0x1  }
0x3ee: {  	v8 =	vmul.f32 v8, v9;
	v9 =	vmul.f32 v1, v13;
	_ =	sdelay $0x1  }
0x3ef: {  	v9 =	vmul.f32 v9, v1;
	v7 =	vmul.f32 v8, v10;
	v4 =	vadd.f32 v51, v4  }
0x3f0: {  	v11 =	vmul.f32 v48, v11;
	v6 =	vmul.f32 v44, v6  }
0x3f1: {  	v9 =	vsub.f32 $1.500000000e+00, v9;
	v7 =	vmul.f32 v7, v8;
	v4 =	vadd.f32 v50, v4  }
0x3f2: {  	v12 =	vmul.f32 v55, v38;
	v5 =	vadd.f32 v6, v5;
	v6 =	vmul.f32 v46, v30  }
0x3f3: {  	v1 =	vmul.f32 v9, v1;
	v7 =	vsub.f32 $1.500000000e+00, v7;
	v4 =	vadd.f32 v11, v4  }
0x3f4: {  	v5 =	vadd.f32 v6, v5;
	v6 =	vmul.f32 v54, v32  }
0x3f5: {  	v7 =	vmul.f32 v7, v8;
	v8 =	vmul.f32 v1, v13;
	v4 =	vadd.f32 v12, v4  }
0x3f6: {  	v5 =	vadd.f32 v6, v5;
	v6 =	vmul.f32 v18, v31  }
0x3f7: {  	v9 =	vmul.f32 v7, v10;
	v8 =	vmul.f32 v8, v1;
	v4 =	vadd.f32 v56, v4  }
0x3f8: {  	v2 =	vmul.f32 v2, v23;
	v5 =	vadd.f32 v6, v5  }
0x3f9: {  	v9 =	vmul.f32 v9, v7;
	v8 =	vsub.f32 $1.500000000e+00, v8;
	v4 =	vadd.f32 v35, v4  }
0x3fa: {  	v6 =	vmul.f32 v41, v28;
	v2 =	vadd.f32 v2, v5;
	v5 =	vmul.f32 v22, v20  }
0x3fb: {  	v11 =	vmul.f32 v62, v58;
	v10 =	vmul.f32 v47, v34;
	v9 =	vsub.f32 $1.500000000e+00, v9  }
0x3fc: {  	v1 =	vmul.f32 v8, v1;
	v4 =	vadd.f32 v6, v4;
	v2 =	vadd.f32 v5, v2  }
0x3fd: {  	v5 =	vmul.f32 v9, v7  }
0x3fe: {  	v1 =	vmin.f32 v1, $1.000000000e+00;
	v4 =	vadd.f32 v11, v4;
	v2 =	vadd.f32 v10, v2  }
0x3ff: {  	v6 =	vmul.f32 v1, v1;
	v5 =	vmin.f32 v5, $1.000000000e+00  }
0x400: {  	v1 =	vmul.f32 v5, v1;
	v0 =	vmul.f32 v5, v0;
	v2 =	vadd.f32 v4, v2  }
0x401: {  	v3 =	vmul.f32 v6, v3  }
0x402: {  	v0 =	vmul.f32 v0, v5;
	v1 =	vmul.f32 v1, v2;
	_ =	sdelay $0x1  }
0x403: {  	v0 =	vadd.f32 v0, v3;
	v1 =	vadd.f32 v1, v1;
	_ =	sdelay $0x1  }
0x404: {  	v0 =	vsub.f32 v0, v1;
	_ =	sdelay $0x1  }
0x405: {  	v0 =	vmax.f32 v0, $0.0e+00  }
0x406: {  	v1 =	vshra.s32 v0, $0x1;
	v2 =	vmul.f32 $5.000000000e-01, v0  }
0x407: {  	v1 =	vsub.s32 $0x5F3759DF, v1  }
0x408: {  	v3 =	vmul.f32 v1, v2;
	_ =	sdelay $0x1  }
0x409: {  	v3 =	vmul.f32 v1, v3;
	_ =	sdelay $0x1  }
0x40a: {  	v3 =	vsub.f32 $1.500000000e+00, v3;
	_ =	sdelay $0x1  }
0x40b: {  	v1 =	vmul.f32 v1, v3;
	_ =	sdelay $0x1  }
0x40c: {  	v3 =	vmul.f32 v1, v2;
	_ =	sdelay $0x1  }
0x40d: {  	v3 =	vmul.f32 v3, v1;
	_ =	sdelay $0x1  }
0x40e: {  	v3 =	vsub.f32 $1.500000000e+00, v3;
	_ =	sdelay $0x1  }
0x40f: {  	v1 =	vmul.f32 v3, v1;
	_ =	sdelay $0x1  }
0x410: {  	v2 =	vmul.f32 v1, v2;
	_ =	sdelay $0x1  }
0x411: {  	v2 =	vmul.f32 v2, v1;
	_ =	sdelay $0x1  }
0x412: {  	s29 =	simm.s32 $0x10;
	v36 =	vlaneseq.u32;
	v2 =	vsub.f32 $1.500000000e+00, v2  }
0x413: {  	v3 =	vor.u32 s29, v36  }
0x414: {  	v4 =	vmul.u32 $0xCCD, v3;
	v6 =	vshll.u32 v3, $0x5;
	v3 =	vld [tilespmem:$0x1F880];
	v1 =	vmul.f32 v2, v1;
	_ =	sdelay $0x1  }
0x415: {  	v26 =	vld [tilespmem:$0x1FE30];
	v7 =	vor.u32 v19, v6;
	v0 =	vmul.f32 v1, v0  }
0x416: {  	s24 =	simm.s32 $0x18C00;
	v27 =	vld [tilespmem:$0x1FE20]  }
0x417: {  	v9 =	vld [tilespmem:$0x1FF70];
	v4 =	vshrl.u32 v4, $0x10;
	[tilespmem:s24+$0x0] =	vst v0;
	v0 =	vor.u32 v16, v6  }
0x418: {  	v59 =	vld [tilespmem:$0x1FEC0];
	v3 =	vadd.s32 v3, v4  }
0x419: {  	v17 =	vld [tilespmem:$0x1FE10];
	v2 =	vshll.u32 v3, $0x5  }
0x41a: {  	v3 =	vor.u32 v21, v6;
	v1 =	vor.u32 v21, v2;
	v21 =	vld.idx.msk [tilespmem:v7+s6+$0x0], $0xffff;
	v7 =	vor.u32 v53, v2  }
0x41b: {  	v47 =	vld [tilespmem:$0x1FF30]  }
0x41c: {  	v20 =	vld.idx.msk [tilespmem:v0+s6+$0x0], $0xffff;
	v0 =	vor.u32 v9, v2  }
0x41d: {  	v49 =	vld [tilespmem:$0x1FF10]  }
0x41e: {  	v15 =	vld [tilespmem:$0x1FED0]  }
0x41f: {  	v63 =	vld.idx.msk [tilespmem:v7+s13+$0x0], $0xffff  }
0x420: {  	v7 =	vld [tilespmem:$0x1FEF0]  }
0x421: {  	v28 =	vld.idx.msk [tilespmem:v0+s13+$0x0], $0xffff;
	v0 =	vor.u32 v47, v6  }
0x422: {  	v55 =	vld [tilespmem:$0x1FE60]  }
0x423: {  	v14 =	vld [tilespmem:$0x1FE50];
	v4 =	vor.u32 v24, v6  }
0x424: {  	v37 =	vld [tilespmem:$0x1FF00]  }
0x425: {  	v51 =	vld [tilespmem:$0x1FEE0];
	v5 =	vor.u32 v24, v2  }
0x426: {  	v40 =	vld.idx.msk [tilespmem:v0+s6+$0x0], $0xffff;
	v0 =	vor.u32 v7, v6  }
0x427: {  	v11 =	vld [tilespmem:$0x1FF40]  }
0x428: {  	v41 =	vld.idx.msk [tilespmem:v4+s6+$0x0], $0xffff  }
0x429: {  	v39 =	vld.idx.msk [tilespmem:v3+s6+$0x0], $0xffff  }
0x42a: {  	v3 =	vor.u32 v16, v2;
	v18 =	vld.idx.msk [tilespmem:v5+s13+$0x0], $0xffff  }
0x42b: {  	v52 =	vld.idx.msk [tilespmem:v0+s6+$0x0], $0xffff  }
0x42c: {  	v0 =	vld [tilespmem:$0x1FE40]  }
0x42d: {  	v4 =	vor.u32 v19, v2;
	v19 =	vld.idx.msk [tilespmem:v1+s13+$0x0], $0xffff  }
0x42e: {  	v1 =	vor.u32 v9, v6;
	v9 =	vld [tilespmem:$0x1FF60]  }
0x42f: {  	v5 =	vor.u32 v53, v6;
	v22 =	vld.idx.msk [tilespmem:v3+s13+$0x0], $0xffff  }
0x430: {  	v3 =	vld [tilespmem:$0x1FF50]  }
0x431: {  	v33 =	vor.u32 v0, v6;
	v0 =	vld [tilespmem:$0x1FE70]  }
0x432: {  	v13 =	vld [tilespmem:$0x1FEA0]  }
0x433: {  	v23 =	vld.idx.msk [tilespmem:v4+s13+$0x0], $0xffff;
	v4 =	vor.u32 v9, v6  }
0x434: {  	v10 =	vld.idx.msk [tilespmem:v5+s6+$0x0], $0xffff;
	v5 =	vor.u32 v9, v2;
	v9 =	vor.u32 v11, v6  }
0x435: {  	v35 =	vld [tilespmem:$0x1FF20]  }
0x436: {  	v50 =	vmovc v17;
	v30 =	vld [tilespmem:$0x1FF90];
	v8 =	vor.u32 v3, v6;
	v17 =	vor.u32 v0, v6;
	v0 =	vor.u32 v47, v2  }
0x437: {  	v24 =	vld.idx.msk [tilespmem:v1+s6+$0x0], $0xffff;
	v1 =	vor.u32 v3, v2;
	[tilespmem:$0x1F890] =	vst v0;
	v0 =	vmul.f32 v41, v41  }
0x438: {  	v3 =	vld.idx.msk [tilespmem:v4+s6+$0x0], $0xffff;
	v4 =	vor.u32 v11, v2  }
0x439: {  	v60 =	vld.idx.msk [tilespmem:v9+s6+$0x0], $0xffff;
	v9 =	vor.u32 v37, v6;
	[tilespmem:$0x1F8A0] =	vst v0;
	v0 =	vmul.f32 v39, v39  }
0x43a: {  	v32 =	vld [tilespmem:$0x1FFB0]  }
0x43b: {  	v29 =	vld.idx.msk [tilespmem:v8+s6+$0x0], $0xffff;
	v8 =	vor.u32 v35, v6;
	[tilespmem:$0x1F8C0] =	vst v0;
	v0 =	vmul.f32 v18, v18  }
0x43c: {  	[tilespmem:$0x1F8B0] =	vst v39;
	v38 =	vld.idx.msk [tilespmem:v1+s13+$0x0], $0xffff  }
0x43d: {  	v1 =	vor.u32 v30, v6;
	v43 =	vld.idx.msk [tilespmem:v4+s13+$0x0], $0xffff;
	[tilespmem:$0x1F8E0] =	vst v0;
	v0 =	vmul.f32 v21, v21  }
0x43e: {  	[tilespmem:$0x1F8F0] =	vst v21;
	v58 =	vld.idx.msk [tilespmem:v9+s6+$0x0], $0xffff  }
0x43f: {  	v9 =	vld [tilespmem:$0x1FE90];
	[tilespmem:$0x1F900] =	vst v0;
	v0 =	vmul.f32 v19, v19  }
0x440: {  	v12 =	vor.u32 v51, v6;
	[tilespmem:$0x1F8D0] =	vst v18;
	v45 =	vld.idx.msk [tilespmem:v8+s6+$0x0], $0xffff  }
0x441: {  	v15 =	vor.u32 v15, v6;
	v11 =	vor.u32 v49, v6;
	v8 =	vld [tilespmem:$0x1FF80];
	[tilespmem:$0x1F920] =	vst v0;
	v0 =	vmul.f32 v20, v20  }
0x442: {  	v25 =	vor.u32 v55, v6;
	[tilespmem:$0x1F910] =	vst v19;
	v4 =	vor.u32 v32, v6;
	v57 =	vld.idx.msk [tilespmem:v1+s6+$0x0], $0xffff  }
0x443: {  	v53 =	vmov v13;
	v1 =	vor.u32 v13, v6;
	v13 =	vld [tilespmem:$0x1FEB0];
	[tilespmem:$0x1F940] =	vst v0;
	v0 =	vmul.f32 v23, v23  }
0x444: {  	v61 =	vld [tilespmem:$0x1FE80];
	v34 =	vor.u32 v14, v6;
	v31 =	vor.u32 v36, v6;
	v36 =	vor.u32 v27, v6;
	[tilespmem:$0x1F930] =	vst v20  }
0x445: {  	v48 =	vmov v27;
	v27 =	vor.u32 v26, v6;
	v5 =	vld.idx.msk [tilespmem:v5+s13+$0x0], $0xffff;
	[tilespmem:$0x1F960] =	vst v0;
	v0 =	vmul.f32 v10, v10  }
0x446: {  	v46 =	vmov v26;
	v26 =	vor.u32 v50, v6;
	[tilespmem:$0x1F950] =	vst v23;
	v44 =	vld.idx.msk [tilespmem:v11+s6+$0x0], $0xffff;
	v9 =	vor.u32 v9, v6  }
0x447: {  	v42 =	vmov v59;
	v4 =	vld.idx.msk [tilespmem:v4+s6+$0x0], $0xffff;
	v8 =	vor.u32 v8, v6;
	[tilespmem:$0x1F970] =	vst v0;
	v0 =	vmul.f32 v22, v22  }
0x448: {  	[tilespmem:$0x1F980] =	vst v22;
	v11 =	vor.u32 v59, v6;
	v59 =	vmov v13;
	v13 =	vor.u32 v13, v6;
	v1 =	vld.idx.msk [tilespmem:v1+s6+$0x0], $0xffff  }
0x449: {  	v16 =	vor.u32 v61, v6;
	v6 =	vld.idx.msk [tilespmem:v12+s6+$0x0], $0xffff;
	[tilespmem:$0x1F990] =	vst v0;
	v0 =	vmul.f32 v24, v24  }
0x44a: {  	[tilespmem:$0x1F9A0] =	vst v24;
	v12 =	vld.idx.msk [tilespmem:v15+s6+$0x0], $0xffff  }
0x44b: {  	v9 =	vld.idx.msk [tilespmem:v9+s6+$0x0], $0xffff;
	[tilespmem:$0x1F9B0] =	vst v0;
	v0 =	vmul.f32 v63, v10  }
0x44c: {  	[tilespmem:$0x1F9D0] =	vst v28;
	v8 =	vld.idx.msk [tilespmem:v8+s6+$0x0], $0xffff  }
0x44d: {  	v62 =	vmov v61;
	v61 =	vmov v14;
	v56 =	vld.idx.msk [tilespmem:v13+s6+$0x0], $0xffff;
	[tilespmem:$0x1F9C0] =	vst v0;
	v0 =	vmul.f32 v28, v28  }
0x44e: {  	v14 =	vmov v41;
	[tilespmem:$0x1FA00] =	vst v29;
	v15 =	vor.u32 v49, v2;
	v39 =	vld.idx.msk [tilespmem:v11+s6+$0x0], $0xffff;
	v18 =	vor.u32 v35, v2  }
0x44f: {  	v21 =	vor.u32 v32, v2;
	v19 =	vor.u32 v37, v2;
	[tilespmem:$0x1F9E0] =	vst v0;
	v0 =	vmul.f32 v63, v63  }
0x450: {  	v11 =	vld.idx.msk [tilespmem:v17+s6+$0x0], $0xffff;
	v20 =	vor.u32 v30, v2;
	v23 =	vor.u32 v51, v2;
	v51 =	vmul.f32 v29, v29  }
0x451: {  	s26 =	simm.s32 $0x20;
	v54 =	vlaneseq.u32;
	v22 =	vor.u32 v7, v2;
	v10 =	vld.idx.msk [tilespmem:v16+s6+$0x0], $0xffff;
	v16 =	vmul.f32 v3, v3;
	v28 =	vmovc v1;
	[tilespmem:$0x1F9F0] =	vst v0  }
.LBB2_13:
0x452: {  	v0 =	vmul.f32 v5, v5;
	_ =	sdelay $0x1  }
0x453: {  	[tilespmem:$0x1F680] =	vst v0;
	v0 =	vmul.f32 v5, v3;
	_ =	sdelay $0x1  }
0x454: {  	[tilespmem:$0x1F740] =	vst v0;
	v0 =	vmul.f32 v60, v60;
	_ =	sdelay $0x1  }
0x455: {  	[tilespmem:$0x1F650] =	vst v0;
	v0 =	vmul.f32 v38, v38;
	_ =	sdelay $0x1  }
0x456: {  	[tilespmem:$0x1F670] =	vst v0;
	v0 =	vmul.f32 v40, v40  }
0x457: {  	v24 =	vld.idx.msk [tilespmem:v25+s6+$0x0], $0xffff  }
0x458: {  	v25 =	vld.idx.msk [tilespmem:v27+s6+$0x0], $0xffff;
	[tilespmem:$0x1F640] =	vst v0;
	v0 =	vmul.f32 v43, v43  }
0x459: {  	v29 =	vld.idx.msk [tilespmem:v36+s6+$0x0], $0xffff  }
0x45a: {  	[tilespmem:$0x1F660] =	vst v0;
	v0 =	vld [tilespmem:$0x1FE40]  }
0x45b: {  	v37 =	vor.u32 v46, v2;
	v31 =	vld.idx.msk [tilespmem:v31+s6+$0x0], $0xffff  }
0x45c: {  	v36 =	vor.u32 v48, v2;
	[tilespmem:$0x1F6C0] =	vst v4;
	v48 =	vmul.f32 v4, v4;
	v4 =	vld [tilespmem:$0x1FE90]  }
0x45d: {  	v26 =	vld.idx.msk [tilespmem:v26+s6+$0x0], $0xffff  }
0x45e: {  	[tilespmem:$0x1F710] =	vst v43;
	v46 =	vmul.f32 v58, v58;
	v27 =	vld.idx.msk [tilespmem:v33+s6+$0x0], $0xffff;
	v43 =	vor.u32 v61, v2  }
0x45f: {  	[tilespmem:$0x1F6D0] =	vst v58;
	v13 =	vmov v52;
	v49 =	vmul.f32 v52, v52;
	v5 =	vld.idx.msk [tilespmem:v34+s6+$0x0], $0xffff;
	v52 =	vor.u32 v0, v2  }
0x460: {  	v47 =	vmul.f32 v57, v57;
	v58 =	vor.u32 v54, v2;
	v32 =	vor.u32 v55, v2;
	v33 =	vld.idx.msk [tilespmem:v37+s13+$0x0], $0xffff  }
0x461: {  	v55 =	vmul.f32 v25, v25;
	v3 =	vmovc v57;
	v57 =	vor.u32 v4, v2;
	v4 =	vmul.f32 v31, v31  }
0x462: {  	[tilespmem:$0x1F730] =	vst v38;
	v37 =	vld.idx.msk [tilespmem:v36+s13+$0x0], $0xffff;
	v35 =	vmul.f32 v26, v26;
	v30 =	vmul.f32 v29, v29  }
0x463: {  	v4 =	vadd.f32 v55, v4;
	v38 =	vld.idx.msk [tilespmem:v43+s13+$0x0], $0xffff;
	v43 =	vor.u32 v62, v2;
	v62 =	vmul.f32 v27, v27  }
0x464: {  	v30 =	vadd.f32 v35, v30;
	v36 =	vld.idx.msk [tilespmem:v52+s13+$0x0], $0xffff;
	v52 =	vmul.f32 v5, v5  }
0x465: {  	[tilespmem:$0x1F720] =	vst v40;
	v41 =	vor.u32 v42, v2;
	v7 =	vmul.f32 v24, v24;
	v0 =	vld [tilespmem:$0x1FE70];
	v4 =	vadd.f32 v62, v4  }
0x466: {  	v42 =	vor.u32 v53, v2;
	v40 =	vld.idx.msk [tilespmem:v58+s13+$0x0], $0xffff;
	v58 =	vmul.f32 v11, v11;
	v30 =	vadd.f32 v52, v30  }
0x467: {  	v53 =	vor.u32 v50, v2;
	v1 =	vmul.f32 v10, v10;
	v4 =	vadd.f32 v7, v4  }
0x468: {  	[tilespmem:$0x1F690] =	vst v28;
	v63 =	vmul.f32 v28, v28;
	v28 =	vmul.f32 v9, v9;
	v7 =	vadd.f32 v58, v30  }
0x469: {  	[tilespmem:$0x1F750] =	vst v14;
	v14 =	vld [tilespmem:$0x1FED0];
	v1 =	vadd.f32 v1, v4  }
0x46a: {  	v54 =	vor.u32 v0, v2;
	v0 =	vmul.f32 v56, v56;
	v4 =	vadd.f32 v28, v7  }
0x46b: {  	[tilespmem:$0x1F6B0] =	vst v6  }
0x46c: {  	[tilespmem:$0x1F700] =	vst v60;
	v34 =	vld.idx.msk [tilespmem:v53+s13+$0x0], $0xffff;
	v53 =	vmul.f32 v12, v12;
	v0 =	vadd.f32 v0, v4  }
0x46d: {  	[tilespmem:$0x1F6E0] =	vst v45;
	v50 =	vmul.f32 v6, v6;
	v20 =	vld.idx.msk [tilespmem:v20+s13+$0x0], $0xffff  }
0x46e: {  	[tilespmem:$0x1F6A0] =	vst v8;
	v60 =	vmul.f32 v8, v8;
	v8 =	vor.u32 v14, v2;
	v14 =	vld [tilespmem:$0x1FF80];
	v0 =	vadd.f32 v53, v0  }
0x46f: {  	v6 =	vor.u32 v59, v2;
	v32 =	vld.idx.msk [tilespmem:v32+s13+$0x0], $0xffff;
	v61 =	vmul.f32 v39, v39;
	v1 =	vadd.f32 v63, v1  }
0x470: {  	v45 =	vmul.f32 v45, v45;
	v17 =	vmovc v56;
	v62 =	vmov v12;
	v12 =	vld.idx.msk [tilespmem:v43+s13+$0x0], $0xffff;
	v0 =	vadd.f32 v60, v0  }
0x471: {  	v59 =	vmul.f32 v33, v33;
	v55 =	vmul.f32 v40, v40;
	v52 =	vld.idx.msk [tilespmem:v57+s13+$0x0], $0xffff;
	v1 =	vadd.f32 v61, v1  }
0x472: {  	v56 =	vmul.f32 v34, v34;
	v57 =	vmul.f32 v37, v37;
	v54 =	vld.idx.msk [tilespmem:v54+s13+$0x0], $0xffff;
	v0 =	vadd.f32 v49, v0  }
0x473: {  	[tilespmem:$0x1F6F0] =	vst v44;
	v43 =	vor.u32 v14, v2;
	v61 =	vld [tilespmem:$0x1F650];
	v30 =	vadd.f32 v59, v55;
	v1 =	vadd.f32 v50, v1  }
0x474: {  	v6 =	vld.idx.msk [tilespmem:v6+s13+$0x0], $0xffff;
	v55 =	vadd.f32 v56, v57;
	v56 =	vmul.f32 v36, v36;
	v0 =	vadd.f32 v47, v0  }
0x475: {  	v44 =	vmul.f32 v44, v44;
	v35 =	vmul.f32 v38, v38;
	v2 =	vld.idx.msk [tilespmem:v42+s13+$0x0], $0xffff;
	v1 =	vadd.f32 v48, v1  }
0x476: {  	v28 =	vmul.f32 v32, v32;
	v7 =	vadd.f32 v56, v30;
	v60 =	vld [tilespmem:$0x1F640];
	v0 =	vadd.f32 v45, v0  }
0x477: {  	v42 =	vld.idx.msk [tilespmem:v8+s13+$0x0], $0xffff;
	v8 =	vadd.f32 v35, v55;
	v1 =	vadd.f32 v46, v1;
	v57 =	vmul.f32 v54, v54  }
0x478: {  	v4 =	vadd.f32 v28, v7;
	v0 =	vadd.f32 v61, v0  }
0x479: {  	v43 =	vld.idx.msk [tilespmem:v43+s13+$0x0], $0xffff;
	v30 =	vmul.f32 v52, v52;
	v1 =	vadd.f32 v44, v1;
	v7 =	vadd.f32 v57, v8  }
0x47a: {  	v0 =	vadd.f32 v16, v0;
	v16 =	vmul.f32 v20, v3;
	v3 =	vld [tilespmem:$0x1F9B0]  }
0x47b: {  	v28 =	vmul.f32 v6, v6;
	v7 =	vadd.f32 v30, v7;
	v1 =	vadd.f32 v60, v1  }
0x47c: {  	v22 =	vld.idx.msk [tilespmem:v22+s13+$0x0], $0xffff  }
0x47d: {  	v30 =	vmul.f32 v42, v42;
	v7 =	vadd.f32 v28, v7;
	v1 =	vadd.f32 v51, v1;
	_ =	sdelay $0x1  }
0x47e: {  	v28 =	vmul.f32 v43, v43;
	v7 =	vadd.f32 v30, v7;
	v1 =	vadd.f32 v3, v1;
	v3 =	vld [tilespmem:$0x1F970]  }
0x47f: {  	v18 =	vld.idx.msk [tilespmem:v18+s13+$0x0], $0xffff  }
0x480: {  	v30 =	vmul.f32 v22, v22;
	v7 =	vadd.f32 v28, v7;
	_ =	sdelay $0x1  }
0x481: {  	v28 =	vmul.f32 v20, v20;
	v7 =	vadd.f32 v30, v7  }
0x482: {  	v0 =	vadd.f32 v3, v0;
	v3 =	vld [tilespmem:$0x1F660]  }
0x483: {  	v41 =	vld.idx.msk [tilespmem:v41+s13+$0x0], $0xffff;
	v30 =	vmul.f32 v18, v18;
	v7 =	vadd.f32 v28, v7  }
0x484: {  	v23 =	vld.idx.msk [tilespmem:v23+s13+$0x0], $0xffff;
	v8 =	vmul.f32 v12, v12  }
0x485: {  	v14 =	vld [tilespmem:$0x1F890];
	v7 =	vadd.f32 v30, v7  }
0x486: {  	v21 =	vld.idx.msk [tilespmem:v21+s13+$0x0], $0xffff;
	v4 =	vadd.f32 v8, v4;
	v8 =	vmul.f32 v2, v2  }
0x487: {  	v3 =	vadd.f32 v3, v7;
	v7 =	vmul.f32 v52, v9;
	v9 =	vld [tilespmem:$0x1F940]  }
0x488: {  	v4 =	vadd.f32 v8, v4;
	v8 =	vmul.f32 v41, v41  }
0x489: {  	v19 =	vld.idx.msk [tilespmem:v19+s13+$0x0], $0xffff  }
0x48a: {  	v4 =	vadd.f32 v8, v4;
	v8 =	vmul.f32 v23, v23  }
0x48b: {  	v15 =	vld.idx.msk [tilespmem:v15+s13+$0x0], $0xffff  }
0x48c: {  	v4 =	vadd.f32 v8, v4;
	v8 =	vmul.f32 v21, v21;
	v1 =	vadd.f32 v9, v1;
	v9 =	vld [tilespmem:$0x1F900]  }
0x48d: {  	v14 =	vld.idx.msk [tilespmem:v14+s13+$0x0], $0xffff  }
0x48e: {  	v4 =	vadd.f32 v8, v4;
	v8 =	vmul.f32 v19, v19;
	_ =	sdelay $0x1  }
0x48f: {  	v4 =	vadd.f32 v8, v4;
	v8 =	vmul.f32 v15, v15  }
0x490: {  	v0 =	vadd.f32 v9, v0;
	v9 =	vmul.f32 v12, v10;
	v10 =	vld [tilespmem:$0x1F670]  }
0x491: {  	v28 =	vmul.f32 v14, v14;
	v4 =	vadd.f32 v8, v4;
	_ =	sdelay $0x1  }
0x492: {  	v4 =	vadd.f32 v28, v4;
	_ =	sdelay $0x1  }
0x493: {  	v4 =	vadd.f32 v10, v4;
	v10 =	vld [tilespmem:$0x1F680];
	_ =	sdelay $0x4  }
0x494: {  	v3 =	vadd.f32 v10, v3;
	v10 =	vmul.f32 v54, v11;
	v11 =	vld [tilespmem:$0x1F8C0];
	_ =	sdelay $0x1  }
0x495: {  	v12 =	vld [tilespmem:$0x1F9E0];
	_ =	sdelay $0x2  }
0x496: {  	v1 =	vadd.f32 v11, v1;
	v11 =	vld [tilespmem:$0x1F8A0];
	_ =	sdelay $0x1  }
0x497: {  	v12 =	vadd.f32 v12, v4;
	v4 =	vld [tilespmem:$0x1F9F0];
	_ =	sdelay $0x2  }
0x498: {  	v0 =	vadd.f32 v11, v0;
	_ =	sdelay $0x1  }
0x499: {  	v3 =	vadd.f32 v4, v3;
	v4 =	vadd.f32 v0, v1;
	v1 =	vld [tilespmem:$0x1F990];
	_ =	sdelay $0x4  }
0x49a: {  	v1 =	vadd.f32 v1, v12;
	v12 =	vld [tilespmem:$0x1F960];
	_ =	sdelay $0x2  }
0x49b: {  	v6 =	vmul.f32 v6, v17;
	v17 =	vmul.f32 v37, v29  }
0x49c: {  	v8 =	vmul.f32 v22, v13;
	v13 =	vmul.f32 v40, v31  }
0x49d: {  	v3 =	vadd.f32 v12, v3  }
0x49e: {  	v0 =	vmul.f32 v34, v26;
	v12 =	vadd.f32 $0.0e+00, v13;
	v13 =	vadd.f32 $0.0e+00, v17;
	_ =	sdelay $0x1  }
0x49f: {  	v5 =	vmul.f32 v38, v5;
	v0 =	vadd.f32 v0, v13;
	_ =	sdelay $0x1  }
0x4a0: {  	v0 =	vadd.f32 v5, v0  }
0x4a1: {  	v17 =	vmul.f32 v33, v25  }
0x4a2: {  	v0 =	vadd.f32 v10, v0  }
0x4a3: {  	v12 =	vadd.f32 v17, v12;
	v13 =	vmul.f32 v36, v27  }
0x4a4: {  	v0 =	vadd.f32 v7, v0;
	v7 =	vld [tilespmem:$0x1F690]  }
0x4a5: {  	v11 =	vmul.f32 v32, v24;
	v12 =	vadd.f32 v13, v12;
	_ =	sdelay $0x1  }
0x4a6: {  	v11 =	vadd.f32 v11, v12;
	_ =	sdelay $0x1  }
0x4a7: {  	v9 =	vadd.f32 v9, v11;
	v2 =	vmul.f32 v2, v7;
	_ =	sdelay $0x1  }
0x4a8: {  	v0 =	vadd.f32 v6, v0;
	v6 =	vmul.f32 v41, v39;
	v2 =	vadd.f32 v2, v9;
	_ =	sdelay $0x1  }
0x4a9: {  	v2 =	vadd.f32 v6, v2;
	v6 =	vld [tilespmem:$0x1F6B0];
	_ =	sdelay $0x4  }
0x4aa: {  	v6 =	vmul.f32 v23, v6;
	_ =	sdelay $0x1  }
0x4ab: {  	v2 =	vadd.f32 v6, v2;
	v6 =	vld [tilespmem:$0x1F6C0];
	_ =	sdelay $0x4  }
0x4ac: {  	v6 =	vmul.f32 v21, v6;
	_ =	sdelay $0x1  }
0x4ad: {  	v2 =	vadd.f32 v6, v2;
	v6 =	vld [tilespmem:$0x1F6D0]  }
0x4ae: {  	v20 =	vld [tilespmem:$0x1F920];
	_ =	sdelay $0x2  }
0x4af: {  	v9 =	vld [tilespmem:$0x1F6A0]  }
0x4b0: {  	v6 =	vmul.f32 v19, v6  }
0x4b1: {  	v1 =	vadd.f32 v20, v1;
	v20 =	vld [tilespmem:$0x1F8E0]  }
0x4b2: {  	v7 =	vmul.f32 v42, v62;
	v2 =	vadd.f32 v6, v2;
	v6 =	vld [tilespmem:$0x1F6F0];
	_ =	sdelay $0x1  }
0x4b3: {  	v0 =	vadd.f32 v7, v0;
	v9 =	vmul.f32 v43, v9;
	_ =	sdelay $0x1  }
0x4b4: {  	v0 =	vadd.f32 v9, v0  }
0x4b5: {  	v3 =	vadd.f32 v20, v3;
	v6 =	vmul.f32 v15, v6  }
0x4b6: {  	v0 =	vadd.f32 v8, v0;
	v8 =	vld [tilespmem:$0x1F6E0]  }
0x4b7: {  	v1 =	vadd.f32 v3, v1;
	v2 =	vadd.f32 v6, v2;
	v6 =	vld [tilespmem:$0x1F720]  }
0x4b8: {  	v17 =	vmul.f32 $5.000000000e-01, v4;
	v3 =	vshra.s32 v4, $0x1  }
0x4b9: {  	v3 =	vsub.s32 $0x5F3759DF, v3;
	v5 =	vshra.s32 v1, $0x1;
	v13 =	vmul.f32 $5.000000000e-01, v1  }
0x4ba: {  	v20 =	vmul.f32 v3, v17;
	v5 =	vsub.s32 $0x5F3759DF, v5  }
0x4bb: {  	v10 =	vmul.f32 v5, v13;
	v0 =	vadd.f32 v16, v0;
	v8 =	vmul.f32 v18, v8  }
0x4bc: {  	v12 =	vmul.f32 v3, v20;
	v6 =	vmul.f32 v14, v6  }
0x4bd: {  	v10 =	vmul.f32 v5, v10;
	v0 =	vadd.f32 v8, v0;
	v8 =	vld [tilespmem:$0x1F730]  }
0x4be: {  	v11 =	vsub.f32 $1.500000000e+00, v12;
	v2 =	vadd.f32 v6, v2;
	v6 =	vld [tilespmem:$0x1FA00]  }
0x4bf: {  	v10 =	vsub.f32 $1.500000000e+00, v10  }
0x4c0: {  	v3 =	vmul.f32 v3, v11;
	v11 =	vld [tilespmem:$0x1F710]  }
0x4c1: {  	v5 =	vmul.f32 v5, v10;
	v10 =	vld [tilespmem:$0x1F700];
	_ =	sdelay $0x1  }
0x4c2: {  	v9 =	vmul.f32 v5, v13;
	v6 =	vmul.f32 v8, v6;
	_ =	sdelay $0x1  }
0x4c3: {  	v9 =	vmul.f32 v9, v5;
	v2 =	vadd.f32 v6, v2;
	v6 =	vld [tilespmem:$0x1F740]  }
0x4c4: {  	v10 =	vmul.f32 v11, v10  }
0x4c5: {  	v9 =	vsub.f32 $1.500000000e+00, v9  }
0x4c6: {  	v0 =	vadd.f32 v10, v0  }
0x4c7: {  	v5 =	vmul.f32 v9, v5;
	v9 =	vld [tilespmem:$0x1F9D0]  }
0x4c8: {  	v0 =	vadd.f32 v6, v0;
	v6 =	vld [tilespmem:$0x1F9A0];
	_ =	sdelay $0x4  }
0x4c9: {  	v10 =	vld [tilespmem:$0x1F950];
	v6 =	vmul.f32 v9, v6  }
0x4ca: {  	v9 =	vld [tilespmem:$0x1F8F0]  }
0x4cb: {  	v2 =	vadd.f32 v6, v2;
	v6 =	vld [tilespmem:$0x1F9C0];
	_ =	sdelay $0x3  }
0x4cc: {  	v9 =	vmul.f32 v10, v9;
	v10 =	vld [tilespmem:$0x1F980]  }
0x4cd: {  	v0 =	vadd.f32 v6, v0;
	v6 =	vld [tilespmem:$0x1F930]  }
0x4ce: {  	v7 =	vmul.f32 v3, v17;
	_ =	sdelay $0x1  }
0x4cf: {  	v7 =	vmul.f32 v7, v3  }
0x4d0: {  	v11 =	vld [tilespmem:$0x1F8B0]  }
0x4d1: {  	v7 =	vsub.f32 $1.500000000e+00, v7;
	v6 =	vmul.f32 v10, v6;
	v10 =	vld [tilespmem:$0x1F910];
	_ =	sdelay $0x1  }
0x4d2: {  	v3 =	vmul.f32 v7, v3  }
0x4d3: {  	v8 =	vmul.f32 v5, v13  }
0x4d4: {  	v12 =	vld [tilespmem:$0x1F750];
	v7 =	vmul.f32 v3, v17  }
0x4d5: {  	v8 =	vmul.f32 v8, v5;
	v10 =	vmul.f32 v10, v11;
	v11 =	vld [tilespmem:$0x1F8D0];
	_ =	sdelay $0x1  }
0x4d6: {  	v7 =	vmul.f32 v7, v3;
	v8 =	vsub.f32 $1.500000000e+00, v8;
	_ =	sdelay $0x1  }
0x4d7: {  	v7 =	vsub.f32 $1.500000000e+00, v7;
	v5 =	vmul.f32 v8, v5  }
0x4d8: {  	v0 =	vadd.f32 v9, v0;
	v2 =	vadd.f32 v6, v2;
	v11 =	vmul.f32 v11, v12  }
0x4d9: {  	v3 =	vmul.f32 v7, v3  }
0x4da: {  	v5 =	vmin.f32 v5, $1.000000000e+00;
	v2 =	vadd.f32 v10, v2;
	v0 =	vadd.f32 v11, v0  }
0x4db: {  	v3 =	vmin.f32 v3, $1.000000000e+00;
	v1 =	vmul.f32 v5, v1  }
0x4dc: {  	v6 =	vmul.f32 v3, v3;
	v0 =	vadd.f32 v0, v2;
	v2 =	vmul.f32 v5, v3  }
0x4dd: {  	v1 =	vmul.f32 v1, v5  }
0x4de: {  	v3 =	vmul.f32 v6, v4;
	v0 =	vmul.f32 v2, v0;
	_ =	sdelay $0x1  }
0x4df: {  	v1 =	vadd.f32 v1, v3;
	v0 =	vadd.f32 v0, v0;
	_ =	sdelay $0x1  }
0x4e0: {  	v0 =	vsub.f32 v1, v0;
	_ =	sdelay $0x1  }
0x4e1: {  	v0 =	vmax.f32 v0, $0.0e+00  }
0x4e2: {  	v1 =	vshra.s32 v0, $0x1;
	v2 =	vmul.f32 $5.000000000e-01, v0  }
0x4e3: {  	v1 =	vsub.s32 $0x5F3759DF, v1  }
0x4e4: {  	v3 =	vmul.f32 v1, v2;
	_ =	sdelay $0x1  }
0x4e5: {  	v3 =	vmul.f32 v1, v3;
	_ =	sdelay $0x1  }
0x4e6: {  	v3 =	vsub.f32 $1.500000000e+00, v3;
	_ =	sdelay $0x1  }
0x4e7: {  	v1 =	vmul.f32 v1, v3  }
0x4e8: {  	v63 =	vld [tilespmem:$0x1FE50]  }
0x4e9: {  	v58 =	vld [tilespmem:$0x1FEB0];
	v3 =	vmul.f32 v1, v2  }
0x4ea: {  	v59 =	vld [tilespmem:$0x1FEA0]  }
0x4eb: {  	v50 =	vld [tilespmem:$0x1FE20];
	v3 =	vmul.f32 v3, v1  }
0x4ec: {  	v55 =	vld [tilespmem:$0x1FEF0]  }
0x4ed: {  	v56 =	vld [tilespmem:$0x1FEC0];
	v3 =	vsub.f32 $1.500000000e+00, v3  }
0x4ee: {  	v46 =	vld [tilespmem:$0x1FE70]  }
0x4ef: {  	v57 =	vld [tilespmem:$0x1FEE0];
	v1 =	vmul.f32 v3, v1  }
0x4f0: {  	v48 =	vlaneseq.u32;
	v49 =	vld [tilespmem:$0x1FE40]  }
0x4f1: {  	v5 =	vld [tilespmem:$0x1FFF0];
	v3 =	vor.u32 s26, v48;
	v2 =	vmul.f32 v1, v2  }
0x4f2: {  	v4 =	vmul.u32 $0xCCD, v3;
	v6 =	vshll.u32 v3, $0x5;
	v3 =	vld [tilespmem:$0x1F880]  }
0x4f3: {  	v7 =	vld [tilespmem:$0x1FFE0];
	v2 =	vmul.f32 v2, v1  }
0x4f4: {  	v20 =	vld [tilespmem:$0x1FF90]  }
0x4f5: {  	v17 =	vld [tilespmem:$0x1FF20];
	v2 =	vsub.f32 $1.500000000e+00, v2  }
0x4f6: {  	v18 =	vld [tilespmem:$0x1FF10];
	v4 =	vshrl.u32 v4, $0x10  }
0x4f7: {  	v21 =	vld [tilespmem:$0x1FFB0];
	v3 =	vadd.s32 v3, v4;
	v4 =	vor.u32 v5, v6;
	v1 =	vmul.f32 v2, v1  }
0x4f8: {  	v9 =	vld [tilespmem:$0x1FFC0];
	v2 =	vshll.u32 v3, $0x5;
	v3 =	vor.u32 v7, v6  }
0x4f9: {  	v8 =	vld [tilespmem:$0x1FFD0];
	v0 =	vmul.f32 v1, v0  }
0x4fa: {  	s24 =	sadd.s32 $0x10, s24;
	v19 =	vld [tilespmem:$0x1FF00]  }
0x4fb: {  	v11 =	vld [tilespmem:$0x1FF40];
	v5 =	vor.u32 v5, v2;
	[tilespmem:s24+$0x0] =	vst v0  }
0x4fc: {  	v1 =	vor.u32 v7, v2;
	v42 =	vld.idx.msk [tilespmem:v4+s6+$0x0], $0xffff  }
0x4fd: {  	v0 =	vor.u32 v9, v6;
	v39 =	vld.idx.msk [tilespmem:v3+s6+$0x0], $0xffff  }
0x4fe: {  	v7 =	vor.u32 v8, v6;
	v4 =	vor.u32 v8, v2;
	v3 =	vor.u32 v9, v2;
	v8 =	vld [tilespmem:$0x1FFA0]  }
0x4ff: {  	v9 =	vld [tilespmem:$0x1FF70]  }
0x500: {  	v22 =	vld.idx.msk [tilespmem:v5+s13+$0x0], $0xffff  }
0x501: {  	v23 =	vld.idx.msk [tilespmem:v1+s13+$0x0], $0xffff  }
0x502: {  	v24 =	vld.idx.msk [tilespmem:v0+s6+$0x0], $0xffff  }
0x503: {  	v29 =	vld.idx.msk [tilespmem:v3+s13+$0x0], $0xffff  }
0x504: {  	v1 =	vor.u32 v9, v6;
	v3 =	vld [tilespmem:$0x1FF50]  }
0x505: {  	v5 =	vor.u32 v8, v6;
	v0 =	vor.u32 v9, v2;
	v9 =	vld [tilespmem:$0x1FF60]  }
0x506: {  	v15 =	vld [tilespmem:$0x1FED0]  }
0x507: {  	v14 =	vld [tilespmem:$0x1FF30]  }
0x508: {  	v30 =	vld.idx.msk [tilespmem:v4+s13+$0x0], $0xffff  }
0x509: {  	v26 =	vmov v55;
	v32 =	vld.idx.msk [tilespmem:v1+s6+$0x0], $0xffff;
	v1 =	vor.u32 v3, v2  }
0x50a: {  	v4 =	vor.u32 v9, v6;
	v10 =	vld.idx.msk [tilespmem:v5+s6+$0x0], $0xffff;
	v5 =	vor.u32 v9, v2;
	v9 =	vor.u32 v11, v6  }
0x50b: {  	v61 =	vmov v63;
	v34 =	vor.u32 v63, v6;
	v63 =	vmov v26;
	v26 =	vld [tilespmem:$0x1FE30]  }
0x50c: {  	v31 =	vor.u32 v48, v6;
	v48 =	vmov v50;
	v36 =	vor.u32 v50, v6;
	v50 =	vld [tilespmem:$0x1FE10]  }
0x50d: {  	v28 =	vld.idx.msk [tilespmem:v7+s6+$0x0], $0xffff;
	v7 =	vor.u32 v8, v2;
	v8 =	vor.u32 v3, v6  }
0x50e: {  	v38 =	vld.idx.msk [tilespmem:v1+s13+$0x0], $0xffff;
	v1 =	vor.u32 v20, v6  }
0x50f: {  	v60 =	vld.idx.msk [tilespmem:v9+s6+$0x0], $0xffff;
	v9 =	vor.u32 v19, v6  }
0x510: {  	v35 =	vld.idx.msk [tilespmem:v0+s13+$0x0], $0xffff  }
0x511: {  	v0 =	vor.u32 v14, v6;
	v3 =	vld.idx.msk [tilespmem:v4+s6+$0x0], $0xffff  }
0x512: {  	v37 =	vld.idx.msk [tilespmem:v8+s6+$0x0], $0xffff  }
0x513: {  	v51 =	vmov v57;
	v12 =	vor.u32 v57, v6;
	v8 =	vor.u32 v17, v6;
	v57 =	vld.idx.msk [tilespmem:v1+s6+$0x0], $0xffff  }
0x514: {  	v53 =	vmovc v59;
	v13 =	vor.u32 v58, v6;
	v1 =	vor.u32 v59, v6;
	v59 =	vmov v58;
	v58 =	vld.idx.msk [tilespmem:v9+s6+$0x0], $0xffff  }
0x515: {  	v9 =	vld [tilespmem:$0x1FE80]  }
0x516: {  	v4 =	vor.u32 v11, v2;
	v40 =	vld.idx.msk [tilespmem:v0+s6+$0x0], $0xffff  }
0x517: {  	[tilespmem:$0x1F8B0] =	vst v39;
	v11 =	vor.u32 v18, v6;
	v0 =	vor.u32 v55, v6;
	v55 =	vld [tilespmem:$0x1FE60]  }
0x518: {  	[tilespmem:$0x1F8D0] =	vst v22;
	v45 =	vld.idx.msk [tilespmem:v8+s6+$0x0], $0xffff  }
0x519: {  	[tilespmem:$0x1F8F0] =	vst v28;
	v8 =	vld [tilespmem:$0x1FF80]  }
0x51a: {  	[tilespmem:$0x1F910] =	vst v23;
	v62 =	vmov v9;
	v16 =	vor.u32 v9, v6;
	v9 =	vld [tilespmem:$0x1FE90]  }
0x51b: {  	v47 =	vmov v49;
	v15 =	vor.u32 v15, v6;
	[tilespmem:$0x1F930] =	vst v24;
	v43 =	vld.idx.msk [tilespmem:v4+s13+$0x0], $0xffff  }
0x51c: {  	v33 =	vor.u32 v49, v6;
	v49 =	vmov v46;
	v27 =	vor.u32 v26, v6;
	[tilespmem:$0x1F950] =	vst v30;
	v44 =	vld.idx.msk [tilespmem:v11+s6+$0x0], $0xffff  }
0x51d: {  	v4 =	vor.u32 v21, v6;
	v11 =	vor.u32 v56, v6;
	v25 =	vor.u32 v55, v6;
	v52 =	vld.idx.msk [tilespmem:v0+s6+$0x0], $0xffff  }
0x51e: {  	v0 =	vor.u32 v46, v6;
	v46 =	vmovc v26;
	v26 =	vor.u32 v50, v6;
	v8 =	vor.u32 v8, v6  }
0x51f: {  	[tilespmem:$0x1F980] =	vst v29;
	v41 =	vmov v9;
	v9 =	vor.u32 v9, v6;
	v6 =	vld.idx.msk [tilespmem:v12+s6+$0x0], $0xffff;
	v12 =	vor.u32 v14, v2  }
0x520: {  	[tilespmem:$0x1F890] =	vst v12;
	v12 =	vmul.f32 v42, v42  }
0x521: {  	[tilespmem:$0x1F9A0] =	vst v32  }
0x522: {  	[tilespmem:$0x1F8A0] =	vst v12;
	v12 =	vld.idx.msk [tilespmem:v15+s6+$0x0], $0xffff  }
0x523: {  	[tilespmem:$0x1F9D0] =	vst v35;
	v15 =	vor.u32 v18, v2;
	v18 =	vmul.f32 v39, v39;
	v39 =	vld.idx.msk [tilespmem:v11+s6+$0x0], $0xffff  }
0x524: {  	[tilespmem:$0x1FA00] =	vst v37;
	v11 =	vmul.f32 v28, v28;
	v28 =	vld.idx.msk [tilespmem:v1+s6+$0x0], $0xffff;
	v1 =	vmul.f32 v10, v10  }
0x525: {  	v7 =	vld.idx.msk [tilespmem:v7+s13+$0x0], $0xffff;
	[tilespmem:$0x1F8C0] =	vst v18  }
0x526: {  	[tilespmem:$0x1F970] =	vst v1;
	v1 =	vmul.f32 v29, v29  }
0x527: {  	v18 =	vmul.f32 v22, v22;
	[tilespmem:$0x1F900] =	vst v11  }
0x528: {  	[tilespmem:$0x1F990] =	vst v1;
	v1 =	vmul.f32 v32, v32  }
0x529: {  	v11 =	vmul.f32 v23, v23;
	[tilespmem:$0x1F8E0] =	vst v18  }
0x52a: {  	v5 =	vld.idx.msk [tilespmem:v5+s13+$0x0], $0xffff;
	v19 =	vor.u32 v19, v2;
	[tilespmem:$0x1F9B0] =	vst v1;
	v1 =	vmul.f32 v7, v10  }
0x52b: {  	p0 =	sne.s32 s26, $0x4F0;
	v20 =	vor.u32 v20, v2;
	v4 =	vld.idx.msk [tilespmem:v4+s6+$0x0], $0xffff;
	[tilespmem:$0x1F920] =	vst v11;
	v11 =	vmul.f32 v24, v24  }
.Ltmp5:
0x52c: {  	v21 =	vor.u32 v21, v2;
	v8 =	vld.idx.msk [tilespmem:v8+s6+$0x0], $0xffff;
	[tilespmem:$0x1F9C0] =	vst v1;
	v1 =	vmul.f32 v35, v35;
	(pc) =	sbr.rel @p0 .LBB2_13-.Ltmp5, $4  }
0x52d: {  	v14 =	vmov v42;
	v42 =	vmov v56;
	v56 =	vld.idx.msk [tilespmem:v13+s6+$0x0], $0xffff;
	[tilespmem:$0x1F940] =	vst v11;
	v11 =	vmul.f32 v30, v30  }
0x52e: {  	v9 =	vld.idx.msk [tilespmem:v9+s6+$0x0], $0xffff;
	v22 =	vor.u32 v63, v2;
	[tilespmem:$0x1F9E0] =	vst v1;
	v1 =	vmul.f32 v7, v7  }
0x52f: {  	v13 =	vmov v51;
	v23 =	vor.u32 v51, v2;
	v51 =	vmul.f32 v37, v37;
	v10 =	vld.idx.msk [tilespmem:v16+s6+$0x0], $0xffff;
	[tilespmem:$0x1F960] =	vst v11  }
0x530: {  	v54 =	vlaneseq.u32;
	s26 =	sadd.s32 $0x10, s26;
	v18 =	vor.u32 v17, v2;
	v16 =	vmul.f32 v3, v3;
	v11 =	vld.idx.msk [tilespmem:v0+s6+$0x0], $0xffff;
	[tilespmem:$0x1F9F0] =	vst v1  }
0x531: {  	_ =	sdelay $0x3  }
0x532: {  	v30 =	vld.idx.msk [tilespmem:v27+s6+$0x0], $0xffff  }
0x533: {  	v31 =	vld.idx.msk [tilespmem:v31+s6+$0x0], $0xffff  }
0x534: {  	v27 =	vld.idx.msk [tilespmem:v26+s6+$0x0], $0xffff  }
0x535: {  	v29 =	vld.idx.msk [tilespmem:v36+s6+$0x0], $0xffff  }
0x536: {  	v32 =	vor.u32 v50, v2;
	v24 =	vld.idx.msk [tilespmem:v33+s6+$0x0], $0xffff  }
0x537: {  	v35 =	vor.u32 v46, v2;
	v26 =	vld.idx.msk [tilespmem:v25+s6+$0x0], $0xffff  }
0x538: {  	v7 =	vor.u32 v48, v2;
	v36 =	vor.u32 v54, v2;
	[tilespmem:$0x1F690] =	vst v28;
	v54 =	vld.idx.msk [tilespmem:v34+s6+$0x0], $0xffff  }
0x539: {  	v50 =	vmov v28;
	v23 =	vld.idx.msk [tilespmem:v23+s13+$0x0], $0xffff;
	[tilespmem:$0x1F600] =	vst v30;
	v37 =	vmul.f32 v30, v30;
	v28 =	vmul.f32 v31, v31  }
0x53a: {  	v0 =	vmov v12;
	v46 =	vor.u32 v61, v2;
	v47 =	vor.u32 v47, v2;
	v21 =	vld.idx.msk [tilespmem:v21+s13+$0x0], $0xffff;
	[tilespmem:$0x1F5F0] =	vst v31  }
0x53b: {  	v31 =	vld.idx.msk [tilespmem:v32+s13+$0x0], $0xffff;
	v30 =	vmul.f32 v29, v29;
	v12 =	vadd.f32 v37, v28;
	v28 =	vmul.f32 v27, v27  }
0x53c: {  	v17 =	vmovc v4;
	v48 =	vmov v8;
	v8 =	vor.u32 v55, v2;
	v33 =	vld.idx.msk [tilespmem:v35+s13+$0x0], $0xffff;
	v32 =	vmul.f32 v24, v24  }
0x53d: {  	v25 =	vld.idx.msk [tilespmem:v7+s13+$0x0], $0xffff;
	v35 =	vor.u32 v49, v2;
	v28 =	vadd.f32 v28, v30;
	v30 =	vmul.f32 v54, v54  }
0x53e: {  	v1 =	vmovc v6;
	v4 =	vmov v40;
	v61 =	vmul.f32 v11, v11;
	v55 =	vmul.f32 v26, v26;
	v37 =	vld.idx.msk [tilespmem:v36+s13+$0x0], $0xffff  }
0x53f: {  	v36 =	vld.idx.msk [tilespmem:v47+s13+$0x0], $0xffff;
	v47 =	vor.u32 v41, v2;
	v12 =	vadd.f32 v32, v12;
	v28 =	vadd.f32 v30, v28  }
0x540: {  	v40 =	vor.u32 v42, v2;
	[tilespmem:$0x1F630] =	vst v26;
	v34 =	vld.idx.msk [tilespmem:v46+s13+$0x0], $0xffff;
	v7 =	vor.u32 v62, v2;
	v26 =	vmov v60  }
0x541: {  	v8 =	vld.idx.msk [tilespmem:v8+s13+$0x0], $0xffff;
	v12 =	vadd.f32 v55, v12;
	v55 =	vmul.f32 v9, v9;
	v6 =	vadd.f32 v61, v28  }
0x542: {  	v60 =	vor.u32 v53, v2;
	v62 =	vmul.f32 v33, v33;
	v49 =	vmul.f32 v25, v25;
	v35 =	vld.idx.msk [tilespmem:v35+s13+$0x0], $0xffff  }
0x543: {  	[tilespmem:$0x1F620] =	vst v24;
	v30 =	vmul.f32 v31, v31;
	v24 =	vmul.f32 v37, v37;
	v6 =	vadd.f32 v55, v6;
	v55 =	vld [tilespmem:$0x1FED0]  }
0x544: {  	v46 =	vmov v38;
	v53 =	vmul.f32 v56, v56;
	v38 =	vld.idx.msk [tilespmem:v47+s13+$0x0], $0xffff;
	v28 =	vmul.f32 v10, v10  }
0x545: {  	v47 =	vmovc v44;
	v44 =	vld [tilespmem:$0x1FF80];
	v30 =	vadd.f32 v30, v49;
	v61 =	vmul.f32 v36, v36;
	v32 =	vadd.f32 v62, v24  }
0x546: {  	v7 =	vld.idx.msk [tilespmem:v7+s13+$0x0], $0xffff;
	v12 =	vadd.f32 v28, v12;
	v28 =	vor.u32 v59, v2;
	v59 =	vmul.f32 v34, v34  }
0x547: {  	v60 =	vld.idx.msk [tilespmem:v60+s13+$0x0], $0xffff;
	v49 =	vmul.f32 v39, v39;
	v62 =	vmul.f32 v50, v50  }
0x548: {  	v50 =	vmovc v45;
	v32 =	vadd.f32 v61, v32;
	v30 =	vadd.f32 v59, v30;
	v45 =	vor.u32 v55, v2  }
0x549: {  	v22 =	vld.idx.msk [tilespmem:v22+s13+$0x0], $0xffff;
	v59 =	vmul.f32 v8, v8;
	v12 =	vadd.f32 v62, v12;
	v6 =	vadd.f32 v53, v6  }
0x54a: {  	v40 =	vld.idx.msk [tilespmem:v40+s13+$0x0], $0xffff;
	v62 =	vmul.f32 v35, v35;
	v53 =	vmul.f32 v0, v0;
	v2 =	vor.u32 v44, v2  }
0x54b: {  	v32 =	vadd.f32 v59, v32;
	v12 =	vadd.f32 v49, v12;
	v28 =	vld.idx.msk [tilespmem:v28+s13+$0x0], $0xffff  }
0x54c: {  	v61 =	vmovc v1;
	v59 =	vmul.f32 v1, v1;
	v6 =	vadd.f32 v53, v6;
	v1 =	vmul.f32 v48, v48  }
0x54d: {  	v30 =	vadd.f32 v62, v30;
	v49 =	vmul.f32 v60, v60;
	v55 =	vmul.f32 v7, v7;
	v41 =	vld.idx.msk [tilespmem:v45+s13+$0x0], $0xffff  }
0x54e: {  	v62 =	vmovc v0;
	v0 =	vmul.f32 v38, v38;
	v12 =	vadd.f32 v59, v12;
	v6 =	vadd.f32 v1, v6  }
0x54f: {  	v59 =	vmul.f32 v17, v17;
	v1 =	vmul.f32 v52, v52;
	v32 =	vadd.f32 v55, v32;
	v2 =	vld.idx.msk [tilespmem:v2+s13+$0x0], $0xffff  }
0x550: {  	v53 =	vmovc v17;
	v17 =	vmul.f32 v40, v40;
	v30 =	vadd.f32 v0, v30;
	v0 =	vmul.f32 v28, v28  }
0x551: {  	v19 =	vld.idx.msk [tilespmem:v19+s13+$0x0], $0xffff;
	v12 =	vadd.f32 v59, v12;
	v32 =	vadd.f32 v49, v32;
	v49 =	vmul.f32 v58, v58  }
0x552: {  	v6 =	vadd.f32 v1, v6;
	v55 =	vmovc v48;
	v30 =	vadd.f32 v0, v30;
	v48 =	vmul.f32 v41, v41  }
0x553: {  	v20 =	vld.idx.msk [tilespmem:v20+s13+$0x0], $0xffff;
	v1 =	vmul.f32 v47, v47;
	v32 =	vadd.f32 v17, v32;
	v12 =	vadd.f32 v49, v12  }
0x554: {  	v18 =	vld.idx.msk [tilespmem:v18+s13+$0x0], $0xffff;
	v0 =	vmul.f32 v23, v23;
	v30 =	vadd.f32 v48, v30;
	v48 =	vmul.f32 v2, v2  }
0x555: {  	v59 =	vmovc v58;
	v58 =	vmul.f32 v57, v57;
	v12 =	vadd.f32 v1, v12;
	v1 =	vmul.f32 v22, v22  }
0x556: {  	v32 =	vadd.f32 v0, v32;
	v0 =	vmul.f32 v4, v4;
	v30 =	vadd.f32 v48, v30  }
0x557: {  	v24 =	vmov v43;
	v43 =	vmul.f32 v21, v21;
	v6 =	vadd.f32 v58, v6;
	v58 =	vld [tilespmem:$0x1F890]  }
0x558: {  	v12 =	vadd.f32 v0, v12;
	v0 =	vmul.f32 v20, v20;
	v30 =	vadd.f32 v1, v30  }
0x559: {  	v45 =	vmul.f32 v18, v18  }
0x55a: {  	v17 =	vmul.f32 v19, v19;
	v32 =	vadd.f32 v43, v32;
	v30 =	vadd.f32 v0, v30;
	_ =	sdelay $0x1  }
0x55b: {  	v32 =	vadd.f32 v17, v32;
	v17 =	vadd.f32 v45, v30;
	v30 =	vld [tilespmem:$0x1F9B0]  }
0x55c: {  	v15 =	vld.idx.msk [tilespmem:v15+s13+$0x0], $0xffff;
	v49 =	vmul.f32 v50, v50;
	_ =	sdelay $0x1  }
0x55d: {  	v6 =	vadd.f32 v49, v6;
	v12 =	vadd.f32 v51, v12;
	v49 =	vld.idx.msk [tilespmem:v58+s13+$0x0], $0xffff  }
0x55e: {  	v48 =	vmov v4;
	v4 =	vmul.f32 v26, v26;
	v45 =	vld [tilespmem:$0x1F940]  }
0x55f: {  	v12 =	vadd.f32 v30, v12;
	v30 =	vld [tilespmem:$0x1F970]  }
0x560: {  	v1 =	vmul.f32 v15, v15;
	v6 =	vadd.f32 v4, v6;
	_ =	sdelay $0x1  }
0x561: {  	v51 =	vadd.f32 v1, v32;
	v6 =	vadd.f32 v16, v6;
	v0 =	vmul.f32 v49, v49  }
0x562: {  	v1 =	vmul.f32 v24, v24;
	v12 =	vadd.f32 v45, v12;
	v45 =	vld [tilespmem:$0x1F9E0]  }
0x563: {  	v43 =	vld [tilespmem:$0x1F8C0];
	v16 =	vadd.f32 v0, v51;
	v6 =	vadd.f32 v30, v6;
	v30 =	vmul.f32 v46, v46;
	_ =	sdelay $0x1  }
0x564: {  	v44 =	vld [tilespmem:$0x1F8A0];
	v32 =	vadd.f32 v1, v17;
	v51 =	vmul.f32 v5, v5;
	v16 =	vadd.f32 v30, v16  }
0x565: {  	v4 =	vld [tilespmem:$0x1F900]  }
0x566: {  	v17 =	vadd.f32 v51, v32;
	v51 =	vadd.f32 v45, v16;
	v16 =	vld [tilespmem:$0x1F9F0]  }
0x567: {  	v12 =	vadd.f32 v43, v12;
	v43 =	vld [tilespmem:$0x1F990]  }
0x568: {  	v45 =	vld [tilespmem:$0x1F960];
	_ =	sdelay $0x1  }
0x569: {  	v11 =	vmul.f32 v35, v11;
	v35 =	vld [tilespmem:$0x1F5F0];
	v6 =	vadd.f32 v4, v6  }
0x56a: {  	v17 =	vadd.f32 v16, v17  }
0x56b: {  	v6 =	vadd.f32 v44, v6;
	v44 =	vadd.f32 v43, v51;
	v43 =	vld [tilespmem:$0x1F920]  }
0x56c: {  	v51 =	vadd.f32 v45, v17;
	v17 =	vld [tilespmem:$0x1F600]  }
0x56d: {  	[tilespmem:$0x1F610] =	vst v27  }
0x56e: {  	v9 =	vmul.f32 v38, v9;
	v38 =	vmul.f32 v37, v35;
	v37 =	vld [tilespmem:$0x1F610];
	_ =	sdelay $0x1  }
0x56f: {  	v4 =	vadd.f32 v6, v12;
	v6 =	vadd.f32 v43, v44;
	v44 =	vld [tilespmem:$0x1F8E0]  }
0x570: {  	v35 =	vadd.f32 $0.0e+00, v38;
	v1 =	vmul.f32 v25, v29;
	v45 =	vld [tilespmem:$0x1F620];
	v33 =	vmul.f32 v33, v17;
	_ =	sdelay $0x1  }
0x571: {  	v38 =	vmul.f32 v31, v37;
	v1 =	vadd.f32 $0.0e+00, v1;
	v12 =	vadd.f32 v33, v35;
	v33 =	vld [tilespmem:$0x1F630]  }
0x572: {  	v34 =	vmul.f32 v34, v54  }
0x573: {  	v7 =	vmul.f32 v7, v10;
	v1 =	vadd.f32 v38, v1;
	v10 =	vadd.f32 v44, v51  }
0x574: {  	v54 =	vmul.f32 v40, v39;
	v51 =	vmul.f32 v36, v45  }
0x575: {  	v58 =	vmovc v26;
	v0 =	vadd.f32 v34, v1;
	v26 =	vmul.f32 $5.000000000e-01, v4;
	v6 =	vadd.f32 v10, v6  }
0x576: {  	v43 =	vld [tilespmem:$0x1F690];
	v35 =	vshra.s32 v4, $0x1;
	v12 =	vadd.f32 v51, v12;
	v8 =	vmul.f32 v8, v33  }
0x577: {  	v0 =	vadd.f32 v11, v0;
	v36 =	vsub.s32 $0x5F3759DF, v35;
	v37 =	vshra.s32 v6, $0x1  }
0x578: {  	v38 =	vmul.f32 v36, v26;
	v8 =	vadd.f32 v8, v12;
	v12 =	vmul.f32 $5.000000000e-01, v6  }
0x579: {  	v61 =	vmul.f32 v23, v61;
	v23 =	vmul.f32 v19, v59;
	v10 =	vsub.s32 $0x5F3759DF, v37  }
0x57a: {  	v0 =	vadd.f32 v9, v0;
	v51 =	vmul.f32 v36, v38;
	v44 =	vmul.f32 v10, v12  }
0x57b: {  	v45 =	vmul.f32 v28, v56;
	v7 =	vadd.f32 v7, v8;
	v8 =	vmul.f32 v60, v43  }
0x57c: {  	v2 =	vmul.f32 v2, v55;
	v9 =	vsub.f32 $1.500000000e+00, v51;
	v56 =	vmul.f32 v10, v44  }
0x57d: {  	v0 =	vadd.f32 v45, v0;
	v60 =	vmul.f32 v41, v62;
	v7 =	vadd.f32 v8, v7  }
0x57e: {  	v17 =	vmul.f32 v21, v53;
	v1 =	vmul.f32 v36, v9;
	v11 =	vsub.f32 $1.500000000e+00, v56  }
0x57f: {  	v40 =	vld [tilespmem:$0x1FA00];
	v21 =	vmul.f32 v22, v52;
	v0 =	vadd.f32 v60, v0;
	v7 =	vadd.f32 v54, v7  }
0x580: {  	v55 =	vld [tilespmem:$0x1F8D0];
	v22 =	vmul.f32 v1, v26;
	v62 =	vmul.f32 v10, v11  }
0x581: {  	v34 =	vmul.f32 v15, v47;
	v47 =	vld [tilespmem:$0x1F8F0];
	v0 =	vadd.f32 v2, v0;
	v7 =	vadd.f32 v61, v7  }
0x582: {  	v52 =	vld [tilespmem:$0x1F980];
	v2 =	vmul.f32 v22, v1;
	v11 =	vmul.f32 v62, v12  }
0x583: {  	v53 =	vld [tilespmem:$0x1F910];
	v33 =	vmul.f32 v20, v57;
	v0 =	vadd.f32 v21, v0;
	v7 =	vadd.f32 v17, v7  }
0x584: {  	v37 =	vmul.f32 v49, v48;
	v48 =	vld [tilespmem:$0x1F950];
	v2 =	vsub.f32 $1.500000000e+00, v2;
	v35 =	vmul.f32 v11, v62  }
0x585: {  	v36 =	vmul.f32 v18, v50;
	v43 =	vld [tilespmem:$0x1F9A0];
	v0 =	vadd.f32 v33, v0;
	v7 =	vadd.f32 v23, v7  }
0x586: {  	v3 =	vmul.f32 v5, v3;
	v44 =	vld [tilespmem:$0x1F9D0];
	v1 =	vmul.f32 v2, v1;
	v10 =	vsub.f32 $1.500000000e+00, v35  }
0x587: {  	v38 =	vmul.f32 v24, v58;
	v51 =	vld [tilespmem:$0x1F930];
	v0 =	vadd.f32 v36, v0;
	v7 =	vadd.f32 v34, v7  }
0x588: {  	v50 =	vld [tilespmem:$0x1F9C0];
	v41 =	vmul.f32 v1, v26;
	v39 =	vmul.f32 v10, v62  }
0x589: {  	v8 =	vmul.f32 v46, v40;
	v54 =	vld [tilespmem:$0x1F8B0];
	v0 =	vadd.f32 v38, v0;
	v7 =	vadd.f32 v37, v7  }
0x58a: {  	v46 =	vmul.f32 v41, v1;
	v45 =	vmul.f32 v39, v12  }
0x58b: {  	v0 =	vadd.f32 v3, v0;
	v7 =	vadd.f32 v8, v7;
	v8 =	vmul.f32 v44, v43  }
0x58c: {  	v5 =	vmul.f32 v48, v47;
	v3 =	vsub.f32 $1.500000000e+00, v46;
	v49 =	vmul.f32 v45, v39  }
0x58d: {  	v9 =	vmul.f32 v52, v51;
	v0 =	vadd.f32 v50, v0;
	v7 =	vadd.f32 v8, v7  }
0x58e: {  	v11 =	vmul.f32 v55, v14;
	v10 =	vmul.f32 v53, v54;
	v8 =	vsub.f32 $1.500000000e+00, v49  }
0x58f: {  	v1 =	vmul.f32 v3, v1;
	v0 =	vadd.f32 v5, v0;
	v7 =	vadd.f32 v9, v7  }
0x590: {  	v2 =	vmul.f32 v8, v39  }
0x591: {  	v1 =	vmin.f32 v1, $1.000000000e+00;
	v0 =	vadd.f32 v11, v0;
	v56 =	vadd.f32 v10, v7  }
0x592: {  	v57 =	vmul.f32 v1, v1;
	v2 =	vmin.f32 v2, $1.000000000e+00  }
0x593: {  	v0 =	vadd.f32 v0, v56;
	v1 =	vmul.f32 v2, v1;
	v58 =	vmul.f32 v2, v6  }
0x594: {  	v4 =	vmul.f32 v57, v4  }
0x595: {  	v0 =	vmul.f32 v1, v0;
	v59 =	vmul.f32 v58, v2;
	_ =	sdelay $0x1  }
0x596: {  	v1 =	vadd.f32 v59, v4;
	v0 =	vadd.f32 v0, v0;
	_ =	sdelay $0x1  }
0x597: {  	v0 =	vsub.f32 v1, v0;
	_ =	sdelay $0x1  }
0x598: {  	v0 =	vmax.f32 v0, $0.0e+00  }
0x599: {  	v60 =	vshra.s32 v0, $0x1;
	v61 =	vmul.f32 $5.000000000e-01, v0  }
0x59a: {  	v1 =	vsub.s32 $0x5F3759DF, v60  }
0x59b: {  	v62 =	vmul.f32 v1, v61;
	_ =	sdelay $0x1  }
0x59c: {  	v3 =	vmul.f32 v1, v62;
	_ =	sdelay $0x1  }
0x59d: {  	v3 =	vsub.f32 $1.500000000e+00, v3;
	_ =	sdelay $0x1  }
0x59e: {  	v1 =	vmul.f32 v1, v3;
	_ =	sdelay $0x1  }
0x59f: {  	v3 =	vmul.f32 v1, v61;
	_ =	sdelay $0x1  }
0x5a0: {  	v3 =	vmul.f32 v3, v1;
	_ =	sdelay $0x1  }
0x5a1: {  	v3 =	vsub.f32 $1.500000000e+00, v3;
	_ =	sdelay $0x1  }
0x5a2: {  	v1 =	vmul.f32 v3, v1;
	_ =	sdelay $0x1  }
0x5a3: {  	v2 =	vmul.f32 v1, v61;
	_ =	sdelay $0x1  }
0x5a4: {  	v2 =	vmul.f32 v2, v1;
	_ =	sdelay $0x1  }
0x5a5: {  	v2 =	vsub.f32 $1.500000000e+00, v2;
	_ =	sdelay $0x1  }
0x5a6: {  	v1 =	vmul.f32 v2, v1;
	_ =	sdelay $0x1  }
0x5a7: {  	v0 =	vmul.f32 v1, v0  }
0x5a8: {  	s24 =	sadd.s32 $0x10, s24  }
0x5a9: {  	s23 =	sadd.s32 s2, s23;
	s29 =	simm.s32 $0x0;
	[tilespmem:s24+$0x0] =	vst v0  }
0x5aa: {  	[hbm4b:s23+s29] =	stream.linear.scatter [tilespmem:s4], [sflag:$0x4], $0x500, $0x38;
	[tilespmem:$0x19100] =	vst v63  }
0x5ab: {  	v32 =	vld [tilespmem:$0x1FE60];
	_ =	swait.ge [sflag:s11], $0x500  }
0x5ac: {  	v59 =	vld [tilespmem:$0x1FEB0]  }
0x5ad: {  	v58 =	vld [tilespmem:$0x1FE80]  }
0x5ae: {  	s22 =	sadd.s32 $0x1, s22;
	v43 =	vld [tilespmem:$0x1FE90]  }
0x5af: {  	p0 =	sne.s32 s22, $0x4;
	v40 =	vld [tilespmem:$0x1FE40]  }
.Ltmp6:
0x5b0: {  	v29 =	vld [tilespmem:$0x1FE50];
	(pc) =	sbr.rel @p0 .LBB2_6-.Ltmp6, $4  }
0x5b1: {  	v53 =	vld [tilespmem:$0x1FEA0]  }
0x5b2: {  	v45 =	vld [tilespmem:$0x1FE70]  }
0x5b3: {  	v27 =	vmov v42;
	[sflag:s11] =	ssyncset.done $0x0;
	v48 =	vld [tilespmem:$0x1FE30]  }
0x5b4: {  	v42 =	vmovc v27;
	v31 =	vmov v63;
	v25 =	vmov v13;
	v24 =	vlaneseq.u32;
	v26 =	vld [tilespmem:$0x1FE20];
	[sflag:s11] =	ssyncadd.s32 $0xFFFFFB00  }
0x5b5: {  	_ =	swait.ge [sflag:s9], $0x1000  }
0x5b6: {  	[sflag:s9] =	ssyncset.done $0x0  }
0x5b7: {  	[sflag:s9] =	ssyncadd.s32 $0xFFFFF000  }
0x5b8: {  	_ =	swait.ge [sflag:s9], $0x1000  }
0x5b9: {  	[sflag:s9] =	ssyncset.done $0x0  }
0x5ba: {  	[sflag:s9] =	ssyncadd.s32 $0xFFFFF000  }
0x5bb: {  	_ =	swait.ge [sflag:s9], $0x1000  }
0x5bc: {  	[sflag:s9] =	ssyncset.done $0x0  }
0x5bd: {  	[sflag:s9] =	ssyncadd.s32 $0xFFFFF000  }
0x5be: {  	_ =	swait.ge [sflag:s9], $0x1000  }
0x5bf: {  	[sflag:s9] =	ssyncset.done $0x0  }
0x5c0: {  	[sflag:s9] =	ssyncadd.s32 $0xFFFFF000  }
0x5c1: {  	_ =	swait.ge [sflag:s9], $0x1000  }
0x5c2: {  	[sflag:s9] =	ssyncset.done $0x0  }
0x5c3: {  	[sflag:s9] =	ssyncadd.s32 $0xFFFFF000  }
0x5c4: {  	_ =	swait.ge [sflag:s9], $0x1000  }
0x5c5: {  	[sflag:s9] =	ssyncset.done $0x0  }
0x5c6: {  	[sflag:s9] =	ssyncadd.s32 $0xFFFFF000  }
0x5c7: {  	_ =	swait.ge [sflag:s9], $0x1000  }
0x5c8: {  	[sflag:s9] =	ssyncset.done $0x0  }
0x5c9: {  	[sflag:s9] =	ssyncadd.s32 $0xFFFFF000  }
0x5ca: {  	_ =	swait.ge [sflag:s9], $0x1000  }
0x5cb: {  	[sflag:s9] =	ssyncset.done $0x0  }
0x5cc: {  	[sflag:s9] =	ssyncadd.s32 $0xFFFFF000  }
0x5cd: {  	_ =	swait.ge [sflag:s9], $0x1000  }
0x5ce: {  	[sflag:s9] =	ssyncset.done $0x0  }
0x5cf: {  	[sflag:s9] =	ssyncadd.s32 $0xFFFFF000  }
0x5d0: {  	_ =	swait.ge [sflag:s9], $0x1000  }
0x5d1: {  	s22 =	rddreg [dreg:$0x9]  }
0x5d2: {  	s21 =	rddreg [dreg:$0x8];
	s22 =	sadd.s32 $0x1, s22  }
0x5d3: {  	p0 =	sne.s32 s22, s21  }
.Ltmp7:
0x5d4: {  	_ = 	snop;
	(pc) =	sbr.rel @p0 .LBB2_1-.Ltmp7, $3  }
0x5d5: {  	_ =	sdelay $0x1  }
0x5d6: {  	[sflag:s9] =	ssyncset.done $0x0  }
0x5d7: {  	[sflag:s9] =	ssyncadd.s32 $0xFFFFF000  }
0x5d8: {  	_ =	sfence.sel $0x180000  }
0x5d9: {  	[bflag:$0x0] =	sbarrier.arrive $0xFFFF  }
0x5da: {  	_ =	strace $0x90000047  }
0x5db: {  	s0 =	stileid.u32;
	[bflag:$0x2] =	sbarrier.arrive $0xFFFF  }
0x5dc: {  	p0 =	sne.s32 s0, $0x0;
	s0 =	rddreg [dreg:$0x4]  }
0x5dd: {  	s0 =	sadd.s32 @!p0 $0x100000, s0  }
0x5de: {  	[sflag:s0] =	ssyncadd.tile.s32 @!p0 $0x1;
	_ =	shalt  }
.Lfunc_end2:
_tile_overlayer_lowered:
.L_overlay_start_2:
0x5df: {  	(tag) =	ssettag $0x2  }
0x5e0: {  	s0 =	rddreg [dreg:$0x0];
	s2 =	stileid.u32  }
0x5e1: {  	s1 =	rddreg [dreg:$0x1];
	p0 =	sne.s32 s2, $0x0  }
0x5e2: {  	s3 =	rddreg [dreg:$0x2];
	[bflag:$0x3] =	sbarrier.arrive $0xFFFF;
	s2 =	simm.s32 @!p0 $0x1C04  }
0x5e3: {  	[timem:s3], [sflag:s2] =	dma.local @!p0 [hbm:s0], s1  }
0x5e4: {  	s0 =	simm.s32 @!p0 $0x4  }
0x5e5: {  	_ =	swait.ge @!p0 [sflag:s0], s1  }
0x5e6: {  	s1 =	ssub.s32 @!p0 $0x0, s1;
	[sflag:s0] =	ssyncset.done @!p0 $0x0  }
0x5e7: {  	[sflag:s0] =	ssyncadd.s32 @!p0 s1  }
0x5e8: {  	[bflag:$0x3] =	sbarrier.arrive $0xFFFF  }
0x5e9: {  	_ =	shalt  }

</sc_bundles>
